<compile_context>
chip_gen: v7x
topology: tpu7x:2x2x1
jax: 0.10.2.dev20260603
libtpu: 0.0.44.dev20260713+nightly
codegen_flags: <defaults>
</compile_context>

<pallas_src>
import functools

import jax
import jax.numpy as jnp
from jax import lax
from jax.experimental import pallas as pl
from jax.experimental.pallas import tpu as pltpu
from jax.experimental.pallas import tpu_sc as plsc

N = 10000
E = 320000
NC, NS, NW = 2, 16, 32
SLAB = 512
NPAD = 10240
RPS = NPAD // NS

_mesh = plsc.VectorSubcoreMesh(core_axis_name="c", subcore_axis_name="s")
_sc_params = pltpu.CompilerParams(use_tc_tiling_on_sc=False)


def _zero_acc(zbuf, acc, sid, H, sem):
    @pl.loop(0, 40)
    def _(r):
        @pl.loop(0, H // 16)
        def _(c):
            zbuf[r, pl.ds(c * 16, 16)] = jnp.zeros((16,), jnp.float32)

    @pl.loop(0, RPS // 40)
    def _(i):
        pltpu.async_copy(zbuf, acc.at[pl.ds(sid * RPS + i * 40, 40)], sem)

    @pl.loop(0, RPS // 40)
    def _(i):
        pltpu.make_async_copy(
            zbuf, acc.at[pl.ds(sid * RPS + i * 40, 40)], sem).wait()


NSLAB = E // SLAB
WSLAB = 20


@functools.partial(
    pl.kernel,
    out_type=jax.ShapeDtypeStruct((NC, NPAD, 16), jnp.float32),
    mesh=_mesh,
    compiler_params=_sc_params,
    scratch_types=[
        pltpu.VMEM((WSLAB, SLAB), jnp.int32),
        pltpu.VMEM((SLAB, 16), jnp.float32),
        pltpu.VMEM((40, 16), jnp.float32),
        pltpu.VMEM_SHARED((NPAD, 16), jnp.float32),
        pltpu.SemaphoreType.DMA,
    ],
)
def _sc_degree(edge_hbm, ones_hbm, out_hbm, idx_v, ones_v, zbuf, acc, sem):
    cid = lax.axis_index("c")
    sid = lax.axis_index("s")
    wid = sid * NC + cid
    sl = pl.ds(sid * RPS, RPS)
    start = wid * WSLAB
    _zero_acc(zbuf, acc, sid, 16, sem)
    pltpu.sync_copy(ones_hbm, ones_v)

    @pl.when(wid < NW - 1)
    def _():
        pltpu.sync_copy(edge_hbm.at[1].at[pl.ds(start, WSLAB)], idx_v)

    @pl.when(wid == NW - 1)
    def _():
        pltpu.sync_copy(edge_hbm.at[1].at[pl.ds(start, 5)],
                        idx_v.at[pl.ds(0, 5)])

    plsc.subcore_barrier()

    def deg_slabs(nslab):
        @pl.loop(0, nslab)
        def _(j):
            pltpu.async_copy(ones_v, acc.at[idx_v.at[j]], sem, add=True)

        @pl.loop(0, nslab)
        def _(j):
            pltpu.make_async_copy(ones_v, acc.at[idx_v.at[j]], sem).wait()

    @pl.when(wid < NW - 1)
    def _():
        deg_slabs(WSLAB)

    @pl.when(wid == NW - 1)
    def _():
        deg_slabs(5)

    plsc.subcore_barrier()
    pltpu.sync_copy(acc.at[sl], out_hbm.at[cid].at[sl])


def _make_sc_scatter(H):
    @functools.partial(
        pl.kernel,
        out_type=jax.ShapeDtypeStruct((NC, NPAD, H), jnp.float32),
        mesh=_mesh,
        compiler_params=_sc_params,
        scratch_types=[
            pltpu.VMEM((WSLAB, SLAB), jnp.int32),
            pltpu.VMEM((WSLAB, SLAB), jnp.int32),
            pltpu.VMEM((2, SLAB, H), jnp.float32),
            pltpu.VMEM((40, H), jnp.float32),
            pltpu.VMEM_SHARED((NPAD, H), jnp.float32),
            pltpu.VMEM_SHARED((NPAD, H), jnp.float32),
            pltpu.SemaphoreType.DMA,
            pltpu.SemaphoreType.DMA,
            pltpu.SemaphoreType.DMA,
        ],
    )
    def scat(g_hbm, edge_hbm, out_hbm,
             src_v, dst_v, rows_v, zbuf, acc, gsh, gsemA, gsemB, ssem):
        cid = lax.axis_index("c")
        sid = lax.axis_index("s")
        wid = sid * NC + cid
        sl = pl.ds(sid * RPS, RPS)
        start = wid * WSLAB
        pltpu.sync_copy(g_hbm.at[sl], gsh.at[sl])
        _zero_acc(zbuf, acc, sid, H, gsemA)

        @pl.when(wid < NW - 1)
        def _():
            pltpu.sync_copy(edge_hbm.at[0].at[pl.ds(start, WSLAB)], src_v)
            pltpu.sync_copy(edge_hbm.at[1].at[pl.ds(start, WSLAB)], dst_v)

        @pl.when(wid == NW - 1)
        def _():
            pltpu.sync_copy(edge_hbm.at[0].at[pl.ds(start, 5)],
                            src_v.at[pl.ds(0, 5)])
            pltpu.sync_copy(edge_hbm.at[1].at[pl.ds(start, 5)],
                            dst_v.at[pl.ds(0, 5)])

        plsc.subcore_barrier()

        def fire_gather(slot, slab, sem):
            return pltpu.async_copy(gsh.at[src_v.at[slab]],
                                    rows_v.at[slot], sem)

        def fire_scatter(slot, slab):
            return pltpu.async_copy(rows_v.at[slot],
                                    acc.at[dst_v.at[slab]], ssem, add=True)

        @pl.when(wid < NW - 1)
        def _():
            fire_gather(0, 0, gsemA)

            @pl.loop(0, WSLAB // 2)
            def _(g):
                base = g * 2
                hB = fire_gather(1, base + 1, gsemB)
                pltpu.make_async_copy(gsh.at[src_v.at[base]],
                                      rows_v.at[0], gsemA).wait()
                fire_scatter(0, base).wait()

                @pl.when(g < WSLAB // 2 - 1)
                def _():
                    fire_gather(0, base + 2, gsemA)

                hB.wait()
                fire_scatter(1, base + 1).wait()

        @pl.when(wid == NW - 1)
        def _():
            @pl.loop(0, 5)
            def _(j):
                pltpu.sync_copy(gsh.at[src_v.at[j]], rows_v.at[0])
                pltpu.sync_copy(rows_v.at[0], acc.at[dst_v.at[j]], add=True)

        plsc.subcore_barrier()
        pltpu.sync_copy(acc.at[sl], out_hbm.at[cid].at[sl])

    return scat


_sc_scatter32 = _make_sc_scatter(32)
_sc_scatter16 = _make_sc_scatter(16)


def _tc_call(body, out_shape):
    return pl.pallas_call(body, out_shape=out_shape)


def _row_mask(val, nrows):
    rows = lax.broadcasted_iota(jnp.int32, val.shape, 0)
    return jnp.where(rows < nrows, val, 0.0)


def _tc_h1_body(xg_ref, w_ref, o_ref):
    o_ref[...] = jnp.dot(xg_ref[...], w_ref[...],
                         preferred_element_type=jnp.float32)


def _tc_dis_body(deg_ref, d8_ref):
    d8_ref[...] = lax.rsqrt(deg_ref[0] + deg_ref[1] + 1.0)


def _tc_g1_body(h_ref, d4h_ref, dup_ref, g_ref):
    dis4 = jnp.dot(d4h_ref[...], dup_ref[...],
                   preferred_element_type=jnp.float32)
    g_ref[...] = h_ref[...] * dis4


def _tc_mid1_body(p_ref, g_ref, d4h_ref, dup_ref, b_ref, w_ref, o_ref):
    dis4 = jnp.dot(d4h_ref[...], dup_ref[...],
                   preferred_element_type=jnp.float32)
    s = p_ref[0] + p_ref[1] + g_ref[...]
    t = jnp.maximum(s * dis4 + b_ref[...], 0.0)
    m = jnp.dot(t, w_ref[...], preferred_element_type=jnp.float32)
    o_ref[...] = _row_mask(m * d4h_ref[...], N // 4)


def _tc_mid2_body(p_ref, g_ref, d8_ref, b_ref, w_ref, o_ref):
    s = p_ref[0] + p_ref[1] + g_ref[...]
    t = jnp.maximum(s * d8_ref[...] + b_ref[...], 0.0)
    m = jnp.dot(t, w_ref[...], preferred_element_type=jnp.float32)
    o_ref[...] = _row_mask(m * d8_ref[...], N // 8)


def _tc_out_body(p_ref, g_ref, d8_ref, b_ref, o_ref):
    s = p_ref[0] + p_ref[1] + g_ref[...]
    o_ref[...] = s * d8_ref[...] + b_ref[...]


@jax.jit
def kernel(x, edge_index, W1, b1, W2, b2, W3, b3):
    edge2 = edge_index.astype(jnp.int32).reshape(2, NSLAB, SLAB)

    ones = jnp.ones((SLAB, 16), jnp.float32)
    W3p = jnp.pad(W3, ((0, 0), (0, 8)))
    eye4 = jnp.eye(4, dtype=jnp.float32)
    eye8 = jnp.eye(8, dtype=jnp.float32)
    W1b = jnp.kron(eye4, W1)
    W2b = jnp.kron(eye4, W2)
    W3b = jnp.kron(eye8, W3p)
    b1t = jnp.tile(b1, 4).reshape(1, 128)
    b2t = jnp.tile(b2, 8).reshape(1, 128)
    b3t = jnp.tile(jnp.pad(b3, (0, 8)), 8).reshape(1, 128)
    xg = jnp.pad(x, ((0, NPAD - N), (0, 0))).reshape(NPAD // 4, 512)

    f32 = jnp.float32
    degp = _sc_degree(edge2, ones).reshape(2, NPAD // 8, 128)
    h1p = _tc_call(_tc_h1_body,
                   jax.ShapeDtypeStruct((NPAD // 4, 128), f32))(xg, W1b)
    dis8 = _tc_call(_tc_dis_body,
                    jax.ShapeDtypeStruct((NPAD // 8, 128), f32))(degp)
    dis4h = dis8.reshape(NPAD // 4, 64)
    eye16 = jnp.eye(16, dtype=jnp.float32)
    dup = jnp.kron(eye4, jnp.concatenate([eye16, eye16], axis=1))

    g1p = _tc_call(_tc_g1_body,
                   jax.ShapeDtypeStruct((NPAD // 4, 128), f32))(
                       h1p, dis4h, dup)
    p1 = _sc_scatter32(g1p.reshape(NPAD, 32), edge2)
    g2h = _tc_call(_tc_mid1_body,
                   jax.ShapeDtypeStruct((NPAD // 4, 64), f32))(
                       p1.reshape(2, NPAD // 4, 128), g1p, dis4h, dup,
                       b1t, W2b)
    p2 = _sc_scatter16(g2h.reshape(NPAD, 16), edge2)
    g2p = g2h.reshape(NPAD // 8, 128)
    g3p = _tc_call(_tc_mid2_body,
                   jax.ShapeDtypeStruct((NPAD // 8, 128), f32))(
                       p2.reshape(2, NPAD // 8, 128), g2p, dis8, b2t, W3b)
    p3 = _sc_scatter16(g3p.reshape(NPAD, 16), edge2)
    vp = _tc_call(_tc_out_body,
                  jax.ShapeDtypeStruct((NPAD // 8, 128), f32))(
                      p3.reshape(2, NPAD // 8, 128), g3p, dis8, b3t)
    return vp.reshape(NPAD, 16)[0:N, 0:8]

# --- scband reference (transcript-rebuilt; emitter-appended) ---
"""Pipeline reference for scband-gcn-81286551044217 (READ-ONLY COPY).

The authoritative reference and input builder live on the scoring server;
editing this copy changes nothing except your own understanding.
"""

import jax, jax.numpy as jnp
import numpy as np

N_NODES = 10000
N_EDGES = 320000
D_IN = 128
H1, H2, H3 = 32, 16, 8


def gcn_conv(x, edge_index, W, b):
    n = x.shape[0]
    src = edge_index[0]
    dst = edge_index[1]
    # add self-loops (PyG GCNConv default)
    loop = jnp.arange(n, dtype=edge_index.dtype)
    src = jnp.concatenate([src, loop])
    dst = jnp.concatenate([dst, loop])
    # symmetric normalization D^{-1/2} (A+I) D^{-1/2}
    deg = jnp.zeros((n,), dtype=x.dtype).at[dst].add(1.0)
    deg_inv_sqrt = jnp.where(deg > 0, 1.0 / jnp.sqrt(deg), 0.0)
    norm = deg_inv_sqrt[src] * deg_inv_sqrt[dst]
    h = x @ W
    msg = h[src] * norm[:, None]
    out = jax.ops.segment_sum(msg, dst, num_segments=n)
    return out + b


def setup_inputs(seed: int = 0) -> dict:
    key = jax.random.key(seed)
    ks = jax.random.split(key, 8)
    x = jax.random.normal(ks[0], (N_NODES, D_IN), dtype=jnp.float32)
    edge_index = jax.random.randint(ks[1], (2, N_EDGES), 0, N_NODES, dtype=jnp.int64)
    # Glorot-style init for GCNConv linear weights; bias zeros-ish (use small normal)
    W1 = jax.random.normal(ks[2], (D_IN, H1), dtype=jnp.float32) * (1.0 / np.sqrt(D_IN))
    b1 = jnp.zeros((H1,), dtype=jnp.float32)
    W2 = jax.random.normal(ks[3], (H1, H2), dtype=jnp.float32) * (1.0 / np.sqrt(H1))
    b2 = jnp.zeros((H2,), dtype=jnp.float32)
    W3 = jax.random.normal(ks[4], (H2, H3), dtype=jnp.float32) * (1.0 / np.sqrt(H2))
    b3 = jnp.zeros((H3,), dtype=jnp.float32)
    return {"x": x, "edge_index": edge_index, "W1": W1, "b1": b1, "W2": W2, "b2": b2, "W3": W3, "b3": b3}


def reference(x, edge_index, W1, b1, W2, b2, W3, b3):
    h = gcn_conv(x, edge_index, W1, b1)
    h = jax.nn.relu(h)
    h = gcn_conv(h, edge_index, W2, b2)
    h = jax.nn.relu(h)
    h = gcn_conv(h, edge_index, W3, b3)
    return h

if __name__ == "__main__":
    import jax
    _d = setup_inputs()
    print(jax.jit(kernel)(*tuple(_d.values())))

</pallas_src>

<mosaic_0001>
#map = affine_map<(d0, d1) -> (0, 0, 0)>
#map1 = affine_map<(d0, d1) -> (0, 0)>
module attributes {stable_mosaic.version = 14 : i64} {
  func.func @_sc_degree(%arg0: i32, %arg1: i32, %arg2: memref<2x625x512xi32, #tpu.memory_space<hbm>>, %arg3: memref<512x16xf32, #tpu.memory_space<hbm>>, %arg4: memref<2x10240x16xf32, #tpu.memory_space<hbm>>, %arg5: memref<20x512xi32, #tpu.memory_space<vmem>>, %arg6: memref<512x16xf32, #tpu.memory_space<vmem>>, %arg7: memref<40x16xf32, #tpu.memory_space<vmem>>, %arg8: memref<10240x16xf32, #tpu.memory_space<vmem_shared>>, %arg9: memref<!tpu.dma_semaphore, #tpu.memory_space<semaphore_mem>>) attributes {dimension_semantics = [#tpu.dimension_semantics<core_parallel>, #tpu.dimension_semantics<subcore_parallel>], iteration_bounds = array<i64: 2, 16>, scalar_prefetch = 0 : i64, scratch_operands = 5 : i64, tpu.core_type = #tpu.core_type<sc_vector_subcore>, window_params = [{transform_indices = #map}, {transform_indices = #map1}, {transform_indices = #map}]} {
    %mul3A = arith.constant 2 : i32
    %mul3A_0 = arith.muli %arg1, %mul3A : i32
    %add3A = arith.addi %mul3A_0, %arg0 : i32
    %mul3A_1 = arith.constant 640 : i32
    %mul3A_2 = arith.muli %arg1, %mul3A_1 : i32
    %mul3A_3 = arith.constant 20 : i32
    %mul3A_4 = arith.muli %add3A, %mul3A_3 : i32
    %scan3A = arith.constant 0 : i32
    %scan3A_5 = arith.constant 40 : i32
    %scan3A_6 = arith.addi %scan3A, %scan3A_5 : i32
    %scan3A_7 = arith.constant 1 : i32
    scf.for %scan3A_36 = %scan3A to %scan3A_6 step %scan3A_7  : i32 {
      %mul3A_37 = arith.constant 1 : i32
      %mul3A_38 = arith.muli %scan3A_36, %mul3A_37 : i32
      %add3A_39 = arith.constant 0 : i32
      %add3A_40 = arith.addi %add3A_39, %mul3A_38 : i32
      %scan3A_41 = arith.constant 0 : i32
      %mul3A_42 = arith.constant 1 : i32
      %mul3A_43 = arith.muli %scan3A_41, %mul3A_42 : i32
      %add3A_44 = arith.constant 0 : i32
      %add3A_45 = arith.addi %add3A_44, %mul3A_43 : i32
      %broadcast_in_dim3A = arith.constant 0.000000e+00 : f32
      %broadcast_in_dim3A_46 = vector.broadcast %broadcast_in_dim3A : f32 to vector<16xf32>
      %mul3A_47 = arith.constant 16 : i32
      %mul3A_48 = arith.muli %add3A_45, %mul3A_47 : i32
      %swap3A = arith.index_cast %add3A_40 : i32 to index
      %swap3A_49 = arith.index_cast %mul3A_48 : i32 to index
      %swap3A_50 = tpu.vector_load %arg7[%swap3A, %swap3A_49] {strides = array<i32>} : memref<40x16xf32, #tpu.memory_space<vmem>>, vector<1x16xf32>,
      %swap3A_51 = vector.shape_cast %swap3A_50 : vector<1x16xf32> to vector<16xf32>
      %swap3A_52 = vector.shape_cast %broadcast_in_dim3A_46 : vector<16xf32> to vector<1x16xf32>
      tpu.vector_store %arg7[%swap3A, %swap3A_49], %swap3A_52 {strides = array<i32>} : memref<40x16xf32, #tpu.memory_space<vmem>>, vector<1x16xf32>,
      %scan3A_53 = arith.constant 1 : i32
    }
    %scan3A_8 = arith.constant 40 : i32
    %scan3A_9 = arith.constant 0 : i32
    %scan3A_10 = arith.constant 16 : i32
    %scan3A_11 = arith.addi %scan3A_9, %scan3A_10 : i32
    %scan3A_12 = arith.constant 1 : i32
    scf.for %scan3A_36 = %scan3A_9 to %scan3A_11 step %scan3A_12  : i32 {
      %mul3A_37 = arith.constant 1 : i32
      %mul3A_38 = arith.muli %scan3A_36, %mul3A_37 : i32
      %add3A_39 = arith.constant 0 : i32
      %add3A_40 = arith.addi %add3A_39, %mul3A_38 : i32
      %mul3A_41 = arith.constant 640 : i32
      %mul3A_42 = arith.muli %arg1, %mul3A_41 : i32
      %mul3A_43 = arith.constant 40 : i32
      %mul3A_44 = arith.muli %add3A_40, %mul3A_43 : i32
      %add3A_45 = arith.addi %mul3A_42, %mul3A_44 : i32
      %dma_start3A = arith.constant 0 : i32
      %dma_start3A_46 = tpu.memref_slice %arg8[%add3A_45, %dma_start3A] : memref<10240x16xf32, #tpu.memory_space<vmem_shared>> -> memref<40x16xf32, #tpu.memory_space<vmem_shared>>
      %dma_start3A_47 = arith.constant 0 : i32
      %dma_start3A_48 = tpu.memref_slice %arg8[%add3A_45, %dma_start3A_47] : memref<10240x16xf32, #tpu.memory_space<vmem_shared>> -> memref<40x16xf32, #tpu.memory_space<vmem_shared>>
      tpu.enqueue_dma source(%arg7 : memref<40x16xf32, #tpu.memory_space<vmem>>) target(%dma_start3A_48 : memref<40x16xf32, #tpu.memory_space<vmem_shared>>) target_semaphore(%arg9 : memref<!tpu.dma_semaphore, #tpu.memory_space<semaphore_mem>>)
    }
    %scan3A_13 = arith.constant 16 : i32
    %scan3A_14 = arith.constant 0 : i32
    %scan3A_15 = arith.constant 16 : i32
    %scan3A_16 = arith.addi %scan3A_14, %scan3A_15 : i32
    %scan3A_17 = arith.constant 1 : i32
    scf.for %scan3A_36 = %scan3A_14 to %scan3A_16 step %scan3A_17  : i32 {
      %mul3A_37 = arith.constant 1 : i32
      %mul3A_38 = arith.muli %scan3A_36, %mul3A_37 : i32
      %add3A_39 = arith.constant 0 : i32
      %add3A_40 = arith.addi %add3A_39, %mul3A_38 : i32
      %mul3A_41 = arith.constant 640 : i32
      %mul3A_42 = arith.muli %arg1, %mul3A_41 : i32
      %mul3A_43 = arith.constant 40 : i32
      %mul3A_44 = arith.muli %add3A_40, %mul3A_43 : i32
      %add3A_45 = arith.addi %mul3A_42, %mul3A_44 : i32
      %dma_wait3A = arith.constant 0 : i32
      %dma_wait3A_46 = tpu.memref_slice %arg8[%add3A_45, %dma_wait3A] : memref<10240x16xf32, #tpu.memory_space<vmem_shared>> -> memref<40x16xf32, #tpu.memory_space<vmem_shared>>
      %dma_wait3A_47 = arith.constant 0 : i32
      %dma_wait3A_48 = tpu.memref_slice %arg8[%add3A_45, %dma_wait3A_47] : memref<10240x16xf32, #tpu.memory_space<vmem_shared>> -> memref<40x16xf32, #tpu.memory_space<vmem_shared>>
      tpu.wait_dma2 semaphore(%arg9 : memref<!tpu.dma_semaphore, #tpu.memory_space<semaphore_mem>>) src(%arg7 : memref<40x16xf32, #tpu.memory_space<vmem>>) dst(%dma_wait3A_48 : memref<40x16xf32, #tpu.memory_space<vmem_shared>>)
    }
    %scan3A_18 = arith.constant 16 : i32
    "tpu.region"() ({
      %run_scoped3A = tpu.sem_alloc : memref<!tpu.dma_semaphore, #tpu.memory_space<semaphore_mem>>
      tpu.enqueue_dma source(%arg3 : memref<512x16xf32, #tpu.memory_space<hbm>>) target(%arg6 : memref<512x16xf32, #tpu.memory_space<vmem>>) target_semaphore(%run_scoped3A : memref<!tpu.dma_semaphore, #tpu.memory_space<semaphore_mem>>)
      tpu.wait_dma2 semaphore(%run_scoped3A : memref<!tpu.dma_semaphore, #tpu.memory_space<semaphore_mem>>) src(%arg3 : memref<512x16xf32, #tpu.memory_space<hbm>>) dst(%arg6 : memref<512x16xf32, #tpu.memory_space<vmem>>)
      tpu.yield
    }) : () -> ()
    %lt3A = arith.constant 31 : i32
    %lt3A_19 = arith.cmpi slt, %add3A, %lt3A : i32
    %convert_element_type3A = arith.extui %lt3A_19 : i1 to i32
    %cond3A = arith.constant 0 : i32
    %cond3A_20 = arith.cmpi ne, %convert_element_type3A, %cond3A : i32
    scf.if %cond3A_20 {
      %run_scoped3A = arith.constant 1 : i32
      "tpu.region"() ({
        %run_scoped3A_36 = tpu.sem_alloc : memref<!tpu.dma_semaphore, #tpu.memory_space<semaphore_mem>>
        %dma_start3A = arith.constant 0 : i32
        %dma_start3A_37 = arith.constant 0 : i32
        %dma_start3A_38 = tpu.memref_slice %arg2[%run_scoped3A, %dma_start3A, %dma_start3A_37] : memref<2x625x512xi32, #tpu.memory_space<hbm>> -> memref<1x625x512xi32, #tpu.memory_space<hbm>>
        %dma_start3A_39 = tpu.memref_squeeze %dma_start3A_38 : memref<1x625x512xi32, #tpu.memory_space<hbm>> -> memref<625x512xi32, #tpu.memory_space<hbm>>
        %dma_start3A_40 = arith.constant 0 : i32
        %dma_start3A_41 = tpu.memref_slice %dma_start3A_39[%mul3A_4, %dma_start3A_40] : memref<625x512xi32, #tpu.memory_space<hbm>> -> memref<20x512xi32, #tpu.memory_space<hbm>>
        %dma_start3A_42 = arith.constant 0 : i32
        %dma_start3A_43 = arith.constant 0 : i32
        %dma_start3A_44 = tpu.memref_slice %arg2[%run_scoped3A, %dma_start3A_42, %dma_start3A_43] : memref<2x625x512xi32, #tpu.memory_space<hbm>> -> memref<1x625x512xi32, #tpu.memory_space<hbm>>
        %dma_start3A_45 = tpu.memref_squeeze %dma_start3A_44 : memref<1x625x512xi32, #tpu.memory_space<hbm>> -> memref<625x512xi32, #tpu.memory_space<hbm>>
        %dma_start3A_46 = arith.constant 0 : i32
        %dma_start3A_47 = tpu.memref_slice %dma_start3A_45[%mul3A_4, %dma_start3A_46] : memref<625x512xi32, #tpu.memory_space<hbm>> -> memref<20x512xi32, #tpu.memory_space<hbm>>
        tpu.enqueue_dma source(%dma_start3A_47 : memref<20x512xi32, #tpu.memory_space<hbm>>) target(%arg5 : memref<20x512xi32, #tpu.memory_space<vmem>>) target_semaphore(%run_scoped3A_36 : memref<!tpu.dma_semaphore, #tpu.memory_space<semaphore_mem>>)
        %dma_wait3A = arith.constant 0 : i32
        %dma_wait3A_48 = arith.constant 0 : i32
        %dma_wait3A_49 = tpu.memref_slice %arg2[%run_scoped3A, %dma_wait3A, %dma_wait3A_48] : memref<2x625x512xi32, #tpu.memory_space<hbm>> -> memref<1x625x512xi32, #tpu.memory_space<hbm>>
        %dma_wait3A_50 = tpu.memref_squeeze %dma_wait3A_49 : memref<1x625x512xi32, #tpu.memory_space<hbm>> -> memref<625x512xi32, #tpu.memory_space<hbm>>
        %dma_wait3A_51 = arith.constant 0 : i32
        %dma_wait3A_52 = tpu.memref_slice %dma_wait3A_50[%mul3A_4, %dma_wait3A_51] : memref<625x512xi32, #tpu.memory_space<hbm>> -> memref<20x512xi32, #tpu.memory_space<hbm>>
        %dma_wait3A_53 = arith.constant 0 : i32
        %dma_wait3A_54 = arith.constant 0 : i32
        %dma_wait3A_55 = tpu.memref_slice %arg2[%run_scoped3A, %dma_wait3A_53, %dma_wait3A_54] : memref<2x625x512xi32, #tpu.memory_space<hbm>> -> memref<1x625x512xi32, #tpu.memory_space<hbm>>
        %dma_wait3A_56 = tpu.memref_squeeze %dma_wait3A_55 : memref<1x625x512xi32, #tpu.memory_space<hbm>> -> memref<625x512xi32, #tpu.memory_space<hbm>>
        %dma_wait3A_57 = arith.constant 0 : i32
        %dma_wait3A_58 = tpu.memref_slice %dma_wait3A_56[%mul3A_4, %dma_wait3A_57] : memref<625x512xi32, #tpu.memory_space<hbm>> -> memref<20x512xi32, #tpu.memory_space<hbm>>
        tpu.wait_dma2 semaphore(%run_scoped3A_36 : memref<!tpu.dma_semaphore, #tpu.memory_space<semaphore_mem>>) src(%dma_wait3A_58 : memref<20x512xi32, #tpu.memory_space<hbm>>) dst(%arg5 : memref<20x512xi32, #tpu.memory_space<vmem>>)
        tpu.yield
      }) : () -> ()
    } else {
    }
    %eq3A = arith.constant 31 : i32
    %eq3A_21 = arith.cmpi eq, %add3A, %eq3A : i32
    %convert_element_type3A_22 = arith.extui %eq3A_21 : i1 to i32
    %cond3A_23 = arith.constant 0 : i32
    %cond3A_24 = arith.cmpi ne, %convert_element_type3A_22, %cond3A_23 : i32
    scf.if %cond3A_24 {
      %run_scoped3A = arith.constant 1 : i32
      "tpu.region"() ({
        %run_scoped3A_36 = tpu.sem_alloc : memref<!tpu.dma_semaphore, #tpu.memory_space<semaphore_mem>>
        %dma_start3A = arith.constant 0 : i32
        %dma_start3A_37 = arith.constant 0 : i32
        %dma_start3A_38 = tpu.memref_slice %arg5[%dma_start3A, %dma_start3A_37] : memref<20x512xi32, #tpu.memory_space<vmem>> -> memref<5x512xi32, #tpu.memory_space<vmem>>
        %dma_start3A_39 = arith.constant 0 : i32
        %dma_start3A_40 = arith.constant 0 : i32
        %dma_start3A_41 = tpu.memref_slice %arg2[%run_scoped3A, %dma_start3A_39, %dma_start3A_40] : memref<2x625x512xi32, #tpu.memory_space<hbm>> -> memref<1x625x512xi32, #tpu.memory_space<hbm>>
        %dma_start3A_42 = tpu.memref_squeeze %dma_start3A_41 : memref<1x625x512xi32, #tpu.memory_space<hbm>> -> memref<625x512xi32, #tpu.memory_space<hbm>>
        %dma_start3A_43 = arith.constant 0 : i32
        %dma_start3A_44 = tpu.memref_slice %dma_start3A_42[%mul3A_4, %dma_start3A_43] : memref<625x512xi32, #tpu.memory_space<hbm>> -> memref<5x512xi32, #tpu.memory_space<hbm>>
        %dma_start3A_45 = arith.constant 0 : i32
        %dma_start3A_46 = arith.constant 0 : i32
        %dma_start3A_47 = tpu.memref_slice %arg5[%dma_start3A_45, %dma_start3A_46] : memref<20x512xi32, #tpu.memory_space<vmem>> -> memref<5x512xi32, #tpu.memory_space<vmem>>
        %dma_start3A_48 = arith.constant 0 : i32
        %dma_start3A_49 = arith.constant 0 : i32
        %dma_start3A_50 = tpu.memref_slice %arg2[%run_scoped3A, %dma_start3A_48, %dma_start3A_49] : memref<2x625x512xi32, #tpu.memory_space<hbm>> -> memref<1x625x512xi32, #tpu.memory_space<hbm>>
        %dma_start3A_51 = tpu.memref_squeeze %dma_start3A_50 : memref<1x625x512xi32, #tpu.memory_space<hbm>> -> memref<625x512xi32, #tpu.memory_space<hbm>>
        %dma_start3A_52 = arith.constant 0 : i32
        %dma_start3A_53 = tpu.memref_slice %dma_start3A_51[%mul3A_4, %dma_start3A_52] : memref<625x512xi32, #tpu.memory_space<hbm>> -> memref<5x512xi32, #tpu.memory_space<hbm>>
        tpu.enqueue_dma source(%dma_start3A_53 : memref<5x512xi32, #tpu.memory_space<hbm>>) target(%dma_start3A_47 : memref<5x512xi32, #tpu.memory_space<vmem>>) target_semaphore(%run_scoped3A_36 : memref<!tpu.dma_semaphore, #tpu.memory_space<semaphore_mem>>)
        %dma_wait3A = arith.constant 0 : i32
        %dma_wait3A_54 = arith.constant 0 : i32
        %dma_wait3A_55 = tpu.memref_slice %arg5[%dma_wait3A, %dma_wait3A_54] : memref<20x512xi32, #tpu.memory_space<vmem>> -> memref<5x512xi32, #tpu.memory_space<vmem>>
        %dma_wait3A_56 = arith.constant 0 : i32
        %dma_wait3A_57 = arith.constant 0 : i32
        %dma_wait3A_58 = tpu.memref_slice %arg2[%run_scoped3A, %dma_wait3A_56, %dma_wait3A_57] : memref<2x625x512xi32, #tpu.memory_space<hbm>> -> memref<1x625x512xi32, #tpu.memory_space<hbm>>
        %dma_wait3A_59 = tpu.memref_squeeze %dma_wait3A_58 : memref<1x625x512xi32, #tpu.memory_space<hbm>> -> memref<625x512xi32, #tpu.memory_space<hbm>>
        %dma_wait3A_60 = arith.constant 0 : i32
        %dma_wait3A_61 = tpu.memref_slice %dma_wait3A_59[%mul3A_4, %dma_wait3A_60] : memref<625x512xi32, #tpu.memory_space<hbm>> -> memref<5x512xi32, #tpu.memory_space<hbm>>
        %dma_wait3A_62 = arith.constant 0 : i32
        %dma_wait3A_63 = arith.constant 0 : i32
        %dma_wait3A_64 = tpu.memref_slice %arg5[%dma_wait3A_62, %dma_wait3A_63] : memref<20x512xi32, #tpu.memory_space<vmem>> -> memref<5x512xi32, #tpu.memory_space<vmem>>
        %dma_wait3A_65 = arith.constant 0 : i32
        %dma_wait3A_66 = arith.constant 0 : i32
        %dma_wait3A_67 = tpu.memref_slice %arg2[%run_scoped3A, %dma_wait3A_65, %dma_wait3A_66] : memref<2x625x512xi32, #tpu.memory_space<hbm>> -> memref<1x625x512xi32, #tpu.memory_space<hbm>>
        %dma_wait3A_68 = tpu.memref_squeeze %dma_wait3A_67 : memref<1x625x512xi32, #tpu.memory_space<hbm>> -> memref<625x512xi32, #tpu.memory_space<hbm>>
        %dma_wait3A_69 = arith.constant 0 : i32
        %dma_wait3A_70 = tpu.memref_slice %dma_wait3A_68[%mul3A_4, %dma_wait3A_69] : memref<625x512xi32, #tpu.memory_space<hbm>> -> memref<5x512xi32, #tpu.memory_space<hbm>>
        tpu.wait_dma2 semaphore(%run_scoped3A_36 : memref<!tpu.dma_semaphore, #tpu.memory_space<semaphore_mem>>) src(%dma_wait3A_70 : memref<5x512xi32, #tpu.memory_space<hbm>>) dst(%dma_wait3A_64 : memref<5x512xi32, #tpu.memory_space<vmem>>)
        tpu.yield
      }) : () -> ()
    } else {
    }
    %barrier3A = arith.constant 0 : index
    tpu.barrier barrier_id(%barrier3A)
    %lt3A_25 = arith.constant 31 : i32
    %lt3A_26 = arith.cmpi slt, %add3A, %lt3A_25 : i32
    %convert_element_type3A_27 = arith.extui %lt3A_26 : i1 to i32
    %cond3A_28 = arith.constant 0 : i32
    %cond3A_29 = arith.cmpi ne, %convert_element_type3A_27, %cond3A_28 : i32
    scf.if %cond3A_29 {
      %scan3A_36 = arith.constant 0 : i32
      %scan3A_37 = arith.constant 20 : i32
      %scan3A_38 = arith.addi %scan3A_36, %scan3A_37 : i32
      %scan3A_39 = arith.constant 1 : i32
      scf.for %scan3A_46 = %scan3A_36 to %scan3A_38 step %scan3A_39  : i32 {
        %mul3A_47 = arith.constant 1 : i32
        %mul3A_48 = arith.muli %scan3A_46, %mul3A_47 : i32
        %add3A_49 = arith.constant 0 : i32
        %add3A_50 = arith.addi %add3A_49, %mul3A_48 : i32
        %dma_start3A = arith.constant 0 : i32
        %dma_start3A_51 = tpu.memref_slice %arg5[%add3A_50, %dma_start3A] : memref<20x512xi32, #tpu.memory_space<vmem>> -> memref<1x512xi32, #tpu.memory_space<vmem>>
        %dma_start3A_52 = tpu.memref_squeeze %dma_start3A_51 : memref<1x512xi32, #tpu.memory_space<vmem>> -> memref<512xi32, #tpu.memory_space<vmem>>
        %dma_start3A_53 = arith.constant 0 : i32
        %dma_start3A_54 = arith.constant 0 : i32
        %dma_start3A_55 = tpu.memref_slice %arg8[%dma_start3A_53, %dma_start3A_54] : memref<10240x16xf32, #tpu.memory_space<vmem_shared>> -> memref<10240x16xf32, #tpu.memory_space<vmem_shared>>
        tpu.enqueue_indirect_dma source(%arg6 : memref<512x16xf32, #tpu.memory_space<vmem>>) target(%dma_start3A_55 : memref<10240x16xf32, #tpu.memory_space<vmem_shared>>) offsets(%dma_start3A_52 : memref<512xi32, #tpu.memory_space<vmem>>) semaphore(%arg9 : memref<!tpu.dma_semaphore, #tpu.memory_space<semaphore_mem>>) {add = true}
      }
      %scan3A_40 = arith.constant 20 : i32
      %scan3A_41 = arith.constant 0 : i32
      %scan3A_42 = arith.constant 20 : i32
      %scan3A_43 = arith.addi %scan3A_41, %scan3A_42 : i32
      %scan3A_44 = arith.constant 1 : i32
      scf.for %scan3A_46 = %scan3A_41 to %scan3A_43 step %scan3A_44  : i32 {
        %mul3A_47 = arith.constant 1 : i32
        %mul3A_48 = arith.muli %scan3A_46, %mul3A_47 : i32
        %add3A_49 = arith.constant 0 : i32
        %add3A_50 = arith.addi %add3A_49, %mul3A_48 : i32
        %dma_wait3A = arith.constant 0 : i32
        %dma_wait3A_51 = tpu.memref_slice %arg5[%add3A_50, %dma_wait3A] : memref<20x512xi32, #tpu.memory_space<vmem>> -> memref<1x512xi32, #tpu.memory_space<vmem>>
        %dma_wait3A_52 = tpu.memref_squeeze %dma_wait3A_51 : memref<1x512xi32, #tpu.memory_space<vmem>> -> memref<512xi32, #tpu.memory_space<vmem>>
        %dma_wait3A_53 = arith.constant 0 : i32
        %dma_wait3A_54 = arith.constant 0 : i32
        %dma_wait3A_55 = tpu.memref_slice %arg8[%dma_wait3A_53, %dma_wait3A_54] : memref<10240x16xf32, #tpu.memory_space<vmem_shared>> -> memref<10240x16xf32, #tpu.memory_space<vmem_shared>>
        tpu.wait_indirect_dma semaphore(%arg9 : memref<!tpu.dma_semaphore, #tpu.memory_space<semaphore_mem>>) src(%arg6 : memref<512x16xf32, #tpu.memory_space<vmem>>) dst(%dma_wait3A_55 : memref<10240x16xf32, #tpu.memory_space<vmem_shared>>)
      }
      %scan3A_45 = arith.constant 20 : i32
    } else {
    }
    %eq3A_30 = arith.constant 31 : i32
    %eq3A_31 = arith.cmpi eq, %add3A, %eq3A_30 : i32
    %convert_element_type3A_32 = arith.extui %eq3A_31 : i1 to i32
    %cond3A_33 = arith.constant 0 : i32
    %cond3A_34 = arith.cmpi ne, %convert_element_type3A_32, %cond3A_33 : i32
    scf.if %cond3A_34 {
      %scan3A_36 = arith.constant 0 : i32
      %scan3A_37 = arith.constant 5 : i32
      %scan3A_38 = arith.addi %scan3A_36, %scan3A_37 : i32
      %scan3A_39 = arith.constant 1 : i32
      scf.for %scan3A_46 = %scan3A_36 to %scan3A_38 step %scan3A_39  : i32 {
        %mul3A_47 = arith.constant 1 : i32
        %mul3A_48 = arith.muli %scan3A_46, %mul3A_47 : i32
        %add3A_49 = arith.constant 0 : i32
        %add3A_50 = arith.addi %add3A_49, %mul3A_48 : i32
        %dma_start3A = arith.constant 0 : i32
        %dma_start3A_51 = tpu.memref_slice %arg5[%add3A_50, %dma_start3A] : memref<20x512xi32, #tpu.memory_space<vmem>> -> memref<1x512xi32, #tpu.memory_space<vmem>>
        %dma_start3A_52 = tpu.memref_squeeze %dma_start3A_51 : memref<1x512xi32, #tpu.memory_space<vmem>> -> memref<512xi32, #tpu.memory_space<vmem>>
        %dma_start3A_53 = arith.constant 0 : i32
        %dma_start3A_54 = arith.constant 0 : i32
        %dma_start3A_55 = tpu.memref_slice %arg8[%dma_start3A_53, %dma_start3A_54] : memref<10240x16xf32, #tpu.memory_space<vmem_shared>> -> memref<10240x16xf32, #tpu.memory_space<vmem_shared>>
        tpu.enqueue_indirect_dma source(%arg6 : memref<512x16xf32, #tpu.memory_space<vmem>>) target(%dma_start3A_55 : memref<10240x16xf32, #tpu.memory_space<vmem_shared>>) offsets(%dma_start3A_52 : memref<512xi32, #tpu.memory_space<vmem>>) semaphore(%arg9 : memref<!tpu.dma_semaphore, #tpu.memory_space<semaphore_mem>>) {add = true}
      }
      %scan3A_40 = arith.constant 5 : i32
      %scan3A_41 = arith.constant 0 : i32
      %scan3A_42 = arith.constant 5 : i32
      %scan3A_43 = arith.addi %scan3A_41, %scan3A_42 : i32
      %scan3A_44 = arith.constant 1 : i32
      scf.for %scan3A_46 = %scan3A_41 to %scan3A_43 step %scan3A_44  : i32 {
        %mul3A_47 = arith.constant 1 : i32
        %mul3A_48 = arith.muli %scan3A_46, %mul3A_47 : i32
        %add3A_49 = arith.constant 0 : i32
        %add3A_50 = arith.addi %add3A_49, %mul3A_48 : i32
        %dma_wait3A = arith.constant 0 : i32
        %dma_wait3A_51 = tpu.memref_slice %arg5[%add3A_50, %dma_wait3A] : memref<20x512xi32, #tpu.memory_space<vmem>> -> memref<1x512xi32, #tpu.memory_space<vmem>>
        %dma_wait3A_52 = tpu.memref_squeeze %dma_wait3A_51 : memref<1x512xi32, #tpu.memory_space<vmem>> -> memref<512xi32, #tpu.memory_space<vmem>>
        %dma_wait3A_53 = arith.constant 0 : i32
        %dma_wait3A_54 = arith.constant 0 : i32
        %dma_wait3A_55 = tpu.memref_slice %arg8[%dma_wait3A_53, %dma_wait3A_54] : memref<10240x16xf32, #tpu.memory_space<vmem_shared>> -> memref<10240x16xf32, #tpu.memory_space<vmem_shared>>
        tpu.wait_indirect_dma semaphore(%arg9 : memref<!tpu.dma_semaphore, #tpu.memory_space<semaphore_mem>>) src(%arg6 : memref<512x16xf32, #tpu.memory_space<vmem>>) dst(%dma_wait3A_55 : memref<10240x16xf32, #tpu.memory_space<vmem_shared>>)
      }
      %scan3A_45 = arith.constant 5 : i32
    } else {
    }
    %barrier3A_35 = arith.constant 0 : index
    tpu.barrier barrier_id(%barrier3A_35)
    "tpu.region"() ({
      %run_scoped3A = tpu.sem_alloc : memref<!tpu.dma_semaphore, #tpu.memory_space<semaphore_mem>>
      %dma_start3A = arith.constant 0 : i32
      %dma_start3A_36 = arith.constant 0 : i32
      %dma_start3A_37 = tpu.memref_slice %arg4[%arg0, %dma_start3A, %dma_start3A_36] : memref<2x10240x16xf32, #tpu.memory_space<hbm>> -> memref<1x10240x16xf32, #tpu.memory_space<hbm>>
      %dma_start3A_38 = tpu.memref_squeeze %dma_start3A_37 : memref<1x10240x16xf32, #tpu.memory_space<hbm>> -> memref<10240x16xf32, #tpu.memory_space<hbm>>
      %dma_start3A_39 = arith.constant 0 : i32
      %dma_start3A_40 = tpu.memref_slice %dma_start3A_38[%mul3A_2, %dma_start3A_39] : memref<10240x16xf32, #tpu.memory_space<hbm>> -> memref<640x16xf32, #tpu.memory_space<hbm>>
      %dma_start3A_41 = arith.constant 0 : i32
      %dma_start3A_42 = tpu.memref_slice %arg8[%mul3A_2, %dma_start3A_41] : memref<10240x16xf32, #tpu.memory_space<vmem_shared>> -> memref<640x16xf32, #tpu.memory_space<vmem_shared>>
      tpu.enqueue_dma source(%dma_start3A_42 : memref<640x16xf32, #tpu.memory_space<vmem_shared>>) target(%dma_start3A_40 : memref<640x16xf32, #tpu.memory_space<hbm>>) target_semaphore(%run_scoped3A : memref<!tpu.dma_semaphore, #tpu.memory_space<semaphore_mem>>)
      %dma_wait3A = arith.constant 0 : i32
      %dma_wait3A_43 = arith.constant 0 : i32
      %dma_wait3A_44 = tpu.memref_slice %arg4[%arg0, %dma_wait3A, %dma_wait3A_43] : memref<2x10240x16xf32, #tpu.memory_space<hbm>> -> memref<1x10240x16xf32, #tpu.memory_space<hbm>>
      %dma_wait3A_45 = tpu.memref_squeeze %dma_wait3A_44 : memref<1x10240x16xf32, #tpu.memory_space<hbm>> -> memref<10240x16xf32, #tpu.memory_space<hbm>>
      %dma_wait3A_46 = arith.constant 0 : i32
      %dma_wait3A_47 = tpu.memref_slice %dma_wait3A_45[%mul3A_2, %dma_wait3A_46] : memref<10240x16xf32, #tpu.memory_space<hbm>> -> memref<640x16xf32, #tpu.memory_space<hbm>>
      %dma_wait3A_48 = arith.constant 0 : i32
      %dma_wait3A_49 = tpu.memref_slice %arg8[%mul3A_2, %dma_wait3A_48] : memref<10240x16xf32, #tpu.memory_space<vmem_shared>> -> memref<640x16xf32, #tpu.memory_space<vmem_shared>>
      tpu.wait_dma2 semaphore(%run_scoped3A : memref<!tpu.dma_semaphore, #tpu.memory_space<semaphore_mem>>) src(%dma_wait3A_49 : memref<640x16xf32, #tpu.memory_space<vmem_shared>>) dst(%dma_wait3A_47 : memref<640x16xf32, #tpu.memory_space<hbm>>)
      tpu.yield
    }) : () -> ()
    return
  }
}

#map = affine_map<(d0, d1) -> (0, 0)>
#map1 = affine_map<(d0, d1) -> (0, 0, 0)>
module attributes {stable_mosaic.version = 14 : i64} {
  func.func @scat(%arg0: i32, %arg1: i32, %arg2: memref<10240x32xf32, #tpu.memory_space<hbm>>, %arg3: memref<2x625x512xi32, #tpu.memory_space<hbm>>, %arg4: memref<2x10240x32xf32, #tpu.memory_space<hbm>>, %arg5: memref<20x512xi32, #tpu.memory_space<vmem>>, %arg6: memref<20x512xi32, #tpu.memory_space<vmem>>, %arg7: memref<2x512x32xf32, #tpu.memory_space<vmem>>, %arg8: memref<40x32xf32, #tpu.memory_space<vmem>>, %arg9: memref<10240x32xf32, #tpu.memory_space<vmem_shared>>, %arg10: memref<10240x32xf32, #tpu.memory_space<vmem_shared>>, %arg11: memref<!tpu.dma_semaphore, #tpu.memory_space<semaphore_mem>>, %arg12: memref<!tpu.dma_semaphore, #tpu.memory_space<semaphore_mem>>, %arg13: memref<!tpu.dma_semaphore, #tpu.memory_space<semaphore_mem>>) attributes {dimension_semantics = [#tpu.dimension_semantics<core_parallel>, #tpu.dimension_semantics<subcore_parallel>], iteration_bounds = array<i64: 2, 16>, scalar_prefetch = 0 : i64, scratch_operands = 9 : i64, tpu.core_type = #tpu.core_type<sc_vector_subcore>, window_params = [{transform_indices = #map}, {transform_indices = #map1}, {transform_indices = #map1}]} {
    %mul3A = arith.constant 2 : i32
    %mul3A_0 = arith.muli %arg1, %mul3A : i32
    %add3A = arith.addi %mul3A_0, %arg0 : i32
    %mul3A_1 = arith.constant 640 : i32
    %mul3A_2 = arith.muli %arg1, %mul3A_1 : i32
    %mul3A_3 = arith.constant 20 : i32
    %mul3A_4 = arith.muli %add3A, %mul3A_3 : i32
    "tpu.region"() ({
      %run_scoped3A = tpu.sem_alloc : memref<!tpu.dma_semaphore, #tpu.memory_space<semaphore_mem>>
      %dma_start3A = arith.constant 0 : i32
      %dma_start3A_36 = tpu.memref_slice %arg10[%mul3A_2, %dma_start3A] : memref<10240x32xf32, #tpu.memory_space<vmem_shared>> -> memref<640x32xf32, #tpu.memory_space<vmem_shared>>
      %dma_start3A_37 = arith.constant 0 : i32
      %dma_start3A_38 = tpu.memref_slice %arg2[%mul3A_2, %dma_start3A_37] : memref<10240x32xf32, #tpu.memory_space<hbm>> -> memref<640x32xf32, #tpu.memory_space<hbm>>
      tpu.enqueue_dma source(%dma_start3A_38 : memref<640x32xf32, #tpu.memory_space<hbm>>) target(%dma_start3A_36 : memref<640x32xf32, #tpu.memory_space<vmem_shared>>) target_semaphore(%run_scoped3A : memref<!tpu.dma_semaphore, #tpu.memory_space<semaphore_mem>>)
      %dma_wait3A = arith.constant 0 : i32
      %dma_wait3A_39 = tpu.memref_slice %arg10[%mul3A_2, %dma_wait3A] : memref<10240x32xf32, #tpu.memory_space<vmem_shared>> -> memref<640x32xf32, #tpu.memory_space<vmem_shared>>
      %dma_wait3A_40 = arith.constant 0 : i32
      %dma_wait3A_41 = tpu.memref_slice %arg2[%mul3A_2, %dma_wait3A_40] : memref<10240x32xf32, #tpu.memory_space<hbm>> -> memref<640x32xf32, #tpu.memory_space<hbm>>
      tpu.wait_dma2 semaphore(%run_scoped3A : memref<!tpu.dma_semaphore, #tpu.memory_space<semaphore_mem>>) src(%dma_wait3A_41 : memref<640x32xf32, #tpu.memory_space<hbm>>) dst(%dma_wait3A_39 : memref<640x32xf32, #tpu.memory_space<vmem_shared>>)
      tpu.yield
    }) : () -> ()
    %scan3A = arith.constant 0 : i32
    %scan3A_5 = arith.constant 40 : i32
    %scan3A_6 = arith.addi %scan3A, %scan3A_5 : i32
    %scan3A_7 = arith.constant 1 : i32
    scf.for %scan3A_36 = %scan3A to %scan3A_6 step %scan3A_7  : i32 {
      %mul3A_37 = arith.constant 1 : i32
      %mul3A_38 = arith.muli %scan3A_36, %mul3A_37 : i32
      %add3A_39 = arith.constant 0 : i32
      %add3A_40 = arith.addi %add3A_39, %mul3A_38 : i32
      %scan3A_41 = arith.constant 0 : i32
      %scan3A_42 = arith.constant 2 : i32
      %scan3A_43 = arith.addi %scan3A_41, %scan3A_42 : i32
      %scan3A_44 = arith.constant 1 : i32
      scf.for %scan3A_46 = %scan3A_41 to %scan3A_43 step %scan3A_44  : i32 {
        %mul3A_47 = arith.constant 1 : i32
        %mul3A_48 = arith.muli %scan3A_46, %mul3A_47 : i32
        %add3A_49 = arith.constant 0 : i32
        %add3A_50 = arith.addi %add3A_49, %mul3A_48 : i32
        %broadcast_in_dim3A = arith.constant 0.000000e+00 : f32
        %broadcast_in_dim3A_51 = vector.broadcast %broadcast_in_dim3A : f32 to vector<16xf32>
        %mul3A_52 = arith.constant 16 : i32
        %mul3A_53 = arith.muli %add3A_50, %mul3A_52 : i32
        %swap3A = arith.index_cast %add3A_40 : i32 to index
        %swap3A_54 = arith.index_cast %mul3A_53 : i32 to index
        %swap3A_55 = tpu.vector_load %arg8[%swap3A, %swap3A_54] {strides = array<i32>} : memref<40x32xf32, #tpu.memory_space<vmem>>, vector<1x16xf32>,
        %swap3A_56 = vector.shape_cast %swap3A_55 : vector<1x16xf32> to vector<16xf32>
        %swap3A_57 = vector.shape_cast %broadcast_in_dim3A_51 : vector<16xf32> to vector<1x16xf32>
        tpu.vector_store %arg8[%swap3A, %swap3A_54], %swap3A_57 {strides = array<i32>} : memref<40x32xf32, #tpu.memory_space<vmem>>, vector<1x16xf32>,
      }
      %scan3A_45 = arith.constant 2 : i32
    }
    %scan3A_8 = arith.constant 40 : i32
    %scan3A_9 = arith.constant 0 : i32
    %scan3A_10 = arith.constant 16 : i32
    %scan3A_11 = arith.addi %scan3A_9, %scan3A_10 : i32
    %scan3A_12 = arith.constant 1 : i32
    scf.for %scan3A_36 = %scan3A_9 to %scan3A_11 step %scan3A_12  : i32 {
      %mul3A_37 = arith.constant 1 : i32
      %mul3A_38 = arith.muli %scan3A_36, %mul3A_37 : i32
      %add3A_39 = arith.constant 0 : i32
      %add3A_40 = arith.addi %add3A_39, %mul3A_38 : i32
      %mul3A_41 = arith.constant 640 : i32
      %mul3A_42 = arith.muli %arg1, %mul3A_41 : i32
      %mul3A_43 = arith.constant 40 : i32
      %mul3A_44 = arith.muli %add3A_40, %mul3A_43 : i32
      %add3A_45 = arith.addi %mul3A_42, %mul3A_44 : i32
      %dma_start3A = arith.constant 0 : i32
      %dma_start3A_46 = tpu.memref_slice %arg9[%add3A_45, %dma_start3A] : memref<10240x32xf32, #tpu.memory_space<vmem_shared>> -> memref<40x32xf32, #tpu.memory_space<vmem_shared>>
      %dma_start3A_47 = arith.constant 0 : i32
      %dma_start3A_48 = tpu.memref_slice %arg9[%add3A_45, %dma_start3A_47] : memref<10240x32xf32, #tpu.memory_space<vmem_shared>> -> memref<40x32xf32, #tpu.memory_space<vmem_shared>>
      tpu.enqueue_dma source(%arg8 : memref<40x32xf32, #tpu.memory_space<vmem>>) target(%dma_start3A_48 : memref<40x32xf32, #tpu.memory_space<vmem_shared>>) target_semaphore(%arg11 : memref<!tpu.dma_semaphore, #tpu.memory_space<semaphore_mem>>)
    }
    %scan3A_13 = arith.constant 16 : i32
    %scan3A_14 = arith.constant 0 : i32
    %scan3A_15 = arith.constant 16 : i32
    %scan3A_16 = arith.addi %scan3A_14, %scan3A_15 : i32
    %scan3A_17 = arith.constant 1 : i32
    scf.for %scan3A_36 = %scan3A_14 to %scan3A_16 step %scan3A_17  : i32 {
      %mul3A_37 = arith.constant 1 : i32
      %mul3A_38 = arith.muli %scan3A_36, %mul3A_37 : i32
      %add3A_39 = arith.constant 0 : i32
      %add3A_40 = arith.addi %add3A_39, %mul3A_38 : i32
      %mul3A_41 = arith.constant 640 : i32
      %mul3A_42 = arith.muli %arg1, %mul3A_41 : i32
      %mul3A_43 = arith.constant 40 : i32
      %mul3A_44 = arith.muli %add3A_40, %mul3A_43 : i32
      %add3A_45 = arith.addi %mul3A_42, %mul3A_44 : i32
      %dma_wait3A = arith.constant 0 : i32
      %dma_wait3A_46 = tpu.memref_slice %arg9[%add3A_45, %dma_wait3A] : memref<10240x32xf32, #tpu.memory_space<vmem_shared>> -> memref<40x32xf32, #tpu.memory_space<vmem_shared>>
      %dma_wait3A_47 = arith.constant 0 : i32
      %dma_wait3A_48 = tpu.memref_slice %arg9[%add3A_45, %dma_wait3A_47] : memref<10240x32xf32, #tpu.memory_space<vmem_shared>> -> memref<40x32xf32, #tpu.memory_space<vmem_shared>>
      tpu.wait_dma2 semaphore(%arg11 : memref<!tpu.dma_semaphore, #tpu.memory_space<semaphore_mem>>) src(%arg8 : memref<40x32xf32, #tpu.memory_space<vmem>>) dst(%dma_wait3A_48 : memref<40x32xf32, #tpu.memory_space<vmem_shared>>)
    }
    %scan3A_18 = arith.constant 16 : i32
    %lt3A = arith.constant 31 : i32
    %lt3A_19 = arith.cmpi slt, %add3A, %lt3A : i32
    %convert_element_type3A = arith.extui %lt3A_19 : i1 to i32
    %cond3A = arith.constant 0 : i32
    %cond3A_20 = arith.cmpi ne, %convert_element_type3A, %cond3A : i32
    scf.if %cond3A_20 {
      %run_scoped3A = arith.constant 0 : i32
      "tpu.region"() ({
        %run_scoped3A_37 = tpu.sem_alloc : memref<!tpu.dma_semaphore, #tpu.memory_space<semaphore_mem>>
        %dma_start3A = arith.constant 0 : i32
        %dma_start3A_38 = arith.constant 0 : i32
        %dma_start3A_39 = tpu.memref_slice %arg3[%run_scoped3A, %dma_start3A, %dma_start3A_38] : memref<2x625x512xi32, #tpu.memory_space<hbm>> -> memref<1x625x512xi32, #tpu.memory_space<hbm>>
        %dma_start3A_40 = tpu.memref_squeeze %dma_start3A_39 : memref<1x625x512xi32, #tpu.memory_space<hbm>> -> memref<625x512xi32, #tpu.memory_space<hbm>>
        %dma_start3A_41 = arith.constant 0 : i32
        %dma_start3A_42 = tpu.memref_slice %dma_start3A_40[%mul3A_4, %dma_start3A_41] : memref<625x512xi32, #tpu.memory_space<hbm>> -> memref<20x512xi32, #tpu.memory_space<hbm>>
        %dma_start3A_43 = arith.constant 0 : i32
        %dma_start3A_44 = arith.constant 0 : i32
        %dma_start3A_45 = tpu.memref_slice %arg3[%run_scoped3A, %dma_start3A_43, %dma_start3A_44] : memref<2x625x512xi32, #tpu.memory_space<hbm>> -> memref<1x625x512xi32, #tpu.memory_space<hbm>>
        %dma_start3A_46 = tpu.memref_squeeze %dma_start3A_45 : memref<1x625x512xi32, #tpu.memory_space<hbm>> -> memref<625x512xi32, #tpu.memory_space<hbm>>
        %dma_start3A_47 = arith.constant 0 : i32
        %dma_start3A_48 = tpu.memref_slice %dma_start3A_46[%mul3A_4, %dma_start3A_47] : memref<625x512xi32, #tpu.memory_space<hbm>> -> memref<20x512xi32, #tpu.memory_space<hbm>>
        tpu.enqueue_dma source(%dma_start3A_48 : memref<20x512xi32, #tpu.memory_space<hbm>>) target(%arg5 : memref<20x512xi32, #tpu.memory_space<vmem>>) target_semaphore(%run_scoped3A_37 : memref<!tpu.dma_semaphore, #tpu.memory_space<semaphore_mem>>)
        %dma_wait3A = arith.constant 0 : i32
        %dma_wait3A_49 = arith.constant 0 : i32
        %dma_wait3A_50 = tpu.memref_slice %arg3[%run_scoped3A, %dma_wait3A, %dma_wait3A_49] : memref<2x625x512xi32, #tpu.memory_space<hbm>> -> memref<1x625x512xi32, #tpu.memory_space<hbm>>
        %dma_wait3A_51 = tpu.memref_squeeze %dma_wait3A_50 : memref<1x625x512xi32, #tpu.memory_space<hbm>> -> memref<625x512xi32, #tpu.memory_space<hbm>>
        %dma_wait3A_52 = arith.constant 0 : i32
        %dma_wait3A_53 = tpu.memref_slice %dma_wait3A_51[%mul3A_4, %dma_wait3A_52] : memref<625x512xi32, #tpu.memory_space<hbm>> -> memref<20x512xi32, #tpu.memory_space<hbm>>
        %dma_wait3A_54 = arith.constant 0 : i32
        %dma_wait3A_55 = arith.constant 0 : i32
        %dma_wait3A_56 = tpu.memref_slice %arg3[%run_scoped3A, %dma_wait3A_54, %dma_wait3A_55] : memref<2x625x512xi32, #tpu.memory_space<hbm>> -> memref<1x625x512xi32, #tpu.memory_space<hbm>>
        %dma_wait3A_57 = tpu.memref_squeeze %dma_wait3A_56 : memref<1x625x512xi32, #tpu.memory_space<hbm>> -> memref<625x512xi32, #tpu.memory_space<hbm>>
        %dma_wait3A_58 = arith.constant 0 : i32
        %dma_wait3A_59 = tpu.memref_slice %dma_wait3A_57[%mul3A_4, %dma_wait3A_58] : memref<625x512xi32, #tpu.memory_space<hbm>> -> memref<20x512xi32, #tpu.memory_space<hbm>>
        tpu.wait_dma2 semaphore(%run_scoped3A_37 : memref<!tpu.dma_semaphore, #tpu.memory_space<semaphore_mem>>) src(%dma_wait3A_59 : memref<20x512xi32, #tpu.memory_space<hbm>>) dst(%arg5 : memref<20x512xi32, #tpu.memory_space<vmem>>)
        tpu.yield
      }) : () -> ()
      %run_scoped3A_36 = arith.constant 1 : i32
      "tpu.region"() ({
        %run_scoped3A_37 = tpu.sem_alloc : memref<!tpu.dma_semaphore, #tpu.memory_space<semaphore_mem>>
        %dma_start3A = arith.constant 0 : i32
        %dma_start3A_38 = arith.constant 0 : i32
        %dma_start3A_39 = tpu.memref_slice %arg3[%run_scoped3A_36, %dma_start3A, %dma_start3A_38] : memref<2x625x512xi32, #tpu.memory_space<hbm>> -> memref<1x625x512xi32, #tpu.memory_space<hbm>>
        %dma_start3A_40 = tpu.memref_squeeze %dma_start3A_39 : memref<1x625x512xi32, #tpu.memory_space<hbm>> -> memref<625x512xi32, #tpu.memory_space<hbm>>
        %dma_start3A_41 = arith.constant 0 : i32
        %dma_start3A_42 = tpu.memref_slice %dma_start3A_40[%mul3A_4, %dma_start3A_41] : memref<625x512xi32, #tpu.memory_space<hbm>> -> memref<20x512xi32, #tpu.memory_space<hbm>>
        %dma_start3A_43 = arith.constant 0 : i32
        %dma_start3A_44 = arith.constant 0 : i32
        %dma_start3A_45 = tpu.memref_slice %arg3[%run_scoped3A_36, %dma_start3A_43, %dma_start3A_44] : memref<2x625x512xi32, #tpu.memory_space<hbm>> -> memref<1x625x512xi32, #tpu.memory_space<hbm>>
        %dma_start3A_46 = tpu.memref_squeeze %dma_start3A_45 : memref<1x625x512xi32, #tpu.memory_space<hbm>> -> memref<625x512xi32, #tpu.memory_space<hbm>>
        %dma_start3A_47 = arith.constant 0 : i32
        %dma_start3A_48 = tpu.memref_slice %dma_start3A_46[%mul3A_4, %dma_start3A_47] : memref<625x512xi32, #tpu.memory_space<hbm>> -> memref<20x512xi32, #tpu.memory_space<hbm>>
        tpu.enqueue_dma source(%dma_start3A_48 : memref<20x512xi32, #tpu.memory_space<hbm>>) target(%arg6 : memref<20x512xi32, #tpu.memory_space<vmem>>) target_semaphore(%run_scoped3A_37 : memref<!tpu.dma_semaphore, #tpu.memory_space<semaphore_mem>>)
        %dma_wait3A = arith.constant 0 : i32
        %dma_wait3A_49 = arith.constant 0 : i32
        %dma_wait3A_50 = tpu.memref_slice %arg3[%run_scoped3A_36, %dma_wait3A, %dma_wait3A_49] : memref<2x625x512xi32, #tpu.memory_space<hbm>> -> memref<1x625x512xi32, #tpu.memory_space<hbm>>
        %dma_wait3A_51 = tpu.memref_squeeze %dma_wait3A_50 : memref<1x625x512xi32, #tpu.memory_space<hbm>> -> memref<625x512xi32, #tpu.memory_space<hbm>>
        %dma_wait3A_52 = arith.constant 0 : i32
        %dma_wait3A_53 = tpu.memref_slice %dma_wait3A_51[%mul3A_4, %dma_wait3A_52] : memref<625x512xi32, #tpu.memory_space<hbm>> -> memref<20x512xi32, #tpu.memory_space<hbm>>
        %dma_wait3A_54 = arith.constant 0 : i32
        %dma_wait3A_55 = arith.constant 0 : i32
        %dma_wait3A_56 = tpu.memref_slice %arg3[%run_scoped3A_36, %dma_wait3A_54, %dma_wait3A_55] : memref<2x625x512xi32, #tpu.memory_space<hbm>> -> memref<1x625x512xi32, #tpu.memory_space<hbm>>
        %dma_wait3A_57 = tpu.memref_squeeze %dma_wait3A_56 : memref<1x625x512xi32, #tpu.memory_space<hbm>> -> memref<625x512xi32, #tpu.memory_space<hbm>>
        %dma_wait3A_58 = arith.constant 0 : i32
        %dma_wait3A_59 = tpu.memref_slice %dma_wait3A_57[%mul3A_4, %dma_wait3A_58] : memref<625x512xi32, #tpu.memory_space<hbm>> -> memref<20x512xi32, #tpu.memory_space<hbm>>
        tpu.wait_dma2 semaphore(%run_scoped3A_37 : memref<!tpu.dma_semaphore, #tpu.memory_space<semaphore_mem>>) src(%dma_wait3A_59 : memref<20x512xi32, #tpu.memory_space<hbm>>) dst(%arg6 : memref<20x512xi32, #tpu.memory_space<vmem>>)
        tpu.yield
      }) : () -> ()
    } else {
    }
    %eq3A = arith.constant 31 : i32
    %eq3A_21 = arith.cmpi eq, %add3A, %eq3A : i32
    %convert_element_type3A_22 = arith.extui %eq3A_21 : i1 to i32
    %cond3A_23 = arith.constant 0 : i32
    %cond3A_24 = arith.cmpi ne, %convert_element_type3A_22, %cond3A_23 : i32
    scf.if %cond3A_24 {
      %run_scoped3A = arith.constant 0 : i32
      "tpu.region"() ({
        %run_scoped3A_37 = tpu.sem_alloc : memref<!tpu.dma_semaphore, #tpu.memory_space<semaphore_mem>>
        %dma_start3A = arith.constant 0 : i32
        %dma_start3A_38 = arith.constant 0 : i32
        %dma_start3A_39 = tpu.memref_slice %arg5[%dma_start3A, %dma_start3A_38] : memref<20x512xi32, #tpu.memory_space<vmem>> -> memref<5x512xi32, #tpu.memory_space<vmem>>
        %dma_start3A_40 = arith.constant 0 : i32
        %dma_start3A_41 = arith.constant 0 : i32
        %dma_start3A_42 = tpu.memref_slice %arg3[%run_scoped3A, %dma_start3A_40, %dma_start3A_41] : memref<2x625x512xi32, #tpu.memory_space<hbm>> -> memref<1x625x512xi32, #tpu.memory_space<hbm>>
        %dma_start3A_43 = tpu.memref_squeeze %dma_start3A_42 : memref<1x625x512xi32, #tpu.memory_space<hbm>> -> memref<625x512xi32, #tpu.memory_space<hbm>>
        %dma_start3A_44 = arith.constant 0 : i32
        %dma_start3A_45 = tpu.memref_slice %dma_start3A_43[%mul3A_4, %dma_start3A_44] : memref<625x512xi32, #tpu.memory_space<hbm>> -> memref<5x512xi32, #tpu.memory_space<hbm>>
        %dma_start3A_46 = arith.constant 0 : i32
        %dma_start3A_47 = arith.constant 0 : i32
        %dma_start3A_48 = tpu.memref_slice %arg5[%dma_start3A_46, %dma_start3A_47] : memref<20x512xi32, #tpu.memory_space<vmem>> -> memref<5x512xi32, #tpu.memory_space<vmem>>
        %dma_start3A_49 = arith.constant 0 : i32
        %dma_start3A_50 = arith.constant 0 : i32
        %dma_start3A_51 = tpu.memref_slice %arg3[%run_scoped3A, %dma_start3A_49, %dma_start3A_50] : memref<2x625x512xi32, #tpu.memory_space<hbm>> -> memref<1x625x512xi32, #tpu.memory_space<hbm>>
        %dma_start3A_52 = tpu.memref_squeeze %dma_start3A_51 : memref<1x625x512xi32, #tpu.memory_space<hbm>> -> memref<625x512xi32, #tpu.memory_space<hbm>>
        %dma_start3A_53 = arith.constant 0 : i32
        %dma_start3A_54 = tpu.memref_slice %dma_start3A_52[%mul3A_4, %dma_start3A_53] : memref<625x512xi32, #tpu.memory_space<hbm>> -> memref<5x512xi32, #tpu.memory_space<hbm>>
        tpu.enqueue_dma source(%dma_start3A_54 : memref<5x512xi32, #tpu.memory_space<hbm>>) target(%dma_start3A_48 : memref<5x512xi32, #tpu.memory_space<vmem>>) target_semaphore(%run_scoped3A_37 : memref<!tpu.dma_semaphore, #tpu.memory_space<semaphore_mem>>)
        %dma_wait3A = arith.constant 0 : i32
        %dma_wait3A_55 = arith.constant 0 : i32
        %dma_wait3A_56 = tpu.memref_slice %arg5[%dma_wait3A, %dma_wait3A_55] : memref<20x512xi32, #tpu.memory_space<vmem>> -> memref<5x512xi32, #tpu.memory_space<vmem>>
        %dma_wait3A_57 = arith.constant 0 : i32
        %dma_wait3A_58 = arith.constant 0 : i32
        %dma_wait3A_59 = tpu.memref_slice %arg3[%run_scoped3A, %dma_wait3A_57, %dma_wait3A_58] : memref<2x625x512xi32, #tpu.memory_space<hbm>> -> memref<1x625x512xi32, #tpu.memory_space<hbm>>
        %dma_wait3A_60 = tpu.memref_squeeze %dma_wait3A_59 : memref<1x625x512xi32, #tpu.memory_space<hbm>> -> memref<625x512xi32, #tpu.memory_space<hbm>>
        %dma_wait3A_61 = arith.constant 0 : i32
        %dma_wait3A_62 = tpu.memref_slice %dma_wait3A_60[%mul3A_4, %dma_wait3A_61] : memref<625x512xi32, #tpu.memory_space<hbm>> -> memref<5x512xi32, #tpu.memory_space<hbm>>
        %dma_wait3A_63 = arith.constant 0 : i32
        %dma_wait3A_64 = arith.constant 0 : i32
        %dma_wait3A_65 = tpu.memref_slice %arg5[%dma_wait3A_63, %dma_wait3A_64] : memref<20x512xi32, #tpu.memory_space<vmem>> -> memref<5x512xi32, #tpu.memory_space<vmem>>
        %dma_wait3A_66 = arith.constant 0 : i32
        %dma_wait3A_67 = arith.constant 0 : i32
        %dma_wait3A_68 = tpu.memref_slice %arg3[%run_scoped3A, %dma_wait3A_66, %dma_wait3A_67] : memref<2x625x512xi32, #tpu.memory_space<hbm>> -> memref<1x625x512xi32, #tpu.memory_space<hbm>>
        %dma_wait3A_69 = tpu.memref_squeeze %dma_wait3A_68 : memref<1x625x512xi32, #tpu.memory_space<hbm>> -> memref<625x512xi32, #tpu.memory_space<hbm>>
        %dma_wait3A_70 = arith.constant 0 : i32
        %dma_wait3A_71 = tpu.memref_slice %dma_wait3A_69[%mul3A_4, %dma_wait3A_70] : memref<625x512xi32, #tpu.memory_space<hbm>> -> memref<5x512xi32, #tpu.memory_space<hbm>>
        tpu.wait_dma2 semaphore(%run_scoped3A_37 : memref<!tpu.dma_semaphore, #tpu.memory_space<semaphore_mem>>) src(%dma_wait3A_71 : memref<5x512xi32, #tpu.memory_space<hbm>>) dst(%dma_wait3A_65 : memref<5x512xi32, #tpu.memory_space<vmem>>)
        tpu.yield
      }) : () -> ()
      %run_scoped3A_36 = arith.constant 1 : i32
      "tpu.region"() ({
        %run_scoped3A_37 = tpu.sem_alloc : memref<!tpu.dma_semaphore, #tpu.memory_space<semaphore_mem>>
        %dma_start3A = arith.constant 0 : i32
        %dma_start3A_38 = arith.constant 0 : i32
        %dma_start3A_39 = tpu.memref_slice %arg6[%dma_start3A, %dma_start3A_38] : memref<20x512xi32, #tpu.memory_space<vmem>> -> memref<5x512xi32, #tpu.memory_space<vmem>>
        %dma_start3A_40 = arith.constant 0 : i32
        %dma_start3A_41 = arith.constant 0 : i32
        %dma_start3A_42 = tpu.memref_slice %arg3[%run_scoped3A_36, %dma_start3A_40, %dma_start3A_41] : memref<2x625x512xi32, #tpu.memory_space<hbm>> -> memref<1x625x512xi32, #tpu.memory_space<hbm>>
        %dma_start3A_43 = tpu.memref_squeeze %dma_start3A_42 : memref<1x625x512xi32, #tpu.memory_space<hbm>> -> memref<625x512xi32, #tpu.memory_space<hbm>>
        %dma_start3A_44 = arith.constant 0 : i32
        %dma_start3A_45 = tpu.memref_slice %dma_start3A_43[%mul3A_4, %dma_start3A_44] : memref<625x512xi32, #tpu.memory_space<hbm>> -> memref<5x512xi32, #tpu.memory_space<hbm>>
        %dma_start3A_46 = arith.constant 0 : i32
        %dma_start3A_47 = arith.constant 0 : i32
        %dma_start3A_48 = tpu.memref_slice %arg6[%dma_start3A_46, %dma_start3A_47] : memref<20x512xi32, #tpu.memory_space<vmem>> -> memref<5x512xi32, #tpu.memory_space<vmem>>
        %dma_start3A_49 = arith.constant 0 : i32
        %dma_start3A_50 = arith.constant 0 : i32
        %dma_start3A_51 = tpu.memref_slice %arg3[%run_scoped3A_36, %dma_start3A_49, %dma_start3A_50] : memref<2x625x512xi32, #tpu.memory_space<hbm>> -> memref<1x625x512xi32, #tpu.memory_space<hbm>>
        %dma_start3A_52 = tpu.memref_squeeze %dma_start3A_51 : memref<1x625x512xi32, #tpu.memory_space<hbm>> -> memref<625x512xi32, #tpu.memory_space<hbm>>
        %dma_start3A_53 = arith.constant 0 : i32
        %dma_start3A_54 = tpu.memref_slice %dma_start3A_52[%mul3A_4, %dma_start3A_53] : memref<625x512xi32, #tpu.memory_space<hbm>> -> memref<5x512xi32, #tpu.memory_space<hbm>>
        tpu.enqueue_dma source(%dma_start3A_54 : memref<5x512xi32, #tpu.memory_space<hbm>>) target(%dma_start3A_48 : memref<5x512xi32, #tpu.memory_space<vmem>>) target_semaphore(%run_scoped3A_37 : memref<!tpu.dma_semaphore, #tpu.memory_space<semaphore_mem>>)
        %dma_wait3A = arith.constant 0 : i32
        %dma_wait3A_55 = arith.constant 0 : i32
        %dma_wait3A_56 = tpu.memref_slice %arg6[%dma_wait3A, %dma_wait3A_55] : memref<20x512xi32, #tpu.memory_space<vmem>> -> memref<5x512xi32, #tpu.memory_space<vmem>>
        %dma_wait3A_57 = arith.constant 0 : i32
        %dma_wait3A_58 = arith.constant 0 : i32
        %dma_wait3A_59 = tpu.memref_slice %arg3[%run_scoped3A_36, %dma_wait3A_57, %dma_wait3A_58] : memref<2x625x512xi32, #tpu.memory_space<hbm>> -> memref<1x625x512xi32, #tpu.memory_space<hbm>>
        %dma_wait3A_60 = tpu.memref_squeeze %dma_wait3A_59 : memref<1x625x512xi32, #tpu.memory_space<hbm>> -> memref<625x512xi32, #tpu.memory_space<hbm>>
        %dma_wait3A_61 = arith.constant 0 : i32
        %dma_wait3A_62 = tpu.memref_slice %dma_wait3A_60[%mul3A_4, %dma_wait3A_61] : memref<625x512xi32, #tpu.memory_space<hbm>> -> memref<5x512xi32, #tpu.memory_space<hbm>>
        %dma_wait3A_63 = arith.constant 0 : i32
        %dma_wait3A_64 = arith.constant 0 : i32
        %dma_wait3A_65 = tpu.memref_slice %arg6[%dma_wait3A_63, %dma_wait3A_64] : memref<20x512xi32, #tpu.memory_space<vmem>> -> memref<5x512xi32, #tpu.memory_space<vmem>>
        %dma_wait3A_66 = arith.constant 0 : i32
        %dma_wait3A_67 = arith.constant 0 : i32
        %dma_wait3A_68 = tpu.memref_slice %arg3[%run_scoped3A_36, %dma_wait3A_66, %dma_wait3A_67] : memref<2x625x512xi32, #tpu.memory_space<hbm>> -> memref<1x625x512xi32, #tpu.memory_space<hbm>>
        %dma_wait3A_69 = tpu.memref_squeeze %dma_wait3A_68 : memref<1x625x512xi32, #tpu.memory_space<hbm>> -> memref<625x512xi32, #tpu.memory_space<hbm>>
        %dma_wait3A_70 = arith.constant 0 : i32
        %dma_wait3A_71 = tpu.memref_slice %dma_wait3A_69[%mul3A_4, %dma_wait3A_70] : memref<625x512xi32, #tpu.memory_space<hbm>> -> memref<5x512xi32, #tpu.memory_space<hbm>>
        tpu.wait_dma2 semaphore(%run_scoped3A_37 : memref<!tpu.dma_semaphore, #tpu.memory_space<semaphore_mem>>) src(%dma_wait3A_71 : memref<5x512xi32, #tpu.memory_space<hbm>>) dst(%dma_wait3A_65 : memref<5x512xi32, #tpu.memory_space<vmem>>)
        tpu.yield
      }) : () -> ()
    } else {
    }
    %barrier3A = arith.constant 0 : index
    tpu.barrier barrier_id(%barrier3A)
    %lt3A_25 = arith.constant 31 : i32
    %lt3A_26 = arith.cmpi slt, %add3A, %lt3A_25 : i32
    %convert_element_type3A_27 = arith.extui %lt3A_26 : i1 to i32
    %cond3A_28 = arith.constant 0 : i32
    %cond3A_29 = arith.cmpi ne, %convert_element_type3A_27, %cond3A_28 : i32
    scf.if %cond3A_29 {
      %dma_start3A = arith.constant 0 : i32
      %dma_start3A_36 = arith.constant 0 : i32
      %dma_start3A_37 = arith.constant 0 : i32
      %dma_start3A_38 = arith.constant 0 : i32
      %dma_start3A_39 = tpu.memref_slice %arg7[%dma_start3A_36, %dma_start3A_37, %dma_start3A_38] : memref<2x512x32xf32, #tpu.memory_space<vmem>> -> memref<1x512x32xf32, #tpu.memory_space<vmem>>
      %dma_start3A_40 = tpu.memref_squeeze %dma_start3A_39 : memref<1x512x32xf32, #tpu.memory_space<vmem>> -> memref<512x32xf32, #tpu.memory_space<vmem>>
      %dma_start3A_41 = arith.constant 0 : i32
      %dma_start3A_42 = tpu.memref_slice %arg5[%dma_start3A, %dma_start3A_41] : memref<20x512xi32, #tpu.memory_space<vmem>> -> memref<1x512xi32, #tpu.memory_space<vmem>>
      %dma_start3A_43 = tpu.memref_squeeze %dma_start3A_42 : memref<1x512xi32, #tpu.memory_space<vmem>> -> memref<512xi32, #tpu.memory_space<vmem>>
      %dma_start3A_44 = arith.constant 0 : i32
      %dma_start3A_45 = arith.constant 0 : i32
      %dma_start3A_46 = tpu.memref_slice %arg10[%dma_start3A_44, %dma_start3A_45] : memref<10240x32xf32, #tpu.memory_space<vmem_shared>> -> memref<10240x32xf32, #tpu.memory_space<vmem_shared>>
      tpu.enqueue_indirect_dma source(%dma_start3A_46 : memref<10240x32xf32, #tpu.memory_space<vmem_shared>>) target(%dma_start3A_40 : memref<512x32xf32, #tpu.memory_space<vmem>>) offsets(%dma_start3A_43 : memref<512xi32, #tpu.memory_space<vmem>>) semaphore(%arg11 : memref<!tpu.dma_semaphore, #tpu.memory_space<semaphore_mem>>)
      %scan3A_47 = arith.constant 0 : i32
      %scan3A_48 = arith.constant 10 : i32
      %scan3A_49 = arith.addi %scan3A_47, %scan3A_48 : i32
      %scan3A_50 = arith.constant 1 : i32
      scf.for %scan3A_52 = %scan3A_47 to %scan3A_49 step %scan3A_50  : i32 {
        %mul3A_53 = arith.constant 1 : i32
        %mul3A_54 = arith.muli %scan3A_52, %mul3A_53 : i32
        %add3A_55 = arith.constant 0 : i32
        %add3A_56 = arith.addi %add3A_55, %mul3A_54 : i32
        %mul3A_57 = arith.constant 2 : i32
        %mul3A_58 = arith.muli %add3A_56, %mul3A_57 : i32
        %add3A_59 = arith.constant 1 : i32
        %add3A_60 = arith.addi %mul3A_58, %add3A_59 : i32
        %dma_start3A_61 = arith.constant 1 : i32
        %dma_start3A_62 = arith.constant 0 : i32
        %dma_start3A_63 = arith.constant 0 : i32
        %dma_start3A_64 = tpu.memref_slice %arg7[%dma_start3A_61, %dma_start3A_62, %dma_start3A_63] : memref<2x512x32xf32, #tpu.memory_space<vmem>> -> memref<1x512x32xf32, #tpu.memory_space<vmem>>
        %dma_start3A_65 = tpu.memref_squeeze %dma_start3A_64 : memref<1x512x32xf32, #tpu.memory_space<vmem>> -> memref<512x32xf32, #tpu.memory_space<vmem>>
        %dma_start3A_66 = arith.constant 0 : i32
        %dma_start3A_67 = tpu.memref_slice %arg5[%add3A_60, %dma_start3A_66] : memref<20x512xi32, #tpu.memory_space<vmem>> -> memref<1x512xi32, #tpu.memory_space<vmem>>
        %dma_start3A_68 = tpu.memref_squeeze %dma_start3A_67 : memref<1x512xi32, #tpu.memory_space<vmem>> -> memref<512xi32, #tpu.memory_space<vmem>>
        %dma_start3A_69 = arith.constant 0 : i32
        %dma_start3A_70 = arith.constant 0 : i32
        %dma_start3A_71 = tpu.memref_slice %arg10[%dma_start3A_69, %dma_start3A_70] : memref<10240x32xf32, #tpu.memory_space<vmem_shared>> -> memref<10240x32xf32, #tpu.memory_space<vmem_shared>>
        tpu.enqueue_indirect_dma source(%dma_start3A_71 : memref<10240x32xf32, #tpu.memory_space<vmem_shared>>) target(%dma_start3A_65 : memref<512x32xf32, #tpu.memory_space<vmem>>) offsets(%dma_start3A_68 : memref<512xi32, #tpu.memory_space<vmem>>) semaphore(%arg12 : memref<!tpu.dma_semaphore, #tpu.memory_space<semaphore_mem>>)
        %dma_wait3A = arith.constant 0 : i32
        %dma_wait3A_72 = arith.constant 0 : i32
        %dma_wait3A_73 = arith.constant 0 : i32
        %dma_wait3A_74 = tpu.memref_slice %arg7[%dma_wait3A, %dma_wait3A_72, %dma_wait3A_73] : memref<2x512x32xf32, #tpu.memory_space<vmem>> -> memref<1x512x32xf32, #tpu.memory_space<vmem>>
        %dma_wait3A_75 = tpu.memref_squeeze %dma_wait3A_74 : memref<1x512x32xf32, #tpu.memory_space<vmem>> -> memref<512x32xf32, #tpu.memory_space<vmem>>
        %dma_wait3A_76 = arith.constant 0 : i32
        %dma_wait3A_77 = tpu.memref_slice %arg5[%mul3A_58, %dma_wait3A_76] : memref<20x512xi32, #tpu.memory_space<vmem>> -> memref<1x512xi32, #tpu.memory_space<vmem>>
        %dma_wait3A_78 = tpu.memref_squeeze %dma_wait3A_77 : memref<1x512xi32, #tpu.memory_space<vmem>> -> memref<512xi32, #tpu.memory_space<vmem>>
        %dma_wait3A_79 = arith.constant 0 : i32
        %dma_wait3A_80 = arith.constant 0 : i32
        %dma_wait3A_81 = tpu.memref_slice %arg10[%dma_wait3A_79, %dma_wait3A_80] : memref<10240x32xf32, #tpu.memory_space<vmem_shared>> -> memref<10240x32xf32, #tpu.memory_space<vmem_shared>>
        tpu.wait_indirect_dma semaphore(%arg11 : memref<!tpu.dma_semaphore, #tpu.memory_space<semaphore_mem>>) src(%dma_wait3A_81 : memref<10240x32xf32, #tpu.memory_space<vmem_shared>>) dst(%dma_wait3A_75 : memref<512x32xf32, #tpu.memory_space<vmem>>)
        %dma_start3A_82 = arith.constant 0 : i32
        %dma_start3A_83 = arith.constant 0 : i32
        %dma_start3A_84 = arith.constant 0 : i32
        %dma_start3A_85 = tpu.memref_slice %arg7[%dma_start3A_82, %dma_start3A_83, %dma_start3A_84] : memref<2x512x32xf32, #tpu.memory_space<vmem>> -> memref<1x512x32xf32, #tpu.memory_space<vmem>>
        %dma_start3A_86 = tpu.memref_squeeze %dma_start3A_85 : memref<1x512x32xf32, #tpu.memory_space<vmem>> -> memref<512x32xf32, #tpu.memory_space<vmem>>
        %dma_start3A_87 = arith.constant 0 : i32
        %dma_start3A_88 = tpu.memref_slice %arg6[%mul3A_58, %dma_start3A_87] : memref<20x512xi32, #tpu.memory_space<vmem>> -> memref<1x512xi32, #tpu.memory_space<vmem>>
        %dma_start3A_89 = tpu.memref_squeeze %dma_start3A_88 : memref<1x512xi32, #tpu.memory_space<vmem>> -> memref<512xi32, #tpu.memory_space<vmem>>
        %dma_start3A_90 = arith.constant 0 : i32
        %dma_start3A_91 = arith.constant 0 : i32
        %dma_start3A_92 = tpu.memref_slice %arg9[%dma_start3A_90, %dma_start3A_91] : memref<10240x32xf32, #tpu.memory_space<vmem_shared>> -> memref<10240x32xf32, #tpu.memory_space<vmem_shared>>
        tpu.enqueue_indirect_dma source(%dma_start3A_86 : memref<512x32xf32, #tpu.memory_space<vmem>>) target(%dma_start3A_92 : memref<10240x32xf32, #tpu.memory_space<vmem_shared>>) offsets(%dma_start3A_89 : memref<512xi32, #tpu.memory_space<vmem>>) semaphore(%arg13 : memref<!tpu.dma_semaphore, #tpu.memory_space<semaphore_mem>>) {add = true}
        %dma_wait3A_93 = arith.constant 0 : i32
        %dma_wait3A_94 = arith.constant 0 : i32
        %dma_wait3A_95 = arith.constant 0 : i32
        %dma_wait3A_96 = tpu.memref_slice %arg7[%dma_wait3A_93, %dma_wait3A_94, %dma_wait3A_95] : memref<2x512x32xf32, #tpu.memory_space<vmem>> -> memref<1x512x32xf32, #tpu.memory_space<vmem>>
        %dma_wait3A_97 = tpu.memref_squeeze %dma_wait3A_96 : memref<1x512x32xf32, #tpu.memory_space<vmem>> -> memref<512x32xf32, #tpu.memory_space<vmem>>
        %dma_wait3A_98 = arith.constant 0 : i32
        %dma_wait3A_99 = tpu.memref_slice %arg6[%mul3A_58, %dma_wait3A_98] : memref<20x512xi32, #tpu.memory_space<vmem>> -> memref<1x512xi32, #tpu.memory_space<vmem>>
        %dma_wait3A_100 = tpu.memref_squeeze %dma_wait3A_99 : memref<1x512xi32, #tpu.memory_space<vmem>> -> memref<512xi32, #tpu.memory_space<vmem>>
        %dma_wait3A_101 = arith.constant 0 : i32
        %dma_wait3A_102 = arith.constant 0 : i32
        %dma_wait3A_103 = tpu.memref_slice %arg9[%dma_wait3A_101, %dma_wait3A_102] : memref<10240x32xf32, #tpu.memory_space<vmem_shared>> -> memref<10240x32xf32, #tpu.memory_space<vmem_shared>>
        tpu.wait_indirect_dma semaphore(%arg13 : memref<!tpu.dma_semaphore, #tpu.memory_space<semaphore_mem>>) src(%dma_wait3A_97 : memref<512x32xf32, #tpu.memory_space<vmem>>) dst(%dma_wait3A_103 : memref<10240x32xf32, #tpu.memory_space<vmem_shared>>)
        %lt3A_104 = arith.constant 9 : i32
        %lt3A_105 = arith.cmpi slt, %add3A_56, %lt3A_104 : i32
        %convert_element_type3A_106 = arith.extui %lt3A_105 : i1 to i32
        %cond3A_107 = arith.constant 0 : i32
        %cond3A_108 = arith.cmpi ne, %convert_element_type3A_106, %cond3A_107 : i32
        scf.if %cond3A_108 {
          %add3A_144 = arith.constant 2 : i32
          %add3A_145 = arith.addi %mul3A_58, %add3A_144 : i32
          %dma_start3A_146 = arith.constant 0 : i32
          %dma_start3A_147 = arith.constant 0 : i32
          %dma_start3A_148 = arith.constant 0 : i32
          %dma_start3A_149 = tpu.memref_slice %arg7[%dma_start3A_146, %dma_start3A_147, %dma_start3A_148] : memref<2x512x32xf32, #tpu.memory_space<vmem>> -> memref<1x512x32xf32, #tpu.memory_space<vmem>>
          %dma_start3A_150 = tpu.memref_squeeze %dma_start3A_149 : memref<1x512x32xf32, #tpu.memory_space<vmem>> -> memref<512x32xf32, #tpu.memory_space<vmem>>
          %dma_start3A_151 = arith.constant 0 : i32
          %dma_start3A_152 = tpu.memref_slice %arg5[%add3A_145, %dma_start3A_151] : memref<20x512xi32, #tpu.memory_space<vmem>> -> memref<1x512xi32, #tpu.memory_space<vmem>>
          %dma_start3A_153 = tpu.memref_squeeze %dma_start3A_152 : memref<1x512xi32, #tpu.memory_space<vmem>> -> memref<512xi32, #tpu.memory_space<vmem>>
          %dma_start3A_154 = arith.constant 0 : i32
          %dma_start3A_155 = arith.constant 0 : i32
          %dma_start3A_156 = tpu.memref_slice %arg10[%dma_start3A_154, %dma_start3A_155] : memref<10240x32xf32, #tpu.memory_space<vmem_shared>> -> memref<10240x32xf32, #tpu.memory_space<vmem_shared>>
          tpu.enqueue_indirect_dma source(%dma_start3A_156 : memref<10240x32xf32, #tpu.memory_space<vmem_shared>>) target(%dma_start3A_150 : memref<512x32xf32, #tpu.memory_space<vmem>>) offsets(%dma_start3A_153 : memref<512xi32, #tpu.memory_space<vmem>>) semaphore(%arg11 : memref<!tpu.dma_semaphore, #tpu.memory_space<semaphore_mem>>)
        } else {
        }
        %dma_wait3A_109 = arith.constant 1 : i32
        %dma_wait3A_110 = arith.constant 0 : i32
        %dma_wait3A_111 = arith.constant 0 : i32
        %dma_wait3A_112 = tpu.memref_slice %arg7[%dma_wait3A_109, %dma_wait3A_110, %dma_wait3A_111] : memref<2x512x32xf32, #tpu.memory_space<vmem>> -> memref<1x512x32xf32, #tpu.memory_space<vmem>>
        %dma_wait3A_113 = tpu.memref_squeeze %dma_wait3A_112 : memref<1x512x32xf32, #tpu.memory_space<vmem>> -> memref<512x32xf32, #tpu.memory_space<vmem>>
        %dma_wait3A_114 = arith.constant 0 : i32
        %dma_wait3A_115 = tpu.memref_slice %arg5[%add3A_60, %dma_wait3A_114] : memref<20x512xi32, #tpu.memory_space<vmem>> -> memref<1x512xi32, #tpu.memory_space<vmem>>
        %dma_wait3A_116 = tpu.memref_squeeze %dma_wait3A_115 : memref<1x512xi32, #tpu.memory_space<vmem>> -> memref<512xi32, #tpu.memory_space<vmem>>
        %dma_wait3A_117 = arith.constant 0 : i32
        %dma_wait3A_118 = arith.constant 0 : i32
        %dma_wait3A_119 = tpu.memref_slice %arg10[%dma_wait3A_117, %dma_wait3A_118] : memref<10240x32xf32, #tpu.memory_space<vmem_shared>> -> memref<10240x32xf32, #tpu.memory_space<vmem_shared>>
        tpu.wait_indirect_dma semaphore(%arg12 : memref<!tpu.dma_semaphore, #tpu.memory_space<semaphore_mem>>) src(%dma_wait3A_119 : memref<10240x32xf32, #tpu.memory_space<vmem_shared>>) dst(%dma_wait3A_113 : memref<512x32xf32, #tpu.memory_space<vmem>>)
        %add3A_120 = arith.constant 1 : i32
        %add3A_121 = arith.addi %mul3A_58, %add3A_120 : i32
        %dma_start3A_122 = arith.constant 1 : i32
        %dma_start3A_123 = arith.constant 0 : i32
        %dma_start3A_124 = arith.constant 0 : i32
        %dma_start3A_125 = tpu.memref_slice %arg7[%dma_start3A_122, %dma_start3A_123, %dma_start3A_124] : memref<2x512x32xf32, #tpu.memory_space<vmem>> -> memref<1x512x32xf32, #tpu.memory_space<vmem>>
        %dma_start3A_126 = tpu.memref_squeeze %dma_start3A_125 : memref<1x512x32xf32, #tpu.memory_space<vmem>> -> memref<512x32xf32, #tpu.memory_space<vmem>>
        %dma_start3A_127 = arith.constant 0 : i32
        %dma_start3A_128 = tpu.memref_slice %arg6[%add3A_121, %dma_start3A_127] : memref<20x512xi32, #tpu.memory_space<vmem>> -> memref<1x512xi32, #tpu.memory_space<vmem>>
        %dma_start3A_129 = tpu.memref_squeeze %dma_start3A_128 : memref<1x512xi32, #tpu.memory_space<vmem>> -> memref<512xi32, #tpu.memory_space<vmem>>
        %dma_start3A_130 = arith.constant 0 : i32
        %dma_start3A_131 = arith.constant 0 : i32
        %dma_start3A_132 = tpu.memref_slice %arg9[%dma_start3A_130, %dma_start3A_131] : memref<10240x32xf32, #tpu.memory_space<vmem_shared>> -> memref<10240x32xf32, #tpu.memory_space<vmem_shared>>
        tpu.enqueue_indirect_dma source(%dma_start3A_126 : memref<512x32xf32, #tpu.memory_space<vmem>>) target(%dma_start3A_132 : memref<10240x32xf32, #tpu.memory_space<vmem_shared>>) offsets(%dma_start3A_129 : memref<512xi32, #tpu.memory_space<vmem>>) semaphore(%arg13 : memref<!tpu.dma_semaphore, #tpu.memory_space<semaphore_mem>>) {add = true}
        %dma_wait3A_133 = arith.constant 1 : i32
        %dma_wait3A_134 = arith.constant 0 : i32
        %dma_wait3A_135 = arith.constant 0 : i32
        %dma_wait3A_136 = tpu.memref_slice %arg7[%dma_wait3A_133, %dma_wait3A_134, %dma_wait3A_135] : memref<2x512x32xf32, #tpu.memory_space<vmem>> -> memref<1x512x32xf32, #tpu.memory_space<vmem>>
        %dma_wait3A_137 = tpu.memref_squeeze %dma_wait3A_136 : memref<1x512x32xf32, #tpu.memory_space<vmem>> -> memref<512x32xf32, #tpu.memory_space<vmem>>
        %dma_wait3A_138 = arith.constant 0 : i32
        %dma_wait3A_139 = tpu.memref_slice %arg6[%add3A_121, %dma_wait3A_138] : memref<20x512xi32, #tpu.memory_space<vmem>> -> memref<1x512xi32, #tpu.memory_space<vmem>>
        %dma_wait3A_140 = tpu.memref_squeeze %dma_wait3A_139 : memref<1x512xi32, #tpu.memory_space<vmem>> -> memref<512xi32, #tpu.memory_space<vmem>>
        %dma_wait3A_141 = arith.constant 0 : i32
        %dma_wait3A_142 = arith.constant 0 : i32
        %dma_wait3A_143 = tpu.memref_slice %arg9[%dma_wait3A_141, %dma_wait3A_142] : memref<10240x32xf32, #tpu.memory_space<vmem_shared>> -> memref<10240x32xf32, #tpu.memory_space<vmem_shared>>
        tpu.wait_indirect_dma semaphore(%arg13 : memref<!tpu.dma_semaphore, #tpu.memory_space<semaphore_mem>>) src(%dma_wait3A_137 : memref<512x32xf32, #tpu.memory_space<vmem>>) dst(%dma_wait3A_143 : memref<10240x32xf32, #tpu.memory_space<vmem_shared>>)
      }
      %scan3A_51 = arith.constant 10 : i32
    } else {
    }
    %eq3A_30 = arith.constant 31 : i32
    %eq3A_31 = arith.cmpi eq, %add3A, %eq3A_30 : i32
    %convert_element_type3A_32 = arith.extui %eq3A_31 : i1 to i32
    %cond3A_33 = arith.constant 0 : i32
    %cond3A_34 = arith.cmpi ne, %convert_element_type3A_32, %cond3A_33 : i32
    scf.if %cond3A_34 {
      %scan3A_36 = arith.constant 0 : i32
      %scan3A_37 = arith.constant 5 : i32
      %scan3A_38 = arith.addi %scan3A_36, %scan3A_37 : i32
      %scan3A_39 = arith.constant 1 : i32
      scf.for %scan3A_41 = %scan3A_36 to %scan3A_38 step %scan3A_39  : i32 {
        %mul3A_42 = arith.constant 1 : i32
        %mul3A_43 = arith.muli %scan3A_41, %mul3A_42 : i32
        %add3A_44 = arith.constant 0 : i32
        %add3A_45 = arith.addi %add3A_44, %mul3A_43 : i32
        %run_scoped3A = arith.constant 0 : i32
        "tpu.region"() ({
          %run_scoped3A_47 = tpu.sem_alloc : memref<!tpu.dma_semaphore, #tpu.memory_space<semaphore_mem>>
          %dma_start3A = arith.constant 0 : i32
          %dma_start3A_48 = arith.constant 0 : i32
          %dma_start3A_49 = tpu.memref_slice %arg7[%run_scoped3A, %dma_start3A, %dma_start3A_48] : memref<2x512x32xf32, #tpu.memory_space<vmem>> -> memref<1x512x32xf32, #tpu.memory_space<vmem>>
          %dma_start3A_50 = tpu.memref_squeeze %dma_start3A_49 : memref<1x512x32xf32, #tpu.memory_space<vmem>> -> memref<512x32xf32, #tpu.memory_space<vmem>>
          %dma_start3A_51 = arith.constant 0 : i32
          %dma_start3A_52 = tpu.memref_slice %arg5[%add3A_45, %dma_start3A_51] : memref<20x512xi32, #tpu.memory_space<vmem>> -> memref<1x512xi32, #tpu.memory_space<vmem>>
          %dma_start3A_53 = tpu.memref_squeeze %dma_start3A_52 : memref<1x512xi32, #tpu.memory_space<vmem>> -> memref<512xi32, #tpu.memory_space<vmem>>
          %dma_start3A_54 = arith.constant 0 : i32
          %dma_start3A_55 = arith.constant 0 : i32
          %dma_start3A_56 = tpu.memref_slice %arg10[%dma_start3A_54, %dma_start3A_55] : memref<10240x32xf32, #tpu.memory_space<vmem_shared>> -> memref<10240x32xf32, #tpu.memory_space<vmem_shared>>
          tpu.enqueue_indirect_dma source(%dma_start3A_56 : memref<10240x32xf32, #tpu.memory_space<vmem_shared>>) target(%dma_start3A_50 : memref<512x32xf32, #tpu.memory_space<vmem>>) offsets(%dma_start3A_53 : memref<512xi32, #tpu.memory_space<vmem>>) semaphore(%run_scoped3A_47 : memref<!tpu.dma_semaphore, #tpu.memory_space<semaphore_mem>>)
          %dma_wait3A = arith.constant 0 : i32
          %dma_wait3A_57 = arith.constant 0 : i32
          %dma_wait3A_58 = tpu.memref_slice %arg7[%run_scoped3A, %dma_wait3A, %dma_wait3A_57] : memref<2x512x32xf32, #tpu.memory_space<vmem>> -> memref<1x512x32xf32, #tpu.memory_space<vmem>>
          %dma_wait3A_59 = tpu.memref_squeeze %dma_wait3A_58 : memref<1x512x32xf32, #tpu.memory_space<vmem>> -> memref<512x32xf32, #tpu.memory_space<vmem>>
          %dma_wait3A_60 = arith.constant 0 : i32
          %dma_wait3A_61 = tpu.memref_slice %arg5[%add3A_45, %dma_wait3A_60] : memref<20x512xi32, #tpu.memory_space<vmem>> -> memref<1x512xi32, #tpu.memory_space<vmem>>
          %dma_wait3A_62 = tpu.memref_squeeze %dma_wait3A_61 : memref<1x512xi32, #tpu.memory_space<vmem>> -> memref<512xi32, #tpu.memory_space<vmem>>
          %dma_wait3A_63 = arith.constant 0 : i32
          %dma_wait3A_64 = arith.constant 0 : i32
          %dma_wait3A_65 = tpu.memref_slice %arg10[%dma_wait3A_63, %dma_wait3A_64] : memref<10240x32xf32, #tpu.memory_space<vmem_shared>> -> memref<10240x32xf32, #tpu.memory_space<vmem_shared>>
          tpu.wait_indirect_dma semaphore(%run_scoped3A_47 : memref<!tpu.dma_semaphore, #tpu.memory_space<semaphore_mem>>) src(%dma_wait3A_65 : memref<10240x32xf32, #tpu.memory_space<vmem_shared>>) dst(%dma_wait3A_59 : memref<512x32xf32, #tpu.memory_space<vmem>>)
          tpu.yield
        }) : () -> ()
        %run_scoped3A_46 = arith.constant 0 : i32
        "tpu.region"() ({
          %run_scoped3A_47 = tpu.sem_alloc : memref<!tpu.dma_semaphore, #tpu.memory_space<semaphore_mem>>
          %dma_start3A = arith.constant 0 : i32
          %dma_start3A_48 = arith.constant 0 : i32
          %dma_start3A_49 = tpu.memref_slice %arg7[%run_scoped3A_46, %dma_start3A, %dma_start3A_48] : memref<2x512x32xf32, #tpu.memory_space<vmem>> -> memref<1x512x32xf32, #tpu.memory_space<vmem>>
          %dma_start3A_50 = tpu.memref_squeeze %dma_start3A_49 : memref<1x512x32xf32, #tpu.memory_space<vmem>> -> memref<512x32xf32, #tpu.memory_space<vmem>>
          %dma_start3A_51 = arith.constant 0 : i32
          %dma_start3A_52 = tpu.memref_slice %arg6[%add3A_45, %dma_start3A_51] : memref<20x512xi32, #tpu.memory_space<vmem>> -> memref<1x512xi32, #tpu.memory_space<vmem>>
          %dma_start3A_53 = tpu.memref_squeeze %dma_start3A_52 : memref<1x512xi32, #tpu.memory_space<vmem>> -> memref<512xi32, #tpu.memory_space<vmem>>
          %dma_start3A_54 = arith.constant 0 : i32
          %dma_start3A_55 = arith.constant 0 : i32
          %dma_start3A_56 = tpu.memref_slice %arg9[%dma_start3A_54, %dma_start3A_55] : memref<10240x32xf32, #tpu.memory_space<vmem_shared>> -> memref<10240x32xf32, #tpu.memory_space<vmem_shared>>
          tpu.enqueue_indirect_dma source(%dma_start3A_50 : memref<512x32xf32, #tpu.memory_space<vmem>>) target(%dma_start3A_56 : memref<10240x32xf32, #tpu.memory_space<vmem_shared>>) offsets(%dma_start3A_53 : memref<512xi32, #tpu.memory_space<vmem>>) semaphore(%run_scoped3A_47 : memref<!tpu.dma_semaphore, #tpu.memory_space<semaphore_mem>>) {add = true}
          %dma_wait3A = arith.constant 0 : i32
          %dma_wait3A_57 = arith.constant 0 : i32
          %dma_wait3A_58 = tpu.memref_slice %arg7[%run_scoped3A_46, %dma_wait3A, %dma_wait3A_57] : memref<2x512x32xf32, #tpu.memory_space<vmem>> -> memref<1x512x32xf32, #tpu.memory_space<vmem>>
          %dma_wait3A_59 = tpu.memref_squeeze %dma_wait3A_58 : memref<1x512x32xf32, #tpu.memory_space<vmem>> -> memref<512x32xf32, #tpu.memory_space<vmem>>
          %dma_wait3A_60 = arith.constant 0 : i32
          %dma_wait3A_61 = tpu.memref_slice %arg6[%add3A_45, %dma_wait3A_60] : memref<20x512xi32, #tpu.memory_space<vmem>> -> memref<1x512xi32, #tpu.memory_space<vmem>>
          %dma_wait3A_62 = tpu.memref_squeeze %dma_wait3A_61 : memref<1x512xi32, #tpu.memory_space<vmem>> -> memref<512xi32, #tpu.memory_space<vmem>>
          %dma_wait3A_63 = arith.constant 0 : i32
          %dma_wait3A_64 = arith.constant 0 : i32
          %dma_wait3A_65 = tpu.memref_slice %arg9[%dma_wait3A_63, %dma_wait3A_64] : memref<10240x32xf32, #tpu.memory_space<vmem_shared>> -> memref<10240x32xf32, #tpu.memory_space<vmem_shared>>
          tpu.wait_indirect_dma semaphore(%run_scoped3A_47 : memref<!tpu.dma_semaphore, #tpu.memory_space<semaphore_mem>>) src(%dma_wait3A_59 : memref<512x32xf32, #tpu.memory_space<vmem>>) dst(%dma_wait3A_65 : memref<10240x32xf32, #tpu.memory_space<vmem_shared>>)
          tpu.yield
        }) : () -> ()
      }
      %scan3A_40 = arith.constant 5 : i32
    } else {
    }
    %barrier3A_35 = arith.constant 0 : index
    tpu.barrier barrier_id(%barrier3A_35)
    "tpu.region"() ({
      %run_scoped3A = tpu.sem_alloc : memref<!tpu.dma_semaphore, #tpu.memory_space<semaphore_mem>>
      %dma_start3A = arith.constant 0 : i32
      %dma_start3A_36 = arith.constant 0 : i32
      %dma_start3A_37 = tpu.memref_slice %arg4[%arg0, %dma_start3A, %dma_start3A_36] : memref<2x10240x32xf32, #tpu.memory_space<hbm>> -> memref<1x10240x32xf32, #tpu.memory_space<hbm>>
      %dma_start3A_38 = tpu.memref_squeeze %dma_start3A_37 : memref<1x10240x32xf32, #tpu.memory_space<hbm>> -> memref<10240x32xf32, #tpu.memory_space<hbm>>
      %dma_start3A_39 = arith.constant 0 : i32
      %dma_start3A_40 = tpu.memref_slice %dma_start3A_38[%mul3A_2, %dma_start3A_39] : memref<10240x32xf32, #tpu.memory_space<hbm>> -> memref<640x32xf32, #tpu.memory_space<hbm>>
      %dma_start3A_41 = arith.constant 0 : i32
      %dma_start3A_42 = tpu.memref_slice %arg9[%mul3A_2, %dma_start3A_41] : memref<10240x32xf32, #tpu.memory_space<vmem_shared>> -> memref<640x32xf32, #tpu.memory_space<vmem_shared>>
      tpu.enqueue_dma source(%dma_start3A_42 : memref<640x32xf32, #tpu.memory_space<vmem_shared>>) target(%dma_start3A_40 : memref<640x32xf32, #tpu.memory_space<hbm>>) target_semaphore(%run_scoped3A : memref<!tpu.dma_semaphore, #tpu.memory_space<semaphore_mem>>)
      %dma_wait3A = arith.constant 0 : i32
      %dma_wait3A_43 = arith.constant 0 : i32
      %dma_wait3A_44 = tpu.memref_slice %arg4[%arg0, %dma_wait3A, %dma_wait3A_43] : memref<2x10240x32xf32, #tpu.memory_space<hbm>> -> memref<1x10240x32xf32, #tpu.memory_space<hbm>>
      %dma_wait3A_45 = tpu.memref_squeeze %dma_wait3A_44 : memref<1x10240x32xf32, #tpu.memory_space<hbm>> -> memref<10240x32xf32, #tpu.memory_space<hbm>>
      %dma_wait3A_46 = arith.constant 0 : i32
      %dma_wait3A_47 = tpu.memref_slice %dma_wait3A_45[%mul3A_2, %dma_wait3A_46] : memref<10240x32xf32, #tpu.memory_space<hbm>> -> memref<640x32xf32, #tpu.memory_space<hbm>>
      %dma_wait3A_48 = arith.constant 0 : i32
      %dma_wait3A_49 = tpu.memref_slice %arg9[%mul3A_2, %dma_wait3A_48] : memref<10240x32xf32, #tpu.memory_space<vmem_shared>> -> memref<640x32xf32, #tpu.memory_space<vmem_shared>>
      tpu.wait_dma2 semaphore(%run_scoped3A : memref<!tpu.dma_semaphore, #tpu.memory_space<semaphore_mem>>) src(%dma_wait3A_49 : memref<640x32xf32, #tpu.memory_space<vmem_shared>>) dst(%dma_wait3A_47 : memref<640x32xf32, #tpu.memory_space<hbm>>)
      tpu.yield
    }) : () -> ()
    return
  }
}

#map = affine_map<(d0, d1) -> (0, 0)>
#map1 = affine_map<(d0, d1) -> (0, 0, 0)>
module attributes {stable_mosaic.version = 14 : i64} {
  func.func @scat(%arg0: i32, %arg1: i32, %arg2: memref<10240x16xf32, #tpu.memory_space<hbm>>, %arg3: memref<2x625x512xi32, #tpu.memory_space<hbm>>, %arg4: memref<2x10240x16xf32, #tpu.memory_space<hbm>>, %arg5: memref<20x512xi32, #tpu.memory_space<vmem>>, %arg6: memref<20x512xi32, #tpu.memory_space<vmem>>, %arg7: memref<2x512x16xf32, #tpu.memory_space<vmem>>, %arg8: memref<40x16xf32, #tpu.memory_space<vmem>>, %arg9: memref<10240x16xf32, #tpu.memory_space<vmem_shared>>, %arg10: memref<10240x16xf32, #tpu.memory_space<vmem_shared>>, %arg11: memref<!tpu.dma_semaphore, #tpu.memory_space<semaphore_mem>>, %arg12: memref<!tpu.dma_semaphore, #tpu.memory_space<semaphore_mem>>, %arg13: memref<!tpu.dma_semaphore, #tpu.memory_space<semaphore_mem>>) attributes {dimension_semantics = [#tpu.dimension_semantics<core_parallel>, #tpu.dimension_semantics<subcore_parallel>], iteration_bounds = array<i64: 2, 16>, scalar_prefetch = 0 : i64, scratch_operands = 9 : i64, tpu.core_type = #tpu.core_type<sc_vector_subcore>, window_params = [{transform_indices = #map}, {transform_indices = #map1}, {transform_indices = #map1}]} {
    %mul3A = arith.constant 2 : i32
    %mul3A_0 = arith.muli %arg1, %mul3A : i32
    %add3A = arith.addi %mul3A_0, %arg0 : i32
    %mul3A_1 = arith.constant 640 : i32
    %mul3A_2 = arith.muli %arg1, %mul3A_1 : i32
    %mul3A_3 = arith.constant 20 : i32
    %mul3A_4 = arith.muli %add3A, %mul3A_3 : i32
    "tpu.region"() ({
      %run_scoped3A = tpu.sem_alloc : memref<!tpu.dma_semaphore, #tpu.memory_space<semaphore_mem>>
      %dma_start3A = arith.constant 0 : i32
      %dma_start3A_36 = tpu.memref_slice %arg10[%mul3A_2, %dma_start3A] : memref<10240x16xf32, #tpu.memory_space<vmem_shared>> -> memref<640x16xf32, #tpu.memory_space<vmem_shared>>
      %dma_start3A_37 = arith.constant 0 : i32
      %dma_start3A_38 = tpu.memref_slice %arg2[%mul3A_2, %dma_start3A_37] : memref<10240x16xf32, #tpu.memory_space<hbm>> -> memref<640x16xf32, #tpu.memory_space<hbm>>
      tpu.enqueue_dma source(%dma_start3A_38 : memref<640x16xf32, #tpu.memory_space<hbm>>) target(%dma_start3A_36 : memref<640x16xf32, #tpu.memory_space<vmem_shared>>) target_semaphore(%run_scoped3A : memref<!tpu.dma_semaphore, #tpu.memory_space<semaphore_mem>>)
      %dma_wait3A = arith.constant 0 : i32
      %dma_wait3A_39 = tpu.memref_slice %arg10[%mul3A_2, %dma_wait3A] : memref<10240x16xf32, #tpu.memory_space<vmem_shared>> -> memref<640x16xf32, #tpu.memory_space<vmem_shared>>
      %dma_wait3A_40 = arith.constant 0 : i32
      %dma_wait3A_41 = tpu.memref_slice %arg2[%mul3A_2, %dma_wait3A_40] : memref<10240x16xf32, #tpu.memory_space<hbm>> -> memref<640x16xf32, #tpu.memory_space<hbm>>
      tpu.wait_dma2 semaphore(%run_scoped3A : memref<!tpu.dma_semaphore, #tpu.memory_space<semaphore_mem>>) src(%dma_wait3A_41 : memref<640x16xf32, #tpu.memory_space<hbm>>) dst(%dma_wait3A_39 : memref<640x16xf32, #tpu.memory_space<vmem_shared>>)
      tpu.yield
    }) : () -> ()
    %scan3A = arith.constant 0 : i32
    %scan3A_5 = arith.constant 40 : i32
    %scan3A_6 = arith.addi %scan3A, %scan3A_5 : i32
    %scan3A_7 = arith.constant 1 : i32
    scf.for %scan3A_36 = %scan3A to %scan3A_6 step %scan3A_7  : i32 {
      %mul3A_37 = arith.constant 1 : i32
      %mul3A_38 = arith.muli %scan3A_36, %mul3A_37 : i32
      %add3A_39 = arith.constant 0 : i32
      %add3A_40 = arith.addi %add3A_39, %mul3A_38 : i32
      %scan3A_41 = arith.constant 0 : i32
      %mul3A_42 = arith.constant 1 : i32
      %mul3A_43 = arith.muli %scan3A_41, %mul3A_42 : i32
      %add3A_44 = arith.constant 0 : i32
      %add3A_45 = arith.addi %add3A_44, %mul3A_43 : i32
      %broadcast_in_dim3A = arith.constant 0.000000e+00 : f32
      %broadcast_in_dim3A_46 = vector.broadcast %broadcast_in_dim3A : f32 to vector<16xf32>
      %mul3A_47 = arith.constant 16 : i32
      %mul3A_48 = arith.muli %add3A_45, %mul3A_47 : i32
      %swap3A = arith.index_cast %add3A_40 : i32 to index
      %swap3A_49 = arith.index_cast %mul3A_48 : i32 to index
      %swap3A_50 = tpu.vector_load %arg8[%swap3A, %swap3A_49] {strides = array<i32>} : memref<40x16xf32, #tpu.memory_space<vmem>>, vector<1x16xf32>,
      %swap3A_51 = vector.shape_cast %swap3A_50 : vector<1x16xf32> to vector<16xf32>
      %swap3A_52 = vector.shape_cast %broadcast_in_dim3A_46 : vector<16xf32> to vector<1x16xf32>
      tpu.vector_store %arg8[%swap3A, %swap3A_49], %swap3A_52 {strides = array<i32>} : memref<40x16xf32, #tpu.memory_space<vmem>>, vector<1x16xf32>,
      %scan3A_53 = arith.constant 1 : i32
    }
    %scan3A_8 = arith.constant 40 : i32
    %scan3A_9 = arith.constant 0 : i32
    %scan3A_10 = arith.constant 16 : i32
    %scan3A_11 = arith.addi %scan3A_9, %scan3A_10 : i32
    %scan3A_12 = arith.constant 1 : i32
    scf.for %scan3A_36 = %scan3A_9 to %scan3A_11 step %scan3A_12  : i32 {
      %mul3A_37 = arith.constant 1 : i32
      %mul3A_38 = arith.muli %scan3A_36, %mul3A_37 : i32
      %add3A_39 = arith.constant 0 : i32
      %add3A_40 = arith.addi %add3A_39, %mul3A_38 : i32
      %mul3A_41 = arith.constant 640 : i32
      %mul3A_42 = arith.muli %arg1, %mul3A_41 : i32
      %mul3A_43 = arith.constant 40 : i32
      %mul3A_44 = arith.muli %add3A_40, %mul3A_43 : i32
      %add3A_45 = arith.addi %mul3A_42, %mul3A_44 : i32
      %dma_start3A = arith.constant 0 : i32
      %dma_start3A_46 = tpu.memref_slice %arg9[%add3A_45, %dma_start3A] : memref<10240x16xf32, #tpu.memory_space<vmem_shared>> -> memref<40x16xf32, #tpu.memory_space<vmem_shared>>
      %dma_start3A_47 = arith.constant 0 : i32
      %dma_start3A_48 = tpu.memref_slice %arg9[%add3A_45, %dma_start3A_47] : memref<10240x16xf32, #tpu.memory_space<vmem_shared>> -> memref<40x16xf32, #tpu.memory_space<vmem_shared>>
      tpu.enqueue_dma source(%arg8 : memref<40x16xf32, #tpu.memory_space<vmem>>) target(%dma_start3A_48 : memref<40x16xf32, #tpu.memory_space<vmem_shared>>) target_semaphore(%arg11 : memref<!tpu.dma_semaphore, #tpu.memory_space<semaphore_mem>>)
    }
    %scan3A_13 = arith.constant 16 : i32
    %scan3A_14 = arith.constant 0 : i32
    %scan3A_15 = arith.constant 16 : i32
    %scan3A_16 = arith.addi %scan3A_14, %scan3A_15 : i32
    %scan3A_17 = arith.constant 1 : i32
    scf.for %scan3A_36 = %scan3A_14 to %scan3A_16 step %scan3A_17  : i32 {
      %mul3A_37 = arith.constant 1 : i32
      %mul3A_38 = arith.muli %scan3A_36, %mul3A_37 : i32
      %add3A_39 = arith.constant 0 : i32
      %add3A_40 = arith.addi %add3A_39, %mul3A_38 : i32
      %mul3A_41 = arith.constant 640 : i32
      %mul3A_42 = arith.muli %arg1, %mul3A_41 : i32
      %mul3A_43 = arith.constant 40 : i32
      %mul3A_44 = arith.muli %add3A_40, %mul3A_43 : i32
      %add3A_45 = arith.addi %mul3A_42, %mul3A_44 : i32
      %dma_wait3A = arith.constant 0 : i32
      %dma_wait3A_46 = tpu.memref_slice %arg9[%add3A_45, %dma_wait3A] : memref<10240x16xf32, #tpu.memory_space<vmem_shared>> -> memref<40x16xf32, #tpu.memory_space<vmem_shared>>
      %dma_wait3A_47 = arith.constant 0 : i32
      %dma_wait3A_48 = tpu.memref_slice %arg9[%add3A_45, %dma_wait3A_47] : memref<10240x16xf32, #tpu.memory_space<vmem_shared>> -> memref<40x16xf32, #tpu.memory_space<vmem_shared>>
      tpu.wait_dma2 semaphore(%arg11 : memref<!tpu.dma_semaphore, #tpu.memory_space<semaphore_mem>>) src(%arg8 : memref<40x16xf32, #tpu.memory_space<vmem>>) dst(%dma_wait3A_48 : memref<40x16xf32, #tpu.memory_space<vmem_shared>>)
    }
    %scan3A_18 = arith.constant 16 : i32
    %lt3A = arith.constant 31 : i32
    %lt3A_19 = arith.cmpi slt, %add3A, %lt3A : i32
    %convert_element_type3A = arith.extui %lt3A_19 : i1 to i32
    %cond3A = arith.constant 0 : i32
    %cond3A_20 = arith.cmpi ne, %convert_element_type3A, %cond3A : i32
    scf.if %cond3A_20 {
      %run_scoped3A = arith.constant 0 : i32
      "tpu.region"() ({
        %run_scoped3A_37 = tpu.sem_alloc : memref<!tpu.dma_semaphore, #tpu.memory_space<semaphore_mem>>
        %dma_start3A = arith.constant 0 : i32
        %dma_start3A_38 = arith.constant 0 : i32
        %dma_start3A_39 = tpu.memref_slice %arg3[%run_scoped3A, %dma_start3A, %dma_start3A_38] : memref<2x625x512xi32, #tpu.memory_space<hbm>> -> memref<1x625x512xi32, #tpu.memory_space<hbm>>
        %dma_start3A_40 = tpu.memref_squeeze %dma_start3A_39 : memref<1x625x512xi32, #tpu.memory_space<hbm>> -> memref<625x512xi32, #tpu.memory_space<hbm>>
        %dma_start3A_41 = arith.constant 0 : i32
        %dma_start3A_42 = tpu.memref_slice %dma_start3A_40[%mul3A_4, %dma_start3A_41] : memref<625x512xi32, #tpu.memory_space<hbm>> -> memref<20x512xi32, #tpu.memory_space<hbm>>
        %dma_start3A_43 = arith.constant 0 : i32
        %dma_start3A_44 = arith.constant 0 : i32
        %dma_start3A_45 = tpu.memref_slice %arg3[%run_scoped3A, %dma_start3A_43, %dma_start3A_44] : memref<2x625x512xi32, #tpu.memory_space<hbm>> -> memref<1x625x512xi32, #tpu.memory_space<hbm>>
        %dma_start3A_46 = tpu.memref_squeeze %dma_start3A_45 : memref<1x625x512xi32, #tpu.memory_space<hbm>> -> memref<625x512xi32, #tpu.memory_space<hbm>>
        %dma_start3A_47 = arith.constant 0 : i32
        %dma_start3A_48 = tpu.memref_slice %dma_start3A_46[%mul3A_4, %dma_start3A_47] : memref<625x512xi32, #tpu.memory_space<hbm>> -> memref<20x512xi32, #tpu.memory_space<hbm>>
        tpu.enqueue_dma source(%dma_start3A_48 : memref<20x512xi32, #tpu.memory_space<hbm>>) target(%arg5 : memref<20x512xi32, #tpu.memory_space<vmem>>) target_semaphore(%run_scoped3A_37 : memref<!tpu.dma_semaphore, #tpu.memory_space<semaphore_mem>>)
        %dma_wait3A = arith.constant 0 : i32
        %dma_wait3A_49 = arith.constant 0 : i32
        %dma_wait3A_50 = tpu.memref_slice %arg3[%run_scoped3A, %dma_wait3A, %dma_wait3A_49] : memref<2x625x512xi32, #tpu.memory_space<hbm>> -> memref<1x625x512xi32, #tpu.memory_space<hbm>>
        %dma_wait3A_51 = tpu.memref_squeeze %dma_wait3A_50 : memref<1x625x512xi32, #tpu.memory_space<hbm>> -> memref<625x512xi32, #tpu.memory_space<hbm>>
        %dma_wait3A_52 = arith.constant 0 : i32
        %dma_wait3A_53 = tpu.memref_slice %dma_wait3A_51[%mul3A_4, %dma_wait3A_52] : memref<625x512xi32, #tpu.memory_space<hbm>> -> memref<20x512xi32, #tpu.memory_space<hbm>>
        %dma_wait3A_54 = arith.constant 0 : i32
        %dma_wait3A_55 = arith.constant 0 : i32
        %dma_wait3A_56 = tpu.memref_slice %arg3[%run_scoped3A, %dma_wait3A_54, %dma_wait3A_55] : memref<2x625x512xi32, #tpu.memory_space<hbm>> -> memref<1x625x512xi32, #tpu.memory_space<hbm>>
        %dma_wait3A_57 = tpu.memref_squeeze %dma_wait3A_56 : memref<1x625x512xi32, #tpu.memory_space<hbm>> -> memref<625x512xi32, #tpu.memory_space<hbm>>
        %dma_wait3A_58 = arith.constant 0 : i32
        %dma_wait3A_59 = tpu.memref_slice %dma_wait3A_57[%mul3A_4, %dma_wait3A_58] : memref<625x512xi32, #tpu.memory_space<hbm>> -> memref<20x512xi32, #tpu.memory_space<hbm>>
        tpu.wait_dma2 semaphore(%run_scoped3A_37 : memref<!tpu.dma_semaphore, #tpu.memory_space<semaphore_mem>>) src(%dma_wait3A_59 : memref<20x512xi32, #tpu.memory_space<hbm>>) dst(%arg5 : memref<20x512xi32, #tpu.memory_space<vmem>>)
        tpu.yield
      }) : () -> ()
      %run_scoped3A_36 = arith.constant 1 : i32
      "tpu.region"() ({
        %run_scoped3A_37 = tpu.sem_alloc : memref<!tpu.dma_semaphore, #tpu.memory_space<semaphore_mem>>
        %dma_start3A = arith.constant 0 : i32
        %dma_start3A_38 = arith.constant 0 : i32
        %dma_start3A_39 = tpu.memref_slice %arg3[%run_scoped3A_36, %dma_start3A, %dma_start3A_38] : memref<2x625x512xi32, #tpu.memory_space<hbm>> -> memref<1x625x512xi32, #tpu.memory_space<hbm>>
        %dma_start3A_40 = tpu.memref_squeeze %dma_start3A_39 : memref<1x625x512xi32, #tpu.memory_space<hbm>> -> memref<625x512xi32, #tpu.memory_space<hbm>>
        %dma_start3A_41 = arith.constant 0 : i32
        %dma_start3A_42 = tpu.memref_slice %dma_start3A_40[%mul3A_4, %dma_start3A_41] : memref<625x512xi32, #tpu.memory_space<hbm>> -> memref<20x512xi32, #tpu.memory_space<hbm>>
        %dma_start3A_43 = arith.constant 0 : i32
        %dma_start3A_44 = arith.constant 0 : i32
        %dma_start3A_45 = tpu.memref_slice %arg3[%run_scoped3A_36, %dma_start3A_43, %dma_start3A_44] : memref<2x625x512xi32, #tpu.memory_space<hbm>> -> memref<1x625x512xi32, #tpu.memory_space<hbm>>
        %dma_start3A_46 = tpu.memref_squeeze %dma_start3A_45 : memref<1x625x512xi32, #tpu.memory_space<hbm>> -> memref<625x512xi32, #tpu.memory_space<hbm>>
        %dma_start3A_47 = arith.constant 0 : i32
        %dma_start3A_48 = tpu.memref_slice %dma_start3A_46[%mul3A_4, %dma_start3A_47] : memref<625x512xi32, #tpu.memory_space<hbm>> -> memref<20x512xi32, #tpu.memory_space<hbm>>
        tpu.enqueue_dma source(%dma_start3A_48 : memref<20x512xi32, #tpu.memory_space<hbm>>) target(%arg6 : memref<20x512xi32, #tpu.memory_space<vmem>>) target_semaphore(%run_scoped3A_37 : memref<!tpu.dma_semaphore, #tpu.memory_space<semaphore_mem>>)
        %dma_wait3A = arith.constant 0 : i32
        %dma_wait3A_49 = arith.constant 0 : i32
        %dma_wait3A_50 = tpu.memref_slice %arg3[%run_scoped3A_36, %dma_wait3A, %dma_wait3A_49] : memref<2x625x512xi32, #tpu.memory_space<hbm>> -> memref<1x625x512xi32, #tpu.memory_space<hbm>>
        %dma_wait3A_51 = tpu.memref_squeeze %dma_wait3A_50 : memref<1x625x512xi32, #tpu.memory_space<hbm>> -> memref<625x512xi32, #tpu.memory_space<hbm>>
        %dma_wait3A_52 = arith.constant 0 : i32
        %dma_wait3A_53 = tpu.memref_slice %dma_wait3A_51[%mul3A_4, %dma_wait3A_52] : memref<625x512xi32, #tpu.memory_space<hbm>> -> memref<20x512xi32, #tpu.memory_space<hbm>>
        %dma_wait3A_54 = arith.constant 0 : i32
        %dma_wait3A_55 = arith.constant 0 : i32
        %dma_wait3A_56 = tpu.memref_slice %arg3[%run_scoped3A_36, %dma_wait3A_54, %dma_wait3A_55] : memref<2x625x512xi32, #tpu.memory_space<hbm>> -> memref<1x625x512xi32, #tpu.memory_space<hbm>>
        %dma_wait3A_57 = tpu.memref_squeeze %dma_wait3A_56 : memref<1x625x512xi32, #tpu.memory_space<hbm>> -> memref<625x512xi32, #tpu.memory_space<hbm>>
        %dma_wait3A_58 = arith.constant 0 : i32
        %dma_wait3A_59 = tpu.memref_slice %dma_wait3A_57[%mul3A_4, %dma_wait3A_58] : memref<625x512xi32, #tpu.memory_space<hbm>> -> memref<20x512xi32, #tpu.memory_space<hbm>>
        tpu.wait_dma2 semaphore(%run_scoped3A_37 : memref<!tpu.dma_semaphore, #tpu.memory_space<semaphore_mem>>) src(%dma_wait3A_59 : memref<20x512xi32, #tpu.memory_space<hbm>>) dst(%arg6 : memref<20x512xi32, #tpu.memory_space<vmem>>)
        tpu.yield
      }) : () -> ()
    } else {
    }
    %eq3A = arith.constant 31 : i32
    %eq3A_21 = arith.cmpi eq, %add3A, %eq3A : i32
    %convert_element_type3A_22 = arith.extui %eq3A_21 : i1 to i32
    %cond3A_23 = arith.constant 0 : i32
    %cond3A_24 = arith.cmpi ne, %convert_element_type3A_22, %cond3A_23 : i32
    scf.if %cond3A_24 {
      %run_scoped3A = arith.constant 0 : i32
      "tpu.region"() ({
        %run_scoped3A_37 = tpu.sem_alloc : memref<!tpu.dma_semaphore, #tpu.memory_space<semaphore_mem>>
        %dma_start3A = arith.constant 0 : i32
        %dma_start3A_38 = arith.constant 0 : i32
        %dma_start3A_39 = tpu.memref_slice %arg5[%dma_start3A, %dma_start3A_38] : memref<20x512xi32, #tpu.memory_space<vmem>> -> memref<5x512xi32, #tpu.memory_space<vmem>>
        %dma_start3A_40 = arith.constant 0 : i32
        %dma_start3A_41 = arith.constant 0 : i32
        %dma_start3A_42 = tpu.memref_slice %arg3[%run_scoped3A, %dma_start3A_40, %dma_start3A_41] : memref<2x625x512xi32, #tpu.memory_space<hbm>> -> memref<1x625x512xi32, #tpu.memory_space<hbm>>
        %dma_start3A_43 = tpu.memref_squeeze %dma_start3A_42 : memref<1x625x512xi32, #tpu.memory_space<hbm>> -> memref<625x512xi32, #tpu.memory_space<hbm>>
        %dma_start3A_44 = arith.constant 0 : i32
        %dma_start3A_45 = tpu.memref_slice %dma_start3A_43[%mul3A_4, %dma_start3A_44] : memref<625x512xi32, #tpu.memory_space<hbm>> -> memref<5x512xi32, #tpu.memory_space<hbm>>
        %dma_start3A_46 = arith.constant 0 : i32
        %dma_start3A_47 = arith.constant 0 : i32
        %dma_start3A_48 = tpu.memref_slice %arg5[%dma_start3A_46, %dma_start3A_47] : memref<20x512xi32, #tpu.memory_space<vmem>> -> memref<5x512xi32, #tpu.memory_space<vmem>>
        %dma_start3A_49 = arith.constant 0 : i32
        %dma_start3A_50 = arith.constant 0 : i32
        %dma_start3A_51 = tpu.memref_slice %arg3[%run_scoped3A, %dma_start3A_49, %dma_start3A_50] : memref<2x625x512xi32, #tpu.memory_space<hbm>> -> memref<1x625x512xi32, #tpu.memory_space<hbm>>
        %dma_start3A_52 = tpu.memref_squeeze %dma_start3A_51 : memref<1x625x512xi32, #tpu.memory_space<hbm>> -> memref<625x512xi32, #tpu.memory_space<hbm>>
        %dma_start3A_53 = arith.constant 0 : i32
        %dma_start3A_54 = tpu.memref_slice %dma_start3A_52[%mul3A_4, %dma_start3A_53] : memref<625x512xi32, #tpu.memory_space<hbm>> -> memref<5x512xi32, #tpu.memory_space<hbm>>
        tpu.enqueue_dma source(%dma_start3A_54 : memref<5x512xi32, #tpu.memory_space<hbm>>) target(%dma_start3A_48 : memref<5x512xi32, #tpu.memory_space<vmem>>) target_semaphore(%run_scoped3A_37 : memref<!tpu.dma_semaphore, #tpu.memory_space<semaphore_mem>>)
        %dma_wait3A = arith.constant 0 : i32
        %dma_wait3A_55 = arith.constant 0 : i32
        %dma_wait3A_56 = tpu.memref_slice %arg5[%dma_wait3A, %dma_wait3A_55] : memref<20x512xi32, #tpu.memory_space<vmem>> -> memref<5x512xi32, #tpu.memory_space<vmem>>
        %dma_wait3A_57 = arith.constant 0 : i32
        %dma_wait3A_58 = arith.constant 0 : i32
        %dma_wait3A_59 = tpu.memref_slice %arg3[%run_scoped3A, %dma_wait3A_57, %dma_wait3A_58] : memref<2x625x512xi32, #tpu.memory_space<hbm>> -> memref<1x625x512xi32, #tpu.memory_space<hbm>>
        %dma_wait3A_60 = tpu.memref_squeeze %dma_wait3A_59 : memref<1x625x512xi32, #tpu.memory_space<hbm>> -> memref<625x512xi32, #tpu.memory_space<hbm>>
        %dma_wait3A_61 = arith.constant 0 : i32
        %dma_wait3A_62 = tpu.memref_slice %dma_wait3A_60[%mul3A_4, %dma_wait3A_61] : memref<625x512xi32, #tpu.memory_space<hbm>> -> memref<5x512xi32, #tpu.memory_space<hbm>>
        %dma_wait3A_63 = arith.constant 0 : i32
        %dma_wait3A_64 = arith.constant 0 : i32
        %dma_wait3A_65 = tpu.memref_slice %arg5[%dma_wait3A_63, %dma_wait3A_64] : memref<20x512xi32, #tpu.memory_space<vmem>> -> memref<5x512xi32, #tpu.memory_space<vmem>>
        %dma_wait3A_66 = arith.constant 0 : i32
        %dma_wait3A_67 = arith.constant 0 : i32
        %dma_wait3A_68 = tpu.memref_slice %arg3[%run_scoped3A, %dma_wait3A_66, %dma_wait3A_67] : memref<2x625x512xi32, #tpu.memory_space<hbm>> -> memref<1x625x512xi32, #tpu.memory_space<hbm>>
        %dma_wait3A_69 = tpu.memref_squeeze %dma_wait3A_68 : memref<1x625x512xi32, #tpu.memory_space<hbm>> -> memref<625x512xi32, #tpu.memory_space<hbm>>
        %dma_wait3A_70 = arith.constant 0 : i32
        %dma_wait3A_71 = tpu.memref_slice %dma_wait3A_69[%mul3A_4, %dma_wait3A_70] : memref<625x512xi32, #tpu.memory_space<hbm>> -> memref<5x512xi32, #tpu.memory_space<hbm>>
        tpu.wait_dma2 semaphore(%run_scoped3A_37 : memref<!tpu.dma_semaphore, #tpu.memory_space<semaphore_mem>>) src(%dma_wait3A_71 : memref<5x512xi32, #tpu.memory_space<hbm>>) dst(%dma_wait3A_65 : memref<5x512xi32, #tpu.memory_space<vmem>>)
        tpu.yield
      }) : () -> ()
      %run_scoped3A_36 = arith.constant 1 : i32
      "tpu.region"() ({
        %run_scoped3A_37 = tpu.sem_alloc : memref<!tpu.dma_semaphore, #tpu.memory_space<semaphore_mem>>
        %dma_start3A = arith.constant 0 : i32
        %dma_start3A_38 = arith.constant 0 : i32
        %dma_start3A_39 = tpu.memref_slice %arg6[%dma_start3A, %dma_start3A_38] : memref<20x512xi32, #tpu.memory_space<vmem>> -> memref<5x512xi32, #tpu.memory_space<vmem>>
        %dma_start3A_40 = arith.constant 0 : i32
        %dma_start3A_41 = arith.constant 0 : i32
        %dma_start3A_42 = tpu.memref_slice %arg3[%run_scoped3A_36, %dma_start3A_40, %dma_start3A_41] : memref<2x625x512xi32, #tpu.memory_space<hbm>> -> memref<1x625x512xi32, #tpu.memory_space<hbm>>
        %dma_start3A_43 = tpu.memref_squeeze %dma_start3A_42 : memref<1x625x512xi32, #tpu.memory_space<hbm>> -> memref<625x512xi32, #tpu.memory_space<hbm>>
        %dma_start3A_44 = arith.constant 0 : i32
        %dma_start3A_45 = tpu.memref_slice %dma_start3A_43[%mul3A_4, %dma_start3A_44] : memref<625x512xi32, #tpu.memory_space<hbm>> -> memref<5x512xi32, #tpu.memory_space<hbm>>
        %dma_start3A_46 = arith.constant 0 : i32
        %dma_start3A_47 = arith.constant 0 : i32
        %dma_start3A_48 = tpu.memref_slice %arg6[%dma_start3A_46, %dma_start3A_47] : memref<20x512xi32, #tpu.memory_space<vmem>> -> memref<5x512xi32, #tpu.memory_space<vmem>>
        %dma_start3A_49 = arith.constant 0 : i32
        %dma_start3A_50 = arith.constant 0 : i32
        %dma_start3A_51 = tpu.memref_slice %arg3[%run_scoped3A_36, %dma_start3A_49, %dma_start3A_50] : memref<2x625x512xi32, #tpu.memory_space<hbm>> -> memref<1x625x512xi32, #tpu.memory_space<hbm>>
        %dma_start3A_52 = tpu.memref_squeeze %dma_start3A_51 : memref<1x625x512xi32, #tpu.memory_space<hbm>> -> memref<625x512xi32, #tpu.memory_space<hbm>>
        %dma_start3A_53 = arith.constant 0 : i32
        %dma_start3A_54 = tpu.memref_slice %dma_start3A_52[%mul3A_4, %dma_start3A_53] : memref<625x512xi32, #tpu.memory_space<hbm>> -> memref<5x512xi32, #tpu.memory_space<hbm>>
        tpu.enqueue_dma source(%dma_start3A_54 : memref<5x512xi32, #tpu.memory_space<hbm>>) target(%dma_start3A_48 : memref<5x512xi32, #tpu.memory_space<vmem>>) target_semaphore(%run_scoped3A_37 : memref<!tpu.dma_semaphore, #tpu.memory_space<semaphore_mem>>)
        %dma_wait3A = arith.constant 0 : i32
        %dma_wait3A_55 = arith.constant 0 : i32
        %dma_wait3A_56 = tpu.memref_slice %arg6[%dma_wait3A, %dma_wait3A_55] : memref<20x512xi32, #tpu.memory_space<vmem>> -> memref<5x512xi32, #tpu.memory_space<vmem>>
        %dma_wait3A_57 = arith.constant 0 : i32
        %dma_wait3A_58 = arith.constant 0 : i32
        %dma_wait3A_59 = tpu.memref_slice %arg3[%run_scoped3A_36, %dma_wait3A_57, %dma_wait3A_58] : memref<2x625x512xi32, #tpu.memory_space<hbm>> -> memref<1x625x512xi32, #tpu.memory_space<hbm>>
        %dma_wait3A_60 = tpu.memref_squeeze %dma_wait3A_59 : memref<1x625x512xi32, #tpu.memory_space<hbm>> -> memref<625x512xi32, #tpu.memory_space<hbm>>
        %dma_wait3A_61 = arith.constant 0 : i32
        %dma_wait3A_62 = tpu.memref_slice %dma_wait3A_60[%mul3A_4, %dma_wait3A_61] : memref<625x512xi32, #tpu.memory_space<hbm>> -> memref<5x512xi32, #tpu.memory_space<hbm>>
        %dma_wait3A_63 = arith.constant 0 : i32
        %dma_wait3A_64 = arith.constant 0 : i32
        %dma_wait3A_65 = tpu.memref_slice %arg6[%dma_wait3A_63, %dma_wait3A_64] : memref<20x512xi32, #tpu.memory_space<vmem>> -> memref<5x512xi32, #tpu.memory_space<vmem>>
        %dma_wait3A_66 = arith.constant 0 : i32
        %dma_wait3A_67 = arith.constant 0 : i32
        %dma_wait3A_68 = tpu.memref_slice %arg3[%run_scoped3A_36, %dma_wait3A_66, %dma_wait3A_67] : memref<2x625x512xi32, #tpu.memory_space<hbm>> -> memref<1x625x512xi32, #tpu.memory_space<hbm>>
        %dma_wait3A_69 = tpu.memref_squeeze %dma_wait3A_68 : memref<1x625x512xi32, #tpu.memory_space<hbm>> -> memref<625x512xi32, #tpu.memory_space<hbm>>
        %dma_wait3A_70 = arith.constant 0 : i32
        %dma_wait3A_71 = tpu.memref_slice %dma_wait3A_69[%mul3A_4, %dma_wait3A_70] : memref<625x512xi32, #tpu.memory_space<hbm>> -> memref<5x512xi32, #tpu.memory_space<hbm>>
        tpu.wait_dma2 semaphore(%run_scoped3A_37 : memref<!tpu.dma_semaphore, #tpu.memory_space<semaphore_mem>>) src(%dma_wait3A_71 : memref<5x512xi32, #tpu.memory_space<hbm>>) dst(%dma_wait3A_65 : memref<5x512xi32, #tpu.memory_space<vmem>>)
        tpu.yield
      }) : () -> ()
    } else {
    }
    %barrier3A = arith.constant 0 : index
    tpu.barrier barrier_id(%barrier3A)
    %lt3A_25 = arith.constant 31 : i32
    %lt3A_26 = arith.cmpi slt, %add3A, %lt3A_25 : i32
    %convert_element_type3A_27 = arith.extui %lt3A_26 : i1 to i32
    %cond3A_28 = arith.constant 0 : i32
    %cond3A_29 = arith.cmpi ne, %convert_element_type3A_27, %cond3A_28 : i32
    scf.if %cond3A_29 {
      %dma_start3A = arith.constant 0 : i32
      %dma_start3A_36 = arith.constant 0 : i32
      %dma_start3A_37 = arith.constant 0 : i32
      %dma_start3A_38 = arith.constant 0 : i32
      %dma_start3A_39 = tpu.memref_slice %arg7[%dma_start3A_36, %dma_start3A_37, %dma_start3A_38] : memref<2x512x16xf32, #tpu.memory_space<vmem>> -> memref<1x512x16xf32, #tpu.memory_space<vmem>>
      %dma_start3A_40 = tpu.memref_squeeze %dma_start3A_39 : memref<1x512x16xf32, #tpu.memory_space<vmem>> -> memref<512x16xf32, #tpu.memory_space<vmem>>
      %dma_start3A_41 = arith.constant 0 : i32
      %dma_start3A_42 = tpu.memref_slice %arg5[%dma_start3A, %dma_start3A_41] : memref<20x512xi32, #tpu.memory_space<vmem>> -> memref<1x512xi32, #tpu.memory_space<vmem>>
      %dma_start3A_43 = tpu.memref_squeeze %dma_start3A_42 : memref<1x512xi32, #tpu.memory_space<vmem>> -> memref<512xi32, #tpu.memory_space<vmem>>
      %dma_start3A_44 = arith.constant 0 : i32
      %dma_start3A_45 = arith.constant 0 : i32
      %dma_start3A_46 = tpu.memref_slice %arg10[%dma_start3A_44, %dma_start3A_45] : memref<10240x16xf32, #tpu.memory_space<vmem_shared>> -> memref<10240x16xf32, #tpu.memory_space<vmem_shared>>
      tpu.enqueue_indirect_dma source(%dma_start3A_46 : memref<10240x16xf32, #tpu.memory_space<vmem_shared>>) target(%dma_start3A_40 : memref<512x16xf32, #tpu.memory_space<vmem>>) offsets(%dma_start3A_43 : memref<512xi32, #tpu.memory_space<vmem>>) semaphore(%arg11 : memref<!tpu.dma_semaphore, #tpu.memory_space<semaphore_mem>>)
      %scan3A_47 = arith.constant 0 : i32
      %scan3A_48 = arith.constant 10 : i32
      %scan3A_49 = arith.addi %scan3A_47, %scan3A_48 : i32
      %scan3A_50 = arith.constant 1 : i32
      scf.for %scan3A_52 = %scan3A_47 to %scan3A_49 step %scan3A_50  : i32 {
        %mul3A_53 = arith.constant 1 : i32
        %mul3A_54 = arith.muli %scan3A_52, %mul3A_53 : i32
        %add3A_55 = arith.constant 0 : i32
        %add3A_56 = arith.addi %add3A_55, %mul3A_54 : i32
        %mul3A_57 = arith.constant 2 : i32
        %mul3A_58 = arith.muli %add3A_56, %mul3A_57 : i32
        %add3A_59 = arith.constant 1 : i32
        %add3A_60 = arith.addi %mul3A_58, %add3A_59 : i32
        %dma_start3A_61 = arith.constant 1 : i32
        %dma_start3A_62 = arith.constant 0 : i32
        %dma_start3A_63 = arith.constant 0 : i32
        %dma_start3A_64 = tpu.memref_slice %arg7[%dma_start3A_61, %dma_start3A_62, %dma_start3A_63] : memref<2x512x16xf32, #tpu.memory_space<vmem>> -> memref<1x512x16xf32, #tpu.memory_space<vmem>>
        %dma_start3A_65 = tpu.memref_squeeze %dma_start3A_64 : memref<1x512x16xf32, #tpu.memory_space<vmem>> -> memref<512x16xf32, #tpu.memory_space<vmem>>
        %dma_start3A_66 = arith.constant 0 : i32
        %dma_start3A_67 = tpu.memref_slice %arg5[%add3A_60, %dma_start3A_66] : memref<20x512xi32, #tpu.memory_space<vmem>> -> memref<1x512xi32, #tpu.memory_space<vmem>>
        %dma_start3A_68 = tpu.memref_squeeze %dma_start3A_67 : memref<1x512xi32, #tpu.memory_space<vmem>> -> memref<512xi32, #tpu.memory_space<vmem>>
        %dma_start3A_69 = arith.constant 0 : i32
        %dma_start3A_70 = arith.constant 0 : i32
        %dma_start3A_71 = tpu.memref_slice %arg10[%dma_start3A_69, %dma_start3A_70] : memref<10240x16xf32, #tpu.memory_space<vmem_shared>> -> memref<10240x16xf32, #tpu.memory_space<vmem_shared>>
        tpu.enqueue_indirect_dma source(%dma_start3A_71 : memref<10240x16xf32, #tpu.memory_space<vmem_shared>>) target(%dma_start3A_65 : memref<512x16xf32, #tpu.memory_space<vmem>>) offsets(%dma_start3A_68 : memref<512xi32, #tpu.memory_space<vmem>>) semaphore(%arg12 : memref<!tpu.dma_semaphore, #tpu.memory_space<semaphore_mem>>)
        %dma_wait3A = arith.constant 0 : i32
        %dma_wait3A_72 = arith.constant 0 : i32
        %dma_wait3A_73 = arith.constant 0 : i32
        %dma_wait3A_74 = tpu.memref_slice %arg7[%dma_wait3A, %dma_wait3A_72, %dma_wait3A_73] : memref<2x512x16xf32, #tpu.memory_space<vmem>> -> memref<1x512x16xf32, #tpu.memory_space<vmem>>
        %dma_wait3A_75 = tpu.memref_squeeze %dma_wait3A_74 : memref<1x512x16xf32, #tpu.memory_space<vmem>> -> memref<512x16xf32, #tpu.memory_space<vmem>>
        %dma_wait3A_76 = arith.constant 0 : i32
        %dma_wait3A_77 = tpu.memref_slice %arg5[%mul3A_58, %dma_wait3A_76] : memref<20x512xi32, #tpu.memory_space<vmem>> -> memref<1x512xi32, #tpu.memory_space<vmem>>
        %dma_wait3A_78 = tpu.memref_squeeze %dma_wait3A_77 : memref<1x512xi32, #tpu.memory_space<vmem>> -> memref<512xi32, #tpu.memory_space<vmem>>
        %dma_wait3A_79 = arith.constant 0 : i32
        %dma_wait3A_80 = arith.constant 0 : i32
        %dma_wait3A_81 = tpu.memref_slice %arg10[%dma_wait3A_79, %dma_wait3A_80] : memref<10240x16xf32, #tpu.memory_space<vmem_shared>> -> memref<10240x16xf32, #tpu.memory_space<vmem_shared>>
        tpu.wait_indirect_dma semaphore(%arg11 : memref<!tpu.dma_semaphore, #tpu.memory_space<semaphore_mem>>) src(%dma_wait3A_81 : memref<10240x16xf32, #tpu.memory_space<vmem_shared>>) dst(%dma_wait3A_75 : memref<512x16xf32, #tpu.memory_space<vmem>>)
        %dma_start3A_82 = arith.constant 0 : i32
        %dma_start3A_83 = arith.constant 0 : i32
        %dma_start3A_84 = arith.constant 0 : i32
        %dma_start3A_85 = tpu.memref_slice %arg7[%dma_start3A_82, %dma_start3A_83, %dma_start3A_84] : memref<2x512x16xf32, #tpu.memory_space<vmem>> -> memref<1x512x16xf32, #tpu.memory_space<vmem>>
        %dma_start3A_86 = tpu.memref_squeeze %dma_start3A_85 : memref<1x512x16xf32, #tpu.memory_space<vmem>> -> memref<512x16xf32, #tpu.memory_space<vmem>>
        %dma_start3A_87 = arith.constant 0 : i32
        %dma_start3A_88 = tpu.memref_slice %arg6[%mul3A_58, %dma_start3A_87] : memref<20x512xi32, #tpu.memory_space<vmem>> -> memref<1x512xi32, #tpu.memory_space<vmem>>
        %dma_start3A_89 = tpu.memref_squeeze %dma_start3A_88 : memref<1x512xi32, #tpu.memory_space<vmem>> -> memref<512xi32, #tpu.memory_space<vmem>>
        %dma_start3A_90 = arith.constant 0 : i32
        %dma_start3A_91 = arith.constant 0 : i32
        %dma_start3A_92 = tpu.memref_slice %arg9[%dma_start3A_90, %dma_start3A_91] : memref<10240x16xf32, #tpu.memory_space<vmem_shared>> -> memref<10240x16xf32, #tpu.memory_space<vmem_shared>>
        tpu.enqueue_indirect_dma source(%dma_start3A_86 : memref<512x16xf32, #tpu.memory_space<vmem>>) target(%dma_start3A_92 : memref<10240x16xf32, #tpu.memory_space<vmem_shared>>) offsets(%dma_start3A_89 : memref<512xi32, #tpu.memory_space<vmem>>) semaphore(%arg13 : memref<!tpu.dma_semaphore, #tpu.memory_space<semaphore_mem>>) {add = true}
        %dma_wait3A_93 = arith.constant 0 : i32
        %dma_wait3A_94 = arith.constant 0 : i32
        %dma_wait3A_95 = arith.constant 0 : i32
        %dma_wait3A_96 = tpu.memref_slice %arg7[%dma_wait3A_93, %dma_wait3A_94, %dma_wait3A_95] : memref<2x512x16xf32, #tpu.memory_space<vmem>> -> memref<1x512x16xf32, #tpu.memory_space<vmem>>
        %dma_wait3A_97 = tpu.memref_squeeze %dma_wait3A_96 : memref<1x512x16xf32, #tpu.memory_space<vmem>> -> memref<512x16xf32, #tpu.memory_space<vmem>>
        %dma_wait3A_98 = arith.constant 0 : i32
        %dma_wait3A_99 = tpu.memref_slice %arg6[%mul3A_58, %dma_wait3A_98] : memref<20x512xi32, #tpu.memory_space<vmem>> -> memref<1x512xi32, #tpu.memory_space<vmem>>
        %dma_wait3A_100 = tpu.memref_squeeze %dma_wait3A_99 : memref<1x512xi32, #tpu.memory_space<vmem>> -> memref<512xi32, #tpu.memory_space<vmem>>
        %dma_wait3A_101 = arith.constant 0 : i32
        %dma_wait3A_102 = arith.constant 0 : i32
        %dma_wait3A_103 = tpu.memref_slice %arg9[%dma_wait3A_101, %dma_wait3A_102] : memref<10240x16xf32, #tpu.memory_space<vmem_shared>> -> memref<10240x16xf32, #tpu.memory_space<vmem_shared>>
        tpu.wait_indirect_dma semaphore(%arg13 : memref<!tpu.dma_semaphore, #tpu.memory_space<semaphore_mem>>) src(%dma_wait3A_97 : memref<512x16xf32, #tpu.memory_space<vmem>>) dst(%dma_wait3A_103 : memref<10240x16xf32, #tpu.memory_space<vmem_shared>>)
        %lt3A_104 = arith.constant 9 : i32
        %lt3A_105 = arith.cmpi slt, %add3A_56, %lt3A_104 : i32
        %convert_element_type3A_106 = arith.extui %lt3A_105 : i1 to i32
        %cond3A_107 = arith.constant 0 : i32
        %cond3A_108 = arith.cmpi ne, %convert_element_type3A_106, %cond3A_107 : i32
        scf.if %cond3A_108 {
          %add3A_144 = arith.constant 2 : i32
          %add3A_145 = arith.addi %mul3A_58, %add3A_144 : i32
          %dma_start3A_146 = arith.constant 0 : i32
          %dma_start3A_147 = arith.constant 0 : i32
          %dma_start3A_148 = arith.constant 0 : i32
          %dma_start3A_149 = tpu.memref_slice %arg7[%dma_start3A_146, %dma_start3A_147, %dma_start3A_148] : memref<2x512x16xf32, #tpu.memory_space<vmem>> -> memref<1x512x16xf32, #tpu.memory_space<vmem>>
          %dma_start3A_150 = tpu.memref_squeeze %dma_start3A_149 : memref<1x512x16xf32, #tpu.memory_space<vmem>> -> memref<512x16xf32, #tpu.memory_space<vmem>>
          %dma_start3A_151 = arith.constant 0 : i32
          %dma_start3A_152 = tpu.memref_slice %arg5[%add3A_145, %dma_start3A_151] : memref<20x512xi32, #tpu.memory_space<vmem>> -> memref<1x512xi32, #tpu.memory_space<vmem>>
          %dma_start3A_153 = tpu.memref_squeeze %dma_start3A_152 : memref<1x512xi32, #tpu.memory_space<vmem>> -> memref<512xi32, #tpu.memory_space<vmem>>
          %dma_start3A_154 = arith.constant 0 : i32
          %dma_start3A_155 = arith.constant 0 : i32
          %dma_start3A_156 = tpu.memref_slice %arg10[%dma_start3A_154, %dma_start3A_155] : memref<10240x16xf32, #tpu.memory_space<vmem_shared>> -> memref<10240x16xf32, #tpu.memory_space<vmem_shared>>
          tpu.enqueue_indirect_dma source(%dma_start3A_156 : memref<10240x16xf32, #tpu.memory_space<vmem_shared>>) target(%dma_start3A_150 : memref<512x16xf32, #tpu.memory_space<vmem>>) offsets(%dma_start3A_153 : memref<512xi32, #tpu.memory_space<vmem>>) semaphore(%arg11 : memref<!tpu.dma_semaphore, #tpu.memory_space<semaphore_mem>>)
        } else {
        }
        %dma_wait3A_109 = arith.constant 1 : i32
        %dma_wait3A_110 = arith.constant 0 : i32
        %dma_wait3A_111 = arith.constant 0 : i32
        %dma_wait3A_112 = tpu.memref_slice %arg7[%dma_wait3A_109, %dma_wait3A_110, %dma_wait3A_111] : memref<2x512x16xf32, #tpu.memory_space<vmem>> -> memref<1x512x16xf32, #tpu.memory_space<vmem>>
        %dma_wait3A_113 = tpu.memref_squeeze %dma_wait3A_112 : memref<1x512x16xf32, #tpu.memory_space<vmem>> -> memref<512x16xf32, #tpu.memory_space<vmem>>
        %dma_wait3A_114 = arith.constant 0 : i32
        %dma_wait3A_115 = tpu.memref_slice %arg5[%add3A_60, %dma_wait3A_114] : memref<20x512xi32, #tpu.memory_space<vmem>> -> memref<1x512xi32, #tpu.memory_space<vmem>>
        %dma_wait3A_116 = tpu.memref_squeeze %dma_wait3A_115 : memref<1x512xi32, #tpu.memory_space<vmem>> -> memref<512xi32, #tpu.memory_space<vmem>>
        %dma_wait3A_117 = arith.constant 0 : i32
        %dma_wait3A_118 = arith.constant 0 : i32
        %dma_wait3A_119 = tpu.memref_slice %arg10[%dma_wait3A_117, %dma_wait3A_118] : memref<10240x16xf32, #tpu.memory_space<vmem_shared>> -> memref<10240x16xf32, #tpu.memory_space<vmem_shared>>
        tpu.wait_indirect_dma semaphore(%arg12 : memref<!tpu.dma_semaphore, #tpu.memory_space<semaphore_mem>>) src(%dma_wait3A_119 : memref<10240x16xf32, #tpu.memory_space<vmem_shared>>) dst(%dma_wait3A_113 : memref<512x16xf32, #tpu.memory_space<vmem>>)
        %add3A_120 = arith.constant 1 : i32
        %add3A_121 = arith.addi %mul3A_58, %add3A_120 : i32
        %dma_start3A_122 = arith.constant 1 : i32
        %dma_start3A_123 = arith.constant 0 : i32
        %dma_start3A_124 = arith.constant 0 : i32
        %dma_start3A_125 = tpu.memref_slice %arg7[%dma_start3A_122, %dma_start3A_123, %dma_start3A_124] : memref<2x512x16xf32, #tpu.memory_space<vmem>> -> memref<1x512x16xf32, #tpu.memory_space<vmem>>
        %dma_start3A_126 = tpu.memref_squeeze %dma_start3A_125 : memref<1x512x16xf32, #tpu.memory_space<vmem>> -> memref<512x16xf32, #tpu.memory_space<vmem>>
        %dma_start3A_127 = arith.constant 0 : i32
        %dma_start3A_128 = tpu.memref_slice %arg6[%add3A_121, %dma_start3A_127] : memref<20x512xi32, #tpu.memory_space<vmem>> -> memref<1x512xi32, #tpu.memory_space<vmem>>
        %dma_start3A_129 = tpu.memref_squeeze %dma_start3A_128 : memref<1x512xi32, #tpu.memory_space<vmem>> -> memref<512xi32, #tpu.memory_space<vmem>>
        %dma_start3A_130 = arith.constant 0 : i32
        %dma_start3A_131 = arith.constant 0 : i32
        %dma_start3A_132 = tpu.memref_slice %arg9[%dma_start3A_130, %dma_start3A_131] : memref<10240x16xf32, #tpu.memory_space<vmem_shared>> -> memref<10240x16xf32, #tpu.memory_space<vmem_shared>>
        tpu.enqueue_indirect_dma source(%dma_start3A_126 : memref<512x16xf32, #tpu.memory_space<vmem>>) target(%dma_start3A_132 : memref<10240x16xf32, #tpu.memory_space<vmem_shared>>) offsets(%dma_start3A_129 : memref<512xi32, #tpu.memory_space<vmem>>) semaphore(%arg13 : memref<!tpu.dma_semaphore, #tpu.memory_space<semaphore_mem>>) {add = true}
        %dma_wait3A_133 = arith.constant 1 : i32
        %dma_wait3A_134 = arith.constant 0 : i32
        %dma_wait3A_135 = arith.constant 0 : i32
        %dma_wait3A_136 = tpu.memref_slice %arg7[%dma_wait3A_133, %dma_wait3A_134, %dma_wait3A_135] : memref<2x512x16xf32, #tpu.memory_space<vmem>> -> memref<1x512x16xf32, #tpu.memory_space<vmem>>
        %dma_wait3A_137 = tpu.memref_squeeze %dma_wait3A_136 : memref<1x512x16xf32, #tpu.memory_space<vmem>> -> memref<512x16xf32, #tpu.memory_space<vmem>>
        %dma_wait3A_138 = arith.constant 0 : i32
        %dma_wait3A_139 = tpu.memref_slice %arg6[%add3A_121, %dma_wait3A_138] : memref<20x512xi32, #tpu.memory_space<vmem>> -> memref<1x512xi32, #tpu.memory_space<vmem>>
        %dma_wait3A_140 = tpu.memref_squeeze %dma_wait3A_139 : memref<1x512xi32, #tpu.memory_space<vmem>> -> memref<512xi32, #tpu.memory_space<vmem>>
        %dma_wait3A_141 = arith.constant 0 : i32
        %dma_wait3A_142 = arith.constant 0 : i32
        %dma_wait3A_143 = tpu.memref_slice %arg9[%dma_wait3A_141, %dma_wait3A_142] : memref<10240x16xf32, #tpu.memory_space<vmem_shared>> -> memref<10240x16xf32, #tpu.memory_space<vmem_shared>>
        tpu.wait_indirect_dma semaphore(%arg13 : memref<!tpu.dma_semaphore, #tpu.memory_space<semaphore_mem>>) src(%dma_wait3A_137 : memref<512x16xf32, #tpu.memory_space<vmem>>) dst(%dma_wait3A_143 : memref<10240x16xf32, #tpu.memory_space<vmem_shared>>)
      }
      %scan3A_51 = arith.constant 10 : i32
    } else {
    }
    %eq3A_30 = arith.constant 31 : i32
    %eq3A_31 = arith.cmpi eq, %add3A, %eq3A_30 : i32
    %convert_element_type3A_32 = arith.extui %eq3A_31 : i1 to i32
    %cond3A_33 = arith.constant 0 : i32
    %cond3A_34 = arith.cmpi ne, %convert_element_type3A_32, %cond3A_33 : i32
    scf.if %cond3A_34 {
      %scan3A_36 = arith.constant 0 : i32
      %scan3A_37 = arith.constant 5 : i32
      %scan3A_38 = arith.addi %scan3A_36, %scan3A_37 : i32
      %scan3A_39 = arith.constant 1 : i32
      scf.for %scan3A_41 = %scan3A_36 to %scan3A_38 step %scan3A_39  : i32 {
        %mul3A_42 = arith.constant 1 : i32
        %mul3A_43 = arith.muli %scan3A_41, %mul3A_42 : i32
        %add3A_44 = arith.constant 0 : i32
        %add3A_45 = arith.addi %add3A_44, %mul3A_43 : i32
        %run_scoped3A = arith.constant 0 : i32
        "tpu.region"() ({
          %run_scoped3A_47 = tpu.sem_alloc : memref<!tpu.dma_semaphore, #tpu.memory_space<semaphore_mem>>
          %dma_start3A = arith.constant 0 : i32
          %dma_start3A_48 = arith.constant 0 : i32
          %dma_start3A_49 = tpu.memref_slice %arg7[%run_scoped3A, %dma_start3A, %dma_start3A_48] : memref<2x512x16xf32, #tpu.memory_space<vmem>> -> memref<1x512x16xf32, #tpu.memory_space<vmem>>
          %dma_start3A_50 = tpu.memref_squeeze %dma_start3A_49 : memref<1x512x16xf32, #tpu.memory_space<vmem>> -> memref<512x16xf32, #tpu.memory_space<vmem>>
          %dma_start3A_51 = arith.constant 0 : i32
          %dma_start3A_52 = tpu.memref_slice %arg5[%add3A_45, %dma_start3A_51] : memref<20x512xi32, #tpu.memory_space<vmem>> -> memref<1x512xi32, #tpu.memory_space<vmem>>
          %dma_start3A_53 = tpu.memref_squeeze %dma_start3A_52 : memref<1x512xi32, #tpu.memory_space<vmem>> -> memref<512xi32, #tpu.memory_space<vmem>>
          %dma_start3A_54 = arith.constant 0 : i32
          %dma_start3A_55 = arith.constant 0 : i32
          %dma_start3A_56 = tpu.memref_slice %arg10[%dma_start3A_54, %dma_start3A_55] : memref<10240x16xf32, #tpu.memory_space<vmem_shared>> -> memref<10240x16xf32, #tpu.memory_space<vmem_shared>>
          tpu.enqueue_indirect_dma source(%dma_start3A_56 : memref<10240x16xf32, #tpu.memory_space<vmem_shared>>) target(%dma_start3A_50 : memref<512x16xf32, #tpu.memory_space<vmem>>) offsets(%dma_start3A_53 : memref<512xi32, #tpu.memory_space<vmem>>) semaphore(%run_scoped3A_47 : memref<!tpu.dma_semaphore, #tpu.memory_space<semaphore_mem>>)
          %dma_wait3A = arith.constant 0 : i32
          %dma_wait3A_57 = arith.constant 0 : i32
          %dma_wait3A_58 = tpu.memref_slice %arg7[%run_scoped3A, %dma_wait3A, %dma_wait3A_57] : memref<2x512x16xf32, #tpu.memory_space<vmem>> -> memref<1x512x16xf32, #tpu.memory_space<vmem>>
          %dma_wait3A_59 = tpu.memref_squeeze %dma_wait3A_58 : memref<1x512x16xf32, #tpu.memory_space<vmem>> -> memref<512x16xf32, #tpu.memory_space<vmem>>
          %dma_wait3A_60 = arith.constant 0 : i32
          %dma_wait3A_61 = tpu.memref_slice %arg5[%add3A_45, %dma_wait3A_60] : memref<20x512xi32, #tpu.memory_space<vmem>> -> memref<1x512xi32, #tpu.memory_space<vmem>>
          %dma_wait3A_62 = tpu.memref_squeeze %dma_wait3A_61 : memref<1x512xi32, #tpu.memory_space<vmem>> -> memref<512xi32, #tpu.memory_space<vmem>>
          %dma_wait3A_63 = arith.constant 0 : i32
          %dma_wait3A_64 = arith.constant 0 : i32
          %dma_wait3A_65 = tpu.memref_slice %arg10[%dma_wait3A_63, %dma_wait3A_64] : memref<10240x16xf32, #tpu.memory_space<vmem_shared>> -> memref<10240x16xf32, #tpu.memory_space<vmem_shared>>
          tpu.wait_indirect_dma semaphore(%run_scoped3A_47 : memref<!tpu.dma_semaphore, #tpu.memory_space<semaphore_mem>>) src(%dma_wait3A_65 : memref<10240x16xf32, #tpu.memory_space<vmem_shared>>) dst(%dma_wait3A_59 : memref<512x16xf32, #tpu.memory_space<vmem>>)
          tpu.yield
        }) : () -> ()
        %run_scoped3A_46 = arith.constant 0 : i32
        "tpu.region"() ({
          %run_scoped3A_47 = tpu.sem_alloc : memref<!tpu.dma_semaphore, #tpu.memory_space<semaphore_mem>>
          %dma_start3A = arith.constant 0 : i32
          %dma_start3A_48 = arith.constant 0 : i32
          %dma_start3A_49 = tpu.memref_slice %arg7[%run_scoped3A_46, %dma_start3A, %dma_start3A_48] : memref<2x512x16xf32, #tpu.memory_space<vmem>> -> memref<1x512x16xf32, #tpu.memory_space<vmem>>
          %dma_start3A_50 = tpu.memref_squeeze %dma_start3A_49 : memref<1x512x16xf32, #tpu.memory_space<vmem>> -> memref<512x16xf32, #tpu.memory_space<vmem>>
          %dma_start3A_51 = arith.constant 0 : i32
          %dma_start3A_52 = tpu.memref_slice %arg6[%add3A_45, %dma_start3A_51] : memref<20x512xi32, #tpu.memory_space<vmem>> -> memref<1x512xi32, #tpu.memory_space<vmem>>
          %dma_start3A_53 = tpu.memref_squeeze %dma_start3A_52 : memref<1x512xi32, #tpu.memory_space<vmem>> -> memref<512xi32, #tpu.memory_space<vmem>>
          %dma_start3A_54 = arith.constant 0 : i32
          %dma_start3A_55 = arith.constant 0 : i32
          %dma_start3A_56 = tpu.memref_slice %arg9[%dma_start3A_54, %dma_start3A_55] : memref<10240x16xf32, #tpu.memory_space<vmem_shared>> -> memref<10240x16xf32, #tpu.memory_space<vmem_shared>>
          tpu.enqueue_indirect_dma source(%dma_start3A_50 : memref<512x16xf32, #tpu.memory_space<vmem>>) target(%dma_start3A_56 : memref<10240x16xf32, #tpu.memory_space<vmem_shared>>) offsets(%dma_start3A_53 : memref<512xi32, #tpu.memory_space<vmem>>) semaphore(%run_scoped3A_47 : memref<!tpu.dma_semaphore, #tpu.memory_space<semaphore_mem>>) {add = true}
          %dma_wait3A = arith.constant 0 : i32
          %dma_wait3A_57 = arith.constant 0 : i32
          %dma_wait3A_58 = tpu.memref_slice %arg7[%run_scoped3A_46, %dma_wait3A, %dma_wait3A_57] : memref<2x512x16xf32, #tpu.memory_space<vmem>> -> memref<1x512x16xf32, #tpu.memory_space<vmem>>
          %dma_wait3A_59 = tpu.memref_squeeze %dma_wait3A_58 : memref<1x512x16xf32, #tpu.memory_space<vmem>> -> memref<512x16xf32, #tpu.memory_space<vmem>>
          %dma_wait3A_60 = arith.constant 0 : i32
          %dma_wait3A_61 = tpu.memref_slice %arg6[%add3A_45, %dma_wait3A_60] : memref<20x512xi32, #tpu.memory_space<vmem>> -> memref<1x512xi32, #tpu.memory_space<vmem>>
          %dma_wait3A_62 = tpu.memref_squeeze %dma_wait3A_61 : memref<1x512xi32, #tpu.memory_space<vmem>> -> memref<512xi32, #tpu.memory_space<vmem>>
          %dma_wait3A_63 = arith.constant 0 : i32
          %dma_wait3A_64 = arith.constant 0 : i32
          %dma_wait3A_65 = tpu.memref_slice %arg9[%dma_wait3A_63, %dma_wait3A_64] : memref<10240x16xf32, #tpu.memory_space<vmem_shared>> -> memref<10240x16xf32, #tpu.memory_space<vmem_shared>>
          tpu.wait_indirect_dma semaphore(%run_scoped3A_47 : memref<!tpu.dma_semaphore, #tpu.memory_space<semaphore_mem>>) src(%dma_wait3A_59 : memref<512x16xf32, #tpu.memory_space<vmem>>) dst(%dma_wait3A_65 : memref<10240x16xf32, #tpu.memory_space<vmem_shared>>)
          tpu.yield
        }) : () -> ()
      }
      %scan3A_40 = arith.constant 5 : i32
    } else {
    }
    %barrier3A_35 = arith.constant 0 : index
    tpu.barrier barrier_id(%barrier3A_35)
    "tpu.region"() ({
      %run_scoped3A = tpu.sem_alloc : memref<!tpu.dma_semaphore, #tpu.memory_space<semaphore_mem>>
      %dma_start3A = arith.constant 0 : i32
      %dma_start3A_36 = arith.constant 0 : i32
      %dma_start3A_37 = tpu.memref_slice %arg4[%arg0, %dma_start3A, %dma_start3A_36] : memref<2x10240x16xf32, #tpu.memory_space<hbm>> -> memref<1x10240x16xf32, #tpu.memory_space<hbm>>
      %dma_start3A_38 = tpu.memref_squeeze %dma_start3A_37 : memref<1x10240x16xf32, #tpu.memory_space<hbm>> -> memref<10240x16xf32, #tpu.memory_space<hbm>>
      %dma_start3A_39 = arith.constant 0 : i32
      %dma_start3A_40 = tpu.memref_slice %dma_start3A_38[%mul3A_2, %dma_start3A_39] : memref<10240x16xf32, #tpu.memory_space<hbm>> -> memref<640x16xf32, #tpu.memory_space<hbm>>
      %dma_start3A_41 = arith.constant 0 : i32
      %dma_start3A_42 = tpu.memref_slice %arg9[%mul3A_2, %dma_start3A_41] : memref<10240x16xf32, #tpu.memory_space<vmem_shared>> -> memref<640x16xf32, #tpu.memory_space<vmem_shared>>
      tpu.enqueue_dma source(%dma_start3A_42 : memref<640x16xf32, #tpu.memory_space<vmem_shared>>) target(%dma_start3A_40 : memref<640x16xf32, #tpu.memory_space<hbm>>) target_semaphore(%run_scoped3A : memref<!tpu.dma_semaphore, #tpu.memory_space<semaphore_mem>>)
      %dma_wait3A = arith.constant 0 : i32
      %dma_wait3A_43 = arith.constant 0 : i32
      %dma_wait3A_44 = tpu.memref_slice %arg4[%arg0, %dma_wait3A, %dma_wait3A_43] : memref<2x10240x16xf32, #tpu.memory_space<hbm>> -> memref<1x10240x16xf32, #tpu.memory_space<hbm>>
      %dma_wait3A_45 = tpu.memref_squeeze %dma_wait3A_44 : memref<1x10240x16xf32, #tpu.memory_space<hbm>> -> memref<10240x16xf32, #tpu.memory_space<hbm>>
      %dma_wait3A_46 = arith.constant 0 : i32
      %dma_wait3A_47 = tpu.memref_slice %dma_wait3A_45[%mul3A_2, %dma_wait3A_46] : memref<10240x16xf32, #tpu.memory_space<hbm>> -> memref<640x16xf32, #tpu.memory_space<hbm>>
      %dma_wait3A_48 = arith.constant 0 : i32
      %dma_wait3A_49 = tpu.memref_slice %arg9[%mul3A_2, %dma_wait3A_48] : memref<10240x16xf32, #tpu.memory_space<vmem_shared>> -> memref<640x16xf32, #tpu.memory_space<vmem_shared>>
      tpu.wait_dma2 semaphore(%run_scoped3A : memref<!tpu.dma_semaphore, #tpu.memory_space<semaphore_mem>>) src(%dma_wait3A_49 : memref<640x16xf32, #tpu.memory_space<vmem_shared>>) dst(%dma_wait3A_47 : memref<640x16xf32, #tpu.memory_space<hbm>>)
      tpu.yield
    }) : () -> ()
    return
  }
}

#map = affine_map<(d0, d1) -> (0, 0)>
#map1 = affine_map<(d0, d1) -> (0, 0, 0)>
module attributes {stable_mosaic.version = 14 : i64} {
  func.func @scat(%arg0: i32, %arg1: i32, %arg2: memref<10240x16xf32, #tpu.memory_space<hbm>>, %arg3: memref<2x625x512xi32, #tpu.memory_space<hbm>>, %arg4: memref<2x10240x16xf32, #tpu.memory_space<hbm>>, %arg5: memref<20x512xi32, #tpu.memory_space<vmem>>, %arg6: memref<20x512xi32, #tpu.memory_space<vmem>>, %arg7: memref<2x512x16xf32, #tpu.memory_space<vmem>>, %arg8: memref<40x16xf32, #tpu.memory_space<vmem>>, %arg9: memref<10240x16xf32, #tpu.memory_space<vmem_shared>>, %arg10: memref<10240x16xf32, #tpu.memory_space<vmem_shared>>, %arg11: memref<!tpu.dma_semaphore, #tpu.memory_space<semaphore_mem>>, %arg12: memref<!tpu.dma_semaphore, #tpu.memory_space<semaphore_mem>>, %arg13: memref<!tpu.dma_semaphore, #tpu.memory_space<semaphore_mem>>) attributes {dimension_semantics = [#tpu.dimension_semantics<core_parallel>, #tpu.dimension_semantics<subcore_parallel>], iteration_bounds = array<i64: 2, 16>, scalar_prefetch = 0 : i64, scratch_operands = 9 : i64, tpu.core_type = #tpu.core_type<sc_vector_subcore>, window_params = [{transform_indices = #map}, {transform_indices = #map1}, {transform_indices = #map1}]} {
    %mul3A = arith.constant 2 : i32
    %mul3A_0 = arith.muli %arg1, %mul3A : i32
    %add3A = arith.addi %mul3A_0, %arg0 : i32
    %mul3A_1 = arith.constant 640 : i32
    %mul3A_2 = arith.muli %arg1, %mul3A_1 : i32
    %mul3A_3 = arith.constant 20 : i32
    %mul3A_4 = arith.muli %add3A, %mul3A_3 : i32
    "tpu.region"() ({
      %run_scoped3A = tpu.sem_alloc : memref<!tpu.dma_semaphore, #tpu.memory_space<semaphore_mem>>
      %dma_start3A = arith.constant 0 : i32
      %dma_start3A_36 = tpu.memref_slice %arg10[%mul3A_2, %dma_start3A] : memref<10240x16xf32, #tpu.memory_space<vmem_shared>> -> memref<640x16xf32, #tpu.memory_space<vmem_shared>>
      %dma_start3A_37 = arith.constant 0 : i32
      %dma_start3A_38 = tpu.memref_slice %arg2[%mul3A_2, %dma_start3A_37] : memref<10240x16xf32, #tpu.memory_space<hbm>> -> memref<640x16xf32, #tpu.memory_space<hbm>>
      tpu.enqueue_dma source(%dma_start3A_38 : memref<640x16xf32, #tpu.memory_space<hbm>>) target(%dma_start3A_36 : memref<640x16xf32, #tpu.memory_space<vmem_shared>>) target_semaphore(%run_scoped3A : memref<!tpu.dma_semaphore, #tpu.memory_space<semaphore_mem>>)
      %dma_wait3A = arith.constant 0 : i32
      %dma_wait3A_39 = tpu.memref_slice %arg10[%mul3A_2, %dma_wait3A] : memref<10240x16xf32, #tpu.memory_space<vmem_shared>> -> memref<640x16xf32, #tpu.memory_space<vmem_shared>>
      %dma_wait3A_40 = arith.constant 0 : i32
      %dma_wait3A_41 = tpu.memref_slice %arg2[%mul3A_2, %dma_wait3A_40] : memref<10240x16xf32, #tpu.memory_space<hbm>> -> memref<640x16xf32, #tpu.memory_space<hbm>>
      tpu.wait_dma2 semaphore(%run_scoped3A : memref<!tpu.dma_semaphore, #tpu.memory_space<semaphore_mem>>) src(%dma_wait3A_41 : memref<640x16xf32, #tpu.memory_space<hbm>>) dst(%dma_wait3A_39 : memref<640x16xf32, #tpu.memory_space<vmem_shared>>)
      tpu.yield
    }) : () -> ()
    %scan3A = arith.constant 0 : i32
    %scan3A_5 = arith.constant 40 : i32
    %scan3A_6 = arith.addi %scan3A, %scan3A_5 : i32
    %scan3A_7 = arith.constant 1 : i32
    scf.for %scan3A_36 = %scan3A to %scan3A_6 step %scan3A_7  : i32 {
      %mul3A_37 = arith.constant 1 : i32
      %mul3A_38 = arith.muli %scan3A_36, %mul3A_37 : i32
      %add3A_39 = arith.constant 0 : i32
      %add3A_40 = arith.addi %add3A_39, %mul3A_38 : i32
      %scan3A_41 = arith.constant 0 : i32
      %mul3A_42 = arith.constant 1 : i32
      %mul3A_43 = arith.muli %scan3A_41, %mul3A_42 : i32
      %add3A_44 = arith.constant 0 : i32
      %add3A_45 = arith.addi %add3A_44, %mul3A_43 : i32
      %broadcast_in_dim3A = arith.constant 0.000000e+00 : f32
      %broadcast_in_dim3A_46 = vector.broadcast %broadcast_in_dim3A : f32 to vector<16xf32>
      %mul3A_47 = arith.constant 16 : i32
      %mul3A_48 = arith.muli %add3A_45, %mul3A_47 : i32
      %swap3A = arith.index_cast %add3A_40 : i32 to index
      %swap3A_49 = arith.index_cast %mul3A_48 : i32 to index
      %swap3A_50 = tpu.vector_load %arg8[%swap3A, %swap3A_49] {strides = array<i32>} : memref<40x16xf32, #tpu.memory_space<vmem>>, vector<1x16xf32>,
      %swap3A_51 = vector.shape_cast %swap3A_50 : vector<1x16xf32> to vector<16xf32>
      %swap3A_52 = vector.shape_cast %broadcast_in_dim3A_46 : vector<16xf32> to vector<1x16xf32>
      tpu.vector_store %arg8[%swap3A, %swap3A_49], %swap3A_52 {strides = array<i32>} : memref<40x16xf32, #tpu.memory_space<vmem>>, vector<1x16xf32>,
      %scan3A_53 = arith.constant 1 : i32
    }
    %scan3A_8 = arith.constant 40 : i32
    %scan3A_9 = arith.constant 0 : i32
    %scan3A_10 = arith.constant 16 : i32
    %scan3A_11 = arith.addi %scan3A_9, %scan3A_10 : i32
    %scan3A_12 = arith.constant 1 : i32
    scf.for %scan3A_36 = %scan3A_9 to %scan3A_11 step %scan3A_12  : i32 {
      %mul3A_37 = arith.constant 1 : i32
      %mul3A_38 = arith.muli %scan3A_36, %mul3A_37 : i32
      %add3A_39 = arith.constant 0 : i32
      %add3A_40 = arith.addi %add3A_39, %mul3A_38 : i32
      %mul3A_41 = arith.constant 640 : i32
      %mul3A_42 = arith.muli %arg1, %mul3A_41 : i32
      %mul3A_43 = arith.constant 40 : i32
      %mul3A_44 = arith.muli %add3A_40, %mul3A_43 : i32
      %add3A_45 = arith.addi %mul3A_42, %mul3A_44 : i32
      %dma_start3A = arith.constant 0 : i32
      %dma_start3A_46 = tpu.memref_slice %arg9[%add3A_45, %dma_start3A] : memref<10240x16xf32, #tpu.memory_space<vmem_shared>> -> memref<40x16xf32, #tpu.memory_space<vmem_shared>>
      %dma_start3A_47 = arith.constant 0 : i32
      %dma_start3A_48 = tpu.memref_slice %arg9[%add3A_45, %dma_start3A_47] : memref<10240x16xf32, #tpu.memory_space<vmem_shared>> -> memref<40x16xf32, #tpu.memory_space<vmem_shared>>
      tpu.enqueue_dma source(%arg8 : memref<40x16xf32, #tpu.memory_space<vmem>>) target(%dma_start3A_48 : memref<40x16xf32, #tpu.memory_space<vmem_shared>>) target_semaphore(%arg11 : memref<!tpu.dma_semaphore, #tpu.memory_space<semaphore_mem>>)
    }
    %scan3A_13 = arith.constant 16 : i32
    %scan3A_14 = arith.constant 0 : i32
    %scan3A_15 = arith.constant 16 : i32
    %scan3A_16 = arith.addi %scan3A_14, %scan3A_15 : i32
    %scan3A_17 = arith.constant 1 : i32
    scf.for %scan3A_36 = %scan3A_14 to %scan3A_16 step %scan3A_17  : i32 {
      %mul3A_37 = arith.constant 1 : i32
      %mul3A_38 = arith.muli %scan3A_36, %mul3A_37 : i32
      %add3A_39 = arith.constant 0 : i32
      %add3A_40 = arith.addi %add3A_39, %mul3A_38 : i32
      %mul3A_41 = arith.constant 640 : i32
      %mul3A_42 = arith.muli %arg1, %mul3A_41 : i32
      %mul3A_43 = arith.constant 40 : i32
      %mul3A_44 = arith.muli %add3A_40, %mul3A_43 : i32
      %add3A_45 = arith.addi %mul3A_42, %mul3A_44 : i32
      %dma_wait3A = arith.constant 0 : i32
      %dma_wait3A_46 = tpu.memref_slice %arg9[%add3A_45, %dma_wait3A] : memref<10240x16xf32, #tpu.memory_space<vmem_shared>> -> memref<40x16xf32, #tpu.memory_space<vmem_shared>>
      %dma_wait3A_47 = arith.constant 0 : i32
      %dma_wait3A_48 = tpu.memref_slice %arg9[%add3A_45, %dma_wait3A_47] : memref<10240x16xf32, #tpu.memory_space<vmem_shared>> -> memref<40x16xf32, #tpu.memory_space<vmem_shared>>
      tpu.wait_dma2 semaphore(%arg11 : memref<!tpu.dma_semaphore, #tpu.memory_space<semaphore_mem>>) src(%arg8 : memref<40x16xf32, #tpu.memory_space<vmem>>) dst(%dma_wait3A_48 : memref<40x16xf32, #tpu.memory_space<vmem_shared>>)
    }
    %scan3A_18 = arith.constant 16 : i32
    %lt3A = arith.constant 31 : i32
    %lt3A_19 = arith.cmpi slt, %add3A, %lt3A : i32
    %convert_element_type3A = arith.extui %lt3A_19 : i1 to i32
    %cond3A = arith.constant 0 : i32
    %cond3A_20 = arith.cmpi ne, %convert_element_type3A, %cond3A : i32
    scf.if %cond3A_20 {
      %run_scoped3A = arith.constant 0 : i32
      "tpu.region"() ({
        %run_scoped3A_37 = tpu.sem_alloc : memref<!tpu.dma_semaphore, #tpu.memory_space<semaphore_mem>>
        %dma_start3A = arith.constant 0 : i32
        %dma_start3A_38 = arith.constant 0 : i32
        %dma_start3A_39 = tpu.memref_slice %arg3[%run_scoped3A, %dma_start3A, %dma_start3A_38] : memref<2x625x512xi32, #tpu.memory_space<hbm>> -> memref<1x625x512xi32, #tpu.memory_space<hbm>>
        %dma_start3A_40 = tpu.memref_squeeze %dma_start3A_39 : memref<1x625x512xi32, #tpu.memory_space<hbm>> -> memref<625x512xi32, #tpu.memory_space<hbm>>
        %dma_start3A_41 = arith.constant 0 : i32
        %dma_start3A_42 = tpu.memref_slice %dma_start3A_40[%mul3A_4, %dma_start3A_41] : memref<625x512xi32, #tpu.memory_space<hbm>> -> memref<20x512xi32, #tpu.memory_space<hbm>>
        %dma_start3A_43 = arith.constant 0 : i32
        %dma_start3A_44 = arith.constant 0 : i32
        %dma_start3A_45 = tpu.memref_slice %arg3[%run_scoped3A, %dma_start3A_43, %dma_start3A_44] : memref<2x625x512xi32, #tpu.memory_space<hbm>> -> memref<1x625x512xi32, #tpu.memory_space<hbm>>
        %dma_start3A_46 = tpu.memref_squeeze %dma_start3A_45 : memref<1x625x512xi32, #tpu.memory_space<hbm>> -> memref<625x512xi32, #tpu.memory_space<hbm>>
        %dma_start3A_47 = arith.constant 0 : i32
        %dma_start3A_48 = tpu.memref_slice %dma_start3A_46[%mul3A_4, %dma_start3A_47] : memref<625x512xi32, #tpu.memory_space<hbm>> -> memref<20x512xi32, #tpu.memory_space<hbm>>
        tpu.enqueue_dma source(%dma_start3A_48 : memref<20x512xi32, #tpu.memory_space<hbm>>) target(%arg5 : memref<20x512xi32, #tpu.memory_space<vmem>>) target_semaphore(%run_scoped3A_37 : memref<!tpu.dma_semaphore, #tpu.memory_space<semaphore_mem>>)
        %dma_wait3A = arith.constant 0 : i32
        %dma_wait3A_49 = arith.constant 0 : i32
        %dma_wait3A_50 = tpu.memref_slice %arg3[%run_scoped3A, %dma_wait3A, %dma_wait3A_49] : memref<2x625x512xi32, #tpu.memory_space<hbm>> -> memref<1x625x512xi32, #tpu.memory_space<hbm>>
        %dma_wait3A_51 = tpu.memref_squeeze %dma_wait3A_50 : memref<1x625x512xi32, #tpu.memory_space<hbm>> -> memref<625x512xi32, #tpu.memory_space<hbm>>
        %dma_wait3A_52 = arith.constant 0 : i32
        %dma_wait3A_53 = tpu.memref_slice %dma_wait3A_51[%mul3A_4, %dma_wait3A_52] : memref<625x512xi32, #tpu.memory_space<hbm>> -> memref<20x512xi32, #tpu.memory_space<hbm>>
        %dma_wait3A_54 = arith.constant 0 : i32
        %dma_wait3A_55 = arith.constant 0 : i32
        %dma_wait3A_56 = tpu.memref_slice %arg3[%run_scoped3A, %dma_wait3A_54, %dma_wait3A_55] : memref<2x625x512xi32, #tpu.memory_space<hbm>> -> memref<1x625x512xi32, #tpu.memory_space<hbm>>
        %dma_wait3A_57 = tpu.memref_squeeze %dma_wait3A_56 : memref<1x625x512xi32, #tpu.memory_space<hbm>> -> memref<625x512xi32, #tpu.memory_space<hbm>>
        %dma_wait3A_58 = arith.constant 0 : i32
        %dma_wait3A_59 = tpu.memref_slice %dma_wait3A_57[%mul3A_4, %dma_wait3A_58] : memref<625x512xi32, #tpu.memory_space<hbm>> -> memref<20x512xi32, #tpu.memory_space<hbm>>
        tpu.wait_dma2 semaphore(%run_scoped3A_37 : memref<!tpu.dma_semaphore, #tpu.memory_space<semaphore_mem>>) src(%dma_wait3A_59 : memref<20x512xi32, #tpu.memory_space<hbm>>) dst(%arg5 : memref<20x512xi32, #tpu.memory_space<vmem>>)
        tpu.yield
      }) : () -> ()
      %run_scoped3A_36 = arith.constant 1 : i32
      "tpu.region"() ({
        %run_scoped3A_37 = tpu.sem_alloc : memref<!tpu.dma_semaphore, #tpu.memory_space<semaphore_mem>>
        %dma_start3A = arith.constant 0 : i32
        %dma_start3A_38 = arith.constant 0 : i32
        %dma_start3A_39 = tpu.memref_slice %arg3[%run_scoped3A_36, %dma_start3A, %dma_start3A_38] : memref<2x625x512xi32, #tpu.memory_space<hbm>> -> memref<1x625x512xi32, #tpu.memory_space<hbm>>
        %dma_start3A_40 = tpu.memref_squeeze %dma_start3A_39 : memref<1x625x512xi32, #tpu.memory_space<hbm>> -> memref<625x512xi32, #tpu.memory_space<hbm>>
        %dma_start3A_41 = arith.constant 0 : i32
        %dma_start3A_42 = tpu.memref_slice %dma_start3A_40[%mul3A_4, %dma_start3A_41] : memref<625x512xi32, #tpu.memory_space<hbm>> -> memref<20x512xi32, #tpu.memory_space<hbm>>
        %dma_start3A_43 = arith.constant 0 : i32
        %dma_start3A_44 = arith.constant 0 : i32
        %dma_start3A_45 = tpu.memref_slice %arg3[%run_scoped3A_36, %dma_start3A_43, %dma_start3A_44] : memref<2x625x512xi32, #tpu.memory_space<hbm>> -> memref<1x625x512xi32, #tpu.memory_space<hbm>>
        %dma_start3A_46 = tpu.memref_squeeze %dma_start3A_45 : memref<1x625x512xi32, #tpu.memory_space<hbm>> -> memref<625x512xi32, #tpu.memory_space<hbm>>
        %dma_start3A_47 = arith.constant 0 : i32
        %dma_start3A_48 = tpu.memref_slice %dma_start3A_46[%mul3A_4, %dma_start3A_47] : memref<625x512xi32, #tpu.memory_space<hbm>> -> memref<20x512xi32, #tpu.memory_space<hbm>>
        tpu.enqueue_dma source(%dma_start3A_48 : memref<20x512xi32, #tpu.memory_space<hbm>>) target(%arg6 : memref<20x512xi32, #tpu.memory_space<vmem>>) target_semaphore(%run_scoped3A_37 : memref<!tpu.dma_semaphore, #tpu.memory_space<semaphore_mem>>)
        %dma_wait3A = arith.constant 0 : i32
        %dma_wait3A_49 = arith.constant 0 : i32
        %dma_wait3A_50 = tpu.memref_slice %arg3[%run_scoped3A_36, %dma_wait3A, %dma_wait3A_49] : memref<2x625x512xi32, #tpu.memory_space<hbm>> -> memref<1x625x512xi32, #tpu.memory_space<hbm>>
        %dma_wait3A_51 = tpu.memref_squeeze %dma_wait3A_50 : memref<1x625x512xi32, #tpu.memory_space<hbm>> -> memref<625x512xi32, #tpu.memory_space<hbm>>
        %dma_wait3A_52 = arith.constant 0 : i32
        %dma_wait3A_53 = tpu.memref_slice %dma_wait3A_51[%mul3A_4, %dma_wait3A_52] : memref<625x512xi32, #tpu.memory_space<hbm>> -> memref<20x512xi32, #tpu.memory_space<hbm>>
        %dma_wait3A_54 = arith.constant 0 : i32
        %dma_wait3A_55 = arith.constant 0 : i32
        %dma_wait3A_56 = tpu.memref_slice %arg3[%run_scoped3A_36, %dma_wait3A_54, %dma_wait3A_55] : memref<2x625x512xi32, #tpu.memory_space<hbm>> -> memref<1x625x512xi32, #tpu.memory_space<hbm>>
        %dma_wait3A_57 = tpu.memref_squeeze %dma_wait3A_56 : memref<1x625x512xi32, #tpu.memory_space<hbm>> -> memref<625x512xi32, #tpu.memory_space<hbm>>
        %dma_wait3A_58 = arith.constant 0 : i32
        %dma_wait3A_59 = tpu.memref_slice %dma_wait3A_57[%mul3A_4, %dma_wait3A_58] : memref<625x512xi32, #tpu.memory_space<hbm>> -> memref<20x512xi32, #tpu.memory_space<hbm>>
        tpu.wait_dma2 semaphore(%run_scoped3A_37 : memref<!tpu.dma_semaphore, #tpu.memory_space<semaphore_mem>>) src(%dma_wait3A_59 : memref<20x512xi32, #tpu.memory_space<hbm>>) dst(%arg6 : memref<20x512xi32, #tpu.memory_space<vmem>>)
        tpu.yield
      }) : () -> ()
    } else {
    }
    %eq3A = arith.constant 31 : i32
    %eq3A_21 = arith.cmpi eq, %add3A, %eq3A : i32
    %convert_element_type3A_22 = arith.extui %eq3A_21 : i1 to i32
    %cond3A_23 = arith.constant 0 : i32
    %cond3A_24 = arith.cmpi ne, %convert_element_type3A_22, %cond3A_23 : i32
    scf.if %cond3A_24 {
      %run_scoped3A = arith.constant 0 : i32
      "tpu.region"() ({
        %run_scoped3A_37 = tpu.sem_alloc : memref<!tpu.dma_semaphore, #tpu.memory_space<semaphore_mem>>
        %dma_start3A = arith.constant 0 : i32
        %dma_start3A_38 = arith.constant 0 : i32
        %dma_start3A_39 = tpu.memref_slice %arg5[%dma_start3A, %dma_start3A_38] : memref<20x512xi32, #tpu.memory_space<vmem>> -> memref<5x512xi32, #tpu.memory_space<vmem>>
        %dma_start3A_40 = arith.constant 0 : i32
        %dma_start3A_41 = arith.constant 0 : i32
        %dma_start3A_42 = tpu.memref_slice %arg3[%run_scoped3A, %dma_start3A_40, %dma_start3A_41] : memref<2x625x512xi32, #tpu.memory_space<hbm>> -> memref<1x625x512xi32, #tpu.memory_space<hbm>>
        %dma_start3A_43 = tpu.memref_squeeze %dma_start3A_42 : memref<1x625x512xi32, #tpu.memory_space<hbm>> -> memref<625x512xi32, #tpu.memory_space<hbm>>
        %dma_start3A_44 = arith.constant 0 : i32
        %dma_start3A_45 = tpu.memref_slice %dma_start3A_43[%mul3A_4, %dma_start3A_44] : memref<625x512xi32, #tpu.memory_space<hbm>> -> memref<5x512xi32, #tpu.memory_space<hbm>>
        %dma_start3A_46 = arith.constant 0 : i32
        %dma_start3A_47 = arith.constant 0 : i32
        %dma_start3A_48 = tpu.memref_slice %arg5[%dma_start3A_46, %dma_start3A_47] : memref<20x512xi32, #tpu.memory_space<vmem>> -> memref<5x512xi32, #tpu.memory_space<vmem>>
        %dma_start3A_49 = arith.constant 0 : i32
        %dma_start3A_50 = arith.constant 0 : i32
        %dma_start3A_51 = tpu.memref_slice %arg3[%run_scoped3A, %dma_start3A_49, %dma_start3A_50] : memref<2x625x512xi32, #tpu.memory_space<hbm>> -> memref<1x625x512xi32, #tpu.memory_space<hbm>>
        %dma_start3A_52 = tpu.memref_squeeze %dma_start3A_51 : memref<1x625x512xi32, #tpu.memory_space<hbm>> -> memref<625x512xi32, #tpu.memory_space<hbm>>
        %dma_start3A_53 = arith.constant 0 : i32
        %dma_start3A_54 = tpu.memref_slice %dma_start3A_52[%mul3A_4, %dma_start3A_53] : memref<625x512xi32, #tpu.memory_space<hbm>> -> memref<5x512xi32, #tpu.memory_space<hbm>>
        tpu.enqueue_dma source(%dma_start3A_54 : memref<5x512xi32, #tpu.memory_space<hbm>>) target(%dma_start3A_48 : memref<5x512xi32, #tpu.memory_space<vmem>>) target_semaphore(%run_scoped3A_37 : memref<!tpu.dma_semaphore, #tpu.memory_space<semaphore_mem>>)
        %dma_wait3A = arith.constant 0 : i32
        %dma_wait3A_55 = arith.constant 0 : i32
        %dma_wait3A_56 = tpu.memref_slice %arg5[%dma_wait3A, %dma_wait3A_55] : memref<20x512xi32, #tpu.memory_space<vmem>> -> memref<5x512xi32, #tpu.memory_space<vmem>>
        %dma_wait3A_57 = arith.constant 0 : i32
        %dma_wait3A_58 = arith.constant 0 : i32
        %dma_wait3A_59 = tpu.memref_slice %arg3[%run_scoped3A, %dma_wait3A_57, %dma_wait3A_58] : memref<2x625x512xi32, #tpu.memory_space<hbm>> -> memref<1x625x512xi32, #tpu.memory_space<hbm>>
        %dma_wait3A_60 = tpu.memref_squeeze %dma_wait3A_59 : memref<1x625x512xi32, #tpu.memory_space<hbm>> -> memref<625x512xi32, #tpu.memory_space<hbm>>
        %dma_wait3A_61 = arith.constant 0 : i32
        %dma_wait3A_62 = tpu.memref_slice %dma_wait3A_60[%mul3A_4, %dma_wait3A_61] : memref<625x512xi32, #tpu.memory_space<hbm>> -> memref<5x512xi32, #tpu.memory_space<hbm>>
        %dma_wait3A_63 = arith.constant 0 : i32
        %dma_wait3A_64 = arith.constant 0 : i32
        %dma_wait3A_65 = tpu.memref_slice %arg5[%dma_wait3A_63, %dma_wait3A_64] : memref<20x512xi32, #tpu.memory_space<vmem>> -> memref<5x512xi32, #tpu.memory_space<vmem>>
        %dma_wait3A_66 = arith.constant 0 : i32
        %dma_wait3A_67 = arith.constant 0 : i32
        %dma_wait3A_68 = tpu.memref_slice %arg3[%run_scoped3A, %dma_wait3A_66, %dma_wait3A_67] : memref<2x625x512xi32, #tpu.memory_space<hbm>> -> memref<1x625x512xi32, #tpu.memory_space<hbm>>
        %dma_wait3A_69 = tpu.memref_squeeze %dma_wait3A_68 : memref<1x625x512xi32, #tpu.memory_space<hbm>> -> memref<625x512xi32, #tpu.memory_space<hbm>>
        %dma_wait3A_70 = arith.constant 0 : i32
        %dma_wait3A_71 = tpu.memref_slice %dma_wait3A_69[%mul3A_4, %dma_wait3A_70] : memref<625x512xi32, #tpu.memory_space<hbm>> -> memref<5x512xi32, #tpu.memory_space<hbm>>
        tpu.wait_dma2 semaphore(%run_scoped3A_37 : memref<!tpu.dma_semaphore, #tpu.memory_space<semaphore_mem>>) src(%dma_wait3A_71 : memref<5x512xi32, #tpu.memory_space<hbm>>) dst(%dma_wait3A_65 : memref<5x512xi32, #tpu.memory_space<vmem>>)
        tpu.yield
      }) : () -> ()
      %run_scoped3A_36 = arith.constant 1 : i32
      "tpu.region"() ({
        %run_scoped3A_37 = tpu.sem_alloc : memref<!tpu.dma_semaphore, #tpu.memory_space<semaphore_mem>>
        %dma_start3A = arith.constant 0 : i32
        %dma_start3A_38 = arith.constant 0 : i32
        %dma_start3A_39 = tpu.memref_slice %arg6[%dma_start3A, %dma_start3A_38] : memref<20x512xi32, #tpu.memory_space<vmem>> -> memref<5x512xi32, #tpu.memory_space<vmem>>
        %dma_start3A_40 = arith.constant 0 : i32
        %dma_start3A_41 = arith.constant 0 : i32
        %dma_start3A_42 = tpu.memref_slice %arg3[%run_scoped3A_36, %dma_start3A_40, %dma_start3A_41] : memref<2x625x512xi32, #tpu.memory_space<hbm>> -> memref<1x625x512xi32, #tpu.memory_space<hbm>>
        %dma_start3A_43 = tpu.memref_squeeze %dma_start3A_42 : memref<1x625x512xi32, #tpu.memory_space<hbm>> -> memref<625x512xi32, #tpu.memory_space<hbm>>
        %dma_start3A_44 = arith.constant 0 : i32
        %dma_start3A_45 = tpu.memref_slice %dma_start3A_43[%mul3A_4, %dma_start3A_44] : memref<625x512xi32, #tpu.memory_space<hbm>> -> memref<5x512xi32, #tpu.memory_space<hbm>>
        %dma_start3A_46 = arith.constant 0 : i32
        %dma_start3A_47 = arith.constant 0 : i32
        %dma_start3A_48 = tpu.memref_slice %arg6[%dma_start3A_46, %dma_start3A_47] : memref<20x512xi32, #tpu.memory_space<vmem>> -> memref<5x512xi32, #tpu.memory_space<vmem>>
        %dma_start3A_49 = arith.constant 0 : i32
        %dma_start3A_50 = arith.constant 0 : i32
        %dma_start3A_51 = tpu.memref_slice %arg3[%run_scoped3A_36, %dma_start3A_49, %dma_start3A_50] : memref<2x625x512xi32, #tpu.memory_space<hbm>> -> memref<1x625x512xi32, #tpu.memory_space<hbm>>
        %dma_start3A_52 = tpu.memref_squeeze %dma_start3A_51 : memref<1x625x512xi32, #tpu.memory_space<hbm>> -> memref<625x512xi32, #tpu.memory_space<hbm>>
        %dma_start3A_53 = arith.constant 0 : i32
        %dma_start3A_54 = tpu.memref_slice %dma_start3A_52[%mul3A_4, %dma_start3A_53] : memref<625x512xi32, #tpu.memory_space<hbm>> -> memref<5x512xi32, #tpu.memory_space<hbm>>
        tpu.enqueue_dma source(%dma_start3A_54 : memref<5x512xi32, #tpu.memory_space<hbm>>) target(%dma_start3A_48 : memref<5x512xi32, #tpu.memory_space<vmem>>) target_semaphore(%run_scoped3A_37 : memref<!tpu.dma_semaphore, #tpu.memory_space<semaphore_mem>>)
        %dma_wait3A = arith.constant 0 : i32
        %dma_wait3A_55 = arith.constant 0 : i32
        %dma_wait3A_56 = tpu.memref_slice %arg6[%dma_wait3A, %dma_wait3A_55] : memref<20x512xi32, #tpu.memory_space<vmem>> -> memref<5x512xi32, #tpu.memory_space<vmem>>
        %dma_wait3A_57 = arith.constant 0 : i32
        %dma_wait3A_58 = arith.constant 0 : i32
        %dma_wait3A_59 = tpu.memref_slice %arg3[%run_scoped3A_36, %dma_wait3A_57, %dma_wait3A_58] : memref<2x625x512xi32, #tpu.memory_space<hbm>> -> memref<1x625x512xi32, #tpu.memory_space<hbm>>
        %dma_wait3A_60 = tpu.memref_squeeze %dma_wait3A_59 : memref<1x625x512xi32, #tpu.memory_space<hbm>> -> memref<625x512xi32, #tpu.memory_space<hbm>>
        %dma_wait3A_61 = arith.constant 0 : i32
        %dma_wait3A_62 = tpu.memref_slice %dma_wait3A_60[%mul3A_4, %dma_wait3A_61] : memref<625x512xi32, #tpu.memory_space<hbm>> -> memref<5x512xi32, #tpu.memory_space<hbm>>
        %dma_wait3A_63 = arith.constant 0 : i32
        %dma_wait3A_64 = arith.constant 0 : i32
        %dma_wait3A_65 = tpu.memref_slice %arg6[%dma_wait3A_63, %dma_wait3A_64] : memref<20x512xi32, #tpu.memory_space<vmem>> -> memref<5x512xi32, #tpu.memory_space<vmem>>
        %dma_wait3A_66 = arith.constant 0 : i32
        %dma_wait3A_67 = arith.constant 0 : i32
        %dma_wait3A_68 = tpu.memref_slice %arg3[%run_scoped3A_36, %dma_wait3A_66, %dma_wait3A_67] : memref<2x625x512xi32, #tpu.memory_space<hbm>> -> memref<1x625x512xi32, #tpu.memory_space<hbm>>
        %dma_wait3A_69 = tpu.memref_squeeze %dma_wait3A_68 : memref<1x625x512xi32, #tpu.memory_space<hbm>> -> memref<625x512xi32, #tpu.memory_space<hbm>>
        %dma_wait3A_70 = arith.constant 0 : i32
        %dma_wait3A_71 = tpu.memref_slice %dma_wait3A_69[%mul3A_4, %dma_wait3A_70] : memref<625x512xi32, #tpu.memory_space<hbm>> -> memref<5x512xi32, #tpu.memory_space<hbm>>
        tpu.wait_dma2 semaphore(%run_scoped3A_37 : memref<!tpu.dma_semaphore, #tpu.memory_space<semaphore_mem>>) src(%dma_wait3A_71 : memref<5x512xi32, #tpu.memory_space<hbm>>) dst(%dma_wait3A_65 : memref<5x512xi32, #tpu.memory_space<vmem>>)
        tpu.yield
      }) : () -> ()
    } else {
    }
    %barrier3A = arith.constant 0 : index
    tpu.barrier barrier_id(%barrier3A)
    %lt3A_25 = arith.constant 31 : i32
    %lt3A_26 = arith.cmpi slt, %add3A, %lt3A_25 : i32
    %convert_element_type3A_27 = arith.extui %lt3A_26 : i1 to i32
    %cond3A_28 = arith.constant 0 : i32
    %cond3A_29 = arith.cmpi ne, %convert_element_type3A_27, %cond3A_28 : i32
    scf.if %cond3A_29 {
      %dma_start3A = arith.constant 0 : i32
      %dma_start3A_36 = arith.constant 0 : i32
      %dma_start3A_37 = arith.constant 0 : i32
      %dma_start3A_38 = arith.constant 0 : i32
      %dma_start3A_39 = tpu.memref_slice %arg7[%dma_start3A_36, %dma_start3A_37, %dma_start3A_38] : memref<2x512x16xf32, #tpu.memory_space<vmem>> -> memref<1x512x16xf32, #tpu.memory_space<vmem>>
      %dma_start3A_40 = tpu.memref_squeeze %dma_start3A_39 : memref<1x512x16xf32, #tpu.memory_space<vmem>> -> memref<512x16xf32, #tpu.memory_space<vmem>>
      %dma_start3A_41 = arith.constant 0 : i32
      %dma_start3A_42 = tpu.memref_slice %arg5[%dma_start3A, %dma_start3A_41] : memref<20x512xi32, #tpu.memory_space<vmem>> -> memref<1x512xi32, #tpu.memory_space<vmem>>
      %dma_start3A_43 = tpu.memref_squeeze %dma_start3A_42 : memref<1x512xi32, #tpu.memory_space<vmem>> -> memref<512xi32, #tpu.memory_space<vmem>>
      %dma_start3A_44 = arith.constant 0 : i32
      %dma_start3A_45 = arith.constant 0 : i32
      %dma_start3A_46 = tpu.memref_slice %arg10[%dma_start3A_44, %dma_start3A_45] : memref<10240x16xf32, #tpu.memory_space<vmem_shared>> -> memref<10240x16xf32, #tpu.memory_space<vmem_shared>>
      tpu.enqueue_indirect_dma source(%dma_start3A_46 : memref<10240x16xf32, #tpu.memory_space<vmem_shared>>) target(%dma_start3A_40 : memref<512x16xf32, #tpu.memory_space<vmem>>) offsets(%dma_start3A_43 : memref<512xi32, #tpu.memory_space<vmem>>) semaphore(%arg11 : memref<!tpu.dma_semaphore, #tpu.memory_space<semaphore_mem>>)
      %scan3A_47 = arith.constant 0 : i32
      %scan3A_48 = arith.constant 10 : i32
      %scan3A_49 = arith.addi %scan3A_47, %scan3A_48 : i32
      %scan3A_50 = arith.constant 1 : i32
      scf.for %scan3A_52 = %scan3A_47 to %scan3A_49 step %scan3A_50  : i32 {
        %mul3A_53 = arith.constant 1 : i32
        %mul3A_54 = arith.muli %scan3A_52, %mul3A_53 : i32
        %add3A_55 = arith.constant 0 : i32
        %add3A_56 = arith.addi %add3A_55, %mul3A_54 : i32
        %mul3A_57 = arith.constant 2 : i32
        %mul3A_58 = arith.muli %add3A_56, %mul3A_57 : i32
        %add3A_59 = arith.constant 1 : i32
        %add3A_60 = arith.addi %mul3A_58, %add3A_59 : i32
        %dma_start3A_61 = arith.constant 1 : i32
        %dma_start3A_62 = arith.constant 0 : i32
        %dma_start3A_63 = arith.constant 0 : i32
        %dma_start3A_64 = tpu.memref_slice %arg7[%dma_start3A_61, %dma_start3A_62, %dma_start3A_63] : memref<2x512x16xf32, #tpu.memory_space<vmem>> -> memref<1x512x16xf32, #tpu.memory_space<vmem>>
        %dma_start3A_65 = tpu.memref_squeeze %dma_start3A_64 : memref<1x512x16xf32, #tpu.memory_space<vmem>> -> memref<512x16xf32, #tpu.memory_space<vmem>>
        %dma_start3A_66 = arith.constant 0 : i32
        %dma_start3A_67 = tpu.memref_slice %arg5[%add3A_60, %dma_start3A_66] : memref<20x512xi32, #tpu.memory_space<vmem>> -> memref<1x512xi32, #tpu.memory_space<vmem>>
        %dma_start3A_68 = tpu.memref_squeeze %dma_start3A_67 : memref<1x512xi32, #tpu.memory_space<vmem>> -> memref<512xi32, #tpu.memory_space<vmem>>
        %dma_start3A_69 = arith.constant 0 : i32
        %dma_start3A_70 = arith.constant 0 : i32
        %dma_start3A_71 = tpu.memref_slice %arg10[%dma_start3A_69, %dma_start3A_70] : memref<10240x16xf32, #tpu.memory_space<vmem_shared>> -> memref<10240x16xf32, #tpu.memory_space<vmem_shared>>
        tpu.enqueue_indirect_dma source(%dma_start3A_71 : memref<10240x16xf32, #tpu.memory_space<vmem_shared>>) target(%dma_start3A_65 : memref<512x16xf32, #tpu.memory_space<vmem>>) offsets(%dma_start3A_68 : memref<512xi32, #tpu.memory_space<vmem>>) semaphore(%arg12 : memref<!tpu.dma_semaphore, #tpu.memory_space<semaphore_mem>>)
        %dma_wait3A = arith.constant 0 : i32
        %dma_wait3A_72 = arith.constant 0 : i32
        %dma_wait3A_73 = arith.constant 0 : i32
        %dma_wait3A_74 = tpu.memref_slice %arg7[%dma_wait3A, %dma_wait3A_72, %dma_wait3A_73] : memref<2x512x16xf32, #tpu.memory_space<vmem>> -> memref<1x512x16xf32, #tpu.memory_space<vmem>>
        %dma_wait3A_75 = tpu.memref_squeeze %dma_wait3A_74 : memref<1x512x16xf32, #tpu.memory_space<vmem>> -> memref<512x16xf32, #tpu.memory_space<vmem>>
        %dma_wait3A_76 = arith.constant 0 : i32
        %dma_wait3A_77 = tpu.memref_slice %arg5[%mul3A_58, %dma_wait3A_76] : memref<20x512xi32, #tpu.memory_space<vmem>> -> memref<1x512xi32, #tpu.memory_space<vmem>>
        %dma_wait3A_78 = tpu.memref_squeeze %dma_wait3A_77 : memref<1x512xi32, #tpu.memory_space<vmem>> -> memref<512xi32, #tpu.memory_space<vmem>>
        %dma_wait3A_79 = arith.constant 0 : i32
        %dma_wait3A_80 = arith.constant 0 : i32
        %dma_wait3A_81 = tpu.memref_slice %arg10[%dma_wait3A_79, %dma_wait3A_80] : memref<10240x16xf32, #tpu.memory_space<vmem_shared>> -> memref<10240x16xf32, #tpu.memory_space<vmem_shared>>
        tpu.wait_indirect_dma semaphore(%arg11 : memref<!tpu.dma_semaphore, #tpu.memory_space<semaphore_mem>>) src(%dma_wait3A_81 : memref<10240x16xf32, #tpu.memory_space<vmem_shared>>) dst(%dma_wait3A_75 : memref<512x16xf32, #tpu.memory_space<vmem>>)
        %dma_start3A_82 = arith.constant 0 : i32
        %dma_start3A_83 = arith.constant 0 : i32
        %dma_start3A_84 = arith.constant 0 : i32
        %dma_start3A_85 = tpu.memref_slice %arg7[%dma_start3A_82, %dma_start3A_83, %dma_start3A_84] : memref<2x512x16xf32, #tpu.memory_space<vmem>> -> memref<1x512x16xf32, #tpu.memory_space<vmem>>
        %dma_start3A_86 = tpu.memref_squeeze %dma_start3A_85 : memref<1x512x16xf32, #tpu.memory_space<vmem>> -> memref<512x16xf32, #tpu.memory_space<vmem>>
        %dma_start3A_87 = arith.constant 0 : i32
        %dma_start3A_88 = tpu.memref_slice %arg6[%mul3A_58, %dma_start3A_87] : memref<20x512xi32, #tpu.memory_space<vmem>> -> memref<1x512xi32, #tpu.memory_space<vmem>>
        %dma_start3A_89 = tpu.memref_squeeze %dma_start3A_88 : memref<1x512xi32, #tpu.memory_space<vmem>> -> memref<512xi32, #tpu.memory_space<vmem>>
        %dma_start3A_90 = arith.constant 0 : i32
        %dma_start3A_91 = arith.constant 0 : i32
        %dma_start3A_92 = tpu.memref_slice %arg9[%dma_start3A_90, %dma_start3A_91] : memref<10240x16xf32, #tpu.memory_space<vmem_shared>> -> memref<10240x16xf32, #tpu.memory_space<vmem_shared>>
        tpu.enqueue_indirect_dma source(%dma_start3A_86 : memref<512x16xf32, #tpu.memory_space<vmem>>) target(%dma_start3A_92 : memref<10240x16xf32, #tpu.memory_space<vmem_shared>>) offsets(%dma_start3A_89 : memref<512xi32, #tpu.memory_space<vmem>>) semaphore(%arg13 : memref<!tpu.dma_semaphore, #tpu.memory_space<semaphore_mem>>) {add = true}
        %dma_wait3A_93 = arith.constant 0 : i32
        %dma_wait3A_94 = arith.constant 0 : i32
        %dma_wait3A_95 = arith.constant 0 : i32
        %dma_wait3A_96 = tpu.memref_slice %arg7[%dma_wait3A_93, %dma_wait3A_94, %dma_wait3A_95] : memref<2x512x16xf32, #tpu.memory_space<vmem>> -> memref<1x512x16xf32, #tpu.memory_space<vmem>>
        %dma_wait3A_97 = tpu.memref_squeeze %dma_wait3A_96 : memref<1x512x16xf32, #tpu.memory_space<vmem>> -> memref<512x16xf32, #tpu.memory_space<vmem>>
        %dma_wait3A_98 = arith.constant 0 : i32
        %dma_wait3A_99 = tpu.memref_slice %arg6[%mul3A_58, %dma_wait3A_98] : memref<20x512xi32, #tpu.memory_space<vmem>> -> memref<1x512xi32, #tpu.memory_space<vmem>>
        %dma_wait3A_100 = tpu.memref_squeeze %dma_wait3A_99 : memref<1x512xi32, #tpu.memory_space<vmem>> -> memref<512xi32, #tpu.memory_space<vmem>>
        %dma_wait3A_101 = arith.constant 0 : i32
        %dma_wait3A_102 = arith.constant 0 : i32
        %dma_wait3A_103 = tpu.memref_slice %arg9[%dma_wait3A_101, %dma_wait3A_102] : memref<10240x16xf32, #tpu.memory_space<vmem_shared>> -> memref<10240x16xf32, #tpu.memory_space<vmem_shared>>
        tpu.wait_indirect_dma semaphore(%arg13 : memref<!tpu.dma_semaphore, #tpu.memory_space<semaphore_mem>>) src(%dma_wait3A_97 : memref<512x16xf32, #tpu.memory_space<vmem>>) dst(%dma_wait3A_103 : memref<10240x16xf32, #tpu.memory_space<vmem_shared>>)
        %lt3A_104 = arith.constant 9 : i32
        %lt3A_105 = arith.cmpi slt, %add3A_56, %lt3A_104 : i32
        %convert_element_type3A_106 = arith.extui %lt3A_105 : i1 to i32
        %cond3A_107 = arith.constant 0 : i32
        %cond3A_108 = arith.cmpi ne, %convert_element_type3A_106, %cond3A_107 : i32
        scf.if %cond3A_108 {
          %add3A_144 = arith.constant 2 : i32
          %add3A_145 = arith.addi %mul3A_58, %add3A_144 : i32
          %dma_start3A_146 = arith.constant 0 : i32
          %dma_start3A_147 = arith.constant 0 : i32
          %dma_start3A_148 = arith.constant 0 : i32
          %dma_start3A_149 = tpu.memref_slice %arg7[%dma_start3A_146, %dma_start3A_147, %dma_start3A_148] : memref<2x512x16xf32, #tpu.memory_space<vmem>> -> memref<1x512x16xf32, #tpu.memory_space<vmem>>
          %dma_start3A_150 = tpu.memref_squeeze %dma_start3A_149 : memref<1x512x16xf32, #tpu.memory_space<vmem>> -> memref<512x16xf32, #tpu.memory_space<vmem>>
          %dma_start3A_151 = arith.constant 0 : i32
          %dma_start3A_152 = tpu.memref_slice %arg5[%add3A_145, %dma_start3A_151] : memref<20x512xi32, #tpu.memory_space<vmem>> -> memref<1x512xi32, #tpu.memory_space<vmem>>
          %dma_start3A_153 = tpu.memref_squeeze %dma_start3A_152 : memref<1x512xi32, #tpu.memory_space<vmem>> -> memref<512xi32, #tpu.memory_space<vmem>>
          %dma_start3A_154 = arith.constant 0 : i32
          %dma_start3A_155 = arith.constant 0 : i32
          %dma_start3A_156 = tpu.memref_slice %arg10[%dma_start3A_154, %dma_start3A_155] : memref<10240x16xf32, #tpu.memory_space<vmem_shared>> -> memref<10240x16xf32, #tpu.memory_space<vmem_shared>>
          tpu.enqueue_indirect_dma source(%dma_start3A_156 : memref<10240x16xf32, #tpu.memory_space<vmem_shared>>) target(%dma_start3A_150 : memref<512x16xf32, #tpu.memory_space<vmem>>) offsets(%dma_start3A_153 : memref<512xi32, #tpu.memory_space<vmem>>) semaphore(%arg11 : memref<!tpu.dma_semaphore, #tpu.memory_space<semaphore_mem>>)
        } else {
        }
        %dma_wait3A_109 = arith.constant 1 : i32
        %dma_wait3A_110 = arith.constant 0 : i32
        %dma_wait3A_111 = arith.constant 0 : i32
        %dma_wait3A_112 = tpu.memref_slice %arg7[%dma_wait3A_109, %dma_wait3A_110, %dma_wait3A_111] : memref<2x512x16xf32, #tpu.memory_space<vmem>> -> memref<1x512x16xf32, #tpu.memory_space<vmem>>
        %dma_wait3A_113 = tpu.memref_squeeze %dma_wait3A_112 : memref<1x512x16xf32, #tpu.memory_space<vmem>> -> memref<512x16xf32, #tpu.memory_space<vmem>>
        %dma_wait3A_114 = arith.constant 0 : i32
        %dma_wait3A_115 = tpu.memref_slice %arg5[%add3A_60, %dma_wait3A_114] : memref<20x512xi32, #tpu.memory_space<vmem>> -> memref<1x512xi32, #tpu.memory_space<vmem>>
        %dma_wait3A_116 = tpu.memref_squeeze %dma_wait3A_115 : memref<1x512xi32, #tpu.memory_space<vmem>> -> memref<512xi32, #tpu.memory_space<vmem>>
        %dma_wait3A_117 = arith.constant 0 : i32
        %dma_wait3A_118 = arith.constant 0 : i32
        %dma_wait3A_119 = tpu.memref_slice %arg10[%dma_wait3A_117, %dma_wait3A_118] : memref<10240x16xf32, #tpu.memory_space<vmem_shared>> -> memref<10240x16xf32, #tpu.memory_space<vmem_shared>>
        tpu.wait_indirect_dma semaphore(%arg12 : memref<!tpu.dma_semaphore, #tpu.memory_space<semaphore_mem>>) src(%dma_wait3A_119 : memref<10240x16xf32, #tpu.memory_space<vmem_shared>>) dst(%dma_wait3A_113 : memref<512x16xf32, #tpu.memory_space<vmem>>)
        %add3A_120 = arith.constant 1 : i32
        %add3A_121 = arith.addi %mul3A_58, %add3A_120 : i32
        %dma_start3A_122 = arith.constant 1 : i32
        %dma_start3A_123 = arith.constant 0 : i32
        %dma_start3A_124 = arith.constant 0 : i32
        %dma_start3A_125 = tpu.memref_slice %arg7[%dma_start3A_122, %dma_start3A_123, %dma_start3A_124] : memref<2x512x16xf32, #tpu.memory_space<vmem>> -> memref<1x512x16xf32, #tpu.memory_space<vmem>>
        %dma_start3A_126 = tpu.memref_squeeze %dma_start3A_125 : memref<1x512x16xf32, #tpu.memory_space<vmem>> -> memref<512x16xf32, #tpu.memory_space<vmem>>
        %dma_start3A_127 = arith.constant 0 : i32
        %dma_start3A_128 = tpu.memref_slice %arg6[%add3A_121, %dma_start3A_127] : memref<20x512xi32, #tpu.memory_space<vmem>> -> memref<1x512xi32, #tpu.memory_space<vmem>>
        %dma_start3A_129 = tpu.memref_squeeze %dma_start3A_128 : memref<1x512xi32, #tpu.memory_space<vmem>> -> memref<512xi32, #tpu.memory_space<vmem>>
        %dma_start3A_130 = arith.constant 0 : i32
        %dma_start3A_131 = arith.constant 0 : i32
        %dma_start3A_132 = tpu.memref_slice %arg9[%dma_start3A_130, %dma_start3A_131] : memref<10240x16xf32, #tpu.memory_space<vmem_shared>> -> memref<10240x16xf32, #tpu.memory_space<vmem_shared>>
        tpu.enqueue_indirect_dma source(%dma_start3A_126 : memref<512x16xf32, #tpu.memory_space<vmem>>) target(%dma_start3A_132 : memref<10240x16xf32, #tpu.memory_space<vmem_shared>>) offsets(%dma_start3A_129 : memref<512xi32, #tpu.memory_space<vmem>>) semaphore(%arg13 : memref<!tpu.dma_semaphore, #tpu.memory_space<semaphore_mem>>) {add = true}
        %dma_wait3A_133 = arith.constant 1 : i32
        %dma_wait3A_134 = arith.constant 0 : i32
        %dma_wait3A_135 = arith.constant 0 : i32
        %dma_wait3A_136 = tpu.memref_slice %arg7[%dma_wait3A_133, %dma_wait3A_134, %dma_wait3A_135] : memref<2x512x16xf32, #tpu.memory_space<vmem>> -> memref<1x512x16xf32, #tpu.memory_space<vmem>>
        %dma_wait3A_137 = tpu.memref_squeeze %dma_wait3A_136 : memref<1x512x16xf32, #tpu.memory_space<vmem>> -> memref<512x16xf32, #tpu.memory_space<vmem>>
        %dma_wait3A_138 = arith.constant 0 : i32
        %dma_wait3A_139 = tpu.memref_slice %arg6[%add3A_121, %dma_wait3A_138] : memref<20x512xi32, #tpu.memory_space<vmem>> -> memref<1x512xi32, #tpu.memory_space<vmem>>
        %dma_wait3A_140 = tpu.memref_squeeze %dma_wait3A_139 : memref<1x512xi32, #tpu.memory_space<vmem>> -> memref<512xi32, #tpu.memory_space<vmem>>
        %dma_wait3A_141 = arith.constant 0 : i32
        %dma_wait3A_142 = arith.constant 0 : i32
        %dma_wait3A_143 = tpu.memref_slice %arg9[%dma_wait3A_141, %dma_wait3A_142] : memref<10240x16xf32, #tpu.memory_space<vmem_shared>> -> memref<10240x16xf32, #tpu.memory_space<vmem_shared>>
        tpu.wait_indirect_dma semaphore(%arg13 : memref<!tpu.dma_semaphore, #tpu.memory_space<semaphore_mem>>) src(%dma_wait3A_137 : memref<512x16xf32, #tpu.memory_space<vmem>>) dst(%dma_wait3A_143 : memref<10240x16xf32, #tpu.memory_space<vmem_shared>>)
      }
      %scan3A_51 = arith.constant 10 : i32
    } else {
    }
    %eq3A_30 = arith.constant 31 : i32
    %eq3A_31 = arith.cmpi eq, %add3A, %eq3A_30 : i32
    %convert_element_type3A_32 = arith.extui %eq3A_31 : i1 to i32
    %cond3A_33 = arith.constant 0 : i32
    %cond3A_34 = arith.cmpi ne, %convert_element_type3A_32, %cond3A_33 : i32
    scf.if %cond3A_34 {
      %scan3A_36 = arith.constant 0 : i32
      %scan3A_37 = arith.constant 5 : i32
      %scan3A_38 = arith.addi %scan3A_36, %scan3A_37 : i32
      %scan3A_39 = arith.constant 1 : i32
      scf.for %scan3A_41 = %scan3A_36 to %scan3A_38 step %scan3A_39  : i32 {
        %mul3A_42 = arith.constant 1 : i32
        %mul3A_43 = arith.muli %scan3A_41, %mul3A_42 : i32
        %add3A_44 = arith.constant 0 : i32
        %add3A_45 = arith.addi %add3A_44, %mul3A_43 : i32
        %run_scoped3A = arith.constant 0 : i32
        "tpu.region"() ({
          %run_scoped3A_47 = tpu.sem_alloc : memref<!tpu.dma_semaphore, #tpu.memory_space<semaphore_mem>>
          %dma_start3A = arith.constant 0 : i32
          %dma_start3A_48 = arith.constant 0 : i32
          %dma_start3A_49 = tpu.memref_slice %arg7[%run_scoped3A, %dma_start3A, %dma_start3A_48] : memref<2x512x16xf32, #tpu.memory_space<vmem>> -> memref<1x512x16xf32, #tpu.memory_space<vmem>>
          %dma_start3A_50 = tpu.memref_squeeze %dma_start3A_49 : memref<1x512x16xf32, #tpu.memory_space<vmem>> -> memref<512x16xf32, #tpu.memory_space<vmem>>
          %dma_start3A_51 = arith.constant 0 : i32
          %dma_start3A_52 = tpu.memref_slice %arg5[%add3A_45, %dma_start3A_51] : memref<20x512xi32, #tpu.memory_space<vmem>> -> memref<1x512xi32, #tpu.memory_space<vmem>>
          %dma_start3A_53 = tpu.memref_squeeze %dma_start3A_52 : memref<1x512xi32, #tpu.memory_space<vmem>> -> memref<512xi32, #tpu.memory_space<vmem>>
          %dma_start3A_54 = arith.constant 0 : i32
          %dma_start3A_55 = arith.constant 0 : i32
          %dma_start3A_56 = tpu.memref_slice %arg10[%dma_start3A_54, %dma_start3A_55] : memref<10240x16xf32, #tpu.memory_space<vmem_shared>> -> memref<10240x16xf32, #tpu.memory_space<vmem_shared>>
          tpu.enqueue_indirect_dma source(%dma_start3A_56 : memref<10240x16xf32, #tpu.memory_space<vmem_shared>>) target(%dma_start3A_50 : memref<512x16xf32, #tpu.memory_space<vmem>>) offsets(%dma_start3A_53 : memref<512xi32, #tpu.memory_space<vmem>>) semaphore(%run_scoped3A_47 : memref<!tpu.dma_semaphore, #tpu.memory_space<semaphore_mem>>)
          %dma_wait3A = arith.constant 0 : i32
          %dma_wait3A_57 = arith.constant 0 : i32
          %dma_wait3A_58 = tpu.memref_slice %arg7[%run_scoped3A, %dma_wait3A, %dma_wait3A_57] : memref<2x512x16xf32, #tpu.memory_space<vmem>> -> memref<1x512x16xf32, #tpu.memory_space<vmem>>
          %dma_wait3A_59 = tpu.memref_squeeze %dma_wait3A_58 : memref<1x512x16xf32, #tpu.memory_space<vmem>> -> memref<512x16xf32, #tpu.memory_space<vmem>>
          %dma_wait3A_60 = arith.constant 0 : i32
          %dma_wait3A_61 = tpu.memref_slice %arg5[%add3A_45, %dma_wait3A_60] : memref<20x512xi32, #tpu.memory_space<vmem>> -> memref<1x512xi32, #tpu.memory_space<vmem>>
          %dma_wait3A_62 = tpu.memref_squeeze %dma_wait3A_61 : memref<1x512xi32, #tpu.memory_space<vmem>> -> memref<512xi32, #tpu.memory_space<vmem>>
          %dma_wait3A_63 = arith.constant 0 : i32
          %dma_wait3A_64 = arith.constant 0 : i32
          %dma_wait3A_65 = tpu.memref_slice %arg10[%dma_wait3A_63, %dma_wait3A_64] : memref<10240x16xf32, #tpu.memory_space<vmem_shared>> -> memref<10240x16xf32, #tpu.memory_space<vmem_shared>>
          tpu.wait_indirect_dma semaphore(%run_scoped3A_47 : memref<!tpu.dma_semaphore, #tpu.memory_space<semaphore_mem>>) src(%dma_wait3A_65 : memref<10240x16xf32, #tpu.memory_space<vmem_shared>>) dst(%dma_wait3A_59 : memref<512x16xf32, #tpu.memory_space<vmem>>)
          tpu.yield
        }) : () -> ()
        %run_scoped3A_46 = arith.constant 0 : i32
        "tpu.region"() ({
          %run_scoped3A_47 = tpu.sem_alloc : memref<!tpu.dma_semaphore, #tpu.memory_space<semaphore_mem>>
          %dma_start3A = arith.constant 0 : i32
          %dma_start3A_48 = arith.constant 0 : i32
          %dma_start3A_49 = tpu.memref_slice %arg7[%run_scoped3A_46, %dma_start3A, %dma_start3A_48] : memref<2x512x16xf32, #tpu.memory_space<vmem>> -> memref<1x512x16xf32, #tpu.memory_space<vmem>>
          %dma_start3A_50 = tpu.memref_squeeze %dma_start3A_49 : memref<1x512x16xf32, #tpu.memory_space<vmem>> -> memref<512x16xf32, #tpu.memory_space<vmem>>
          %dma_start3A_51 = arith.constant 0 : i32
          %dma_start3A_52 = tpu.memref_slice %arg6[%add3A_45, %dma_start3A_51] : memref<20x512xi32, #tpu.memory_space<vmem>> -> memref<1x512xi32, #tpu.memory_space<vmem>>
          %dma_start3A_53 = tpu.memref_squeeze %dma_start3A_52 : memref<1x512xi32, #tpu.memory_space<vmem>> -> memref<512xi32, #tpu.memory_space<vmem>>
          %dma_start3A_54 = arith.constant 0 : i32
          %dma_start3A_55 = arith.constant 0 : i32
          %dma_start3A_56 = tpu.memref_slice %arg9[%dma_start3A_54, %dma_start3A_55] : memref<10240x16xf32, #tpu.memory_space<vmem_shared>> -> memref<10240x16xf32, #tpu.memory_space<vmem_shared>>
          tpu.enqueue_indirect_dma source(%dma_start3A_50 : memref<512x16xf32, #tpu.memory_space<vmem>>) target(%dma_start3A_56 : memref<10240x16xf32, #tpu.memory_space<vmem_shared>>) offsets(%dma_start3A_53 : memref<512xi32, #tpu.memory_space<vmem>>) semaphore(%run_scoped3A_47 : memref<!tpu.dma_semaphore, #tpu.memory_space<semaphore_mem>>) {add = true}
          %dma_wait3A = arith.constant 0 : i32
          %dma_wait3A_57 = arith.constant 0 : i32
          %dma_wait3A_58 = tpu.memref_slice %arg7[%run_scoped3A_46, %dma_wait3A, %dma_wait3A_57] : memref<2x512x16xf32, #tpu.memory_space<vmem>> -> memref<1x512x16xf32, #tpu.memory_space<vmem>>
          %dma_wait3A_59 = tpu.memref_squeeze %dma_wait3A_58 : memref<1x512x16xf32, #tpu.memory_space<vmem>> -> memref<512x16xf32, #tpu.memory_space<vmem>>
          %dma_wait3A_60 = arith.constant 0 : i32
          %dma_wait3A_61 = tpu.memref_slice %arg6[%add3A_45, %dma_wait3A_60] : memref<20x512xi32, #tpu.memory_space<vmem>> -> memref<1x512xi32, #tpu.memory_space<vmem>>
          %dma_wait3A_62 = tpu.memref_squeeze %dma_wait3A_61 : memref<1x512xi32, #tpu.memory_space<vmem>> -> memref<512xi32, #tpu.memory_space<vmem>>
          %dma_wait3A_63 = arith.constant 0 : i32
          %dma_wait3A_64 = arith.constant 0 : i32
          %dma_wait3A_65 = tpu.memref_slice %arg9[%dma_wait3A_63, %dma_wait3A_64] : memref<10240x16xf32, #tpu.memory_space<vmem_shared>> -> memref<10240x16xf32, #tpu.memory_space<vmem_shared>>
          tpu.wait_indirect_dma semaphore(%run_scoped3A_47 : memref<!tpu.dma_semaphore, #tpu.memory_space<semaphore_mem>>) src(%dma_wait3A_59 : memref<512x16xf32, #tpu.memory_space<vmem>>) dst(%dma_wait3A_65 : memref<10240x16xf32, #tpu.memory_space<vmem_shared>>)
          tpu.yield
        }) : () -> ()
      }
      %scan3A_40 = arith.constant 5 : i32
    } else {
    }
    %barrier3A_35 = arith.constant 0 : index
    tpu.barrier barrier_id(%barrier3A_35)
    "tpu.region"() ({
      %run_scoped3A = tpu.sem_alloc : memref<!tpu.dma_semaphore, #tpu.memory_space<semaphore_mem>>
      %dma_start3A = arith.constant 0 : i32
      %dma_start3A_36 = arith.constant 0 : i32
      %dma_start3A_37 = tpu.memref_slice %arg4[%arg0, %dma_start3A, %dma_start3A_36] : memref<2x10240x16xf32, #tpu.memory_space<hbm>> -> memref<1x10240x16xf32, #tpu.memory_space<hbm>>
      %dma_start3A_38 = tpu.memref_squeeze %dma_start3A_37 : memref<1x10240x16xf32, #tpu.memory_space<hbm>> -> memref<10240x16xf32, #tpu.memory_space<hbm>>
      %dma_start3A_39 = arith.constant 0 : i32
      %dma_start3A_40 = tpu.memref_slice %dma_start3A_38[%mul3A_2, %dma_start3A_39] : memref<10240x16xf32, #tpu.memory_space<hbm>> -> memref<640x16xf32, #tpu.memory_space<hbm>>
      %dma_start3A_41 = arith.constant 0 : i32
      %dma_start3A_42 = tpu.memref_slice %arg9[%mul3A_2, %dma_start3A_41] : memref<10240x16xf32, #tpu.memory_space<vmem_shared>> -> memref<640x16xf32, #tpu.memory_space<vmem_shared>>
      tpu.enqueue_dma source(%dma_start3A_42 : memref<640x16xf32, #tpu.memory_space<vmem_shared>>) target(%dma_start3A_40 : memref<640x16xf32, #tpu.memory_space<hbm>>) target_semaphore(%run_scoped3A : memref<!tpu.dma_semaphore, #tpu.memory_space<semaphore_mem>>)
      %dma_wait3A = arith.constant 0 : i32
      %dma_wait3A_43 = arith.constant 0 : i32
      %dma_wait3A_44 = tpu.memref_slice %arg4[%arg0, %dma_wait3A, %dma_wait3A_43] : memref<2x10240x16xf32, #tpu.memory_space<hbm>> -> memref<1x10240x16xf32, #tpu.memory_space<hbm>>
      %dma_wait3A_45 = tpu.memref_squeeze %dma_wait3A_44 : memref<1x10240x16xf32, #tpu.memory_space<hbm>> -> memref<10240x16xf32, #tpu.memory_space<hbm>>
      %dma_wait3A_46 = arith.constant 0 : i32
      %dma_wait3A_47 = tpu.memref_slice %dma_wait3A_45[%mul3A_2, %dma_wait3A_46] : memref<10240x16xf32, #tpu.memory_space<hbm>> -> memref<640x16xf32, #tpu.memory_space<hbm>>
      %dma_wait3A_48 = arith.constant 0 : i32
      %dma_wait3A_49 = tpu.memref_slice %arg9[%mul3A_2, %dma_wait3A_48] : memref<10240x16xf32, #tpu.memory_space<vmem_shared>> -> memref<640x16xf32, #tpu.memory_space<vmem_shared>>
      tpu.wait_dma2 semaphore(%run_scoped3A : memref<!tpu.dma_semaphore, #tpu.memory_space<semaphore_mem>>) src(%dma_wait3A_49 : memref<640x16xf32, #tpu.memory_space<vmem_shared>>) dst(%dma_wait3A_47 : memref<640x16xf32, #tpu.memory_space<hbm>>)
      tpu.yield
    }) : () -> ()
    return
  }
}

module attributes {stable_mosaic.version = 14 : i64} {
  func.func @_tc_h1_body(%arg0: memref<2560x512xf32, #tpu.memory_space<vmem>>, %arg1: memref<512x128xf32, #tpu.memory_space<vmem>>, %arg2: memref<2560x128xf32, #tpu.memory_space<vmem>>) attributes {dimension_semantics = [], scalar_prefetch = 0 : i64, scratch_operands = 0 : i64, tpu.core_type = #tpu.core_type<tc>} {
    %get3A = arith.constant 0 : index
    %get3A_0 = arith.constant 0 : index
    %get3A_1 = vector.load %arg0[%get3A, %get3A_0] : memref<2560x512xf32, #tpu.memory_space<vmem>>, vector<2560x512xf32>
    %get3A_2 = arith.constant 0 : index
    %get3A_3 = arith.constant 0 : index
    %get3A_4 = vector.load %arg1[%get3A_2, %get3A_3] : memref<512x128xf32, #tpu.memory_space<vmem>>, vector<512x128xf32>
    %dot_general3A = arith.constant dense<0.000000e+00> : vector<2560x128xf32>
    %dot_general3A_5 = tpu.matmul %get3A_1, %get3A_4, %dot_general3A {dimension_numbers = #tpu.dot_dimension_numbers<[1], [0], [0], [1], [0, 0, 1, 1], [], []>, transpose_lhs_hint = false} : vector<2560x512xf32>, vector<512x128xf32>, vector<2560x128xf32> -> vector<2560x128xf32>
    %swap3A = arith.constant 0 : index
    %swap3A_6 = arith.constant 0 : index
    %swap3A_7 = vector.load %arg2[%swap3A, %swap3A_6] : memref<2560x128xf32, #tpu.memory_space<vmem>>, vector<2560x128xf32>
    tpu.vector_store %arg2[%swap3A, %swap3A_6], %dot_general3A_5 {strides = array<i32>} : memref<2560x128xf32, #tpu.memory_space<vmem>>, vector<2560x128xf32>,
    return
  }
}

module attributes {stable_mosaic.version = 14 : i64} {
  func.func @_tc_dis_body(%arg0: memref<2x1280x128xf32, #tpu.memory_space<vmem>>, %arg1: memref<1280x128xf32, #tpu.memory_space<vmem>>) attributes {dimension_semantics = [], scalar_prefetch = 0 : i64, scratch_operands = 0 : i64, tpu.core_type = #tpu.core_type<tc>} {
    %get3A = arith.constant 0 : index
    %get3A_0 = arith.constant 0 : index
    %get3A_1 = arith.constant 0 : index
    %get3A_2 = vector.load %arg0[%get3A, %get3A_0, %get3A_1] : memref<2x1280x128xf32, #tpu.memory_space<vmem>>, vector<1x1280x128xf32>
    %get3A_3 = vector.shape_cast %get3A_2 : vector<1x1280x128xf32> to vector<1280x128xf32>
    %get3A_4 = arith.constant 1 : index
    %get3A_5 = arith.constant 0 : index
    %get3A_6 = arith.constant 0 : index
    %get3A_7 = vector.load %arg0[%get3A_4, %get3A_5, %get3A_6] : memref<2x1280x128xf32, #tpu.memory_space<vmem>>, vector<1x1280x128xf32>
    %get3A_8 = vector.shape_cast %get3A_7 : vector<1x1280x128xf32> to vector<1280x128xf32>
    %add3A = arith.addf %get3A_3, %get3A_8 : vector<1280x128xf32>
    %add3A_9 = arith.constant 1.000000e+00 : f32
    %add3A_10 = vector.broadcast %add3A_9 : f32 to vector<1280x128xf32>
    %add3A_11 = arith.addf %add3A, %add3A_10 : vector<1280x128xf32>
    %rsqrt3A = math.rsqrt %add3A_11 : vector<1280x128xf32>
    %swap3A = arith.constant 0 : index
    %swap3A_12 = arith.constant 0 : index
    %swap3A_13 = vector.load %arg1[%swap3A, %swap3A_12] : memref<1280x128xf32, #tpu.memory_space<vmem>>, vector<1280x128xf32>
    tpu.vector_store %arg1[%swap3A, %swap3A_12], %rsqrt3A {strides = array<i32>} : memref<1280x128xf32, #tpu.memory_space<vmem>>, vector<1280x128xf32>,
    return
  }
}

module attributes {stable_mosaic.version = 14 : i64} {
  func.func @_tc_g1_body(%arg0: memref<2560x128xf32, #tpu.memory_space<vmem>>, %arg1: memref<2560x64xf32, #tpu.memory_space<vmem>>, %arg2: memref<64x128xf32, #tpu.memory_space<vmem>>, %arg3: memref<2560x128xf32, #tpu.memory_space<vmem>>) attributes {dimension_semantics = [], scalar_prefetch = 0 : i64, scratch_operands = 0 : i64, tpu.core_type = #tpu.core_type<tc>} {
    %get3A = arith.constant 0 : index
    %get3A_0 = arith.constant 0 : index
    %get3A_1 = vector.load %arg1[%get3A, %get3A_0] : memref<2560x64xf32, #tpu.memory_space<vmem>>, vector<2560x64xf32>
    %get3A_2 = arith.constant 0 : index
    %get3A_3 = arith.constant 0 : index
    %get3A_4 = vector.load %arg2[%get3A_2, %get3A_3] : memref<64x128xf32, #tpu.memory_space<vmem>>, vector<64x128xf32>
    %dot_general3A = arith.constant dense<0.000000e+00> : vector<2560x128xf32>
    %dot_general3A_5 = tpu.matmul %get3A_1, %get3A_4, %dot_general3A {dimension_numbers = #tpu.dot_dimension_numbers<[1], [0], [0], [1], [0, 0, 1, 1], [], []>, transpose_lhs_hint = false} : vector<2560x64xf32>, vector<64x128xf32>, vector<2560x128xf32> -> vector<2560x128xf32>
    %get3A_6 = arith.constant 0 : index
    %get3A_7 = arith.constant 0 : index
    %get3A_8 = vector.load %arg0[%get3A_6, %get3A_7] : memref<2560x128xf32, #tpu.memory_space<vmem>>, vector<2560x128xf32>
    %mul3A = arith.mulf %get3A_8, %dot_general3A_5 : vector<2560x128xf32>
    %swap3A = arith.constant 0 : index
    %swap3A_9 = arith.constant 0 : index
    %swap3A_10 = vector.load %arg3[%swap3A, %swap3A_9] : memref<2560x128xf32, #tpu.memory_space<vmem>>, vector<2560x128xf32>
    tpu.vector_store %arg3[%swap3A, %swap3A_9], %mul3A {strides = array<i32>} : memref<2560x128xf32, #tpu.memory_space<vmem>>, vector<2560x128xf32>,
    return
  }
}

module attributes {stable_mosaic.version = 14 : i64} {
  func.func @_tc_mid1_body(%arg0: memref<2x2560x128xf32, #tpu.memory_space<vmem>>, %arg1: memref<2560x128xf32, #tpu.memory_space<vmem>>, %arg2: memref<2560x64xf32, #tpu.memory_space<vmem>>, %arg3: memref<64x128xf32, #tpu.memory_space<vmem>>, %arg4: memref<1x128xf32, #tpu.memory_space<vmem>>, %arg5: memref<128x64xf32, #tpu.memory_space<vmem>>, %arg6: memref<2560x64xf32, #tpu.memory_space<vmem>>) attributes {dimension_semantics = [], scalar_prefetch = 0 : i64, scratch_operands = 0 : i64, tpu.core_type = #tpu.core_type<tc>} {
    %get3A = arith.constant 0 : index
    %get3A_0 = arith.constant 0 : index
    %get3A_1 = vector.load %arg2[%get3A, %get3A_0] : memref<2560x64xf32, #tpu.memory_space<vmem>>, vector<2560x64xf32>
    %get3A_2 = arith.constant 0 : index
    %get3A_3 = arith.constant 0 : index
    %get3A_4 = vector.load %arg3[%get3A_2, %get3A_3] : memref<64x128xf32, #tpu.memory_space<vmem>>, vector<64x128xf32>
    %dot_general3A = arith.constant dense<0.000000e+00> : vector<2560x128xf32>
    %dot_general3A_5 = tpu.matmul %get3A_1, %get3A_4, %dot_general3A {dimension_numbers = #tpu.dot_dimension_numbers<[1], [0], [0], [1], [0, 0, 1, 1], [], []>, transpose_lhs_hint = false} : vector<2560x64xf32>, vector<64x128xf32>, vector<2560x128xf32> -> vector<2560x128xf32>
    %get3A_6 = arith.constant 0 : index
    %get3A_7 = arith.constant 0 : index
    %get3A_8 = arith.constant 0 : index
    %get3A_9 = vector.load %arg0[%get3A_6, %get3A_7, %get3A_8] : memref<2x2560x128xf32, #tpu.memory_space<vmem>>, vector<1x2560x128xf32>
    %get3A_10 = vector.shape_cast %get3A_9 : vector<1x2560x128xf32> to vector<2560x128xf32>
    %get3A_11 = arith.constant 1 : index
    %get3A_12 = arith.constant 0 : index
    %get3A_13 = arith.constant 0 : index
    %get3A_14 = vector.load %arg0[%get3A_11, %get3A_12, %get3A_13] : memref<2x2560x128xf32, #tpu.memory_space<vmem>>, vector<1x2560x128xf32>
    %get3A_15 = vector.shape_cast %get3A_14 : vector<1x2560x128xf32> to vector<2560x128xf32>
    %add3A = arith.addf %get3A_10, %get3A_15 : vector<2560x128xf32>
    %get3A_16 = arith.constant 0 : index
    %get3A_17 = arith.constant 0 : index
    %get3A_18 = vector.load %arg1[%get3A_16, %get3A_17] : memref<2560x128xf32, #tpu.memory_space<vmem>>, vector<2560x128xf32>
    %add3A_19 = arith.addf %add3A, %get3A_18 : vector<2560x128xf32>
    %mul3A = arith.mulf %add3A_19, %dot_general3A_5 : vector<2560x128xf32>
    %get3A_20 = arith.constant 0 : index
    %get3A_21 = arith.constant 0 : index
    %get3A_22 = vector.load %arg4[%get3A_20, %get3A_21] : memref<1x128xf32, #tpu.memory_space<vmem>>, vector<1x128xf32>
    %add3A_23 = vector.broadcast %get3A_22 : vector<1x128xf32> to vector<2560x128xf32>
    %add3A_24 = arith.addf %mul3A, %add3A_23 : vector<2560x128xf32>
    %max3A = arith.constant 0.000000e+00 : f32
    %max3A_25 = vector.broadcast %max3A : f32 to vector<2560x128xf32>
    %max3A_26 = arith.maximumf %add3A_24, %max3A_25 : vector<2560x128xf32>
    %get3A_27 = arith.constant 0 : index
    %get3A_28 = arith.constant 0 : index
    %get3A_29 = vector.load %arg5[%get3A_27, %get3A_28] : memref<128x64xf32, #tpu.memory_space<vmem>>, vector<128x64xf32>
    %dot_general3A_30 = arith.constant dense<0.000000e+00> : vector<2560x64xf32>
    %dot_general3A_31 = tpu.matmul %max3A_26, %get3A_29, %dot_general3A_30 {dimension_numbers = #tpu.dot_dimension_numbers<[1], [0], [0], [1], [0, 0, 1, 1], [], []>, transpose_lhs_hint = false} : vector<2560x128xf32>, vector<128x64xf32>, vector<2560x64xf32> -> vector<2560x64xf32>
    %get3A_32 = arith.constant 0 : index
    %get3A_33 = arith.constant 0 : index
    %get3A_34 = vector.load %arg2[%get3A_32, %get3A_33] : memref<2560x64xf32, #tpu.memory_space<vmem>>, vector<2560x64xf32>
    %mul3A_35 = arith.mulf %dot_general3A_31, %get3A_34 : vector<2560x64xf32>
    %iota3A = tpu.iota {dimensions = array<i32: 0>} : vector<2560x64xi32>
    %lt3A = arith.constant 2500 : i32
    %lt3A_36 = vector.broadcast %lt3A : i32 to vector<2560x64xi32>
    %lt3A_37 = arith.cmpi slt, %iota3A, %lt3A_36 : vector<2560x64xi32>
    %jit3A = arith.constant 0.000000e+00 : f32
    %broadcast_in_dim3A = vector.broadcast %jit3A : f32 to vector<2560x64xf32>
    %select_n3A = arith.select %lt3A_37, %mul3A_35, %broadcast_in_dim3A : vector<2560x64xi1>, vector<2560x64xf32>
    %swap3A = arith.constant 0 : index
    %swap3A_38 = arith.constant 0 : index
    %swap3A_39 = vector.load %arg6[%swap3A, %swap3A_38] : memref<2560x64xf32, #tpu.memory_space<vmem>>, vector<2560x64xf32>
    tpu.vector_store %arg6[%swap3A, %swap3A_38], %select_n3A {strides = array<i32>} : memref<2560x64xf32, #tpu.memory_space<vmem>>, vector<2560x64xf32>,
    return
  }
}

module attributes {stable_mosaic.version = 14 : i64} {
  func.func @_tc_out_body(%arg0: memref<2x1280x128xf32, #tpu.memory_space<vmem>>, %arg1: memref<1280x128xf32, #tpu.memory_space<vmem>>, %arg2: memref<1280x128xf32, #tpu.memory_space<vmem>>, %arg3: memref<1x128xf32, #tpu.memory_space<vmem>>, %arg4: memref<1280x128xf32, #tpu.memory_space<vmem>>) attributes {dimension_semantics = [], scalar_prefetch = 0 : i64, scratch_operands = 0 : i64, tpu.core_type = #tpu.core_type<tc>} {
    %get3A = arith.constant 0 : index
    %get3A_0 = arith.constant 0 : index
    %get3A_1 = arith.constant 0 : index
    %get3A_2 = vector.load %arg0[%get3A, %get3A_0, %get3A_1] : memref<2x1280x128xf32, #tpu.memory_space<vmem>>, vector<1x1280x128xf32>
    %get3A_3 = vector.shape_cast %get3A_2 : vector<1x1280x128xf32> to vector<1280x128xf32>
    %get3A_4 = arith.constant 1 : index
    %get3A_5 = arith.constant 0 : index
    %get3A_6 = arith.constant 0 : index
    %get3A_7 = vector.load %arg0[%get3A_4, %get3A_5, %get3A_6] : memref<2x1280x128xf32, #tpu.memory_space<vmem>>, vector<1x1280x128xf32>
    %get3A_8 = vector.shape_cast %get3A_7 : vector<1x1280x128xf32> to vector<1280x128xf32>
    %add3A = arith.addf %get3A_3, %get3A_8 : vector<1280x128xf32>
    %get3A_9 = arith.constant 0 : index
    %get3A_10 = arith.constant 0 : index
    %get3A_11 = vector.load %arg1[%get3A_9, %get3A_10] : memref<1280x128xf32, #tpu.memory_space<vmem>>, vector<1280x128xf32>
    %add3A_12 = arith.addf %add3A, %get3A_11 : vector<1280x128xf32>
    %get3A_13 = arith.constant 0 : index
    %get3A_14 = arith.constant 0 : index
    %get3A_15 = vector.load %arg2[%get3A_13, %get3A_14] : memref<1280x128xf32, #tpu.memory_space<vmem>>, vector<1280x128xf32>
    %mul3A = arith.mulf %add3A_12, %get3A_15 : vector<1280x128xf32>
    %get3A_16 = arith.constant 0 : index
    %get3A_17 = arith.constant 0 : index
    %get3A_18 = vector.load %arg3[%get3A_16, %get3A_17] : memref<1x128xf32, #tpu.memory_space<vmem>>, vector<1x128xf32>
    %add3A_19 = vector.broadcast %get3A_18 : vector<1x128xf32> to vector<1280x128xf32>
    %add3A_20 = arith.addf %mul3A, %add3A_19 : vector<1280x128xf32>
    %swap3A = arith.constant 0 : index
    %swap3A_21 = arith.constant 0 : index
    %swap3A_22 = vector.load %arg4[%swap3A, %swap3A_21] : memref<1280x128xf32, #tpu.memory_space<vmem>>, vector<1280x128xf32>
    tpu.vector_store %arg4[%swap3A, %swap3A_21], %add3A_20 {strides = array<i32>} : memref<1280x128xf32, #tpu.memory_space<vmem>>, vector<1280x128xf32>,
    return
  }
}

module attributes {stable_mosaic.version = 14 : i64} {
  func.func @_tc_mid2_body(%arg0: memref<2x1280x128xf32, #tpu.memory_space<vmem>>, %arg1: memref<1280x128xf32, #tpu.memory_space<vmem>>, %arg2: memref<1280x128xf32, #tpu.memory_space<vmem>>, %arg3: memref<1x128xf32, #tpu.memory_space<vmem>>, %arg4: memref<128x128xf32, #tpu.memory_space<vmem>>, %arg5: memref<1280x128xf32, #tpu.memory_space<vmem>>) attributes {dimension_semantics = [], scalar_prefetch = 0 : i64, scratch_operands = 0 : i64, tpu.core_type = #tpu.core_type<tc>} {
    %get3A = arith.constant 0 : index
    %get3A_0 = arith.constant 0 : index
    %get3A_1 = arith.constant 0 : index
    %get3A_2 = vector.load %arg0[%get3A, %get3A_0, %get3A_1] : memref<2x1280x128xf32, #tpu.memory_space<vmem>>, vector<1x1280x128xf32>
    %get3A_3 = vector.shape_cast %get3A_2 : vector<1x1280x128xf32> to vector<1280x128xf32>
    %get3A_4 = arith.constant 1 : index
    %get3A_5 = arith.constant 0 : index
    %get3A_6 = arith.constant 0 : index
    %get3A_7 = vector.load %arg0[%get3A_4, %get3A_5, %get3A_6] : memref<2x1280x128xf32, #tpu.memory_space<vmem>>, vector<1x1280x128xf32>
    %get3A_8 = vector.shape_cast %get3A_7 : vector<1x1280x128xf32> to vector<1280x128xf32>
    %add3A = arith.addf %get3A_3, %get3A_8 : vector<1280x128xf32>
    %get3A_9 = arith.constant 0 : index
    %get3A_10 = arith.constant 0 : index
    %get3A_11 = vector.load %arg1[%get3A_9, %get3A_10] : memref<1280x128xf32, #tpu.memory_space<vmem>>, vector<1280x128xf32>
    %add3A_12 = arith.addf %add3A, %get3A_11 : vector<1280x128xf32>
    %get3A_13 = arith.constant 0 : index
    %get3A_14 = arith.constant 0 : index
    %get3A_15 = vector.load %arg2[%get3A_13, %get3A_14] : memref<1280x128xf32, #tpu.memory_space<vmem>>, vector<1280x128xf32>
    %mul3A = arith.mulf %add3A_12, %get3A_15 : vector<1280x128xf32>
    %get3A_16 = arith.constant 0 : index
    %get3A_17 = arith.constant 0 : index
    %get3A_18 = vector.load %arg3[%get3A_16, %get3A_17] : memref<1x128xf32, #tpu.memory_space<vmem>>, vector<1x128xf32>
    %add3A_19 = vector.broadcast %get3A_18 : vector<1x128xf32> to vector<1280x128xf32>
    %add3A_20 = arith.addf %mul3A, %add3A_19 : vector<1280x128xf32>
    %max3A = arith.constant 0.000000e+00 : f32
    %max3A_21 = vector.broadcast %max3A : f32 to vector<1280x128xf32>
    %max3A_22 = arith.maximumf %add3A_20, %max3A_21 : vector<1280x128xf32>
    %get3A_23 = arith.constant 0 : index
    %get3A_24 = arith.constant 0 : index
    %get3A_25 = vector.load %arg4[%get3A_23, %get3A_24] : memref<128x128xf32, #tpu.memory_space<vmem>>, vector<128x128xf32>
    %dot_general3A = arith.constant dense<0.000000e+00> : vector<1280x128xf32>
    %dot_general3A_26 = tpu.matmul %max3A_22, %get3A_25, %dot_general3A {dimension_numbers = #tpu.dot_dimension_numbers<[1], [0], [0], [1], [0, 0, 1, 1], [], []>, transpose_lhs_hint = false} : vector<1280x128xf32>, vector<128x128xf32>, vector<1280x128xf32> -> vector<1280x128xf32>
    %get3A_27 = arith.constant 0 : index
    %get3A_28 = arith.constant 0 : index
    %get3A_29 = vector.load %arg2[%get3A_27, %get3A_28] : memref<1280x128xf32, #tpu.memory_space<vmem>>, vector<1280x128xf32>
    %mul3A_30 = arith.mulf %dot_general3A_26, %get3A_29 : vector<1280x128xf32>
    %iota3A = tpu.iota {dimensions = array<i32: 0>} : vector<1280x128xi32>
    %lt3A = arith.constant 1250 : i32
    %lt3A_31 = vector.broadcast %lt3A : i32 to vector<1280x128xi32>
    %lt3A_32 = arith.cmpi slt, %iota3A, %lt3A_31 : vector<1280x128xi32>
    %jit3A = arith.constant 0.000000e+00 : f32
    %broadcast_in_dim3A = vector.broadcast %jit3A : f32 to vector<1280x128xf32>
    %select_n3A = arith.select %lt3A_32, %mul3A_30, %broadcast_in_dim3A : vector<1280x128xi1>, vector<1280x128xf32>
    %swap3A = arith.constant 0 : index
    %swap3A_33 = arith.constant 0 : index
    %swap3A_34 = vector.load %arg5[%swap3A, %swap3A_33] : memref<1280x128xf32, #tpu.memory_space<vmem>>, vector<1280x128xf32>
    tpu.vector_store %arg5[%swap3A, %swap3A_33], %select_n3A {strides = array<i32>} : memref<1280x128xf32, #tpu.memory_space<vmem>>, vector<1280x128xf32>,
    return
  }
}

</mosaic_0001>

<sc_bundles>
// kernel: kernel.12.cloned.1.call-start
scs
__scs_entry_jumppad:
0x0: {  	(pc) =	sbr.rel $0x88, $3  }
0x1: {  	(tag) =	ssettag $0x0;
	lr =	simm.s32 $0x1  }
0x2: {  	[smem:$0x3F99] =	sst lr;
	_ =	strace $0xD0000000  }
0x3: {  	_ = 	snop  }
0x4: {  	_ = 	snop  }
0x5: {  	_ = 	snop  }
0x6: {  	_ = 	snop  }
0x7: {  	_ = 	snop  }
__scs_overlays_trampoline_lowered:
0x8: {  	[smem:$0x3FA8] =	sst s0  }
0x9: {  	[smem:$0x3FA9] =	sst s1  }
0xa: {  	[smem:$0x3FAA] =	sst s2  }
0xb: {  	[smem:$0x3FAB] =	sst s3  }
0xc: {  	[smem:$0x3FAC] =	sst s4  }
0xd: {  	[smem:$0x3FAD] =	sst s5  }
0xe: {  	[smem:$0x3FAE] =	sst s6  }
0xf: {  	[smem:$0x3FAF] =	sst s7  }
0x10: {  	[smem:$0x3FB0] =	sst s8  }
0x11: {  	[smem:$0x3FB1] =	sst s9;
	s0 =	simm.s32 @!p0 $0x0  }
0x12: {  	s1 =	sld [smem:$0x3F97];
	s0 =	simm.s32 @p0 $0x1  }
0x13: {  	[smem:$0x3FB2] =	sst s0;
	s0 =	simm.s32 @!p1 $0x0  }
0x14: {  	s2 =	sld [smem:$0x3F96];
	s0 =	simm.s32 @p1 $0x1  }
0x15: {  	[smem:$0x3FB3] =	sst s0;
	s0 =	simm.s32 @!p2 $0x0  }
0x16: {  	s3 =	sld [smem:$0x3FDB];
	s0 =	simm.s32 @p2 $0x1  }
0x17: {  	s4 =	simm.s32 $0x1BF5;
	[smem:$0x3FB5] =	sst s0  }
0x18: {  	s0 =	sld [smem:$0x3F98];
	_ =	swait.ge [sflag:s4], $0x0  }
0x19: {  	s7 =	sld [smem:$0x3F99]  }
0x1a: {  	s8 =	sadd.s32 $0xFFFFE003, lr  }
0x1b: {  	s9 =	sadd.s32 $0xFFFFFEF7, lr;
	s5 =	simm.s32 $0xFFFFFFFF;
	p2 =	slt.u32 s8, $0xFFFFF086  }
0x1c: {  	p1 =	slt.u32 s9, $0xF7A;
	s5 =	simm.s32 @!p2 $0x0  }
0x1d: {  	s5 =	simm.s32 @p1 $0x1;
	p0 =	seq.s32 s7, s2  }
0x1e: {  	s7 =	smul.u32 @!p0 $0xF7A, s2;
	p2 =	seq.s32 @!p0 s5, $0x0  }
0x1f: {  	s9 =	smul.u32 $0xF7A, s1;
	s8 =	simm.s32 @!p0 $0x1BF5;
	p2 =	por !p2, p0  }
0x20: {  	[sflag:s8] =	ssyncset.s32 @!p0 $0xFFFFF086;
	s6 =	sadd.s32 @!p0 s3, s7;
	s7 =	simm.s32 @!p0 $0x108  }
0x21: {  	s3 =	sadd.s32 s3, s9;
	s6 =	sadd.s32 @!p0 $0x88, s6;
	s7 =	simm.s32 @p2 $0x1082  }
0x22: {  	[simem:s7], [sflag:s8] =	dma.local @!p0 [hbm:s6], $0xF7A  }
0x23: {  	s9 =	sor.u32 $0xD0000000, s2;
	s6 =	simm.s32 $0x108;
	_ =	swait.ge @!p0 [sflag:s8], $0x0  }
0x24: {  	s3 =	sadd.s32 $0x88, s3;
	s6 =	simm.s32 @!p1 $0x1082;
	[sflag:s4] =	ssyncset.s32 $0xFFFFF086  }
0x25: {  	[simem:s6], [sflag:s4] =	dma.local [hbm:s3], $0xF7A  }
0x26: {  	[smem:$0x3F99] =	sst s1;
	(tag) =	ssettag s2;
	_ =	strace s9  }
0x27: {  	s1 =	sld [smem:$0x3FA9]  }
0x28: {  	s2 =	sld [smem:$0x3FAA]  }
0x29: {  	s4 =	sld [smem:$0x3FAC]  }
0x2a: {  	p0 =	seq.s32 s5, $0x0;
	s5 =	sld [smem:$0x3FAD]  }
0x2b: {  	s6 =	sld [smem:$0x3FAE]  }
0x2c: {  	s7 =	sld [smem:$0x3FAF]  }
0x2d: {  	s3 =	simm.s32 $0x108;
	s8 =	sld [smem:$0x3FB0]  }
0x2e: {  	s3 =	simm.s32 @!p0 $0x1082;
	s9 =	sld [smem:$0x3FB1]  }
0x2f: {  	lr =	sadd.s32 s0, s3;
	s0 =	sld [smem:$0x3FA8]  }
0x30: {  	s3 =	sld [smem:$0x3FAB]  }
0x31: {  	[smem:$0x3FB4] =	sst s10  }
0x32: {  	s10 =	sld [smem:$0x3FB2];
	_ =	sdelay $0x3  }
0x33: {  	p0 =	seq.s32 s10, $0x1;
	s10 =	sld [smem:$0x3FB4];
	_ =	sdelay $0x3  }
0x34: {  	[smem:$0x3FB4] =	sst s10  }
0x35: {  	s10 =	sld [smem:$0x3FB3];
	_ =	sdelay $0x3  }
0x36: {  	p1 =	seq.s32 s10, $0x1;
	s10 =	sld [smem:$0x3FB4];
	_ =	sdelay $0x3  }
0x37: {  	[smem:$0x3FB4] =	sst s10  }
0x38: {  	s10 =	sld [smem:$0x3FB5]  }
0x39: {  	_ = 	snop;
	(pc) =	sbr.ind lr, $3  }
0x3a: {  	_ = 	snop  }
0x3b: {  	_ = 	snop  }
0x3c: {  	p2 =	seq.s32 s10, $0x1;
	s10 =	sld [smem:$0x3FB4]  }
0x3d: {  	_ =	shalt  }
0x3e: {  	_ =	shalt  }
0x3f: {  	_ =	shalt  }
0x40: {  	_ =	shalt  }
0x41: {  	_ =	shalt  }
0x42: {  	_ =	shalt  }
0x43: {  	_ =	shalt  }
0x44: {  	_ =	shalt  }
0x45: {  	_ =	shalt  }
0x46: {  	_ =	shalt  }
0x47: {  	_ =	shalt  }
0x48: {  	_ =	shalt  }
0x49: {  	_ =	shalt  }
0x4a: {  	_ =	shalt  }
0x4b: {  	_ =	shalt  }
0x4c: {  	_ =	shalt  }
0x4d: {  	_ =	shalt  }
0x4e: {  	_ =	shalt  }
0x4f: {  	_ =	shalt  }
0x50: {  	_ =	shalt  }
0x51: {  	_ =	shalt  }
0x52: {  	_ =	shalt  }
0x53: {  	_ =	shalt  }
0x54: {  	_ =	shalt  }
0x55: {  	_ =	shalt  }
0x56: {  	_ =	shalt  }
0x57: {  	_ =	shalt  }
0x58: {  	_ =	shalt  }
0x59: {  	_ =	shalt  }
0x5a: {  	_ =	shalt  }
0x5b: {  	_ =	shalt  }
0x5c: {  	_ =	shalt  }
0x5d: {  	_ =	shalt  }
0x5e: {  	_ =	shalt  }
0x5f: {  	_ =	shalt  }
0x60: {  	_ =	shalt  }
0x61: {  	_ =	shalt  }
0x62: {  	_ =	shalt  }
0x63: {  	_ =	shalt  }
0x64: {  	_ =	shalt  }
0x65: {  	_ =	shalt  }
0x66: {  	_ =	shalt  }
0x67: {  	_ =	shalt  }
0x68: {  	_ =	shalt  }
0x69: {  	_ =	shalt  }
0x6a: {  	_ =	shalt  }
0x6b: {  	_ =	shalt  }
0x6c: {  	_ =	shalt  }
0x6d: {  	_ =	shalt  }
0x6e: {  	_ =	shalt  }
0x6f: {  	_ =	shalt  }
0x70: {  	_ =	shalt  }
0x71: {  	_ =	shalt  }
0x72: {  	_ =	shalt  }
0x73: {  	_ =	shalt  }
0x74: {  	_ =	shalt  }
0x75: {  	_ =	shalt  }
0x76: {  	_ =	shalt  }
0x77: {  	_ =	shalt  }
0x78: {  	_ =	shalt  }
0x79: {  	_ =	shalt  }
0x7a: {  	_ =	shalt  }
0x7b: {  	_ =	shalt  }
0x7c: {  	_ =	shalt  }
0x7d: {  	_ =	shalt  }
0x7e: {  	_ =	shalt  }
0x7f: {  	_ =	shalt  }
0x80: {  	_ =	shalt  }
0x81: {  	_ =	shalt  }
0x82: {  	_ =	shalt  }
0x83: {  	_ =	shalt  }
0x84: {  	_ =	shalt  }
0x85: {  	_ =	shalt  }
0x86: {  	_ =	shalt  }
0x87: {  	_ =	shalt  }
.Lfunc_end0:
.L_simem_size_0:
called_computation_lowered:
.L_overlay_start_0:
0x88: {  	s2 =	sld [smem:$0x3FD9]  }
0x89: {  	s3 =	sld [smem:$0x3FFE];
	_ =	sdelay $0x1  }
0x8a: {  	s1 =	srdreg.scid  }
0x8b: {  	s0 =	sand.u32 $0x1, s1  }
0x8c: {  	s17 =	sshll.u32 s0, $0xA;
	s2 =	sadd.s32 s3, s2  }
0x8d: {  	s2 =	sadd.s32 s2, s17  }
0x8e: {  	[smem:$0x3FC0] =	sst s2  }
0x8f: {  	_ = 	snop  }
0x90: {  	s2 =	sld [smem:$0x3FD0];
	(tm) =	ssettm $0x1  }
0x91: {  	s18 =	sld [smem:$0x3FFB];
	_ =	sdelay $0x3  }
0x92: {  	_ =	strace s18  }
0x93: {  	s3 =	sld [smem:$0x3FFC];
	_ =	sdelay $0x3  }
0x94: {  	_ =	strace s3  }
0x95: {  	s3 =	sld [smem:$0x3FFD];
	_ =	sdelay $0x3  }
0x96: {  	_ =	strace s3  }
0x97: {  	_ =	strace $0x8FFFFFFF  }
0x98: {  	s19 =	sld [smem:$0x3FDB];
	_ =	sdelay $0x1  }
0x99: {  	s4 =	simm.s32 $_scs_section_size  }
0x9a: {  	s5 =	simm.s32 $_size__tile_overlayer_lowered;
	s6 =	simm.s32 $_tile_overlayer_lowered  }
0x9b: {  	s22 =	simm.s32 $0x1BFF;
	s21 =	sshll.u32 s6, $0x1;
	s3 =	sadd.s32 s4, s19  }
0x9c: {  	s7 =	simm.s32 $0x0;
	s20 =	sshll.u32 s5, $0x1;
	s5 =	sadd.s32 s21, s3  }
0x9d: {  	[timem:s7], [sflag:s22] =	dma.local [hbm:s5], s20  }
0x9e: {  	_ =	swait.ge [sflag:s22], s20  }
0x9f: {  	s4 =	ssub.s32 $0x0, s20;
	[sflag:s22] =	ssyncset.done $0x0  }
0xa0: {  	[sflag:s22] =	ssyncadd.s32 s4;
	_ =	sdelay $0x1  }
0xa1: {  	s23 =	simm.s32 $0x1B8B  }
0xa2: {  	_ =	swait.ge [sflag:s23], $0x1  }
0xa3: {  	[sflag:s23] =	ssyncset.done $0x0  }
0xa4: {  	s25 =	simm.s32 $0x1B8E;
	s24 =	sld [smem:$0x3FFE];
	[sflag:s23] =	ssyncadd.s32 $0xFFFFFFFF  }
0xa5: {  	s26 =	simm.s32 $execute0_lowered;
	[smem:$0x3FD2] =	sst s25  }
0xa6: {  	s5 =	sshll.u32 s26, $0x1;
	_ =	strace $0x80000046;
	[dreg:$0x1] =	wrdreg $0xFFFFFFFF  }
0xa7: {  	s28 =	simm.s32 $_size_execute0_lowered;
	s3 =	sadd.s32 s3, s5;
	[dreg:$0x0] =	wrdreg $0x0  }
0xa8: {  	s5 =	sshll.u32 s28, $0x1;
	[dreg:$0x2] =	wrdreg s3  }
0xa9: {  	[dreg:$0x3] =	wrdreg s5  }
0xaa: {  	[dreg:$0x4] =	wrdreg $0xC0  }
0xab: {  	_ =	task [dreg:s7], $0x5FFFF  }
0xac: {  	[dreg:$0x1] =	wrdreg $0xFFFFFFFF  }
0xad: {  	[dreg:$0x0] =	wrdreg $0x60  }
0xae: {  	[dreg:$0x2] =	wrdreg s24  }
0xaf: {  	[dreg:$0x3] =	wrdreg s2  }
0xb0: {  	[dreg:$0x4] =	wrdreg $0x4A800  }
0xb1: {  	[dreg:$0x5] =	wrdreg $0x9  }
0xb2: {  	_ =	task.clear_ibuf [dreg:s7], $0x6FFFF;
	_ =	strace $0x90000046  }
0xb3: {  	s29 =	simm.s32 $0x9;
	_ =	strace $0x80000048  }
0xb4: {  	_ =	swait.ge [sflag:s29], $0x1  }
0xb5: {  	[sflag:s29] =	ssyncadd.s32 $0xFFFFFFFF  }
0xb6: {  	_ =	strace $0x90000048  }
0xb7: {  	_ =	sfence  }
0xb8: {  	s30 =	sld [smem:$0x0];
	_ =	sdelay $0x2  }
0xb9: {  	s31 =	sshll.u32 s1, $0xD;
	s1 =	sshrl.u32 s1, $0x2  }
0xba: {  	s3 =	sand.u32 $0x4000, s31;
	s1 =	sadd.s32 s1, s30  }
0xbb: {  	s0 =	sor.u32 s3, s0;
	s1 =	sshll.u32 s1, $0x11  }
0xbc: {  	s0 =	sor.u32 s1, s0  }
0xbd: {  	s0 =	sadd.s32 $0x8F2B, s0  }
0xbe: {  	[sflag:s0] =	ssyncadd.remote.s32 $0x1  }
0xbf: {  	_ =	sfence.sel $0xFFFF  }
0xc0: {  	[dreg:$0x0] =	wrdreg $0xFFFFFFFF;
	(pc) =	sbr.abs _section_cstart, $3  }
0xc1: {  	[dreg:$0x1] =	wrdreg $0xFFFFFFFF  }
0xc2: {  	_ =	task.clear_ibuf [dreg:s7], $0x2FFFF;
	_ =	strace $0x9FFFFFFF  }
0xc3: {  	(tm) =	ssettm $0x7FFFFFFF  }
tec
execute0_lowered:
.L_overlay_start_1:
0x0: {  	(tag) =	ssettag $0x1  }
0x1: {  	s0 =	rddreg [dreg:$0x0];
	s1 =	srdreg.scid  }
0x2: {  	s2 =	rddreg [dreg:$0x2];
	s3 =	simm.s32 $0x0;
	s9 =	stileid.u32  }
0x3: {  	s28 =	simm.s32 $0x1;
	s29 =	simm.s32 $0x2800;
	s30 =	simm.s32 $0x2  }
0x4: {  	s31 =	simm.s32 $0x200;
	s1 =	sand.u32 $0x1, s1;
	s7 =	smul.u32 $0x2800, s9  }
0x5: {  	[smem:$0x7FF] =	sst s3;
	s6 =	sshll.u32 s9, $0x1;
	s24 =	smul.u32 $0xA000, s9  }
0x6: {  	s26 =	sadd.s32 $0xD040, s0;
	s4 =	smul.u32 $0x5000, s1;
	s5 =	ssub.s32 $0x2, s1  }
0x7: {  	_ =	strace $0x80000047;
	s1 =	sor.u32 s1, s6;
	s8 =	sshrl.u32 s5, $0x1  }
0x8: {  	s25 =	smul.u32 $0x500, s1;
	s22 =	sshrl.u32 s7, $0x3;
	s9 =	sshrl.u32 s24, $0x2  }
0x9: {  	s24 =	sadd.s32 s7, s2;
	p0 =	seq.s32 s1, $0x1F;
	s1 =	simm.s32 $0x600  }
0xa: {  	s4 =	sadd.s32 s4, s0;
	s8 =	ssub.s32 s5, s8;
	s7 =	sadd.s32 s9, s2  }
0xb: {  	s24 =	sshrl.u32 s24, $0x3;
	s0 =	smov.u32 s26;
	s4 =	sadd.s32 $0x16E00, s4  }
0xc: {  	s6 =	smax.u32 s8, $0x1;
	s8 =	sadd.s32 $0x280, s7;
	s9 =	sadd.s32 $0x500, s7  }
0xd: {  	s10 =	sadd.s32 $0x780, s7;
	s11 =	sadd.s32 $0xA00, s7;
	s12 =	sadd.s32 $0xC80, s7  }
.Ltmp0:
0xe: {  	s13 =	sadd.s32 $0xF00, s7;
	s14 =	sadd.s32 $0x1180, s7;
	(pc) =	sbr.rel .LBB2_1-.Ltmp0, $4  }
0xf: {  	s15 =	sadd.s32 $0x1400, s7;
	s16 =	sadd.s32 $0x1680, s7;
	s17 =	sadd.s32 $0x1900, s7  }
0x10: {  	s18 =	sadd.s32 $0x1B80, s7;
	s19 =	sadd.s32 $0x1E00, s7;
	s20 =	sadd.s32 $0x2080, s7  }
0x11: {  	s21 =	sadd.s32 $0x2300, s7;
	s23 =	sadd.s32 $0x2580, s7;
	s25 =	sadd.s32 s25, s26  }
0x12: {  	v0 =	vimm.f32 $0.0e+00;
	s26 =	simm.s32 $0x4800;
	s22 =	sadd.s32 s22, s4;
	s4 =	simm.s32 $0x800  }
.LBB2_3:
0x13: {  	s5 =	sadd.s32 $0x9B00, s0  }
0x14: {  	[tilespmem:s3], [sflag:$0x2] =	stream.linear.gather [hbm4b:s5+s3], $0xA00, $0x38;
	[tilespmem:$0x7280] =	vst v63  }
0x15: {  	_ =	swait.ge [sflag:s30], $0xA00  }
0x16: {  	[sflag:s30] =	ssyncset.done $0x0  }
0x17: {  	[sflag:s30] =	ssyncadd.s32 $0xFFFFF600  }
0x18: {  	[bflag:$0x0] =	sbarrier.arrive $0xFFFF  }
0x19: {  	[spmem:s2] =	stream.indirect.scatter.add.f32 [tilespmem:s29], [sflag:$0x1], $0x10, s3, s31, $0xb8;
	[tilespmem:$0x7280] =	vst v63  }
0x1a: {  	_ = 	snop  }
0x1b: {  	[spmem:s2] =	stream.indirect.scatter.add.f32 [tilespmem:s29], [sflag:$0x1], $0x10, s31, s31, $0xb8;
	[tilespmem:$0x7280] =	vst v63  }
0x1c: {  	s5 =	simm.s32 $0x400  }
0x1d: {  	[spmem:s2] =	stream.indirect.scatter.add.f32 [tilespmem:s29], [sflag:$0x1], $0x10, s5, s31, $0xb8;
	[tilespmem:$0x7280] =	vst v63  }
0x1e: {  	_ = 	snop  }
0x1f: {  	[spmem:s2] =	stream.indirect.scatter.add.f32 [tilespmem:s29], [sflag:$0x1], $0x10, s1, s31, $0xb8;
	[tilespmem:$0x7280] =	vst v63  }
0x20: {  	_ = 	snop  }
0x21: {  	[spmem:s2] =	stream.indirect.scatter.add.f32 [tilespmem:s29], [sflag:$0x1], $0x10, s4, s31, $0xb8;
	[tilespmem:$0x7280] =	vst v63  }
.LBB2_4:
0x22: {  	_ =	swait.ge [sflag:s28], $0x2000  }
0x23: {  	[sflag:s28] =	ssyncset.done $0x0  }
0x24: {  	[sflag:s28] =	ssyncadd.s32 $0xFFFFE000  }
0x25: {  	_ =	swait.ge [sflag:s28], $0x2000  }
0x26: {  	[sflag:s28] =	ssyncset.done $0x0  }
0x27: {  	[sflag:s28] =	ssyncadd.s32 $0xFFFFE000  }
0x28: {  	_ =	swait.ge [sflag:s28], $0x2000  }
0x29: {  	[sflag:s28] =	ssyncset.done $0x0  }
0x2a: {  	[sflag:s28] =	ssyncadd.s32 $0xFFFFE000  }
0x2b: {  	_ =	swait.ge [sflag:s28], $0x2000  }
0x2c: {  	[sflag:s28] =	ssyncset.done $0x0  }
0x2d: {  	[sflag:s28] =	ssyncadd.s32 $0xFFFFE000  }
0x2e: {  	_ =	swait.ge [sflag:s28], $0x2000  }
0x2f: {  	s5 =	stileid.u32;
	s6 =	sadd.s32 $0xFFFFFFFF, s6;
	[sflag:s28] =	ssyncset.done $0x0  }
0x30: {  	s5 =	sshll.u32 s5, $0x6;
	p1 =	sne.s32 s6, $0x0;
	[sflag:s28] =	ssyncadd.s32 $0xFFFFE000  }
.Ltmp1:
0x31: {  	s5 =	sor.u32 $0x1C02, s5;
	[bflag:$0x0] =	sbarrier.arrive $0xFFFF;
	(pc) =	sbr.rel @!p1 .LBB2_5-.Ltmp1, $4  }
0x32: {  	[hbm:s22], [sflag:s5] =	dma.local [spmem:s24], $0x500  }
0x33: {  	_ =	swait.ge [sflag:s30], $0x500  }
0x34: {  	[sflag:s30] =	ssyncset.done $0x0  }
0x35: {  	[sflag:s30] =	ssyncadd.s32 $0xFFFFFB00  }
.LBB2_1:
0x36: {  	[tilespmem:$0x4800] =	vst v0  }
0x37: {  	[tilespmem:$0x4810] =	vst v0  }
0x38: {  	[tilespmem:$0x4820] =	vst v0  }
0x39: {  	[tilespmem:$0x4830] =	vst v0  }
0x3a: {  	[tilespmem:$0x4840] =	vst v0  }
0x3b: {  	[tilespmem:$0x4850] =	vst v0  }
0x3c: {  	[tilespmem:$0x4860] =	vst v0  }
0x3d: {  	[tilespmem:$0x4870] =	vst v0  }
0x3e: {  	[tilespmem:$0x4880] =	vst v0  }
0x3f: {  	[tilespmem:$0x4890] =	vst v0  }
0x40: {  	[tilespmem:$0x48A0] =	vst v0  }
0x41: {  	[tilespmem:$0x48B0] =	vst v0  }
0x42: {  	[tilespmem:$0x48C0] =	vst v0  }
0x43: {  	[tilespmem:$0x48D0] =	vst v0  }
0x44: {  	[tilespmem:$0x48E0] =	vst v0  }
0x45: {  	[tilespmem:$0x48F0] =	vst v0  }
0x46: {  	[tilespmem:$0x4900] =	vst v0  }
0x47: {  	[tilespmem:$0x4910] =	vst v0  }
0x48: {  	[tilespmem:$0x4920] =	vst v0  }
0x49: {  	[tilespmem:$0x4930] =	vst v0  }
0x4a: {  	[tilespmem:$0x4940] =	vst v0  }
0x4b: {  	[tilespmem:$0x4950] =	vst v0  }
0x4c: {  	[tilespmem:$0x4960] =	vst v0  }
0x4d: {  	[tilespmem:$0x4970] =	vst v0  }
0x4e: {  	[tilespmem:$0x4980] =	vst v0  }
0x4f: {  	[tilespmem:$0x4990] =	vst v0  }
0x50: {  	[tilespmem:$0x49A0] =	vst v0  }
0x51: {  	[tilespmem:$0x49B0] =	vst v0  }
0x52: {  	[tilespmem:$0x49C0] =	vst v0  }
0x53: {  	[tilespmem:$0x49D0] =	vst v0  }
0x54: {  	[tilespmem:$0x49E0] =	vst v0  }
0x55: {  	[tilespmem:$0x49F0] =	vst v0  }
0x56: {  	[tilespmem:$0x4A00] =	vst v0  }
0x57: {  	[tilespmem:$0x4A10] =	vst v0  }
0x58: {  	[tilespmem:$0x4A20] =	vst v0  }
0x59: {  	[tilespmem:$0x4A30] =	vst v0  }
0x5a: {  	[tilespmem:$0x4A40] =	vst v0  }
0x5b: {  	[tilespmem:$0x4A50] =	vst v0  }
0x5c: {  	[tilespmem:$0x4A60] =	vst v0  }
0x5d: {  	[tilespmem:$0x4A70] =	vst v0  }
0x5e: {  	[spmem:s7] =	stream.linear.scatter [tilespmem:s26], [sflag:$0x1], $0x280, $0x38;
	[tilespmem:$0x7280] =	vst v63  }
0x5f: {  	_ = 	snop  }
0x60: {  	[spmem:s8] =	stream.linear.scatter [tilespmem:s26], [sflag:$0x1], $0x280, $0x38;
	[tilespmem:$0x7280] =	vst v63  }
0x61: {  	_ = 	snop  }
0x62: {  	[spmem:s9] =	stream.linear.scatter [tilespmem:s26], [sflag:$0x1], $0x280, $0x38;
	[tilespmem:$0x7280] =	vst v63  }
0x63: {  	_ = 	snop  }
0x64: {  	[spmem:s10] =	stream.linear.scatter [tilespmem:s26], [sflag:$0x1], $0x280, $0x38;
	[tilespmem:$0x7280] =	vst v63  }
0x65: {  	_ = 	snop  }
0x66: {  	[spmem:s11] =	stream.linear.scatter [tilespmem:s26], [sflag:$0x1], $0x280, $0x38;
	[tilespmem:$0x7280] =	vst v63  }
0x67: {  	_ = 	snop  }
0x68: {  	[spmem:s12] =	stream.linear.scatter [tilespmem:s26], [sflag:$0x1], $0x280, $0x38;
	[tilespmem:$0x7280] =	vst v63  }
0x69: {  	_ = 	snop  }
0x6a: {  	[spmem:s13] =	stream.linear.scatter [tilespmem:s26], [sflag:$0x1], $0x280, $0x38;
	[tilespmem:$0x7280] =	vst v63  }
0x6b: {  	_ = 	snop  }
0x6c: {  	[spmem:s14] =	stream.linear.scatter [tilespmem:s26], [sflag:$0x1], $0x280, $0x38;
	[tilespmem:$0x7280] =	vst v63  }
0x6d: {  	_ = 	snop  }
0x6e: {  	[spmem:s15] =	stream.linear.scatter [tilespmem:s26], [sflag:$0x1], $0x280, $0x38;
	[tilespmem:$0x7280] =	vst v63  }
0x6f: {  	_ = 	snop  }
0x70: {  	[spmem:s16] =	stream.linear.scatter [tilespmem:s26], [sflag:$0x1], $0x280, $0x38;
	[tilespmem:$0x7280] =	vst v63  }
0x71: {  	_ = 	snop  }
0x72: {  	[spmem:s17] =	stream.linear.scatter [tilespmem:s26], [sflag:$0x1], $0x280, $0x38;
	[tilespmem:$0x7280] =	vst v63  }
0x73: {  	_ = 	snop  }
0x74: {  	[spmem:s18] =	stream.linear.scatter [tilespmem:s26], [sflag:$0x1], $0x280, $0x38;
	[tilespmem:$0x7280] =	vst v63  }
0x75: {  	_ = 	snop  }
0x76: {  	[spmem:s19] =	stream.linear.scatter [tilespmem:s26], [sflag:$0x1], $0x280, $0x38;
	[tilespmem:$0x7280] =	vst v63  }
0x77: {  	_ = 	snop  }
0x78: {  	[spmem:s20] =	stream.linear.scatter [tilespmem:s26], [sflag:$0x1], $0x280, $0x38;
	[tilespmem:$0x7280] =	vst v63  }
0x79: {  	_ = 	snop  }
0x7a: {  	[spmem:s21] =	stream.linear.scatter [tilespmem:s26], [sflag:$0x1], $0x280, $0x38;
	[tilespmem:$0x7280] =	vst v63  }
0x7b: {  	_ = 	snop  }
0x7c: {  	[spmem:s23] =	stream.linear.scatter [tilespmem:s26], [sflag:$0x1], $0x280, $0x38;
	[tilespmem:$0x7280] =	vst v63  }
0x7d: {  	_ =	swait.ge [sflag:s28], $0x280  }
0x7e: {  	[sflag:s28] =	ssyncset.done $0x0  }
0x7f: {  	[sflag:s28] =	ssyncadd.s32 $0xFFFFFD80  }
0x80: {  	_ =	swait.ge [sflag:s28], $0x280  }
0x81: {  	[sflag:s28] =	ssyncset.done $0x0  }
0x82: {  	[sflag:s28] =	ssyncadd.s32 $0xFFFFFD80  }
0x83: {  	_ =	swait.ge [sflag:s28], $0x280  }
0x84: {  	[sflag:s28] =	ssyncset.done $0x0  }
0x85: {  	[sflag:s28] =	ssyncadd.s32 $0xFFFFFD80  }
0x86: {  	_ =	swait.ge [sflag:s28], $0x280  }
0x87: {  	[sflag:s28] =	ssyncset.done $0x0  }
0x88: {  	[sflag:s28] =	ssyncadd.s32 $0xFFFFFD80  }
0x89: {  	_ =	swait.ge [sflag:s28], $0x280  }
0x8a: {  	[sflag:s28] =	ssyncset.done $0x0  }
0x8b: {  	[sflag:s28] =	ssyncadd.s32 $0xFFFFFD80  }
0x8c: {  	_ =	swait.ge [sflag:s28], $0x280  }
0x8d: {  	[sflag:s28] =	ssyncset.done $0x0  }
0x8e: {  	[sflag:s28] =	ssyncadd.s32 $0xFFFFFD80  }
0x8f: {  	_ =	swait.ge [sflag:s28], $0x280  }
0x90: {  	[sflag:s28] =	ssyncset.done $0x0  }
0x91: {  	[sflag:s28] =	ssyncadd.s32 $0xFFFFFD80  }
0x92: {  	_ =	swait.ge [sflag:s28], $0x280  }
0x93: {  	[sflag:s28] =	ssyncset.done $0x0  }
0x94: {  	[sflag:s28] =	ssyncadd.s32 $0xFFFFFD80  }
0x95: {  	_ =	swait.ge [sflag:s28], $0x280  }
0x96: {  	[sflag:s28] =	ssyncset.done $0x0  }
0x97: {  	[sflag:s28] =	ssyncadd.s32 $0xFFFFFD80  }
0x98: {  	_ =	swait.ge [sflag:s28], $0x280  }
0x99: {  	[sflag:s28] =	ssyncset.done $0x0  }
0x9a: {  	[sflag:s28] =	ssyncadd.s32 $0xFFFFFD80  }
0x9b: {  	_ =	swait.ge [sflag:s28], $0x280  }
0x9c: {  	[sflag:s28] =	ssyncset.done $0x0  }
0x9d: {  	[sflag:s28] =	ssyncadd.s32 $0xFFFFFD80  }
0x9e: {  	_ =	swait.ge [sflag:s28], $0x280  }
0x9f: {  	[sflag:s28] =	ssyncset.done $0x0  }
0xa0: {  	[sflag:s28] =	ssyncadd.s32 $0xFFFFFD80  }
0xa1: {  	_ =	swait.ge [sflag:s28], $0x280  }
0xa2: {  	[sflag:s28] =	ssyncset.done $0x0  }
0xa3: {  	[sflag:s28] =	ssyncadd.s32 $0xFFFFFD80  }
0xa4: {  	_ =	swait.ge [sflag:s28], $0x280  }
0xa5: {  	[sflag:s28] =	ssyncset.done $0x0  }
0xa6: {  	[sflag:s28] =	ssyncadd.s32 $0xFFFFFD80  }
0xa7: {  	_ =	swait.ge [sflag:s28], $0x280  }
0xa8: {  	[sflag:s28] =	ssyncset.done $0x0  }
0xa9: {  	[sflag:s28] =	ssyncadd.s32 $0xFFFFFD80  }
0xaa: {  	_ =	swait.ge [sflag:s28], $0x280  }
0xab: {  	[sflag:s28] =	ssyncset.done $0x0  }
0xac: {  	[sflag:s28] =	ssyncadd.s32 $0xFFFFFD80  }
.Ltmp2:
0xad: {  	s5 =	rddreg [dreg:$0x1];
	(pc) =	sbr.rel @p0 .LBB2_3-.Ltmp2, $4  }
0xae: {  	[tilespmem:s29], [sflag:$0x2] =	stream.linear.gather [hbm4b:s5+s3], $0x2000, $0x38;
	[tilespmem:$0x7280] =	vst v63  }
0xaf: {  	_ =	swait.ge [sflag:s30], $0x2000  }
0xb0: {  	[sflag:s30] =	ssyncset.done $0x0  }
0xb1: {  	[sflag:s30] =	ssyncadd.s32 $0xFFFFE000  }
0xb2: {  	[tilespmem:s3], [sflag:$0x2] =	stream.linear.gather [hbm4b:s25+s3], $0x2800, $0x38;
	[tilespmem:$0x7280] =	vst v63  }
0xb3: {  	_ =	swait.ge [sflag:s30], $0x2800  }
0xb4: {  	[sflag:s30] =	ssyncset.done $0x0  }
0xb5: {  	[sflag:s30] =	ssyncadd.s32 $0xFFFFD800  }
0xb6: {  	[bflag:$0x0] =	sbarrier.arrive $0xFFFF  }
0xb7: {  	[spmem:s2] =	stream.indirect.scatter.add.f32 [tilespmem:s29], [sflag:$0x1], $0x10, s3, s31, $0xb8;
	[tilespmem:$0x7280] =	vst v63  }
0xb8: {  	_ = 	snop  }
0xb9: {  	[spmem:s2] =	stream.indirect.scatter.add.f32 [tilespmem:s29], [sflag:$0x1], $0x10, s31, s31, $0xb8;
	[tilespmem:$0x7280] =	vst v63  }
0xba: {  	s5 =	simm.s32 $0x400  }
0xbb: {  	[spmem:s2] =	stream.indirect.scatter.add.f32 [tilespmem:s29], [sflag:$0x1], $0x10, s5, s31, $0xb8;
	[tilespmem:$0x7280] =	vst v63  }
0xbc: {  	_ = 	snop  }
0xbd: {  	[spmem:s2] =	stream.indirect.scatter.add.f32 [tilespmem:s29], [sflag:$0x1], $0x10, s1, s31, $0xb8;
	[tilespmem:$0x7280] =	vst v63  }
0xbe: {  	_ = 	snop  }
0xbf: {  	[spmem:s2] =	stream.indirect.scatter.add.f32 [tilespmem:s29], [sflag:$0x1], $0x10, s4, s31, $0xb8;
	[tilespmem:$0x7280] =	vst v63  }
0xc0: {  	s5 =	simm.s32 $0xA00  }
0xc1: {  	[spmem:s2] =	stream.indirect.scatter.add.f32 [tilespmem:s29], [sflag:$0x1], $0x10, s5, s31, $0xb8;
	[tilespmem:$0x7280] =	vst v63  }
0xc2: {  	s5 =	simm.s32 $0xC00  }
0xc3: {  	[spmem:s2] =	stream.indirect.scatter.add.f32 [tilespmem:s29], [sflag:$0x1], $0x10, s5, s31, $0xb8;
	[tilespmem:$0x7280] =	vst v63  }
0xc4: {  	s5 =	simm.s32 $0xE00  }
0xc5: {  	[spmem:s2] =	stream.indirect.scatter.add.f32 [tilespmem:s29], [sflag:$0x1], $0x10, s5, s31, $0xb8;
	[tilespmem:$0x7280] =	vst v63  }
0xc6: {  	s5 =	simm.s32 $0x1000  }
0xc7: {  	[spmem:s2] =	stream.indirect.scatter.add.f32 [tilespmem:s29], [sflag:$0x1], $0x10, s5, s31, $0xb8;
	[tilespmem:$0x7280] =	vst v63  }
0xc8: {  	s5 =	simm.s32 $0x1200  }
0xc9: {  	[spmem:s2] =	stream.indirect.scatter.add.f32 [tilespmem:s29], [sflag:$0x1], $0x10, s5, s31, $0xb8;
	[tilespmem:$0x7280] =	vst v63  }
0xca: {  	s5 =	simm.s32 $0x1400  }
0xcb: {  	[spmem:s2] =	stream.indirect.scatter.add.f32 [tilespmem:s29], [sflag:$0x1], $0x10, s5, s31, $0xb8;
	[tilespmem:$0x7280] =	vst v63  }
0xcc: {  	s5 =	simm.s32 $0x1600  }
0xcd: {  	[spmem:s2] =	stream.indirect.scatter.add.f32 [tilespmem:s29], [sflag:$0x1], $0x10, s5, s31, $0xb8;
	[tilespmem:$0x7280] =	vst v63  }
0xce: {  	s5 =	simm.s32 $0x1800  }
0xcf: {  	[spmem:s2] =	stream.indirect.scatter.add.f32 [tilespmem:s29], [sflag:$0x1], $0x10, s5, s31, $0xb8;
	[tilespmem:$0x7280] =	vst v63  }
0xd0: {  	s5 =	simm.s32 $0x1A00  }
0xd1: {  	[spmem:s2] =	stream.indirect.scatter.add.f32 [tilespmem:s29], [sflag:$0x1], $0x10, s5, s31, $0xb8;
	[tilespmem:$0x7280] =	vst v63  }
0xd2: {  	s5 =	simm.s32 $0x1C00  }
0xd3: {  	[spmem:s2] =	stream.indirect.scatter.add.f32 [tilespmem:s29], [sflag:$0x1], $0x10, s5, s31, $0xb8;
	[tilespmem:$0x7280] =	vst v63  }
0xd4: {  	s5 =	simm.s32 $0x1E00  }
0xd5: {  	[spmem:s2] =	stream.indirect.scatter.add.f32 [tilespmem:s29], [sflag:$0x1], $0x10, s5, s31, $0xb8;
	[tilespmem:$0x7280] =	vst v63  }
0xd6: {  	s5 =	simm.s32 $0x2000  }
0xd7: {  	[spmem:s2] =	stream.indirect.scatter.add.f32 [tilespmem:s29], [sflag:$0x1], $0x10, s5, s31, $0xb8;
	[tilespmem:$0x7280] =	vst v63  }
0xd8: {  	s5 =	simm.s32 $0x2200  }
0xd9: {  	[spmem:s2] =	stream.indirect.scatter.add.f32 [tilespmem:s29], [sflag:$0x1], $0x10, s5, s31, $0xb8;
	[tilespmem:$0x7280] =	vst v63  }
0xda: {  	s5 =	simm.s32 $0x2400  }
0xdb: {  	[spmem:s2] =	stream.indirect.scatter.add.f32 [tilespmem:s29], [sflag:$0x1], $0x10, s5, s31, $0xb8;
	[tilespmem:$0x7280] =	vst v63  }
0xdc: {  	s5 =	simm.s32 $0x2600  }
0xdd: {  	[spmem:s2] =	stream.indirect.scatter.add.f32 [tilespmem:s29], [sflag:$0x1], $0x10, s5, s31, $0xb8;
	[tilespmem:$0x7280] =	vst v63  }
0xde: {  	_ =	swait.ge [sflag:s28], $0x2000  }
0xdf: {  	[sflag:s28] =	ssyncset.done $0x0  }
0xe0: {  	[sflag:s28] =	ssyncadd.s32 $0xFFFFE000  }
0xe1: {  	_ =	swait.ge [sflag:s28], $0x2000  }
0xe2: {  	[sflag:s28] =	ssyncset.done $0x0  }
0xe3: {  	[sflag:s28] =	ssyncadd.s32 $0xFFFFE000  }
0xe4: {  	_ =	swait.ge [sflag:s28], $0x2000  }
0xe5: {  	[sflag:s28] =	ssyncset.done $0x0  }
0xe6: {  	[sflag:s28] =	ssyncadd.s32 $0xFFFFE000  }
0xe7: {  	_ =	swait.ge [sflag:s28], $0x2000  }
0xe8: {  	[sflag:s28] =	ssyncset.done $0x0  }
0xe9: {  	[sflag:s28] =	ssyncadd.s32 $0xFFFFE000  }
0xea: {  	_ =	swait.ge [sflag:s28], $0x2000  }
0xeb: {  	[sflag:s28] =	ssyncset.done $0x0  }
0xec: {  	[sflag:s28] =	ssyncadd.s32 $0xFFFFE000  }
0xed: {  	_ =	swait.ge [sflag:s28], $0x2000  }
0xee: {  	[sflag:s28] =	ssyncset.done $0x0  }
0xef: {  	[sflag:s28] =	ssyncadd.s32 $0xFFFFE000  }
0xf0: {  	_ =	swait.ge [sflag:s28], $0x2000  }
0xf1: {  	[sflag:s28] =	ssyncset.done $0x0  }
0xf2: {  	[sflag:s28] =	ssyncadd.s32 $0xFFFFE000  }
0xf3: {  	_ =	swait.ge [sflag:s28], $0x2000  }
0xf4: {  	[sflag:s28] =	ssyncset.done $0x0  }
0xf5: {  	[sflag:s28] =	ssyncadd.s32 $0xFFFFE000  }
0xf6: {  	_ =	swait.ge [sflag:s28], $0x2000  }
0xf7: {  	[sflag:s28] =	ssyncset.done $0x0  }
0xf8: {  	[sflag:s28] =	ssyncadd.s32 $0xFFFFE000  }
0xf9: {  	_ =	swait.ge [sflag:s28], $0x2000  }
0xfa: {  	[sflag:s28] =	ssyncset.done $0x0  }
0xfb: {  	[sflag:s28] =	ssyncadd.s32 $0xFFFFE000  }
0xfc: {  	_ =	swait.ge [sflag:s28], $0x2000  }
0xfd: {  	[sflag:s28] =	ssyncset.done $0x0  }
0xfe: {  	[sflag:s28] =	ssyncadd.s32 $0xFFFFE000  }
0xff: {  	_ =	swait.ge [sflag:s28], $0x2000  }
0x100: {  	[sflag:s28] =	ssyncset.done $0x0  }
0x101: {  	[sflag:s28] =	ssyncadd.s32 $0xFFFFE000  }
0x102: {  	_ =	swait.ge [sflag:s28], $0x2000  }
0x103: {  	[sflag:s28] =	ssyncset.done $0x0  }
0x104: {  	[sflag:s28] =	ssyncadd.s32 $0xFFFFE000  }
0x105: {  	_ =	swait.ge [sflag:s28], $0x2000  }
.Ltmp3:
0x106: {  	[sflag:s28] =	ssyncset.done $0x0;
	(pc) =	sbr.rel .LBB2_4-.Ltmp3, $4  }
0x107: {  	[sflag:s28] =	ssyncadd.s32 $0xFFFFE000  }
0x108: {  	_ =	swait.ge [sflag:s28], $0x2000  }
0x109: {  	[sflag:s28] =	ssyncset.done $0x0  }
0x10a: {  	[sflag:s28] =	ssyncadd.s32 $0xFFFFE000  }
.LBB2_5:
0x10b: {  	_ =	sfence.sel $0x180000  }
0x10c: {  	[bflag:$0x0] =	sbarrier.arrive $0xFFFF  }
0x10d: {  	_ =	strace $0x90000047  }
0x10e: {  	s0 =	stileid.u32;
	[bflag:$0x2] =	sbarrier.arrive $0xFFFF  }
0x10f: {  	p0 =	sne.s32 s0, $0x0;
	s0 =	rddreg [dreg:$0x3]  }
0x110: {  	s0 =	sadd.s32 @!p0 $0x100000, s0  }
0x111: {  	[sflag:s0] =	ssyncadd.tile.s32 @!p0 $0x1;
	_ =	shalt  }
.Lfunc_end2:
_tile_overlayer_lowered:
.L_overlay_start_2:
0x112: {  	(tag) =	ssettag $0x2  }
0x113: {  	s0 =	rddreg [dreg:$0x0];
	s2 =	stileid.u32  }
0x114: {  	s1 =	rddreg [dreg:$0x1];
	p0 =	sne.s32 s2, $0x0  }
0x115: {  	s3 =	rddreg [dreg:$0x2];
	[bflag:$0x3] =	sbarrier.arrive $0xFFFF;
	s2 =	simm.s32 @!p0 $0x1C02  }
0x116: {  	[timem:s3], [sflag:s2] =	dma.local @!p0 [hbm:s0], s1  }
0x117: {  	s0 =	simm.s32 @!p0 $0x2  }
0x118: {  	_ =	swait.ge @!p0 [sflag:s0], s1  }
0x119: {  	s1 =	ssub.s32 @!p0 $0x0, s1;
	[sflag:s0] =	ssyncset.done @!p0 $0x0  }
0x11a: {  	[sflag:s0] =	ssyncadd.s32 @!p0 s1  }
0x11b: {  	[bflag:$0x3] =	sbarrier.arrive $0xFFFF  }
0x11c: {  	_ =	shalt  }

// kernel: kernel.15.cloned.1.call-start
scs
__scs_entry_jumppad:
0x0: {  	(pc) =	sbr.rel $0x88, $3  }
0x1: {  	(tag) =	ssettag $0x0;
	lr =	simm.s32 $0x1  }
0x2: {  	[smem:$0x3F99] =	sst lr;
	_ =	strace $0xD0000000  }
0x3: {  	_ = 	snop  }
0x4: {  	_ = 	snop  }
0x5: {  	_ = 	snop  }
0x6: {  	_ = 	snop  }
0x7: {  	_ = 	snop  }
__scs_overlays_trampoline_lowered:
0x8: {  	[smem:$0x3FA8] =	sst s0  }
0x9: {  	[smem:$0x3FA9] =	sst s1  }
0xa: {  	[smem:$0x3FAA] =	sst s2  }
0xb: {  	[smem:$0x3FAB] =	sst s3  }
0xc: {  	[smem:$0x3FAC] =	sst s4  }
0xd: {  	[smem:$0x3FAD] =	sst s5  }
0xe: {  	[smem:$0x3FAE] =	sst s6  }
0xf: {  	[smem:$0x3FAF] =	sst s7  }
0x10: {  	[smem:$0x3FB0] =	sst s8  }
0x11: {  	[smem:$0x3FB1] =	sst s9;
	s0 =	simm.s32 @!p0 $0x0  }
0x12: {  	s1 =	sld [smem:$0x3F97];
	s0 =	simm.s32 @p0 $0x1  }
0x13: {  	[smem:$0x3FB2] =	sst s0;
	s0 =	simm.s32 @!p1 $0x0  }
0x14: {  	s2 =	sld [smem:$0x3F96];
	s0 =	simm.s32 @p1 $0x1  }
0x15: {  	[smem:$0x3FB3] =	sst s0;
	s0 =	simm.s32 @!p2 $0x0  }
0x16: {  	s3 =	sld [smem:$0x3FDB];
	s0 =	simm.s32 @p2 $0x1  }
0x17: {  	s4 =	simm.s32 $0x1BF5;
	[smem:$0x3FB5] =	sst s0  }
0x18: {  	s0 =	sld [smem:$0x3F98];
	_ =	swait.ge [sflag:s4], $0x0  }
0x19: {  	s7 =	sld [smem:$0x3F99]  }
0x1a: {  	s8 =	sadd.s32 $0xFFFFE003, lr  }
0x1b: {  	s9 =	sadd.s32 $0xFFFFFEF7, lr;
	s5 =	simm.s32 $0xFFFFFFFF;
	p2 =	slt.u32 s8, $0xFFFFF086  }
0x1c: {  	p1 =	slt.u32 s9, $0xF7A;
	s5 =	simm.s32 @!p2 $0x0  }
0x1d: {  	s5 =	simm.s32 @p1 $0x1;
	p0 =	seq.s32 s7, s2  }
0x1e: {  	s7 =	smul.u32 @!p0 $0xF7A, s2;
	p2 =	seq.s32 @!p0 s5, $0x0  }
0x1f: {  	s9 =	smul.u32 $0xF7A, s1;
	s8 =	simm.s32 @!p0 $0x1BF5;
	p2 =	por !p2, p0  }
0x20: {  	[sflag:s8] =	ssyncset.s32 @!p0 $0xFFFFF086;
	s6 =	sadd.s32 @!p0 s3, s7;
	s7 =	simm.s32 @!p0 $0x108  }
0x21: {  	s3 =	sadd.s32 s3, s9;
	s6 =	sadd.s32 @!p0 $0x88, s6;
	s7 =	simm.s32 @p2 $0x1082  }
0x22: {  	[simem:s7], [sflag:s8] =	dma.local @!p0 [hbm:s6], $0xF7A  }
0x23: {  	s9 =	sor.u32 $0xD0000000, s2;
	s6 =	simm.s32 $0x108;
	_ =	swait.ge @!p0 [sflag:s8], $0x0  }
0x24: {  	s3 =	sadd.s32 $0x88, s3;
	s6 =	simm.s32 @!p1 $0x1082;
	[sflag:s4] =	ssyncset.s32 $0xFFFFF086  }
0x25: {  	[simem:s6], [sflag:s4] =	dma.local [hbm:s3], $0xF7A  }
0x26: {  	[smem:$0x3F99] =	sst s1;
	(tag) =	ssettag s2;
	_ =	strace s9  }
0x27: {  	s1 =	sld [smem:$0x3FA9]  }
0x28: {  	s2 =	sld [smem:$0x3FAA]  }
0x29: {  	s4 =	sld [smem:$0x3FAC]  }
0x2a: {  	p0 =	seq.s32 s5, $0x0;
	s5 =	sld [smem:$0x3FAD]  }
0x2b: {  	s6 =	sld [smem:$0x3FAE]  }
0x2c: {  	s7 =	sld [smem:$0x3FAF]  }
0x2d: {  	s3 =	simm.s32 $0x108;
	s8 =	sld [smem:$0x3FB0]  }
0x2e: {  	s3 =	simm.s32 @!p0 $0x1082;
	s9 =	sld [smem:$0x3FB1]  }
0x2f: {  	lr =	sadd.s32 s0, s3;
	s0 =	sld [smem:$0x3FA8]  }
0x30: {  	s3 =	sld [smem:$0x3FAB]  }
0x31: {  	[smem:$0x3FB4] =	sst s10  }
0x32: {  	s10 =	sld [smem:$0x3FB2];
	_ =	sdelay $0x3  }
0x33: {  	p0 =	seq.s32 s10, $0x1;
	s10 =	sld [smem:$0x3FB4];
	_ =	sdelay $0x3  }
0x34: {  	[smem:$0x3FB4] =	sst s10  }
0x35: {  	s10 =	sld [smem:$0x3FB3];
	_ =	sdelay $0x3  }
0x36: {  	p1 =	seq.s32 s10, $0x1;
	s10 =	sld [smem:$0x3FB4];
	_ =	sdelay $0x3  }
0x37: {  	[smem:$0x3FB4] =	sst s10  }
0x38: {  	s10 =	sld [smem:$0x3FB5]  }
0x39: {  	_ = 	snop;
	(pc) =	sbr.ind lr, $3  }
0x3a: {  	_ = 	snop  }
0x3b: {  	_ = 	snop  }
0x3c: {  	p2 =	seq.s32 s10, $0x1;
	s10 =	sld [smem:$0x3FB4]  }
0x3d: {  	_ =	shalt  }
0x3e: {  	_ =	shalt  }
0x3f: {  	_ =	shalt  }
0x40: {  	_ =	shalt  }
0x41: {  	_ =	shalt  }
0x42: {  	_ =	shalt  }
0x43: {  	_ =	shalt  }
0x44: {  	_ =	shalt  }
0x45: {  	_ =	shalt  }
0x46: {  	_ =	shalt  }
0x47: {  	_ =	shalt  }
0x48: {  	_ =	shalt  }
0x49: {  	_ =	shalt  }
0x4a: {  	_ =	shalt  }
0x4b: {  	_ =	shalt  }
0x4c: {  	_ =	shalt  }
0x4d: {  	_ =	shalt  }
0x4e: {  	_ =	shalt  }
0x4f: {  	_ =	shalt  }
0x50: {  	_ =	shalt  }
0x51: {  	_ =	shalt  }
0x52: {  	_ =	shalt  }
0x53: {  	_ =	shalt  }
0x54: {  	_ =	shalt  }
0x55: {  	_ =	shalt  }
0x56: {  	_ =	shalt  }
0x57: {  	_ =	shalt  }
0x58: {  	_ =	shalt  }
0x59: {  	_ =	shalt  }
0x5a: {  	_ =	shalt  }
0x5b: {  	_ =	shalt  }
0x5c: {  	_ =	shalt  }
0x5d: {  	_ =	shalt  }
0x5e: {  	_ =	shalt  }
0x5f: {  	_ =	shalt  }
0x60: {  	_ =	shalt  }
0x61: {  	_ =	shalt  }
0x62: {  	_ =	shalt  }
0x63: {  	_ =	shalt  }
0x64: {  	_ =	shalt  }
0x65: {  	_ =	shalt  }
0x66: {  	_ =	shalt  }
0x67: {  	_ =	shalt  }
0x68: {  	_ =	shalt  }
0x69: {  	_ =	shalt  }
0x6a: {  	_ =	shalt  }
0x6b: {  	_ =	shalt  }
0x6c: {  	_ =	shalt  }
0x6d: {  	_ =	shalt  }
0x6e: {  	_ =	shalt  }
0x6f: {  	_ =	shalt  }
0x70: {  	_ =	shalt  }
0x71: {  	_ =	shalt  }
0x72: {  	_ =	shalt  }
0x73: {  	_ =	shalt  }
0x74: {  	_ =	shalt  }
0x75: {  	_ =	shalt  }
0x76: {  	_ =	shalt  }
0x77: {  	_ =	shalt  }
0x78: {  	_ =	shalt  }
0x79: {  	_ =	shalt  }
0x7a: {  	_ =	shalt  }
0x7b: {  	_ =	shalt  }
0x7c: {  	_ =	shalt  }
0x7d: {  	_ =	shalt  }
0x7e: {  	_ =	shalt  }
0x7f: {  	_ =	shalt  }
0x80: {  	_ =	shalt  }
0x81: {  	_ =	shalt  }
0x82: {  	_ =	shalt  }
0x83: {  	_ =	shalt  }
0x84: {  	_ =	shalt  }
0x85: {  	_ =	shalt  }
0x86: {  	_ =	shalt  }
0x87: {  	_ =	shalt  }
.Lfunc_end0:
.L_simem_size_0:
called_computation.1_lowered:
.L_overlay_start_0:
0x88: {  	s2 =	sld [smem:$0x3FD9]  }
0x89: {  	s3 =	sld [smem:$0x3FFE];
	_ =	sdelay $0x1  }
0x8a: {  	s1 =	srdreg.scid  }
0x8b: {  	s0 =	sand.u32 $0x1, s1  }
0x8c: {  	s16 =	sshll.u32 s0, $0xA;
	s2 =	sadd.s32 s3, s2  }
0x8d: {  	s2 =	sadd.s32 s2, s16  }
0x8e: {  	[smem:$0x3FC0] =	sst s2  }
0x8f: {  	_ = 	snop  }
0x90: {  	(tm) =	ssettm $0x1  }
0x91: {  	s17 =	sld [smem:$0x3FFB];
	_ =	sdelay $0x3  }
0x92: {  	_ =	strace s17  }
0x93: {  	s2 =	sld [smem:$0x3FFC];
	_ =	sdelay $0x3  }
0x94: {  	_ =	strace s2  }
0x95: {  	s2 =	sld [smem:$0x3FFD];
	_ =	sdelay $0x3  }
0x96: {  	_ =	strace s2  }
0x97: {  	_ =	strace $0x8FFFFFFF  }
0x98: {  	s18 =	sld [smem:$0x3FDB];
	_ =	sdelay $0x1  }
0x99: {  	s19 =	simm.s32 $_scs_section_size  }
0x9a: {  	s4 =	simm.s32 $_size__tile_overlayer_lowered;
	s5 =	simm.s32 $_tile_overlayer_lowered  }
0x9b: {  	s22 =	simm.s32 $0x1BFF;
	s21 =	sshll.u32 s5, $0x1;
	s2 =	sadd.s32 s19, s18  }
0x9c: {  	s6 =	simm.s32 $0x0;
	s20 =	sshll.u32 s4, $0x1;
	s4 =	sadd.s32 s21, s2  }
0x9d: {  	[timem:s6], [sflag:s22] =	dma.local [hbm:s4], s20  }
0x9e: {  	_ =	swait.ge [sflag:s22], s20  }
0x9f: {  	s3 =	ssub.s32 $0x0, s20;
	[sflag:s22] =	ssyncset.done $0x0  }
0xa0: {  	[sflag:s22] =	ssyncadd.s32 s3;
	_ =	sdelay $0x1  }
0xa1: {  	s23 =	simm.s32 $0x1B8B  }
0xa2: {  	_ =	swait.ge [sflag:s23], $0x1  }
0xa3: {  	[sflag:s23] =	ssyncset.done $0x0  }
0xa4: {  	s25 =	simm.s32 $0x1B8E;
	s24 =	sld [smem:$0x3FFE];
	[sflag:s23] =	ssyncadd.s32 $0xFFFFFFFF  }
0xa5: {  	s26 =	simm.s32 $execute0_lowered;
	[smem:$0x3FD2] =	sst s25  }
0xa6: {  	s4 =	sshll.u32 s26, $0x1;
	_ =	strace $0x80000049;
	[dreg:$0x1] =	wrdreg $0xFFFFFFFF  }
0xa7: {  	s28 =	simm.s32 $_size_execute0_lowered;
	s2 =	sadd.s32 s2, s4;
	[dreg:$0x0] =	wrdreg $0x0  }
0xa8: {  	s4 =	sshll.u32 s28, $0x1;
	[dreg:$0x2] =	wrdreg s2  }
0xa9: {  	[dreg:$0x3] =	wrdreg s4  }
0xaa: {  	[dreg:$0x4] =	wrdreg $0xC0  }
0xab: {  	_ =	task [dreg:s6], $0x5FFFF  }
0xac: {  	[dreg:$0x1] =	wrdreg $0xFFFFFFFF  }
0xad: {  	[dreg:$0x0] =	wrdreg $0x60  }
0xae: {  	[dreg:$0x2] =	wrdreg s24  }
0xaf: {  	[dreg:$0x3] =	wrdreg $0x125000  }
0xb0: {  	[dreg:$0x4] =	wrdreg $0xD5000  }
0xb1: {  	[dreg:$0x5] =	wrdreg $0x9  }
0xb2: {  	_ =	task.clear_ibuf [dreg:s6], $0x6FFFF;
	_ =	strace $0x90000049  }
0xb3: {  	s29 =	simm.s32 $0x9;
	_ =	strace $0x8000004B  }
0xb4: {  	_ =	swait.ge [sflag:s29], $0x1  }
0xb5: {  	[sflag:s29] =	ssyncadd.s32 $0xFFFFFFFF  }
0xb6: {  	_ =	strace $0x9000004B  }
0xb7: {  	_ =	sfence  }
0xb8: {  	s30 =	sld [smem:$0x0];
	_ =	sdelay $0x2  }
0xb9: {  	s31 =	sshll.u32 s1, $0xD;
	s1 =	sshrl.u32 s1, $0x2  }
0xba: {  	s3 =	sand.u32 $0x4000, s31;
	s1 =	sadd.s32 s1, s30  }
0xbb: {  	s0 =	sor.u32 s3, s0;
	s1 =	sshll.u32 s1, $0x11  }
0xbc: {  	s0 =	sor.u32 s1, s0  }
0xbd: {  	s0 =	sadd.s32 $0x8F2B, s0  }
0xbe: {  	[sflag:s0] =	ssyncadd.remote.s32 $0x1  }
0xbf: {  	_ =	sfence.sel $0xFFFF  }
0xc0: {  	[dreg:$0x0] =	wrdreg $0xFFFFFFFF;
	(pc) =	sbr.abs _section_cstart, $3  }
0xc1: {  	[dreg:$0x1] =	wrdreg $0xFFFFFFFF  }
0xc2: {  	_ =	task.clear_ibuf [dreg:s6], $0x2FFFF;
	_ =	strace $0x9FFFFFFF  }
0xc3: {  	(tm) =	ssettm $0x7FFFFFFF  }
tec
execute0_lowered:
.L_overlay_start_1:
0x0: {  	(tag) =	ssettag $0x1  }
0x1: {  	s0 =	rddreg [dreg:$0x0]  }
0x2: {  	s2 =	rddreg [dreg:$0x1]  }
0x3: {  	s3 =	rddreg [dreg:$0x2];
	s1 =	srdreg.scid  }
0x4: {  	s13 =	stileid.u32;
	s4 =	simm.s32 $0x0;
	s1 =	sand.u32 $0x1, s1  }
0x5: {  	s5 =	sshll.u32 s13, $0x1;
	s6 =	smul.u32 $0x5000, s13;
	[smem:$0x7FF] =	sst s4  }
0x6: {  	s26 =	sshll.u32 s13, $0x6;
	s13 =	smul.u32 $0x14000, s13;
	s14 =	sadd.s32 $0xD040, s0  }
0x7: {  	s5 =	sor.u32 s1, s5;
	s7 =	smul.u32 $0xA000, s1;
	s1 =	ssub.s32 $0x2, s1  }
0x8: {  	_ =	strace $0x8000004A;
	[dreg:$0x7] =	wrdreg s14;
	s11 =	smul.u32 $0x500, s5  }
0x9: {  	s8 =	sshrl.u32 s6, $0x3;
	s10 =	sshrl.u32 s1, $0x1;
	s15 =	sshrl.u32 s13, $0x2  }
0xa: {  	p0 =	seq.s32 s5, $0x1F;
	s5 =	simm.s32 $0x200;
	s13 =	simm.s32 $0x0  }
0xb: {  	s9 =	sadd.s32 s8, s0;
	s12 =	sadd.s32 s7, s0;
	s1 =	ssub.s32 s1, s10  }
0xc: {  	s10 =	sadd.s32 s6, s2;
	s7 =	sor.u32 $0x1C04, s26;
	s6 =	sadd.s32 s6, s3  }
0xd: {  	[dreg:$0x4] =	wrdreg s11;
	s11 =	sadd.s32 s11, s0;
	s9 =	sadd.s32 $0x16E00, s9  }
0xe: {  	s0 =	sadd.s32 $0xCF00, s0;
	s16 =	sadd.s32 $0x20E00, s12;
	[dreg:$0x5] =	wrdreg s9  }
0xf: {  	s22 =	smax.u32 s1, $0x1;
	s1 =	simm.s32 $0xD000;
	[dreg:$0x8] =	wrdreg s0  }
0x10: {  	s12 =	simm.s32 $0x2;
	s11 =	sadd.s32 $0x3400, s11;
	[dreg:$0x9] =	wrdreg s22  }
0x11: {  	s22 =	sadd.s32 s8, s16;
	s0 =	simm.s32 $0x4;
	s8 =	simm.s32 $0x1  }
0x12: {  	s9 =	simm.s32 $0x9000;
	[dreg:$0x6] =	wrdreg s11;
	s11 =	sadd.s32 s15, s3  }
0x13: {  	s23 =	sadd.s32 $0x500, s11;
	s24 =	sadd.s32 $0xA00, s11;
	s25 =	sadd.s32 $0xF00, s11  }
0x14: {  	s26 =	sadd.s32 $0x1400, s11;
	s17 =	sadd.s32 $0x1900, s11;
	s18 =	sadd.s32 $0x1E00, s11  }
0x15: {  	s19 =	sadd.s32 $0x2300, s11;
	s20 =	sadd.s32 $0x2800, s11;
	[dreg:$0xa] =	wrdreg s23  }
.Ltmp0:
0x16: {  	s21 =	sadd.s32 $0x2D00, s11;
	[dreg:$0xb] =	wrdreg s24;
	(pc) =	sbr.rel .LBB2_1-.Ltmp0, $4  }
0x17: {  	s28 =	sadd.s32 $0x3C00, s11;
	s29 =	sadd.s32 $0x4100, s11;
	[dreg:$0xc] =	wrdreg s25  }
0x18: {  	s30 =	sadd.s32 $0x4600, s11;
	s31 =	sadd.s32 $0x4B00, s11;
	[dreg:$0xd] =	wrdreg s26  }
0x19: {  	s23 =	sadd.s32 $0x3200, s11;
	s24 =	sshrl.u32 s10, $0x3;
	s25 =	sshrl.u32 s6, $0x3  }
0x1a: {  	v0 =	vimm.f32 $0.0e+00;
	s26 =	sadd.s32 $0x3700, s11;
	s10 =	simm.s32 $0x2800;
	s6 =	simm.s32 $0x5000  }
.LBB2_5:
0x1b: {  	s14 =	rddreg [dreg:$0x8]  }
0x1c: {  	[tilespmem:s4], [sflag:$0x4] =	stream.linear.gather [hbm4b:s14+s4], $0xA00, $0x38;
	[tilespmem:$0x17500] =	vst v63  }
0x1d: {  	s14 =	simm.s32 $0x4  }
0x1e: {  	_ =	swait.ge [sflag:s14], $0xA00  }
0x1f: {  	[sflag:s14] =	ssyncset.done $0x0;
	s15 =	rddreg [dreg:$0x7]  }
0x20: {  	[sflag:s14] =	ssyncadd.s32 $0xFFFFF600;
	s15 =	sadd.s32 $0x9B00, s15  }
0x21: {  	[tilespmem:s10], [sflag:$0x4] =	stream.linear.gather [hbm4b:s15+s4], $0xA00, $0x38;
	[tilespmem:$0x17500] =	vst v63  }
0x22: {  	_ =	swait.ge [sflag:s14], $0xA00  }
0x23: {  	[sflag:s14] =	ssyncset.done $0x0  }
0x24: {  	[sflag:s14] =	ssyncadd.s32 $0xFFFFF600  }
0x25: {  	[bflag:$0x0] =	sbarrier.arrive $0xFFFF  }
0x26: {  	[tilespmem:s6], [sflag:$0x4] =	stream.indirect.gather [spmem:s2], $0x20, s4, s5, $0xb8;
	[tilespmem:$0x17500] =	vst v63  }
0x27: {  	_ =	swait.ge [sflag:s14], $0x4000  }
0x28: {  	[sflag:s14] =	ssyncset.done $0x0  }
0x29: {  	[sflag:s14] =	ssyncadd.s32 $0xFFFFC000  }
0x2a: {  	[spmem:s3] =	stream.indirect.scatter.add.f32 [tilespmem:s6], [sflag:$0x4], $0x20, s10, s5, $0xb8;
	[tilespmem:$0x17500] =	vst v63  }
0x2b: {  	_ =	swait.ge [sflag:s14], $0x4000  }
0x2c: {  	[sflag:s14] =	ssyncset.done $0x0  }
0x2d: {  	[sflag:s14] =	ssyncadd.s32 $0xFFFFC000  }
0x2e: {  	[tilespmem:s6], [sflag:$0x4] =	stream.indirect.gather [spmem:s2], $0x20, s5, s5, $0xb8;
	[tilespmem:$0x17500] =	vst v63  }
0x2f: {  	_ =	swait.ge [sflag:s14], $0x4000  }
0x30: {  	[sflag:s14] =	ssyncset.done $0x0  }
0x31: {  	s16 =	simm.s32 $0x2A00;
	[sflag:s14] =	ssyncadd.s32 $0xFFFFC000  }
0x32: {  	[spmem:s3] =	stream.indirect.scatter.add.f32 [tilespmem:s6], [sflag:$0x4], $0x20, s16, s5, $0xb8;
	[tilespmem:$0x17500] =	vst v63  }
0x33: {  	_ =	swait.ge [sflag:s14], $0x4000  }
0x34: {  	[sflag:s14] =	ssyncset.done $0x0  }
0x35: {  	s16 =	simm.s32 $0x400;
	[sflag:s14] =	ssyncadd.s32 $0xFFFFC000  }
0x36: {  	[tilespmem:s6], [sflag:$0x4] =	stream.indirect.gather [spmem:s2], $0x20, s16, s5, $0xb8;
	[tilespmem:$0x17500] =	vst v63  }
0x37: {  	_ =	swait.ge [sflag:s14], $0x4000  }
0x38: {  	[sflag:s14] =	ssyncset.done $0x0  }
0x39: {  	s16 =	simm.s32 $0x2C00;
	[sflag:s14] =	ssyncadd.s32 $0xFFFFC000  }
0x3a: {  	[spmem:s3] =	stream.indirect.scatter.add.f32 [tilespmem:s6], [sflag:$0x4], $0x20, s16, s5, $0xb8;
	[tilespmem:$0x17500] =	vst v63  }
0x3b: {  	_ =	swait.ge [sflag:s14], $0x4000  }
0x3c: {  	[sflag:s14] =	ssyncset.done $0x0  }
0x3d: {  	s16 =	simm.s32 $0x600;
	[sflag:s14] =	ssyncadd.s32 $0xFFFFC000  }
0x3e: {  	[tilespmem:s6], [sflag:$0x4] =	stream.indirect.gather [spmem:s2], $0x20, s16, s5, $0xb8;
	[tilespmem:$0x17500] =	vst v63  }
0x3f: {  	_ =	swait.ge [sflag:s14], $0x4000  }
0x40: {  	[sflag:s14] =	ssyncset.done $0x0  }
0x41: {  	s16 =	simm.s32 $0x2E00;
	[sflag:s14] =	ssyncadd.s32 $0xFFFFC000  }
0x42: {  	[spmem:s3] =	stream.indirect.scatter.add.f32 [tilespmem:s6], [sflag:$0x4], $0x20, s16, s5, $0xb8;
	[tilespmem:$0x17500] =	vst v63  }
0x43: {  	_ =	swait.ge [sflag:s14], $0x4000  }
0x44: {  	[sflag:s14] =	ssyncset.done $0x0  }
0x45: {  	s16 =	simm.s32 $0x800;
	[sflag:s14] =	ssyncadd.s32 $0xFFFFC000  }
0x46: {  	[tilespmem:s6], [sflag:$0x4] =	stream.indirect.gather [spmem:s2], $0x20, s16, s5, $0xb8;
	[tilespmem:$0x17500] =	vst v63  }
0x47: {  	_ =	swait.ge [sflag:s14], $0x4000  }
0x48: {  	[sflag:s14] =	ssyncset.done $0x0  }
0x49: {  	s16 =	simm.s32 $0x3000;
	[sflag:s14] =	ssyncadd.s32 $0xFFFFC000  }
0x4a: {  	[spmem:s3] =	stream.indirect.scatter.add.f32 [tilespmem:s6], [sflag:$0x4], $0x20, s16, s5, $0xb8;
	[tilespmem:$0x17500] =	vst v63  }
.LBB2_6:
0x4b: {  	_ =	swait.ge [sflag:s14], $0x4000  }
0x4c: {  	[sflag:s14] =	ssyncset.done $0x0  }
0x4d: {  	[sflag:s14] =	ssyncadd.s32 $0xFFFFC000  }
0x4e: {  	[bflag:$0x0] =	sbarrier.arrive $0xFFFF  }
0x4f: {  	[hbm:s22], [sflag:s7] =	dma.local [spmem:s25], $0xA00  }
0x50: {  	_ =	swait.ge [sflag:s0], $0xA00  }
0x51: {  	s13 =	sadd.s32 $0x1, s13;
	s16 =	rddreg [dreg:$0x9]  }
0x52: {  	p1 =	sne.s32 s13, s16  }
.Ltmp1:
0x53: {  	_ = 	snop;
	(pc) =	sbr.rel @!p1 .LBB2_7-.Ltmp1, $3  }
0x54: {  	_ =	sdelay $0x1  }
0x55: {  	[sflag:s0] =	ssyncset.done $0x0  }
0x56: {  	[sflag:s0] =	ssyncadd.s32 $0xFFFFF600  }
.LBB2_1:
0x57: {  	s14 =	rddreg [dreg:$0x5]  }
0x58: {  	[spmem:s24], [sflag:s7] =	dma.local [hbm:s14], $0xA00  }
0x59: {  	_ =	swait.ge [sflag:s0], $0xA00  }
0x5a: {  	[sflag:s0] =	ssyncset.done $0x0  }
0x5b: {  	s15 =	simm.s32 $0x0;
	s14 =	simm.s32 $0x80;
	[sflag:s0] =	ssyncadd.s32 $0xFFFFF600  }
.LBB2_2:
0x5c: {  	p1 =	sne.s32 s14, $0x1380;
	[tilespmem:s15+$0xD000] =	vst v0;
	s16 =	smov.u32 s14;
	s14 =	sadd.s32 $0x80, s14  }
.Ltmp2:
0x5d: {  	[tilespmem:s15+$0xD010] =	vst v0;
	(pc) =	sbr.rel @p1 .LBB2_2-.Ltmp2, $2  }
0x5e: {  	_ =	sdelay $0x2  }
0x5f: {  	s15 =	sshra.s32 s16, $0x2  }
0x60: {  	[tilespmem:s15+$0xD000] =	vst v0  }
0x61: {  	[tilespmem:s15+$0xD010] =	vst v0  }
0x62: {  	[spmem:s11] =	stream.linear.scatter [tilespmem:s1], [sflag:$0x1], $0x500, $0x38;
	[tilespmem:$0x17500] =	vst v63  }
0x63: {  	s14 =	rddreg [dreg:$0xa]  }
0x64: {  	[spmem:s14] =	stream.linear.scatter [tilespmem:s1], [sflag:$0x1], $0x500, $0x38;
	[tilespmem:$0x17500] =	vst v63  }
0x65: {  	s16 =	rddreg [dreg:$0xb]  }
0x66: {  	[spmem:s16] =	stream.linear.scatter [tilespmem:s1], [sflag:$0x1], $0x500, $0x38;
	[tilespmem:$0x17500] =	vst v63  }
0x67: {  	s15 =	rddreg [dreg:$0xc]  }
0x68: {  	[spmem:s15] =	stream.linear.scatter [tilespmem:s1], [sflag:$0x1], $0x500, $0x38;
	[tilespmem:$0x17500] =	vst v63  }
0x69: {  	s16 =	rddreg [dreg:$0xd]  }
0x6a: {  	[spmem:s16] =	stream.linear.scatter [tilespmem:s1], [sflag:$0x1], $0x500, $0x38;
	[tilespmem:$0x17500] =	vst v63  }
0x6b: {  	_ = 	snop  }
0x6c: {  	[spmem:s17] =	stream.linear.scatter [tilespmem:s1], [sflag:$0x1], $0x500, $0x38;
	[tilespmem:$0x17500] =	vst v63  }
0x6d: {  	_ = 	snop  }
0x6e: {  	[spmem:s18] =	stream.linear.scatter [tilespmem:s1], [sflag:$0x1], $0x500, $0x38;
	[tilespmem:$0x17500] =	vst v63  }
0x6f: {  	_ = 	snop  }
0x70: {  	[spmem:s19] =	stream.linear.scatter [tilespmem:s1], [sflag:$0x1], $0x500, $0x38;
	[tilespmem:$0x17500] =	vst v63  }
0x71: {  	_ = 	snop  }
0x72: {  	[spmem:s20] =	stream.linear.scatter [tilespmem:s1], [sflag:$0x1], $0x500, $0x38;
	[tilespmem:$0x17500] =	vst v63  }
0x73: {  	_ = 	snop  }
0x74: {  	[spmem:s21] =	stream.linear.scatter [tilespmem:s1], [sflag:$0x1], $0x500, $0x38;
	[tilespmem:$0x17500] =	vst v63  }
0x75: {  	_ = 	snop  }
0x76: {  	[spmem:s23] =	stream.linear.scatter [tilespmem:s1], [sflag:$0x1], $0x500, $0x38;
	[tilespmem:$0x17500] =	vst v63  }
0x77: {  	_ = 	snop  }
0x78: {  	[spmem:s26] =	stream.linear.scatter [tilespmem:s1], [sflag:$0x1], $0x500, $0x38;
	[tilespmem:$0x17500] =	vst v63  }
0x79: {  	_ = 	snop  }
0x7a: {  	[spmem:s28] =	stream.linear.scatter [tilespmem:s1], [sflag:$0x1], $0x500, $0x38;
	[tilespmem:$0x17500] =	vst v63  }
0x7b: {  	_ = 	snop  }
0x7c: {  	[spmem:s29] =	stream.linear.scatter [tilespmem:s1], [sflag:$0x1], $0x500, $0x38;
	[tilespmem:$0x17500] =	vst v63  }
0x7d: {  	_ = 	snop  }
0x7e: {  	[spmem:s30] =	stream.linear.scatter [tilespmem:s1], [sflag:$0x1], $0x500, $0x38;
	[tilespmem:$0x17500] =	vst v63  }
0x7f: {  	_ = 	snop  }
0x80: {  	[spmem:s31] =	stream.linear.scatter [tilespmem:s1], [sflag:$0x1], $0x500, $0x38;
	[tilespmem:$0x17500] =	vst v63  }
0x81: {  	_ =	swait.ge [sflag:s8], $0x500  }
0x82: {  	[sflag:s8] =	ssyncset.done $0x0  }
0x83: {  	[sflag:s8] =	ssyncadd.s32 $0xFFFFFB00  }
0x84: {  	_ =	swait.ge [sflag:s8], $0x500  }
0x85: {  	[sflag:s8] =	ssyncset.done $0x0  }
0x86: {  	[sflag:s8] =	ssyncadd.s32 $0xFFFFFB00  }
0x87: {  	_ =	swait.ge [sflag:s8], $0x500  }
0x88: {  	[sflag:s8] =	ssyncset.done $0x0  }
0x89: {  	[sflag:s8] =	ssyncadd.s32 $0xFFFFFB00  }
0x8a: {  	_ =	swait.ge [sflag:s8], $0x500  }
0x8b: {  	[sflag:s8] =	ssyncset.done $0x0  }
0x8c: {  	[sflag:s8] =	ssyncadd.s32 $0xFFFFFB00  }
0x8d: {  	_ =	swait.ge [sflag:s8], $0x500  }
0x8e: {  	[sflag:s8] =	ssyncset.done $0x0  }
0x8f: {  	[sflag:s8] =	ssyncadd.s32 $0xFFFFFB00  }
0x90: {  	_ =	swait.ge [sflag:s8], $0x500  }
0x91: {  	[sflag:s8] =	ssyncset.done $0x0  }
0x92: {  	[sflag:s8] =	ssyncadd.s32 $0xFFFFFB00  }
0x93: {  	_ =	swait.ge [sflag:s8], $0x500  }
0x94: {  	[sflag:s8] =	ssyncset.done $0x0  }
0x95: {  	[sflag:s8] =	ssyncadd.s32 $0xFFFFFB00  }
0x96: {  	_ =	swait.ge [sflag:s8], $0x500  }
0x97: {  	[sflag:s8] =	ssyncset.done $0x0  }
0x98: {  	[sflag:s8] =	ssyncadd.s32 $0xFFFFFB00  }
0x99: {  	_ =	swait.ge [sflag:s8], $0x500  }
0x9a: {  	[sflag:s8] =	ssyncset.done $0x0  }
0x9b: {  	[sflag:s8] =	ssyncadd.s32 $0xFFFFFB00  }
0x9c: {  	_ =	swait.ge [sflag:s8], $0x500  }
0x9d: {  	[sflag:s8] =	ssyncset.done $0x0  }
0x9e: {  	[sflag:s8] =	ssyncadd.s32 $0xFFFFFB00  }
0x9f: {  	_ =	swait.ge [sflag:s8], $0x500  }
0xa0: {  	[sflag:s8] =	ssyncset.done $0x0  }
0xa1: {  	[sflag:s8] =	ssyncadd.s32 $0xFFFFFB00  }
0xa2: {  	_ =	swait.ge [sflag:s8], $0x500  }
0xa3: {  	[sflag:s8] =	ssyncset.done $0x0  }
0xa4: {  	[sflag:s8] =	ssyncadd.s32 $0xFFFFFB00  }
0xa5: {  	_ =	swait.ge [sflag:s8], $0x500  }
0xa6: {  	[sflag:s8] =	ssyncset.done $0x0  }
0xa7: {  	[sflag:s8] =	ssyncadd.s32 $0xFFFFFB00  }
0xa8: {  	_ =	swait.ge [sflag:s8], $0x500  }
0xa9: {  	[sflag:s8] =	ssyncset.done $0x0  }
0xaa: {  	[sflag:s8] =	ssyncadd.s32 $0xFFFFFB00  }
0xab: {  	_ =	swait.ge [sflag:s8], $0x500  }
.Ltmp3:
0xac: {  	[sflag:s8] =	ssyncset.done $0x0;
	(pc) =	sbr.rel @p0 .LBB2_5-.Ltmp3, $4  }
0xad: {  	[sflag:s8] =	ssyncadd.s32 $0xFFFFFB00  }
0xae: {  	_ =	swait.ge [sflag:s8], $0x500  }
0xaf: {  	[sflag:s8] =	ssyncset.done $0x0  }
0xb0: {  	[sflag:s8] =	ssyncadd.s32 $0xFFFFFB00  }
0xb1: {  	s14 =	rddreg [dreg:$0x6]  }
0xb2: {  	[tilespmem:s4], [sflag:$0x4] =	stream.linear.gather [hbm4b:s14+s4], $0x2800, $0x38;
	[tilespmem:$0x17500] =	vst v63  }
0xb3: {  	_ =	swait.ge [sflag:s0], $0x2800  }
0xb4: {  	s16 =	rddreg [dreg:$0x4]  }
0xb5: {  	[sflag:s0] =	ssyncset.done $0x0;
	s15 =	rddreg [dreg:$0x7]  }
0xb6: {  	[sflag:s0] =	ssyncadd.s32 $0xFFFFD800;
	s14 =	sadd.s32 s16, s15  }
0xb7: {  	[tilespmem:s10], [sflag:$0x4] =	stream.linear.gather [hbm4b:s14+s4], $0x2800, $0x38;
	[tilespmem:$0x17500] =	vst v63  }
0xb8: {  	_ =	swait.ge [sflag:s0], $0x2800  }
0xb9: {  	[sflag:s0] =	ssyncset.done $0x0  }
0xba: {  	[sflag:s0] =	ssyncadd.s32 $0xFFFFD800  }
0xbb: {  	[bflag:$0x0] =	sbarrier.arrive $0xFFFF  }
0xbc: {  	[tilespmem:s6], [sflag:$0x1] =	stream.indirect.gather [spmem:s2], $0x20, s4, s5, $0xb8;
	[tilespmem:$0x17500] =	vst v63  }
0xbd: {  	_ = 	snop  }
0xbe: {  	[tilespmem:s9], [sflag:$0x2] =	stream.indirect.gather [spmem:s2], $0x20, s5, s5, $0xb8;
	[tilespmem:$0x17500] =	vst v63  }
0xbf: {  	_ =	swait.ge [sflag:s8], $0x4000  }
0xc0: {  	[sflag:s8] =	ssyncset.done $0x0  }
0xc1: {  	s14 =	simm.s32 $0x3;
	[sflag:s8] =	ssyncadd.s32 $0xFFFFC000  }
0xc2: {  	[spmem:s3] =	stream.indirect.scatter.add.f32 [tilespmem:s6], [sflag:$0x3], $0x20, s10, s5, $0xb8;
	[tilespmem:$0x17500] =	vst v63  }
0xc3: {  	_ =	swait.ge [sflag:s14], $0x4000  }
0xc4: {  	[sflag:s14] =	ssyncset.done $0x0  }
0xc5: {  	s16 =	simm.s32 $0x400;
	[sflag:s14] =	ssyncadd.s32 $0xFFFFC000  }
0xc6: {  	[tilespmem:s6], [sflag:$0x1] =	stream.indirect.gather [spmem:s2], $0x20, s16, s5, $0xb8;
	[tilespmem:$0x17500] =	vst v63  }
0xc7: {  	_ =	swait.ge [sflag:s12], $0x4000  }
0xc8: {  	[sflag:s12] =	ssyncset.done $0x0  }
0xc9: {  	s16 =	simm.s32 $0x2A00;
	[sflag:s12] =	ssyncadd.s32 $0xFFFFC000  }
0xca: {  	[spmem:s3] =	stream.indirect.scatter.add.f32 [tilespmem:s9], [sflag:$0x3], $0x20, s16, s5, $0xb8;
	[tilespmem:$0x17500] =	vst v63  }
0xcb: {  	_ =	swait.ge [sflag:s14], $0x4000  }
0xcc: {  	[sflag:s14] =	ssyncset.done $0x0  }
0xcd: {  	s16 =	simm.s32 $0x600;
	[sflag:s14] =	ssyncadd.s32 $0xFFFFC000  }
0xce: {  	[tilespmem:s9], [sflag:$0x2] =	stream.indirect.gather [spmem:s2], $0x20, s16, s5, $0xb8;
	[tilespmem:$0x17500] =	vst v63  }
0xcf: {  	_ =	swait.ge [sflag:s8], $0x4000  }
0xd0: {  	[sflag:s8] =	ssyncset.done $0x0  }
0xd1: {  	s16 =	simm.s32 $0x2C00;
	[sflag:s8] =	ssyncadd.s32 $0xFFFFC000  }
0xd2: {  	[spmem:s3] =	stream.indirect.scatter.add.f32 [tilespmem:s6], [sflag:$0x3], $0x20, s16, s5, $0xb8;
	[tilespmem:$0x17500] =	vst v63  }
0xd3: {  	_ =	swait.ge [sflag:s14], $0x4000  }
0xd4: {  	[sflag:s14] =	ssyncset.done $0x0  }
0xd5: {  	s16 =	simm.s32 $0x800;
	[sflag:s14] =	ssyncadd.s32 $0xFFFFC000  }
0xd6: {  	[tilespmem:s6], [sflag:$0x1] =	stream.indirect.gather [spmem:s2], $0x20, s16, s5, $0xb8;
	[tilespmem:$0x17500] =	vst v63  }
0xd7: {  	_ =	swait.ge [sflag:s12], $0x4000  }
0xd8: {  	[sflag:s12] =	ssyncset.done $0x0  }
0xd9: {  	s16 =	simm.s32 $0x2E00;
	[sflag:s12] =	ssyncadd.s32 $0xFFFFC000  }
0xda: {  	[spmem:s3] =	stream.indirect.scatter.add.f32 [tilespmem:s9], [sflag:$0x3], $0x20, s16, s5, $0xb8;
	[tilespmem:$0x17500] =	vst v63  }
0xdb: {  	_ =	swait.ge [sflag:s14], $0x4000  }
0xdc: {  	[sflag:s14] =	ssyncset.done $0x0  }
0xdd: {  	s16 =	simm.s32 $0xA00;
	[sflag:s14] =	ssyncadd.s32 $0xFFFFC000  }
0xde: {  	[tilespmem:s9], [sflag:$0x2] =	stream.indirect.gather [spmem:s2], $0x20, s16, s5, $0xb8;
	[tilespmem:$0x17500] =	vst v63  }
0xdf: {  	_ =	swait.ge [sflag:s8], $0x4000  }
0xe0: {  	[sflag:s8] =	ssyncset.done $0x0  }
0xe1: {  	s16 =	simm.s32 $0x3000;
	[sflag:s8] =	ssyncadd.s32 $0xFFFFC000  }
0xe2: {  	[spmem:s3] =	stream.indirect.scatter.add.f32 [tilespmem:s6], [sflag:$0x3], $0x20, s16, s5, $0xb8;
	[tilespmem:$0x17500] =	vst v63  }
0xe3: {  	_ =	swait.ge [sflag:s14], $0x4000  }
0xe4: {  	[sflag:s14] =	ssyncset.done $0x0  }
0xe5: {  	s16 =	simm.s32 $0xC00;
	[sflag:s14] =	ssyncadd.s32 $0xFFFFC000  }
0xe6: {  	[tilespmem:s6], [sflag:$0x1] =	stream.indirect.gather [spmem:s2], $0x20, s16, s5, $0xb8;
	[tilespmem:$0x17500] =	vst v63  }
0xe7: {  	_ =	swait.ge [sflag:s12], $0x4000  }
0xe8: {  	[sflag:s12] =	ssyncset.done $0x0  }
0xe9: {  	s16 =	simm.s32 $0x3200;
	[sflag:s12] =	ssyncadd.s32 $0xFFFFC000  }
0xea: {  	[spmem:s3] =	stream.indirect.scatter.add.f32 [tilespmem:s9], [sflag:$0x3], $0x20, s16, s5, $0xb8;
	[tilespmem:$0x17500] =	vst v63  }
0xeb: {  	_ =	swait.ge [sflag:s14], $0x4000  }
0xec: {  	[sflag:s14] =	ssyncset.done $0x0  }
0xed: {  	s16 =	simm.s32 $0xE00;
	[sflag:s14] =	ssyncadd.s32 $0xFFFFC000  }
0xee: {  	[tilespmem:s9], [sflag:$0x2] =	stream.indirect.gather [spmem:s2], $0x20, s16, s5, $0xb8;
	[tilespmem:$0x17500] =	vst v63  }
0xef: {  	_ =	swait.ge [sflag:s8], $0x4000  }
0xf0: {  	[sflag:s8] =	ssyncset.done $0x0  }
0xf1: {  	s16 =	simm.s32 $0x3400;
	[sflag:s8] =	ssyncadd.s32 $0xFFFFC000  }
0xf2: {  	[spmem:s3] =	stream.indirect.scatter.add.f32 [tilespmem:s6], [sflag:$0x3], $0x20, s16, s5, $0xb8;
	[tilespmem:$0x17500] =	vst v63  }
0xf3: {  	_ =	swait.ge [sflag:s14], $0x4000  }
0xf4: {  	[sflag:s14] =	ssyncset.done $0x0  }
0xf5: {  	s16 =	simm.s32 $0x1000;
	[sflag:s14] =	ssyncadd.s32 $0xFFFFC000  }
0xf6: {  	[tilespmem:s6], [sflag:$0x1] =	stream.indirect.gather [spmem:s2], $0x20, s16, s5, $0xb8;
	[tilespmem:$0x17500] =	vst v63  }
0xf7: {  	_ =	swait.ge [sflag:s12], $0x4000  }
0xf8: {  	[sflag:s12] =	ssyncset.done $0x0  }
0xf9: {  	s16 =	simm.s32 $0x3600;
	[sflag:s12] =	ssyncadd.s32 $0xFFFFC000  }
0xfa: {  	[spmem:s3] =	stream.indirect.scatter.add.f32 [tilespmem:s9], [sflag:$0x3], $0x20, s16, s5, $0xb8;
	[tilespmem:$0x17500] =	vst v63  }
0xfb: {  	_ =	swait.ge [sflag:s14], $0x4000  }
0xfc: {  	[sflag:s14] =	ssyncset.done $0x0  }
0xfd: {  	s16 =	simm.s32 $0x1200;
	[sflag:s14] =	ssyncadd.s32 $0xFFFFC000  }
0xfe: {  	[tilespmem:s9], [sflag:$0x2] =	stream.indirect.gather [spmem:s2], $0x20, s16, s5, $0xb8;
	[tilespmem:$0x17500] =	vst v63  }
0xff: {  	_ =	swait.ge [sflag:s8], $0x4000  }
0x100: {  	[sflag:s8] =	ssyncset.done $0x0  }
0x101: {  	s16 =	simm.s32 $0x3800;
	[sflag:s8] =	ssyncadd.s32 $0xFFFFC000  }
0x102: {  	[spmem:s3] =	stream.indirect.scatter.add.f32 [tilespmem:s6], [sflag:$0x3], $0x20, s16, s5, $0xb8;
	[tilespmem:$0x17500] =	vst v63  }
0x103: {  	_ =	swait.ge [sflag:s14], $0x4000  }
0x104: {  	[sflag:s14] =	ssyncset.done $0x0  }
0x105: {  	s16 =	simm.s32 $0x1400;
	[sflag:s14] =	ssyncadd.s32 $0xFFFFC000  }
0x106: {  	[tilespmem:s6], [sflag:$0x1] =	stream.indirect.gather [spmem:s2], $0x20, s16, s5, $0xb8;
	[tilespmem:$0x17500] =	vst v63  }
0x107: {  	_ =	swait.ge [sflag:s12], $0x4000  }
0x108: {  	[sflag:s12] =	ssyncset.done $0x0  }
0x109: {  	s16 =	simm.s32 $0x3A00;
	[sflag:s12] =	ssyncadd.s32 $0xFFFFC000  }
0x10a: {  	[spmem:s3] =	stream.indirect.scatter.add.f32 [tilespmem:s9], [sflag:$0x3], $0x20, s16, s5, $0xb8;
	[tilespmem:$0x17500] =	vst v63  }
0x10b: {  	_ =	swait.ge [sflag:s14], $0x4000  }
0x10c: {  	[sflag:s14] =	ssyncset.done $0x0  }
0x10d: {  	s16 =	simm.s32 $0x1600;
	[sflag:s14] =	ssyncadd.s32 $0xFFFFC000  }
0x10e: {  	[tilespmem:s9], [sflag:$0x2] =	stream.indirect.gather [spmem:s2], $0x20, s16, s5, $0xb8;
	[tilespmem:$0x17500] =	vst v63  }
0x10f: {  	_ =	swait.ge [sflag:s8], $0x4000  }
0x110: {  	[sflag:s8] =	ssyncset.done $0x0  }
0x111: {  	s16 =	simm.s32 $0x3C00;
	[sflag:s8] =	ssyncadd.s32 $0xFFFFC000  }
0x112: {  	[spmem:s3] =	stream.indirect.scatter.add.f32 [tilespmem:s6], [sflag:$0x3], $0x20, s16, s5, $0xb8;
	[tilespmem:$0x17500] =	vst v63  }
0x113: {  	_ =	swait.ge [sflag:s14], $0x4000  }
0x114: {  	[sflag:s14] =	ssyncset.done $0x0  }
0x115: {  	s16 =	simm.s32 $0x1800;
	[sflag:s14] =	ssyncadd.s32 $0xFFFFC000  }
0x116: {  	[tilespmem:s6], [sflag:$0x1] =	stream.indirect.gather [spmem:s2], $0x20, s16, s5, $0xb8;
	[tilespmem:$0x17500] =	vst v63  }
0x117: {  	_ =	swait.ge [sflag:s12], $0x4000  }
0x118: {  	[sflag:s12] =	ssyncset.done $0x0  }
0x119: {  	s16 =	simm.s32 $0x3E00;
	[sflag:s12] =	ssyncadd.s32 $0xFFFFC000  }
0x11a: {  	[spmem:s3] =	stream.indirect.scatter.add.f32 [tilespmem:s9], [sflag:$0x3], $0x20, s16, s5, $0xb8;
	[tilespmem:$0x17500] =	vst v63  }
0x11b: {  	_ =	swait.ge [sflag:s14], $0x4000  }
0x11c: {  	[sflag:s14] =	ssyncset.done $0x0  }
0x11d: {  	s16 =	simm.s32 $0x1A00;
	[sflag:s14] =	ssyncadd.s32 $0xFFFFC000  }
0x11e: {  	[tilespmem:s9], [sflag:$0x2] =	stream.indirect.gather [spmem:s2], $0x20, s16, s5, $0xb8;
	[tilespmem:$0x17500] =	vst v63  }
0x11f: {  	_ =	swait.ge [sflag:s8], $0x4000  }
0x120: {  	[sflag:s8] =	ssyncset.done $0x0  }
0x121: {  	s16 =	simm.s32 $0x4000;
	[sflag:s8] =	ssyncadd.s32 $0xFFFFC000  }
0x122: {  	[spmem:s3] =	stream.indirect.scatter.add.f32 [tilespmem:s6], [sflag:$0x3], $0x20, s16, s5, $0xb8;
	[tilespmem:$0x17500] =	vst v63  }
0x123: {  	_ =	swait.ge [sflag:s14], $0x4000  }
0x124: {  	[sflag:s14] =	ssyncset.done $0x0  }
0x125: {  	s16 =	simm.s32 $0x1C00;
	[sflag:s14] =	ssyncadd.s32 $0xFFFFC000  }
0x126: {  	[tilespmem:s6], [sflag:$0x1] =	stream.indirect.gather [spmem:s2], $0x20, s16, s5, $0xb8;
	[tilespmem:$0x17500] =	vst v63  }
0x127: {  	_ =	swait.ge [sflag:s12], $0x4000  }
0x128: {  	[sflag:s12] =	ssyncset.done $0x0  }
0x129: {  	s16 =	simm.s32 $0x4200;
	[sflag:s12] =	ssyncadd.s32 $0xFFFFC000  }
0x12a: {  	[spmem:s3] =	stream.indirect.scatter.add.f32 [tilespmem:s9], [sflag:$0x3], $0x20, s16, s5, $0xb8;
	[tilespmem:$0x17500] =	vst v63  }
0x12b: {  	_ =	swait.ge [sflag:s14], $0x4000  }
0x12c: {  	[sflag:s14] =	ssyncset.done $0x0  }
0x12d: {  	s16 =	simm.s32 $0x1E00;
	[sflag:s14] =	ssyncadd.s32 $0xFFFFC000  }
0x12e: {  	[tilespmem:s9], [sflag:$0x2] =	stream.indirect.gather [spmem:s2], $0x20, s16, s5, $0xb8;
	[tilespmem:$0x17500] =	vst v63  }
0x12f: {  	_ =	swait.ge [sflag:s8], $0x4000  }
0x130: {  	[sflag:s8] =	ssyncset.done $0x0  }
0x131: {  	s16 =	simm.s32 $0x4400;
	[sflag:s8] =	ssyncadd.s32 $0xFFFFC000  }
0x132: {  	[spmem:s3] =	stream.indirect.scatter.add.f32 [tilespmem:s6], [sflag:$0x3], $0x20, s16, s5, $0xb8;
	[tilespmem:$0x17500] =	vst v63  }
0x133: {  	_ =	swait.ge [sflag:s14], $0x4000  }
0x134: {  	[sflag:s14] =	ssyncset.done $0x0  }
0x135: {  	s16 =	simm.s32 $0x2000;
	[sflag:s14] =	ssyncadd.s32 $0xFFFFC000  }
0x136: {  	[tilespmem:s6], [sflag:$0x1] =	stream.indirect.gather [spmem:s2], $0x20, s16, s5, $0xb8;
	[tilespmem:$0x17500] =	vst v63  }
0x137: {  	_ =	swait.ge [sflag:s12], $0x4000  }
0x138: {  	[sflag:s12] =	ssyncset.done $0x0  }
0x139: {  	s16 =	simm.s32 $0x4600;
	[sflag:s12] =	ssyncadd.s32 $0xFFFFC000  }
0x13a: {  	[spmem:s3] =	stream.indirect.scatter.add.f32 [tilespmem:s9], [sflag:$0x3], $0x20, s16, s5, $0xb8;
	[tilespmem:$0x17500] =	vst v63  }
0x13b: {  	_ =	swait.ge [sflag:s14], $0x4000  }
0x13c: {  	[sflag:s14] =	ssyncset.done $0x0  }
0x13d: {  	s16 =	simm.s32 $0x2200;
	[sflag:s14] =	ssyncadd.s32 $0xFFFFC000  }
0x13e: {  	[tilespmem:s9], [sflag:$0x2] =	stream.indirect.gather [spmem:s2], $0x20, s16, s5, $0xb8;
	[tilespmem:$0x17500] =	vst v63  }
0x13f: {  	_ =	swait.ge [sflag:s8], $0x4000  }
0x140: {  	[sflag:s8] =	ssyncset.done $0x0  }
0x141: {  	s16 =	simm.s32 $0x4800;
	[sflag:s8] =	ssyncadd.s32 $0xFFFFC000  }
0x142: {  	[spmem:s3] =	stream.indirect.scatter.add.f32 [tilespmem:s6], [sflag:$0x3], $0x20, s16, s5, $0xb8;
	[tilespmem:$0x17500] =	vst v63  }
0x143: {  	_ =	swait.ge [sflag:s14], $0x4000  }
0x144: {  	[sflag:s14] =	ssyncset.done $0x0  }
0x145: {  	s16 =	simm.s32 $0x2400;
	[sflag:s14] =	ssyncadd.s32 $0xFFFFC000  }
0x146: {  	[tilespmem:s6], [sflag:$0x1] =	stream.indirect.gather [spmem:s2], $0x20, s16, s5, $0xb8;
	[tilespmem:$0x17500] =	vst v63  }
0x147: {  	_ =	swait.ge [sflag:s12], $0x4000  }
0x148: {  	[sflag:s12] =	ssyncset.done $0x0  }
0x149: {  	s16 =	simm.s32 $0x4A00;
	[sflag:s12] =	ssyncadd.s32 $0xFFFFC000  }
0x14a: {  	[spmem:s3] =	stream.indirect.scatter.add.f32 [tilespmem:s9], [sflag:$0x3], $0x20, s16, s5, $0xb8;
	[tilespmem:$0x17500] =	vst v63  }
0x14b: {  	_ =	swait.ge [sflag:s14], $0x4000  }
0x14c: {  	[sflag:s14] =	ssyncset.done $0x0  }
0x14d: {  	s16 =	simm.s32 $0x2600;
	[sflag:s14] =	ssyncadd.s32 $0xFFFFC000  }
0x14e: {  	[tilespmem:s9], [sflag:$0x2] =	stream.indirect.gather [spmem:s2], $0x20, s16, s5, $0xb8;
	[tilespmem:$0x17500] =	vst v63  }
0x14f: {  	_ =	swait.ge [sflag:s8], $0x4000  }
0x150: {  	[sflag:s8] =	ssyncset.done $0x0  }
0x151: {  	s16 =	simm.s32 $0x4C00;
	[sflag:s8] =	ssyncadd.s32 $0xFFFFC000  }
0x152: {  	[spmem:s3] =	stream.indirect.scatter.add.f32 [tilespmem:s6], [sflag:$0x3], $0x20, s16, s5, $0xb8;
	[tilespmem:$0x17500] =	vst v63  }
0x153: {  	_ =	swait.ge [sflag:s14], $0x4000  }
0x154: {  	[sflag:s14] =	ssyncset.done $0x0  }
.Ltmp4:
0x155: {  	[sflag:s14] =	ssyncadd.s32 $0xFFFFC000;
	(pc) =	sbr.rel .LBB2_6-.Ltmp4, $4  }
0x156: {  	_ =	swait.ge [sflag:s12], $0x4000  }
0x157: {  	[sflag:s12] =	ssyncset.done $0x0  }
0x158: {  	s16 =	simm.s32 $0x4E00;
	[sflag:s12] =	ssyncadd.s32 $0xFFFFC000  }
0x159: {  	[spmem:s3] =	stream.indirect.scatter.add.f32 [tilespmem:s9], [sflag:$0x3], $0x20, s16, s5, $0xb8;
	[tilespmem:$0x17500] =	vst v63  }
.LBB2_7:
0x15a: {  	_ =	sfence.sel $0x180000  }
0x15b: {  	[bflag:$0x0] =	sbarrier.arrive $0xFFFF  }
0x15c: {  	_ =	strace $0x9000004A  }
0x15d: {  	s0 =	stileid.u32;
	[bflag:$0x2] =	sbarrier.arrive $0xFFFF  }
0x15e: {  	p0 =	sne.s32 s0, $0x0;
	s0 =	rddreg [dreg:$0x3]  }
0x15f: {  	s0 =	sadd.s32 @!p0 $0x100000, s0  }
0x160: {  	[sflag:s0] =	ssyncadd.tile.s32 @!p0 $0x1;
	_ =	shalt  }
.Lfunc_end2:
_tile_overlayer_lowered:
.L_overlay_start_2:
0x161: {  	(tag) =	ssettag $0x2  }
0x162: {  	s0 =	rddreg [dreg:$0x0];
	s2 =	stileid.u32  }
0x163: {  	s1 =	rddreg [dreg:$0x1];
	p0 =	sne.s32 s2, $0x0  }
0x164: {  	s3 =	rddreg [dreg:$0x2];
	[bflag:$0x3] =	sbarrier.arrive $0xFFFF;
	s2 =	simm.s32 @!p0 $0x1C04  }
0x165: {  	[timem:s3], [sflag:s2] =	dma.local @!p0 [hbm:s0], s1  }
0x166: {  	s0 =	simm.s32 @!p0 $0x4  }
0x167: {  	_ =	swait.ge @!p0 [sflag:s0], s1  }
0x168: {  	s1 =	ssub.s32 @!p0 $0x0, s1;
	[sflag:s0] =	ssyncset.done @!p0 $0x0  }
0x169: {  	[sflag:s0] =	ssyncadd.s32 @!p0 s1  }
0x16a: {  	[bflag:$0x3] =	sbarrier.arrive $0xFFFF  }
0x16b: {  	_ =	shalt  }

// kernel: kernel.18.cloned.1.call-start
scs
__scs_entry_jumppad:
0x0: {  	(pc) =	sbr.rel $0x88, $3  }
0x1: {  	(tag) =	ssettag $0x0;
	lr =	simm.s32 $0x1  }
0x2: {  	[smem:$0x3F99] =	sst lr;
	_ =	strace $0xD0000000  }
0x3: {  	_ = 	snop  }
0x4: {  	_ = 	snop  }
0x5: {  	_ = 	snop  }
0x6: {  	_ = 	snop  }
0x7: {  	_ = 	snop  }
__scs_overlays_trampoline_lowered:
0x8: {  	[smem:$0x3FA8] =	sst s0  }
0x9: {  	[smem:$0x3FA9] =	sst s1  }
0xa: {  	[smem:$0x3FAA] =	sst s2  }
0xb: {  	[smem:$0x3FAB] =	sst s3  }
0xc: {  	[smem:$0x3FAC] =	sst s4  }
0xd: {  	[smem:$0x3FAD] =	sst s5  }
0xe: {  	[smem:$0x3FAE] =	sst s6  }
0xf: {  	[smem:$0x3FAF] =	sst s7  }
0x10: {  	[smem:$0x3FB0] =	sst s8  }
0x11: {  	[smem:$0x3FB1] =	sst s9;
	s0 =	simm.s32 @!p0 $0x0  }
0x12: {  	s1 =	sld [smem:$0x3F97];
	s0 =	simm.s32 @p0 $0x1  }
0x13: {  	[smem:$0x3FB2] =	sst s0;
	s0 =	simm.s32 @!p1 $0x0  }
0x14: {  	s2 =	sld [smem:$0x3F96];
	s0 =	simm.s32 @p1 $0x1  }
0x15: {  	[smem:$0x3FB3] =	sst s0;
	s0 =	simm.s32 @!p2 $0x0  }
0x16: {  	s3 =	sld [smem:$0x3FDB];
	s0 =	simm.s32 @p2 $0x1  }
0x17: {  	s4 =	simm.s32 $0x1BF5;
	[smem:$0x3FB5] =	sst s0  }
0x18: {  	s0 =	sld [smem:$0x3F98];
	_ =	swait.ge [sflag:s4], $0x0  }
0x19: {  	s7 =	sld [smem:$0x3F99]  }
0x1a: {  	s8 =	sadd.s32 $0xFFFFE003, lr  }
0x1b: {  	s9 =	sadd.s32 $0xFFFFFEF7, lr;
	s5 =	simm.s32 $0xFFFFFFFF;
	p2 =	slt.u32 s8, $0xFFFFF086  }
0x1c: {  	p1 =	slt.u32 s9, $0xF7A;
	s5 =	simm.s32 @!p2 $0x0  }
0x1d: {  	s5 =	simm.s32 @p1 $0x1;
	p0 =	seq.s32 s7, s2  }
0x1e: {  	s7 =	smul.u32 @!p0 $0xF7A, s2;
	p2 =	seq.s32 @!p0 s5, $0x0  }
0x1f: {  	s9 =	smul.u32 $0xF7A, s1;
	s8 =	simm.s32 @!p0 $0x1BF5;
	p2 =	por !p2, p0  }
0x20: {  	[sflag:s8] =	ssyncset.s32 @!p0 $0xFFFFF086;
	s6 =	sadd.s32 @!p0 s3, s7;
	s7 =	simm.s32 @!p0 $0x108  }
0x21: {  	s3 =	sadd.s32 s3, s9;
	s6 =	sadd.s32 @!p0 $0x88, s6;
	s7 =	simm.s32 @p2 $0x1082  }
0x22: {  	[simem:s7], [sflag:s8] =	dma.local @!p0 [hbm:s6], $0xF7A  }
0x23: {  	s9 =	sor.u32 $0xD0000000, s2;
	s6 =	simm.s32 $0x108;
	_ =	swait.ge @!p0 [sflag:s8], $0x0  }
0x24: {  	s3 =	sadd.s32 $0x88, s3;
	s6 =	simm.s32 @!p1 $0x1082;
	[sflag:s4] =	ssyncset.s32 $0xFFFFF086  }
0x25: {  	[simem:s6], [sflag:s4] =	dma.local [hbm:s3], $0xF7A  }
0x26: {  	[smem:$0x3F99] =	sst s1;
	(tag) =	ssettag s2;
	_ =	strace s9  }
0x27: {  	s1 =	sld [smem:$0x3FA9]  }
0x28: {  	s2 =	sld [smem:$0x3FAA]  }
0x29: {  	s4 =	sld [smem:$0x3FAC]  }
0x2a: {  	p0 =	seq.s32 s5, $0x0;
	s5 =	sld [smem:$0x3FAD]  }
0x2b: {  	s6 =	sld [smem:$0x3FAE]  }
0x2c: {  	s7 =	sld [smem:$0x3FAF]  }
0x2d: {  	s3 =	simm.s32 $0x108;
	s8 =	sld [smem:$0x3FB0]  }
0x2e: {  	s3 =	simm.s32 @!p0 $0x1082;
	s9 =	sld [smem:$0x3FB1]  }
0x2f: {  	lr =	sadd.s32 s0, s3;
	s0 =	sld [smem:$0x3FA8]  }
0x30: {  	s3 =	sld [smem:$0x3FAB]  }
0x31: {  	[smem:$0x3FB4] =	sst s10  }
0x32: {  	s10 =	sld [smem:$0x3FB2];
	_ =	sdelay $0x3  }
0x33: {  	p0 =	seq.s32 s10, $0x1;
	s10 =	sld [smem:$0x3FB4];
	_ =	sdelay $0x3  }
0x34: {  	[smem:$0x3FB4] =	sst s10  }
0x35: {  	s10 =	sld [smem:$0x3FB3];
	_ =	sdelay $0x3  }
0x36: {  	p1 =	seq.s32 s10, $0x1;
	s10 =	sld [smem:$0x3FB4];
	_ =	sdelay $0x3  }
0x37: {  	[smem:$0x3FB4] =	sst s10  }
0x38: {  	s10 =	sld [smem:$0x3FB5]  }
0x39: {  	_ = 	snop;
	(pc) =	sbr.ind lr, $3  }
0x3a: {  	_ = 	snop  }
0x3b: {  	_ = 	snop  }
0x3c: {  	p2 =	seq.s32 s10, $0x1;
	s10 =	sld [smem:$0x3FB4]  }
0x3d: {  	_ =	shalt  }
0x3e: {  	_ =	shalt  }
0x3f: {  	_ =	shalt  }
0x40: {  	_ =	shalt  }
0x41: {  	_ =	shalt  }
0x42: {  	_ =	shalt  }
0x43: {  	_ =	shalt  }
0x44: {  	_ =	shalt  }
0x45: {  	_ =	shalt  }
0x46: {  	_ =	shalt  }
0x47: {  	_ =	shalt  }
0x48: {  	_ =	shalt  }
0x49: {  	_ =	shalt  }
0x4a: {  	_ =	shalt  }
0x4b: {  	_ =	shalt  }
0x4c: {  	_ =	shalt  }
0x4d: {  	_ =	shalt  }
0x4e: {  	_ =	shalt  }
0x4f: {  	_ =	shalt  }
0x50: {  	_ =	shalt  }
0x51: {  	_ =	shalt  }
0x52: {  	_ =	shalt  }
0x53: {  	_ =	shalt  }
0x54: {  	_ =	shalt  }
0x55: {  	_ =	shalt  }
0x56: {  	_ =	shalt  }
0x57: {  	_ =	shalt  }
0x58: {  	_ =	shalt  }
0x59: {  	_ =	shalt  }
0x5a: {  	_ =	shalt  }
0x5b: {  	_ =	shalt  }
0x5c: {  	_ =	shalt  }
0x5d: {  	_ =	shalt  }
0x5e: {  	_ =	shalt  }
0x5f: {  	_ =	shalt  }
0x60: {  	_ =	shalt  }
0x61: {  	_ =	shalt  }
0x62: {  	_ =	shalt  }
0x63: {  	_ =	shalt  }
0x64: {  	_ =	shalt  }
0x65: {  	_ =	shalt  }
0x66: {  	_ =	shalt  }
0x67: {  	_ =	shalt  }
0x68: {  	_ =	shalt  }
0x69: {  	_ =	shalt  }
0x6a: {  	_ =	shalt  }
0x6b: {  	_ =	shalt  }
0x6c: {  	_ =	shalt  }
0x6d: {  	_ =	shalt  }
0x6e: {  	_ =	shalt  }
0x6f: {  	_ =	shalt  }
0x70: {  	_ =	shalt  }
0x71: {  	_ =	shalt  }
0x72: {  	_ =	shalt  }
0x73: {  	_ =	shalt  }
0x74: {  	_ =	shalt  }
0x75: {  	_ =	shalt  }
0x76: {  	_ =	shalt  }
0x77: {  	_ =	shalt  }
0x78: {  	_ =	shalt  }
0x79: {  	_ =	shalt  }
0x7a: {  	_ =	shalt  }
0x7b: {  	_ =	shalt  }
0x7c: {  	_ =	shalt  }
0x7d: {  	_ =	shalt  }
0x7e: {  	_ =	shalt  }
0x7f: {  	_ =	shalt  }
0x80: {  	_ =	shalt  }
0x81: {  	_ =	shalt  }
0x82: {  	_ =	shalt  }
0x83: {  	_ =	shalt  }
0x84: {  	_ =	shalt  }
0x85: {  	_ =	shalt  }
0x86: {  	_ =	shalt  }
0x87: {  	_ =	shalt  }
.Lfunc_end0:
.L_simem_size_0:
called_computation.2_lowered:
.L_overlay_start_0:
0x88: {  	s2 =	sld [smem:$0x3FD9]  }
0x89: {  	s3 =	sld [smem:$0x3FFE];
	_ =	sdelay $0x1  }
0x8a: {  	s1 =	srdreg.scid  }
0x8b: {  	s0 =	sand.u32 $0x1, s1  }
0x8c: {  	s16 =	sshll.u32 s0, $0xA;
	s2 =	sadd.s32 s3, s2  }
0x8d: {  	s2 =	sadd.s32 s2, s16  }
0x8e: {  	[smem:$0x3FC0] =	sst s2  }
0x8f: {  	_ = 	snop  }
0x90: {  	(tm) =	ssettm $0x1  }
0x91: {  	s17 =	sld [smem:$0x3FFB];
	_ =	sdelay $0x3  }
0x92: {  	_ =	strace s17  }
0x93: {  	s2 =	sld [smem:$0x3FFC];
	_ =	sdelay $0x3  }
0x94: {  	_ =	strace s2  }
0x95: {  	s2 =	sld [smem:$0x3FFD];
	_ =	sdelay $0x3  }
0x96: {  	_ =	strace s2  }
0x97: {  	_ =	strace $0x8FFFFFFF  }
0x98: {  	s18 =	sld [smem:$0x3FDB];
	_ =	sdelay $0x1  }
0x99: {  	s19 =	simm.s32 $_scs_section_size  }
0x9a: {  	s4 =	simm.s32 $_size__tile_overlayer_lowered;
	s5 =	simm.s32 $_tile_overlayer_lowered  }
0x9b: {  	s22 =	simm.s32 $0x1BFF;
	s21 =	sshll.u32 s5, $0x1;
	s2 =	sadd.s32 s19, s18  }
0x9c: {  	s6 =	simm.s32 $0x0;
	s20 =	sshll.u32 s4, $0x1;
	s4 =	sadd.s32 s21, s2  }
0x9d: {  	[timem:s6], [sflag:s22] =	dma.local [hbm:s4], s20  }
0x9e: {  	_ =	swait.ge [sflag:s22], s20  }
0x9f: {  	s3 =	ssub.s32 $0x0, s20;
	[sflag:s22] =	ssyncset.done $0x0  }
0xa0: {  	[sflag:s22] =	ssyncadd.s32 s3;
	_ =	sdelay $0x1  }
0xa1: {  	s23 =	simm.s32 $0x1B8B  }
0xa2: {  	_ =	swait.ge [sflag:s23], $0x1  }
0xa3: {  	[sflag:s23] =	ssyncset.done $0x0  }
0xa4: {  	s25 =	simm.s32 $0x1B8E;
	s24 =	sld [smem:$0x3FFE];
	[sflag:s23] =	ssyncadd.s32 $0xFFFFFFFF  }
0xa5: {  	s26 =	simm.s32 $execute0_lowered;
	[smem:$0x3FD2] =	sst s25  }
0xa6: {  	s4 =	sshll.u32 s26, $0x1;
	_ =	strace $0x8000004C;
	[dreg:$0x1] =	wrdreg $0xFFFFFFFF  }
0xa7: {  	s28 =	simm.s32 $_size_execute0_lowered;
	s2 =	sadd.s32 s2, s4;
	[dreg:$0x0] =	wrdreg $0x0  }
0xa8: {  	s4 =	sshll.u32 s28, $0x1;
	[dreg:$0x2] =	wrdreg s2  }
0xa9: {  	[dreg:$0x3] =	wrdreg s4  }
0xaa: {  	[dreg:$0x4] =	wrdreg $0xC0  }
0xab: {  	_ =	task [dreg:s6], $0x5FFFF  }
0xac: {  	[dreg:$0x1] =	wrdreg $0xFFFFFFFF  }
0xad: {  	[dreg:$0x0] =	wrdreg $0x60  }
0xae: {  	[dreg:$0x2] =	wrdreg s24  }
0xaf: {  	[dreg:$0x3] =	wrdreg $0xBA800  }
0xb0: {  	[dreg:$0x4] =	wrdreg $0x92800  }
0xb1: {  	[dreg:$0x5] =	wrdreg $0x9  }
0xb2: {  	_ =	task.clear_ibuf [dreg:s6], $0x6FFFF;
	_ =	strace $0x9000004C  }
0xb3: {  	s29 =	simm.s32 $0x9;
	_ =	strace $0x8000004E  }
0xb4: {  	_ =	swait.ge [sflag:s29], $0x1  }
0xb5: {  	[sflag:s29] =	ssyncadd.s32 $0xFFFFFFFF  }
0xb6: {  	_ =	strace $0x9000004E  }
0xb7: {  	_ =	sfence  }
0xb8: {  	s30 =	sld [smem:$0x0];
	_ =	sdelay $0x2  }
0xb9: {  	s31 =	sshll.u32 s1, $0xD;
	s1 =	sshrl.u32 s1, $0x2  }
0xba: {  	s3 =	sand.u32 $0x4000, s31;
	s1 =	sadd.s32 s1, s30  }
0xbb: {  	s0 =	sor.u32 s3, s0;
	s1 =	sshll.u32 s1, $0x11  }
0xbc: {  	s0 =	sor.u32 s1, s0  }
0xbd: {  	s0 =	sadd.s32 $0x8F2B, s0  }
0xbe: {  	[sflag:s0] =	ssyncadd.remote.s32 $0x1  }
0xbf: {  	_ =	sfence.sel $0xFFFF  }
0xc0: {  	[dreg:$0x0] =	wrdreg $0xFFFFFFFF;
	(pc) =	sbr.abs _section_cstart, $3  }
0xc1: {  	[dreg:$0x1] =	wrdreg $0xFFFFFFFF  }
0xc2: {  	_ =	task.clear_ibuf [dreg:s6], $0x2FFFF;
	_ =	strace $0x9FFFFFFF  }
0xc3: {  	(tm) =	ssettm $0x7FFFFFFF  }
tec
execute0_lowered:
.L_overlay_start_1:
0x0: {  	(tag) =	ssettag $0x1  }
0x1: {  	s0 =	rddreg [dreg:$0x0];
	s12 =	stileid.u32  }
0x2: {  	s1 =	srdreg.scid;
	s2 =	rddreg [dreg:$0x1]  }
0x3: {  	s3 =	rddreg [dreg:$0x2];
	s1 =	sand.u32 $0x1, s1;
	s5 =	smul.u32 $0x2800, s12  }
0x4: {  	s4 =	sshll.u32 s12, $0x1;
	s18 =	sshll.u32 s12, $0x6;
	s12 =	smul.u32 $0xA000, s12  }
0x5: {  	s20 =	sadd.s32 $0xD040, s0;
	s6 =	sor.u32 s1, s4;
	s7 =	smul.u32 $0x5000, s1  }
0x6: {  	s4 =	simm.s32 $0x0;
	s1 =	ssub.s32 $0x2, s1;
	s10 =	smul.u32 $0x500, s6  }
0x7: {  	[smem:$0x7FF] =	sst s4;
	s8 =	sshrl.u32 s5, $0x3;
	s17 =	sshrl.u32 s1, $0x1  }
0x8: {  	s13 =	sadd.s32 s5, s2;
	s21 =	sshrl.u32 s12, $0x2;
	s5 =	sadd.s32 s5, s3  }
0x9: {  	p0 =	seq.s32 s6, $0x1F;
	s6 =	simm.s32 $0x5000;
	_ =	strace $0x8000004D  }
0xa: {  	s9 =	sadd.s32 s8, s0;
	s11 =	sadd.s32 s7, s0;
	[dreg:$0x6] =	wrdreg s20  }
0xb: {  	s1 =	ssub.s32 s1, s17;
	s7 =	sor.u32 $0x1C04, s18;
	[dreg:$0x4] =	wrdreg s10  }
0xc: {  	s10 =	sadd.s32 s10, s0;
	s15 =	sadd.s32 $0x16E00, s9;
	s0 =	sadd.s32 $0xCF00, s0  }
0xd: {  	s22 =	sadd.s32 $0x1BE00, s11;
	s11 =	sadd.s32 s21, s3;
	s12 =	smax.u32 s1, $0x1  }
0xe: {  	s1 =	simm.s32 $0x4;
	s9 =	simm.s32 $0x7000;
	s19 =	sadd.s32 $0x3400, s10  }
0xf: {  	[dreg:$0x7] =	wrdreg s0;
	s23 =	sadd.s32 $0x280, s11;
	s24 =	sadd.s32 $0x500, s11  }
0x10: {  	s25 =	sadd.s32 $0x780, s11;
	s26 =	sadd.s32 $0xA00, s11;
	s17 =	sadd.s32 $0xC80, s11  }
0x11: {  	s18 =	sadd.s32 $0xF00, s11;
	s20 =	sadd.s32 $0x1400, s11;
	s21 =	sadd.s32 $0x1680, s11  }
0x12: {  	s22 =	sadd.s32 s8, s22;
	s28 =	sadd.s32 $0x1E00, s11;
	[dreg:$0x5] =	wrdreg s19  }
0x13: {  	s29 =	sadd.s32 $0x2080, s11;
	s30 =	sadd.s32 $0x2300, s11;
	[dreg:$0x8] =	wrdreg s23  }
.Ltmp0:
0x14: {  	s31 =	sadd.s32 $0x2580, s11;
	[dreg:$0x9] =	wrdreg s24;
	(pc) =	sbr.rel .LBB2_1-.Ltmp0, $4  }
0x15: {  	s0 =	simm.s32 $0x9000;
	s8 =	simm.s32 $0x1;
	[dreg:$0xa] =	wrdreg s25  }
0x16: {  	s10 =	simm.s32 $0x2800;
	[dreg:$0xb] =	wrdreg s26;
	s19 =	sadd.s32 $0x1180, s11  }
0x17: {  	s23 =	sadd.s32 $0x1900, s11;
	s24 =	sshrl.u32 s13, $0x3;
	s25 =	sshrl.u32 s5, $0x3  }
0x18: {  	v0 =	vimm.f32 $0.0e+00;
	s26 =	sadd.s32 $0x1B80, s11;
	s5 =	simm.s32 $0x200;
	s13 =	simm.s32 $0x2  }
.LBB2_3:
0x19: {  	s14 =	rddreg [dreg:$0x7]  }
0x1a: {  	[tilespmem:s4], [sflag:$0x4] =	stream.linear.gather [hbm4b:s14+s4], $0xA00, $0x38;
	[tilespmem:$0xE280] =	vst v63  }
0x1b: {  	s14 =	simm.s32 $0x4  }
0x1c: {  	_ =	swait.ge [sflag:s14], $0xA00  }
0x1d: {  	s16 =	smov.u32 s15;
	[sflag:s14] =	ssyncset.done $0x0;
	s15 =	rddreg [dreg:$0x6]  }
0x1e: {  	[sflag:s14] =	ssyncadd.s32 $0xFFFFF600;
	s15 =	sadd.s32 $0x9B00, s15  }
0x1f: {  	[tilespmem:s10], [sflag:$0x4] =	stream.linear.gather [hbm4b:s15+s4], $0xA00, $0x38;
	[tilespmem:$0xE280] =	vst v63  }
0x20: {  	_ =	swait.ge [sflag:s14], $0xA00  }
0x21: {  	[sflag:s14] =	ssyncset.done $0x0  }
0x22: {  	[sflag:s14] =	ssyncadd.s32 $0xFFFFF600  }
0x23: {  	[bflag:$0x0] =	sbarrier.arrive $0xFFFF  }
0x24: {  	[tilespmem:s6], [sflag:$0x4] =	stream.indirect.gather [spmem:s2], $0x10, s4, s5, $0xb8;
	[tilespmem:$0xE280] =	vst v63  }
0x25: {  	_ =	swait.ge [sflag:s14], $0x2000  }
0x26: {  	[sflag:s14] =	ssyncset.done $0x0  }
0x27: {  	[sflag:s14] =	ssyncadd.s32 $0xFFFFE000  }
0x28: {  	[spmem:s3] =	stream.indirect.scatter.add.f32 [tilespmem:s6], [sflag:$0x4], $0x10, s10, s5, $0xb8;
	[tilespmem:$0xE280] =	vst v63  }
0x29: {  	_ =	swait.ge [sflag:s14], $0x2000  }
0x2a: {  	[sflag:s14] =	ssyncset.done $0x0  }
0x2b: {  	[sflag:s14] =	ssyncadd.s32 $0xFFFFE000  }
0x2c: {  	[tilespmem:s6], [sflag:$0x4] =	stream.indirect.gather [spmem:s2], $0x10, s5, s5, $0xb8;
	[tilespmem:$0xE280] =	vst v63  }
0x2d: {  	_ =	swait.ge [sflag:s14], $0x2000  }
0x2e: {  	[sflag:s14] =	ssyncset.done $0x0  }
0x2f: {  	s15 =	smov.u32 s16;
	s16 =	simm.s32 $0x2A00;
	[sflag:s14] =	ssyncadd.s32 $0xFFFFE000  }
0x30: {  	[spmem:s3] =	stream.indirect.scatter.add.f32 [tilespmem:s6], [sflag:$0x4], $0x10, s16, s5, $0xb8;
	[tilespmem:$0xE280] =	vst v63  }
0x31: {  	_ =	swait.ge [sflag:s14], $0x2000  }
0x32: {  	[sflag:s14] =	ssyncset.done $0x0  }
0x33: {  	s16 =	simm.s32 $0x400;
	[sflag:s14] =	ssyncadd.s32 $0xFFFFE000  }
0x34: {  	[tilespmem:s6], [sflag:$0x4] =	stream.indirect.gather [spmem:s2], $0x10, s16, s5, $0xb8;
	[tilespmem:$0xE280] =	vst v63  }
0x35: {  	_ =	swait.ge [sflag:s14], $0x2000  }
0x36: {  	[sflag:s14] =	ssyncset.done $0x0  }
0x37: {  	s16 =	simm.s32 $0x2C00;
	[sflag:s14] =	ssyncadd.s32 $0xFFFFE000  }
0x38: {  	[spmem:s3] =	stream.indirect.scatter.add.f32 [tilespmem:s6], [sflag:$0x4], $0x10, s16, s5, $0xb8;
	[tilespmem:$0xE280] =	vst v63  }
0x39: {  	_ =	swait.ge [sflag:s14], $0x2000  }
0x3a: {  	[sflag:s14] =	ssyncset.done $0x0  }
0x3b: {  	s16 =	simm.s32 $0x600;
	[sflag:s14] =	ssyncadd.s32 $0xFFFFE000  }
0x3c: {  	[tilespmem:s6], [sflag:$0x4] =	stream.indirect.gather [spmem:s2], $0x10, s16, s5, $0xb8;
	[tilespmem:$0xE280] =	vst v63  }
0x3d: {  	_ =	swait.ge [sflag:s14], $0x2000  }
0x3e: {  	[sflag:s14] =	ssyncset.done $0x0  }
0x3f: {  	s16 =	simm.s32 $0x2E00;
	[sflag:s14] =	ssyncadd.s32 $0xFFFFE000  }
0x40: {  	[spmem:s3] =	stream.indirect.scatter.add.f32 [tilespmem:s6], [sflag:$0x4], $0x10, s16, s5, $0xb8;
	[tilespmem:$0xE280] =	vst v63  }
0x41: {  	_ =	swait.ge [sflag:s14], $0x2000  }
0x42: {  	[sflag:s14] =	ssyncset.done $0x0  }
0x43: {  	s16 =	simm.s32 $0x800;
	[sflag:s14] =	ssyncadd.s32 $0xFFFFE000  }
0x44: {  	[tilespmem:s6], [sflag:$0x4] =	stream.indirect.gather [spmem:s2], $0x10, s16, s5, $0xb8;
	[tilespmem:$0xE280] =	vst v63  }
0x45: {  	_ =	swait.ge [sflag:s14], $0x2000  }
0x46: {  	[sflag:s14] =	ssyncset.done $0x0  }
0x47: {  	s16 =	simm.s32 $0x3000;
	[sflag:s14] =	ssyncadd.s32 $0xFFFFE000  }
0x48: {  	[spmem:s3] =	stream.indirect.scatter.add.f32 [tilespmem:s6], [sflag:$0x4], $0x10, s16, s5, $0xb8;
	[tilespmem:$0xE280] =	vst v63  }
.LBB2_4:
0x49: {  	_ =	swait.ge [sflag:s14], $0x2000  }
0x4a: {  	s12 =	sadd.s32 $0xFFFFFFFF, s12;
	[sflag:s14] =	ssyncset.done $0x0  }
0x4b: {  	p1 =	sne.s32 s12, $0x0;
	[sflag:s14] =	ssyncadd.s32 $0xFFFFE000  }
.Ltmp1:
0x4c: {  	[bflag:$0x0] =	sbarrier.arrive $0xFFFF;
	(pc) =	sbr.rel @!p1 .LBB2_5-.Ltmp1, $4  }
0x4d: {  	[hbm:s22], [sflag:s7] =	dma.local [spmem:s25], $0x500  }
0x4e: {  	_ =	swait.ge [sflag:s1], $0x500  }
0x4f: {  	[sflag:s1] =	ssyncset.done $0x0  }
0x50: {  	[sflag:s1] =	ssyncadd.s32 $0xFFFFFB00  }
.LBB2_1:
0x51: {  	[spmem:s24], [sflag:s7] =	dma.local [hbm:s15], $0x500  }
0x52: {  	_ =	swait.ge [sflag:s1], $0x500  }
0x53: {  	[sflag:s1] =	ssyncset.done $0x0  }
0x54: {  	[sflag:s1] =	ssyncadd.s32 $0xFFFFFB00  }
0x55: {  	[tilespmem:$0x9000] =	vst v0  }
0x56: {  	[tilespmem:$0x9010] =	vst v0  }
0x57: {  	[tilespmem:$0x9020] =	vst v0  }
0x58: {  	[tilespmem:$0x9030] =	vst v0  }
0x59: {  	[tilespmem:$0x9040] =	vst v0  }
0x5a: {  	[tilespmem:$0x9050] =	vst v0  }
0x5b: {  	[tilespmem:$0x9060] =	vst v0  }
0x5c: {  	[tilespmem:$0x9070] =	vst v0  }
0x5d: {  	[tilespmem:$0x9080] =	vst v0  }
0x5e: {  	[tilespmem:$0x9090] =	vst v0  }
0x5f: {  	[tilespmem:$0x90A0] =	vst v0  }
0x60: {  	[tilespmem:$0x90B0] =	vst v0  }
0x61: {  	[tilespmem:$0x90C0] =	vst v0  }
0x62: {  	[tilespmem:$0x90D0] =	vst v0  }
0x63: {  	[tilespmem:$0x90E0] =	vst v0  }
0x64: {  	[tilespmem:$0x90F0] =	vst v0  }
0x65: {  	[tilespmem:$0x9100] =	vst v0  }
0x66: {  	[tilespmem:$0x9110] =	vst v0  }
0x67: {  	[tilespmem:$0x9120] =	vst v0  }
0x68: {  	[tilespmem:$0x9130] =	vst v0  }
0x69: {  	[tilespmem:$0x9140] =	vst v0  }
0x6a: {  	[tilespmem:$0x9150] =	vst v0  }
0x6b: {  	[tilespmem:$0x9160] =	vst v0  }
0x6c: {  	[tilespmem:$0x9170] =	vst v0  }
0x6d: {  	[tilespmem:$0x9180] =	vst v0  }
0x6e: {  	[tilespmem:$0x9190] =	vst v0  }
0x6f: {  	[tilespmem:$0x91A0] =	vst v0  }
0x70: {  	[tilespmem:$0x91B0] =	vst v0  }
0x71: {  	[tilespmem:$0x91C0] =	vst v0  }
0x72: {  	[tilespmem:$0x91D0] =	vst v0  }
0x73: {  	[tilespmem:$0x91E0] =	vst v0  }
0x74: {  	[tilespmem:$0x91F0] =	vst v0  }
0x75: {  	[tilespmem:$0x9200] =	vst v0  }
0x76: {  	[tilespmem:$0x9210] =	vst v0  }
0x77: {  	[tilespmem:$0x9220] =	vst v0  }
0x78: {  	[tilespmem:$0x9230] =	vst v0  }
0x79: {  	[tilespmem:$0x9240] =	vst v0  }
0x7a: {  	[tilespmem:$0x9250] =	vst v0  }
0x7b: {  	[tilespmem:$0x9260] =	vst v0  }
0x7c: {  	[tilespmem:$0x9270] =	vst v0  }
0x7d: {  	[spmem:s11] =	stream.linear.scatter [tilespmem:s0], [sflag:$0x1], $0x280, $0x38;
	[tilespmem:$0xE280] =	vst v63  }
0x7e: {  	s14 =	rddreg [dreg:$0x8]  }
0x7f: {  	[spmem:s14] =	stream.linear.scatter [tilespmem:s0], [sflag:$0x1], $0x280, $0x38;
	[tilespmem:$0xE280] =	vst v63  }
0x80: {  	s16 =	rddreg [dreg:$0x9]  }
0x81: {  	[spmem:s16] =	stream.linear.scatter [tilespmem:s0], [sflag:$0x1], $0x280, $0x38;
	[tilespmem:$0xE280] =	vst v63  }
0x82: {  	s16 =	rddreg [dreg:$0xa]  }
0x83: {  	[spmem:s16] =	stream.linear.scatter [tilespmem:s0], [sflag:$0x1], $0x280, $0x38;
	[tilespmem:$0xE280] =	vst v63  }
0x84: {  	s16 =	rddreg [dreg:$0xb]  }
0x85: {  	[spmem:s16] =	stream.linear.scatter [tilespmem:s0], [sflag:$0x1], $0x280, $0x38;
	[tilespmem:$0xE280] =	vst v63  }
0x86: {  	_ = 	snop  }
0x87: {  	[spmem:s17] =	stream.linear.scatter [tilespmem:s0], [sflag:$0x1], $0x280, $0x38;
	[tilespmem:$0xE280] =	vst v63  }
0x88: {  	_ = 	snop  }
0x89: {  	[spmem:s18] =	stream.linear.scatter [tilespmem:s0], [sflag:$0x1], $0x280, $0x38;
	[tilespmem:$0xE280] =	vst v63  }
0x8a: {  	_ = 	snop  }
0x8b: {  	[spmem:s19] =	stream.linear.scatter [tilespmem:s0], [sflag:$0x1], $0x280, $0x38;
	[tilespmem:$0xE280] =	vst v63  }
0x8c: {  	_ = 	snop  }
0x8d: {  	[spmem:s20] =	stream.linear.scatter [tilespmem:s0], [sflag:$0x1], $0x280, $0x38;
	[tilespmem:$0xE280] =	vst v63  }
0x8e: {  	_ = 	snop  }
0x8f: {  	[spmem:s21] =	stream.linear.scatter [tilespmem:s0], [sflag:$0x1], $0x280, $0x38;
	[tilespmem:$0xE280] =	vst v63  }
0x90: {  	_ = 	snop  }
0x91: {  	[spmem:s23] =	stream.linear.scatter [tilespmem:s0], [sflag:$0x1], $0x280, $0x38;
	[tilespmem:$0xE280] =	vst v63  }
0x92: {  	_ = 	snop  }
0x93: {  	[spmem:s26] =	stream.linear.scatter [tilespmem:s0], [sflag:$0x1], $0x280, $0x38;
	[tilespmem:$0xE280] =	vst v63  }
0x94: {  	_ = 	snop  }
0x95: {  	[spmem:s28] =	stream.linear.scatter [tilespmem:s0], [sflag:$0x1], $0x280, $0x38;
	[tilespmem:$0xE280] =	vst v63  }
0x96: {  	_ = 	snop  }
0x97: {  	[spmem:s29] =	stream.linear.scatter [tilespmem:s0], [sflag:$0x1], $0x280, $0x38;
	[tilespmem:$0xE280] =	vst v63  }
0x98: {  	_ = 	snop  }
0x99: {  	[spmem:s30] =	stream.linear.scatter [tilespmem:s0], [sflag:$0x1], $0x280, $0x38;
	[tilespmem:$0xE280] =	vst v63  }
0x9a: {  	_ = 	snop  }
0x9b: {  	[spmem:s31] =	stream.linear.scatter [tilespmem:s0], [sflag:$0x1], $0x280, $0x38;
	[tilespmem:$0xE280] =	vst v63  }
0x9c: {  	_ =	swait.ge [sflag:s8], $0x280  }
0x9d: {  	[sflag:s8] =	ssyncset.done $0x0  }
0x9e: {  	[sflag:s8] =	ssyncadd.s32 $0xFFFFFD80  }
0x9f: {  	_ =	swait.ge [sflag:s8], $0x280  }
0xa0: {  	[sflag:s8] =	ssyncset.done $0x0  }
0xa1: {  	[sflag:s8] =	ssyncadd.s32 $0xFFFFFD80  }
0xa2: {  	_ =	swait.ge [sflag:s8], $0x280  }
0xa3: {  	[sflag:s8] =	ssyncset.done $0x0  }
0xa4: {  	[sflag:s8] =	ssyncadd.s32 $0xFFFFFD80  }
0xa5: {  	_ =	swait.ge [sflag:s8], $0x280  }
0xa6: {  	[sflag:s8] =	ssyncset.done $0x0  }
0xa7: {  	[sflag:s8] =	ssyncadd.s32 $0xFFFFFD80  }
0xa8: {  	_ =	swait.ge [sflag:s8], $0x280  }
0xa9: {  	[sflag:s8] =	ssyncset.done $0x0  }
0xaa: {  	[sflag:s8] =	ssyncadd.s32 $0xFFFFFD80  }
0xab: {  	_ =	swait.ge [sflag:s8], $0x280  }
0xac: {  	[sflag:s8] =	ssyncset.done $0x0  }
0xad: {  	[sflag:s8] =	ssyncadd.s32 $0xFFFFFD80  }
0xae: {  	_ =	swait.ge [sflag:s8], $0x280  }
0xaf: {  	[sflag:s8] =	ssyncset.done $0x0  }
0xb0: {  	[sflag:s8] =	ssyncadd.s32 $0xFFFFFD80  }
0xb1: {  	_ =	swait.ge [sflag:s8], $0x280  }
0xb2: {  	[sflag:s8] =	ssyncset.done $0x0  }
0xb3: {  	[sflag:s8] =	ssyncadd.s32 $0xFFFFFD80  }
0xb4: {  	_ =	swait.ge [sflag:s8], $0x280  }
0xb5: {  	[sflag:s8] =	ssyncset.done $0x0  }
0xb6: {  	[sflag:s8] =	ssyncadd.s32 $0xFFFFFD80  }
0xb7: {  	_ =	swait.ge [sflag:s8], $0x280  }
0xb8: {  	[sflag:s8] =	ssyncset.done $0x0  }
0xb9: {  	[sflag:s8] =	ssyncadd.s32 $0xFFFFFD80  }
0xba: {  	_ =	swait.ge [sflag:s8], $0x280  }
0xbb: {  	[sflag:s8] =	ssyncset.done $0x0  }
0xbc: {  	[sflag:s8] =	ssyncadd.s32 $0xFFFFFD80  }
0xbd: {  	_ =	swait.ge [sflag:s8], $0x280  }
0xbe: {  	[sflag:s8] =	ssyncset.done $0x0  }
0xbf: {  	[sflag:s8] =	ssyncadd.s32 $0xFFFFFD80  }
0xc0: {  	_ =	swait.ge [sflag:s8], $0x280  }
0xc1: {  	[sflag:s8] =	ssyncset.done $0x0  }
0xc2: {  	[sflag:s8] =	ssyncadd.s32 $0xFFFFFD80  }
0xc3: {  	_ =	swait.ge [sflag:s8], $0x280  }
0xc4: {  	[sflag:s8] =	ssyncset.done $0x0  }
0xc5: {  	[sflag:s8] =	ssyncadd.s32 $0xFFFFFD80  }
0xc6: {  	_ =	swait.ge [sflag:s8], $0x280  }
.Ltmp2:
0xc7: {  	[sflag:s8] =	ssyncset.done $0x0;
	(pc) =	sbr.rel @p0 .LBB2_3-.Ltmp2, $4  }
0xc8: {  	[sflag:s8] =	ssyncadd.s32 $0xFFFFFD80  }
0xc9: {  	_ =	swait.ge [sflag:s8], $0x280  }
0xca: {  	[sflag:s8] =	ssyncset.done $0x0  }
0xcb: {  	[sflag:s8] =	ssyncadd.s32 $0xFFFFFD80  }
0xcc: {  	s14 =	rddreg [dreg:$0x5]  }
0xcd: {  	[tilespmem:s4], [sflag:$0x4] =	stream.linear.gather [hbm4b:s14+s4], $0x2800, $0x38;
	[tilespmem:$0xE280] =	vst v63  }
0xce: {  	_ =	swait.ge [sflag:s1], $0x2800  }
0xcf: {  	s14 =	rddreg [dreg:$0x4]  }
0xd0: {  	[sflag:s1] =	ssyncset.done $0x0;
	s16 =	rddreg [dreg:$0x6]  }
0xd1: {  	[sflag:s1] =	ssyncadd.s32 $0xFFFFD800;
	s14 =	sadd.s32 s14, s16  }
0xd2: {  	[tilespmem:s10], [sflag:$0x4] =	stream.linear.gather [hbm4b:s14+s4], $0x2800, $0x38;
	[tilespmem:$0xE280] =	vst v63  }
0xd3: {  	_ =	swait.ge [sflag:s1], $0x2800  }
0xd4: {  	[sflag:s1] =	ssyncset.done $0x0  }
0xd5: {  	[sflag:s1] =	ssyncadd.s32 $0xFFFFD800  }
0xd6: {  	[bflag:$0x0] =	sbarrier.arrive $0xFFFF  }
0xd7: {  	[tilespmem:s6], [sflag:$0x1] =	stream.indirect.gather [spmem:s2], $0x10, s4, s5, $0xb8;
	[tilespmem:$0xE280] =	vst v63  }
0xd8: {  	_ = 	snop  }
0xd9: {  	[tilespmem:s9], [sflag:$0x2] =	stream.indirect.gather [spmem:s2], $0x10, s5, s5, $0xb8;
	[tilespmem:$0xE280] =	vst v63  }
0xda: {  	_ =	swait.ge [sflag:s8], $0x2000  }
0xdb: {  	[sflag:s8] =	ssyncset.done $0x0  }
0xdc: {  	s14 =	simm.s32 $0x3;
	[sflag:s8] =	ssyncadd.s32 $0xFFFFE000  }
0xdd: {  	[spmem:s3] =	stream.indirect.scatter.add.f32 [tilespmem:s6], [sflag:$0x3], $0x10, s10, s5, $0xb8;
	[tilespmem:$0xE280] =	vst v63  }
0xde: {  	_ =	swait.ge [sflag:s14], $0x2000  }
0xdf: {  	[sflag:s14] =	ssyncset.done $0x0  }
0xe0: {  	s16 =	simm.s32 $0x400;
	[sflag:s14] =	ssyncadd.s32 $0xFFFFE000  }
0xe1: {  	[tilespmem:s6], [sflag:$0x1] =	stream.indirect.gather [spmem:s2], $0x10, s16, s5, $0xb8;
	[tilespmem:$0xE280] =	vst v63  }
0xe2: {  	_ =	swait.ge [sflag:s13], $0x2000  }
0xe3: {  	[sflag:s13] =	ssyncset.done $0x0  }
0xe4: {  	s16 =	simm.s32 $0x2A00;
	[sflag:s13] =	ssyncadd.s32 $0xFFFFE000  }
0xe5: {  	[spmem:s3] =	stream.indirect.scatter.add.f32 [tilespmem:s9], [sflag:$0x3], $0x10, s16, s5, $0xb8;
	[tilespmem:$0xE280] =	vst v63  }
0xe6: {  	_ =	swait.ge [sflag:s14], $0x2000  }
0xe7: {  	[sflag:s14] =	ssyncset.done $0x0  }
0xe8: {  	s16 =	simm.s32 $0x600;
	[sflag:s14] =	ssyncadd.s32 $0xFFFFE000  }
0xe9: {  	[tilespmem:s9], [sflag:$0x2] =	stream.indirect.gather [spmem:s2], $0x10, s16, s5, $0xb8;
	[tilespmem:$0xE280] =	vst v63  }
0xea: {  	_ =	swait.ge [sflag:s8], $0x2000  }
0xeb: {  	[sflag:s8] =	ssyncset.done $0x0  }
0xec: {  	s16 =	simm.s32 $0x2C00;
	[sflag:s8] =	ssyncadd.s32 $0xFFFFE000  }
0xed: {  	[spmem:s3] =	stream.indirect.scatter.add.f32 [tilespmem:s6], [sflag:$0x3], $0x10, s16, s5, $0xb8;
	[tilespmem:$0xE280] =	vst v63  }
0xee: {  	_ =	swait.ge [sflag:s14], $0x2000  }
0xef: {  	[sflag:s14] =	ssyncset.done $0x0  }
0xf0: {  	s16 =	simm.s32 $0x800;
	[sflag:s14] =	ssyncadd.s32 $0xFFFFE000  }
0xf1: {  	[tilespmem:s6], [sflag:$0x1] =	stream.indirect.gather [spmem:s2], $0x10, s16, s5, $0xb8;
	[tilespmem:$0xE280] =	vst v63  }
0xf2: {  	_ =	swait.ge [sflag:s13], $0x2000  }
0xf3: {  	[sflag:s13] =	ssyncset.done $0x0  }
0xf4: {  	s16 =	simm.s32 $0x2E00;
	[sflag:s13] =	ssyncadd.s32 $0xFFFFE000  }
0xf5: {  	[spmem:s3] =	stream.indirect.scatter.add.f32 [tilespmem:s9], [sflag:$0x3], $0x10, s16, s5, $0xb8;
	[tilespmem:$0xE280] =	vst v63  }
0xf6: {  	_ =	swait.ge [sflag:s14], $0x2000  }
0xf7: {  	[sflag:s14] =	ssyncset.done $0x0  }
0xf8: {  	s16 =	simm.s32 $0xA00;
	[sflag:s14] =	ssyncadd.s32 $0xFFFFE000  }
0xf9: {  	[tilespmem:s9], [sflag:$0x2] =	stream.indirect.gather [spmem:s2], $0x10, s16, s5, $0xb8;
	[tilespmem:$0xE280] =	vst v63  }
0xfa: {  	_ =	swait.ge [sflag:s8], $0x2000  }
0xfb: {  	[sflag:s8] =	ssyncset.done $0x0  }
0xfc: {  	s16 =	simm.s32 $0x3000;
	[sflag:s8] =	ssyncadd.s32 $0xFFFFE000  }
0xfd: {  	[spmem:s3] =	stream.indirect.scatter.add.f32 [tilespmem:s6], [sflag:$0x3], $0x10, s16, s5, $0xb8;
	[tilespmem:$0xE280] =	vst v63  }
0xfe: {  	_ =	swait.ge [sflag:s14], $0x2000  }
0xff: {  	[sflag:s14] =	ssyncset.done $0x0  }
0x100: {  	s16 =	simm.s32 $0xC00;
	[sflag:s14] =	ssyncadd.s32 $0xFFFFE000  }
0x101: {  	[tilespmem:s6], [sflag:$0x1] =	stream.indirect.gather [spmem:s2], $0x10, s16, s5, $0xb8;
	[tilespmem:$0xE280] =	vst v63  }
0x102: {  	_ =	swait.ge [sflag:s13], $0x2000  }
0x103: {  	[sflag:s13] =	ssyncset.done $0x0  }
0x104: {  	s16 =	simm.s32 $0x3200;
	[sflag:s13] =	ssyncadd.s32 $0xFFFFE000  }
0x105: {  	[spmem:s3] =	stream.indirect.scatter.add.f32 [tilespmem:s9], [sflag:$0x3], $0x10, s16, s5, $0xb8;
	[tilespmem:$0xE280] =	vst v63  }
0x106: {  	_ =	swait.ge [sflag:s14], $0x2000  }
0x107: {  	[sflag:s14] =	ssyncset.done $0x0  }
0x108: {  	s16 =	simm.s32 $0xE00;
	[sflag:s14] =	ssyncadd.s32 $0xFFFFE000  }
0x109: {  	[tilespmem:s9], [sflag:$0x2] =	stream.indirect.gather [spmem:s2], $0x10, s16, s5, $0xb8;
	[tilespmem:$0xE280] =	vst v63  }
0x10a: {  	_ =	swait.ge [sflag:s8], $0x2000  }
0x10b: {  	[sflag:s8] =	ssyncset.done $0x0  }
0x10c: {  	s16 =	simm.s32 $0x3400;
	[sflag:s8] =	ssyncadd.s32 $0xFFFFE000  }
0x10d: {  	[spmem:s3] =	stream.indirect.scatter.add.f32 [tilespmem:s6], [sflag:$0x3], $0x10, s16, s5, $0xb8;
	[tilespmem:$0xE280] =	vst v63  }
0x10e: {  	_ =	swait.ge [sflag:s14], $0x2000  }
0x10f: {  	[sflag:s14] =	ssyncset.done $0x0  }
0x110: {  	s16 =	simm.s32 $0x1000;
	[sflag:s14] =	ssyncadd.s32 $0xFFFFE000  }
0x111: {  	[tilespmem:s6], [sflag:$0x1] =	stream.indirect.gather [spmem:s2], $0x10, s16, s5, $0xb8;
	[tilespmem:$0xE280] =	vst v63  }
0x112: {  	_ =	swait.ge [sflag:s13], $0x2000  }
0x113: {  	[sflag:s13] =	ssyncset.done $0x0  }
0x114: {  	s16 =	simm.s32 $0x3600;
	[sflag:s13] =	ssyncadd.s32 $0xFFFFE000  }
0x115: {  	[spmem:s3] =	stream.indirect.scatter.add.f32 [tilespmem:s9], [sflag:$0x3], $0x10, s16, s5, $0xb8;
	[tilespmem:$0xE280] =	vst v63  }
0x116: {  	_ =	swait.ge [sflag:s14], $0x2000  }
0x117: {  	[sflag:s14] =	ssyncset.done $0x0  }
0x118: {  	s16 =	simm.s32 $0x1200;
	[sflag:s14] =	ssyncadd.s32 $0xFFFFE000  }
0x119: {  	[tilespmem:s9], [sflag:$0x2] =	stream.indirect.gather [spmem:s2], $0x10, s16, s5, $0xb8;
	[tilespmem:$0xE280] =	vst v63  }
0x11a: {  	_ =	swait.ge [sflag:s8], $0x2000  }
0x11b: {  	[sflag:s8] =	ssyncset.done $0x0  }
0x11c: {  	s16 =	simm.s32 $0x3800;
	[sflag:s8] =	ssyncadd.s32 $0xFFFFE000  }
0x11d: {  	[spmem:s3] =	stream.indirect.scatter.add.f32 [tilespmem:s6], [sflag:$0x3], $0x10, s16, s5, $0xb8;
	[tilespmem:$0xE280] =	vst v63  }
0x11e: {  	_ =	swait.ge [sflag:s14], $0x2000  }
0x11f: {  	[sflag:s14] =	ssyncset.done $0x0  }
0x120: {  	s16 =	simm.s32 $0x1400;
	[sflag:s14] =	ssyncadd.s32 $0xFFFFE000  }
0x121: {  	[tilespmem:s6], [sflag:$0x1] =	stream.indirect.gather [spmem:s2], $0x10, s16, s5, $0xb8;
	[tilespmem:$0xE280] =	vst v63  }
0x122: {  	_ =	swait.ge [sflag:s13], $0x2000  }
0x123: {  	[sflag:s13] =	ssyncset.done $0x0  }
0x124: {  	s16 =	simm.s32 $0x3A00;
	[sflag:s13] =	ssyncadd.s32 $0xFFFFE000  }
0x125: {  	[spmem:s3] =	stream.indirect.scatter.add.f32 [tilespmem:s9], [sflag:$0x3], $0x10, s16, s5, $0xb8;
	[tilespmem:$0xE280] =	vst v63  }
0x126: {  	_ =	swait.ge [sflag:s14], $0x2000  }
0x127: {  	[sflag:s14] =	ssyncset.done $0x0  }
0x128: {  	s16 =	simm.s32 $0x1600;
	[sflag:s14] =	ssyncadd.s32 $0xFFFFE000  }
0x129: {  	[tilespmem:s9], [sflag:$0x2] =	stream.indirect.gather [spmem:s2], $0x10, s16, s5, $0xb8;
	[tilespmem:$0xE280] =	vst v63  }
0x12a: {  	_ =	swait.ge [sflag:s8], $0x2000  }
0x12b: {  	[sflag:s8] =	ssyncset.done $0x0  }
0x12c: {  	s16 =	simm.s32 $0x3C00;
	[sflag:s8] =	ssyncadd.s32 $0xFFFFE000  }
0x12d: {  	[spmem:s3] =	stream.indirect.scatter.add.f32 [tilespmem:s6], [sflag:$0x3], $0x10, s16, s5, $0xb8;
	[tilespmem:$0xE280] =	vst v63  }
0x12e: {  	_ =	swait.ge [sflag:s14], $0x2000  }
0x12f: {  	[sflag:s14] =	ssyncset.done $0x0  }
0x130: {  	s16 =	simm.s32 $0x1800;
	[sflag:s14] =	ssyncadd.s32 $0xFFFFE000  }
0x131: {  	[tilespmem:s6], [sflag:$0x1] =	stream.indirect.gather [spmem:s2], $0x10, s16, s5, $0xb8;
	[tilespmem:$0xE280] =	vst v63  }
0x132: {  	_ =	swait.ge [sflag:s13], $0x2000  }
0x133: {  	[sflag:s13] =	ssyncset.done $0x0  }
0x134: {  	s16 =	simm.s32 $0x3E00;
	[sflag:s13] =	ssyncadd.s32 $0xFFFFE000  }
0x135: {  	[spmem:s3] =	stream.indirect.scatter.add.f32 [tilespmem:s9], [sflag:$0x3], $0x10, s16, s5, $0xb8;
	[tilespmem:$0xE280] =	vst v63  }
0x136: {  	_ =	swait.ge [sflag:s14], $0x2000  }
0x137: {  	[sflag:s14] =	ssyncset.done $0x0  }
0x138: {  	s16 =	simm.s32 $0x1A00;
	[sflag:s14] =	ssyncadd.s32 $0xFFFFE000  }
0x139: {  	[tilespmem:s9], [sflag:$0x2] =	stream.indirect.gather [spmem:s2], $0x10, s16, s5, $0xb8;
	[tilespmem:$0xE280] =	vst v63  }
0x13a: {  	_ =	swait.ge [sflag:s8], $0x2000  }
0x13b: {  	[sflag:s8] =	ssyncset.done $0x0  }
0x13c: {  	s16 =	simm.s32 $0x4000;
	[sflag:s8] =	ssyncadd.s32 $0xFFFFE000  }
0x13d: {  	[spmem:s3] =	stream.indirect.scatter.add.f32 [tilespmem:s6], [sflag:$0x3], $0x10, s16, s5, $0xb8;
	[tilespmem:$0xE280] =	vst v63  }
0x13e: {  	_ =	swait.ge [sflag:s14], $0x2000  }
0x13f: {  	[sflag:s14] =	ssyncset.done $0x0  }
0x140: {  	s16 =	simm.s32 $0x1C00;
	[sflag:s14] =	ssyncadd.s32 $0xFFFFE000  }
0x141: {  	[tilespmem:s6], [sflag:$0x1] =	stream.indirect.gather [spmem:s2], $0x10, s16, s5, $0xb8;
	[tilespmem:$0xE280] =	vst v63  }
0x142: {  	_ =	swait.ge [sflag:s13], $0x2000  }
0x143: {  	[sflag:s13] =	ssyncset.done $0x0  }
0x144: {  	s16 =	simm.s32 $0x4200;
	[sflag:s13] =	ssyncadd.s32 $0xFFFFE000  }
0x145: {  	[spmem:s3] =	stream.indirect.scatter.add.f32 [tilespmem:s9], [sflag:$0x3], $0x10, s16, s5, $0xb8;
	[tilespmem:$0xE280] =	vst v63  }
0x146: {  	_ =	swait.ge [sflag:s14], $0x2000  }
0x147: {  	[sflag:s14] =	ssyncset.done $0x0  }
0x148: {  	s16 =	simm.s32 $0x1E00;
	[sflag:s14] =	ssyncadd.s32 $0xFFFFE000  }
0x149: {  	[tilespmem:s9], [sflag:$0x2] =	stream.indirect.gather [spmem:s2], $0x10, s16, s5, $0xb8;
	[tilespmem:$0xE280] =	vst v63  }
0x14a: {  	_ =	swait.ge [sflag:s8], $0x2000  }
0x14b: {  	[sflag:s8] =	ssyncset.done $0x0  }
0x14c: {  	s16 =	simm.s32 $0x4400;
	[sflag:s8] =	ssyncadd.s32 $0xFFFFE000  }
0x14d: {  	[spmem:s3] =	stream.indirect.scatter.add.f32 [tilespmem:s6], [sflag:$0x3], $0x10, s16, s5, $0xb8;
	[tilespmem:$0xE280] =	vst v63  }
0x14e: {  	_ =	swait.ge [sflag:s14], $0x2000  }
0x14f: {  	[sflag:s14] =	ssyncset.done $0x0  }
0x150: {  	s16 =	simm.s32 $0x2000;
	[sflag:s14] =	ssyncadd.s32 $0xFFFFE000  }
0x151: {  	[tilespmem:s6], [sflag:$0x1] =	stream.indirect.gather [spmem:s2], $0x10, s16, s5, $0xb8;
	[tilespmem:$0xE280] =	vst v63  }
0x152: {  	_ =	swait.ge [sflag:s13], $0x2000  }
0x153: {  	[sflag:s13] =	ssyncset.done $0x0  }
0x154: {  	s16 =	simm.s32 $0x4600;
	[sflag:s13] =	ssyncadd.s32 $0xFFFFE000  }
0x155: {  	[spmem:s3] =	stream.indirect.scatter.add.f32 [tilespmem:s9], [sflag:$0x3], $0x10, s16, s5, $0xb8;
	[tilespmem:$0xE280] =	vst v63  }
0x156: {  	_ =	swait.ge [sflag:s14], $0x2000  }
0x157: {  	[sflag:s14] =	ssyncset.done $0x0  }
0x158: {  	s16 =	simm.s32 $0x2200;
	[sflag:s14] =	ssyncadd.s32 $0xFFFFE000  }
0x159: {  	[tilespmem:s9], [sflag:$0x2] =	stream.indirect.gather [spmem:s2], $0x10, s16, s5, $0xb8;
	[tilespmem:$0xE280] =	vst v63  }
0x15a: {  	_ =	swait.ge [sflag:s8], $0x2000  }
0x15b: {  	[sflag:s8] =	ssyncset.done $0x0  }
0x15c: {  	s16 =	simm.s32 $0x4800;
	[sflag:s8] =	ssyncadd.s32 $0xFFFFE000  }
0x15d: {  	[spmem:s3] =	stream.indirect.scatter.add.f32 [tilespmem:s6], [sflag:$0x3], $0x10, s16, s5, $0xb8;
	[tilespmem:$0xE280] =	vst v63  }
0x15e: {  	_ =	swait.ge [sflag:s14], $0x2000  }
0x15f: {  	[sflag:s14] =	ssyncset.done $0x0  }
0x160: {  	s16 =	simm.s32 $0x2400;
	[sflag:s14] =	ssyncadd.s32 $0xFFFFE000  }
0x161: {  	[tilespmem:s6], [sflag:$0x1] =	stream.indirect.gather [spmem:s2], $0x10, s16, s5, $0xb8;
	[tilespmem:$0xE280] =	vst v63  }
0x162: {  	_ =	swait.ge [sflag:s13], $0x2000  }
0x163: {  	[sflag:s13] =	ssyncset.done $0x0  }
0x164: {  	s16 =	simm.s32 $0x4A00;
	[sflag:s13] =	ssyncadd.s32 $0xFFFFE000  }
0x165: {  	[spmem:s3] =	stream.indirect.scatter.add.f32 [tilespmem:s9], [sflag:$0x3], $0x10, s16, s5, $0xb8;
	[tilespmem:$0xE280] =	vst v63  }
0x166: {  	_ =	swait.ge [sflag:s14], $0x2000  }
0x167: {  	[sflag:s14] =	ssyncset.done $0x0  }
0x168: {  	s16 =	simm.s32 $0x2600;
	[sflag:s14] =	ssyncadd.s32 $0xFFFFE000  }
0x169: {  	[tilespmem:s9], [sflag:$0x2] =	stream.indirect.gather [spmem:s2], $0x10, s16, s5, $0xb8;
	[tilespmem:$0xE280] =	vst v63  }
0x16a: {  	_ =	swait.ge [sflag:s8], $0x2000  }
0x16b: {  	[sflag:s8] =	ssyncset.done $0x0  }
0x16c: {  	s16 =	simm.s32 $0x4C00;
	[sflag:s8] =	ssyncadd.s32 $0xFFFFE000  }
0x16d: {  	[spmem:s3] =	stream.indirect.scatter.add.f32 [tilespmem:s6], [sflag:$0x3], $0x10, s16, s5, $0xb8;
	[tilespmem:$0xE280] =	vst v63  }
0x16e: {  	_ =	swait.ge [sflag:s14], $0x2000  }
0x16f: {  	[sflag:s14] =	ssyncset.done $0x0  }
.Ltmp3:
0x170: {  	[sflag:s14] =	ssyncadd.s32 $0xFFFFE000;
	(pc) =	sbr.rel .LBB2_4-.Ltmp3, $4  }
0x171: {  	_ =	swait.ge [sflag:s13], $0x2000  }
0x172: {  	[sflag:s13] =	ssyncset.done $0x0  }
0x173: {  	s16 =	simm.s32 $0x4E00;
	[sflag:s13] =	ssyncadd.s32 $0xFFFFE000  }
0x174: {  	[spmem:s3] =	stream.indirect.scatter.add.f32 [tilespmem:s9], [sflag:$0x3], $0x10, s16, s5, $0xb8;
	[tilespmem:$0xE280] =	vst v63  }
.LBB2_5:
0x175: {  	_ =	sfence.sel $0x180000  }
0x176: {  	[bflag:$0x0] =	sbarrier.arrive $0xFFFF  }
0x177: {  	_ =	strace $0x9000004D  }
0x178: {  	s0 =	stileid.u32;
	[bflag:$0x2] =	sbarrier.arrive $0xFFFF  }
0x179: {  	p0 =	sne.s32 s0, $0x0;
	s0 =	rddreg [dreg:$0x3]  }
0x17a: {  	s0 =	sadd.s32 @!p0 $0x100000, s0  }
0x17b: {  	[sflag:s0] =	ssyncadd.tile.s32 @!p0 $0x1;
	_ =	shalt  }
.Lfunc_end2:
_tile_overlayer_lowered:
.L_overlay_start_2:
0x17c: {  	(tag) =	ssettag $0x2  }
0x17d: {  	s0 =	rddreg [dreg:$0x0];
	s2 =	stileid.u32  }
0x17e: {  	s1 =	rddreg [dreg:$0x1];
	p0 =	sne.s32 s2, $0x0  }
0x17f: {  	s3 =	rddreg [dreg:$0x2];
	[bflag:$0x3] =	sbarrier.arrive $0xFFFF;
	s2 =	simm.s32 @!p0 $0x1C04  }
0x180: {  	[timem:s3], [sflag:s2] =	dma.local @!p0 [hbm:s0], s1  }
0x181: {  	s0 =	simm.s32 @!p0 $0x4  }
0x182: {  	_ =	swait.ge @!p0 [sflag:s0], s1  }
0x183: {  	s1 =	ssub.s32 @!p0 $0x0, s1;
	[sflag:s0] =	ssyncset.done @!p0 $0x0  }
0x184: {  	[sflag:s0] =	ssyncadd.s32 @!p0 s1  }
0x185: {  	[bflag:$0x3] =	sbarrier.arrive $0xFFFF  }
0x186: {  	_ =	shalt  }

// kernel: kernel.21.cloned.1.call-start
scs
__scs_entry_jumppad:
0x0: {  	(pc) =	sbr.rel $0x88, $3  }
0x1: {  	(tag) =	ssettag $0x0;
	lr =	simm.s32 $0x1  }
0x2: {  	[smem:$0x3F99] =	sst lr;
	_ =	strace $0xD0000000  }
0x3: {  	_ = 	snop  }
0x4: {  	_ = 	snop  }
0x5: {  	_ = 	snop  }
0x6: {  	_ = 	snop  }
0x7: {  	_ = 	snop  }
__scs_overlays_trampoline_lowered:
0x8: {  	[smem:$0x3FA8] =	sst s0  }
0x9: {  	[smem:$0x3FA9] =	sst s1  }
0xa: {  	[smem:$0x3FAA] =	sst s2  }
0xb: {  	[smem:$0x3FAB] =	sst s3  }
0xc: {  	[smem:$0x3FAC] =	sst s4  }
0xd: {  	[smem:$0x3FAD] =	sst s5  }
0xe: {  	[smem:$0x3FAE] =	sst s6  }
0xf: {  	[smem:$0x3FAF] =	sst s7  }
0x10: {  	[smem:$0x3FB0] =	sst s8  }
0x11: {  	[smem:$0x3FB1] =	sst s9;
	s0 =	simm.s32 @!p0 $0x0  }
0x12: {  	s1 =	sld [smem:$0x3F97];
	s0 =	simm.s32 @p0 $0x1  }
0x13: {  	[smem:$0x3FB2] =	sst s0;
	s0 =	simm.s32 @!p1 $0x0  }
0x14: {  	s2 =	sld [smem:$0x3F96];
	s0 =	simm.s32 @p1 $0x1  }
0x15: {  	[smem:$0x3FB3] =	sst s0;
	s0 =	simm.s32 @!p2 $0x0  }
0x16: {  	s3 =	sld [smem:$0x3FDB];
	s0 =	simm.s32 @p2 $0x1  }
0x17: {  	s4 =	simm.s32 $0x1BF5;
	[smem:$0x3FB5] =	sst s0  }
0x18: {  	s0 =	sld [smem:$0x3F98];
	_ =	swait.ge [sflag:s4], $0x0  }
0x19: {  	s7 =	sld [smem:$0x3F99]  }
0x1a: {  	s8 =	sadd.s32 $0xFFFFE003, lr  }
0x1b: {  	s9 =	sadd.s32 $0xFFFFFEF7, lr;
	s5 =	simm.s32 $0xFFFFFFFF;
	p2 =	slt.u32 s8, $0xFFFFF086  }
0x1c: {  	p1 =	slt.u32 s9, $0xF7A;
	s5 =	simm.s32 @!p2 $0x0  }
0x1d: {  	s5 =	simm.s32 @p1 $0x1;
	p0 =	seq.s32 s7, s2  }
0x1e: {  	s7 =	smul.u32 @!p0 $0xF7A, s2;
	p2 =	seq.s32 @!p0 s5, $0x0  }
0x1f: {  	s9 =	smul.u32 $0xF7A, s1;
	s8 =	simm.s32 @!p0 $0x1BF5;
	p2 =	por !p2, p0  }
0x20: {  	[sflag:s8] =	ssyncset.s32 @!p0 $0xFFFFF086;
	s6 =	sadd.s32 @!p0 s3, s7;
	s7 =	simm.s32 @!p0 $0x108  }
0x21: {  	s3 =	sadd.s32 s3, s9;
	s6 =	sadd.s32 @!p0 $0x88, s6;
	s7 =	simm.s32 @p2 $0x1082  }
0x22: {  	[simem:s7], [sflag:s8] =	dma.local @!p0 [hbm:s6], $0xF7A  }
0x23: {  	s9 =	sor.u32 $0xD0000000, s2;
	s6 =	simm.s32 $0x108;
	_ =	swait.ge @!p0 [sflag:s8], $0x0  }
0x24: {  	s3 =	sadd.s32 $0x88, s3;
	s6 =	simm.s32 @!p1 $0x1082;
	[sflag:s4] =	ssyncset.s32 $0xFFFFF086  }
0x25: {  	[simem:s6], [sflag:s4] =	dma.local [hbm:s3], $0xF7A  }
0x26: {  	[smem:$0x3F99] =	sst s1;
	(tag) =	ssettag s2;
	_ =	strace s9  }
0x27: {  	s1 =	sld [smem:$0x3FA9]  }
0x28: {  	s2 =	sld [smem:$0x3FAA]  }
0x29: {  	s4 =	sld [smem:$0x3FAC]  }
0x2a: {  	p0 =	seq.s32 s5, $0x0;
	s5 =	sld [smem:$0x3FAD]  }
0x2b: {  	s6 =	sld [smem:$0x3FAE]  }
0x2c: {  	s7 =	sld [smem:$0x3FAF]  }
0x2d: {  	s3 =	simm.s32 $0x108;
	s8 =	sld [smem:$0x3FB0]  }
0x2e: {  	s3 =	simm.s32 @!p0 $0x1082;
	s9 =	sld [smem:$0x3FB1]  }
0x2f: {  	lr =	sadd.s32 s0, s3;
	s0 =	sld [smem:$0x3FA8]  }
0x30: {  	s3 =	sld [smem:$0x3FAB]  }
0x31: {  	[smem:$0x3FB4] =	sst s10  }
0x32: {  	s10 =	sld [smem:$0x3FB2];
	_ =	sdelay $0x3  }
0x33: {  	p0 =	seq.s32 s10, $0x1;
	s10 =	sld [smem:$0x3FB4];
	_ =	sdelay $0x3  }
0x34: {  	[smem:$0x3FB4] =	sst s10  }
0x35: {  	s10 =	sld [smem:$0x3FB3];
	_ =	sdelay $0x3  }
0x36: {  	p1 =	seq.s32 s10, $0x1;
	s10 =	sld [smem:$0x3FB4];
	_ =	sdelay $0x3  }
0x37: {  	[smem:$0x3FB4] =	sst s10  }
0x38: {  	s10 =	sld [smem:$0x3FB5]  }
0x39: {  	_ = 	snop;
	(pc) =	sbr.ind lr, $3  }
0x3a: {  	_ = 	snop  }
0x3b: {  	_ = 	snop  }
0x3c: {  	p2 =	seq.s32 s10, $0x1;
	s10 =	sld [smem:$0x3FB4]  }
0x3d: {  	_ =	shalt  }
0x3e: {  	_ =	shalt  }
0x3f: {  	_ =	shalt  }
0x40: {  	_ =	shalt  }
0x41: {  	_ =	shalt  }
0x42: {  	_ =	shalt  }
0x43: {  	_ =	shalt  }
0x44: {  	_ =	shalt  }
0x45: {  	_ =	shalt  }
0x46: {  	_ =	shalt  }
0x47: {  	_ =	shalt  }
0x48: {  	_ =	shalt  }
0x49: {  	_ =	shalt  }
0x4a: {  	_ =	shalt  }
0x4b: {  	_ =	shalt  }
0x4c: {  	_ =	shalt  }
0x4d: {  	_ =	shalt  }
0x4e: {  	_ =	shalt  }
0x4f: {  	_ =	shalt  }
0x50: {  	_ =	shalt  }
0x51: {  	_ =	shalt  }
0x52: {  	_ =	shalt  }
0x53: {  	_ =	shalt  }
0x54: {  	_ =	shalt  }
0x55: {  	_ =	shalt  }
0x56: {  	_ =	shalt  }
0x57: {  	_ =	shalt  }
0x58: {  	_ =	shalt  }
0x59: {  	_ =	shalt  }
0x5a: {  	_ =	shalt  }
0x5b: {  	_ =	shalt  }
0x5c: {  	_ =	shalt  }
0x5d: {  	_ =	shalt  }
0x5e: {  	_ =	shalt  }
0x5f: {  	_ =	shalt  }
0x60: {  	_ =	shalt  }
0x61: {  	_ =	shalt  }
0x62: {  	_ =	shalt  }
0x63: {  	_ =	shalt  }
0x64: {  	_ =	shalt  }
0x65: {  	_ =	shalt  }
0x66: {  	_ =	shalt  }
0x67: {  	_ =	shalt  }
0x68: {  	_ =	shalt  }
0x69: {  	_ =	shalt  }
0x6a: {  	_ =	shalt  }
0x6b: {  	_ =	shalt  }
0x6c: {  	_ =	shalt  }
0x6d: {  	_ =	shalt  }
0x6e: {  	_ =	shalt  }
0x6f: {  	_ =	shalt  }
0x70: {  	_ =	shalt  }
0x71: {  	_ =	shalt  }
0x72: {  	_ =	shalt  }
0x73: {  	_ =	shalt  }
0x74: {  	_ =	shalt  }
0x75: {  	_ =	shalt  }
0x76: {  	_ =	shalt  }
0x77: {  	_ =	shalt  }
0x78: {  	_ =	shalt  }
0x79: {  	_ =	shalt  }
0x7a: {  	_ =	shalt  }
0x7b: {  	_ =	shalt  }
0x7c: {  	_ =	shalt  }
0x7d: {  	_ =	shalt  }
0x7e: {  	_ =	shalt  }
0x7f: {  	_ =	shalt  }
0x80: {  	_ =	shalt  }
0x81: {  	_ =	shalt  }
0x82: {  	_ =	shalt  }
0x83: {  	_ =	shalt  }
0x84: {  	_ =	shalt  }
0x85: {  	_ =	shalt  }
0x86: {  	_ =	shalt  }
0x87: {  	_ =	shalt  }
.Lfunc_end0:
.L_simem_size_0:
called_computation.3_lowered:
.L_overlay_start_0:
0x88: {  	s2 =	sld [smem:$0x3FD9]  }
0x89: {  	s3 =	sld [smem:$0x3FFE];
	_ =	sdelay $0x1  }
0x8a: {  	s1 =	srdreg.scid  }
0x8b: {  	s0 =	sand.u32 $0x1, s1  }
0x8c: {  	s16 =	sshll.u32 s0, $0xA;
	s2 =	sadd.s32 s3, s2  }
0x8d: {  	s2 =	sadd.s32 s2, s16  }
0x8e: {  	[smem:$0x3FC0] =	sst s2  }
0x8f: {  	_ = 	snop  }
0x90: {  	(tm) =	ssettm $0x1  }
0x91: {  	s17 =	sld [smem:$0x3FFB];
	_ =	sdelay $0x3  }
0x92: {  	_ =	strace s17  }
0x93: {  	s2 =	sld [smem:$0x3FFC];
	_ =	sdelay $0x3  }
0x94: {  	_ =	strace s2  }
0x95: {  	s2 =	sld [smem:$0x3FFD];
	_ =	sdelay $0x3  }
0x96: {  	_ =	strace s2  }
0x97: {  	_ =	strace $0x8FFFFFFF  }
0x98: {  	s18 =	sld [smem:$0x3FDB];
	_ =	sdelay $0x1  }
0x99: {  	s19 =	simm.s32 $_scs_section_size  }
0x9a: {  	s4 =	simm.s32 $_size__tile_overlayer_lowered;
	s5 =	simm.s32 $_tile_overlayer_lowered  }
0x9b: {  	s22 =	simm.s32 $0x1BFF;
	s21 =	sshll.u32 s5, $0x1;
	s2 =	sadd.s32 s19, s18  }
0x9c: {  	s6 =	simm.s32 $0x0;
	s20 =	sshll.u32 s4, $0x1;
	s4 =	sadd.s32 s21, s2  }
0x9d: {  	[timem:s6], [sflag:s22] =	dma.local [hbm:s4], s20  }
0x9e: {  	_ =	swait.ge [sflag:s22], s20  }
0x9f: {  	s3 =	ssub.s32 $0x0, s20;
	[sflag:s22] =	ssyncset.done $0x0  }
0xa0: {  	[sflag:s22] =	ssyncadd.s32 s3;
	_ =	sdelay $0x1  }
0xa1: {  	s23 =	simm.s32 $0x1B8B  }
0xa2: {  	_ =	swait.ge [sflag:s23], $0x1  }
0xa3: {  	[sflag:s23] =	ssyncset.done $0x0  }
0xa4: {  	s25 =	simm.s32 $0x1B8E;
	s24 =	sld [smem:$0x3FFE];
	[sflag:s23] =	ssyncadd.s32 $0xFFFFFFFF  }
0xa5: {  	s26 =	simm.s32 $execute0_lowered;
	[smem:$0x3FD2] =	sst s25  }
0xa6: {  	s4 =	sshll.u32 s26, $0x1;
	_ =	strace $0x8000004F;
	[dreg:$0x1] =	wrdreg $0xFFFFFFFF  }
0xa7: {  	s28 =	simm.s32 $_size_execute0_lowered;
	s2 =	sadd.s32 s2, s4;
	[dreg:$0x0] =	wrdreg $0x0  }
0xa8: {  	s4 =	sshll.u32 s28, $0x1;
	[dreg:$0x2] =	wrdreg s2  }
0xa9: {  	[dreg:$0x3] =	wrdreg s4  }
0xaa: {  	[dreg:$0x4] =	wrdreg $0xC0  }
0xab: {  	_ =	task [dreg:s6], $0x5FFFF  }
0xac: {  	[dreg:$0x1] =	wrdreg $0xFFFFFFFF  }
0xad: {  	[dreg:$0x0] =	wrdreg $0x60  }
0xae: {  	[dreg:$0x2] =	wrdreg s24  }
0xaf: {  	[dreg:$0x3] =	wrdreg $0xBA800  }
0xb0: {  	[dreg:$0x4] =	wrdreg $0x92800  }
0xb1: {  	[dreg:$0x5] =	wrdreg $0x9  }
0xb2: {  	_ =	task.clear_ibuf [dreg:s6], $0x6FFFF;
	_ =	strace $0x9000004F  }
0xb3: {  	s29 =	simm.s32 $0x9;
	_ =	strace $0x80000051  }
0xb4: {  	_ =	swait.ge [sflag:s29], $0x1  }
0xb5: {  	[sflag:s29] =	ssyncadd.s32 $0xFFFFFFFF  }
0xb6: {  	_ =	strace $0x90000051  }
0xb7: {  	_ =	sfence  }
0xb8: {  	s30 =	sld [smem:$0x0];
	_ =	sdelay $0x2  }
0xb9: {  	s31 =	sshll.u32 s1, $0xD;
	s1 =	sshrl.u32 s1, $0x2  }
0xba: {  	s3 =	sand.u32 $0x4000, s31;
	s1 =	sadd.s32 s1, s30  }
0xbb: {  	s0 =	sor.u32 s3, s0;
	s1 =	sshll.u32 s1, $0x11  }
0xbc: {  	s0 =	sor.u32 s1, s0  }
0xbd: {  	s0 =	sadd.s32 $0x8F2B, s0  }
0xbe: {  	[sflag:s0] =	ssyncadd.remote.s32 $0x1  }
0xbf: {  	_ =	sfence.sel $0xFFFF  }
0xc0: {  	[dreg:$0x0] =	wrdreg $0xFFFFFFFF;
	(pc) =	sbr.abs _section_cstart, $3  }
0xc1: {  	[dreg:$0x1] =	wrdreg $0xFFFFFFFF  }
0xc2: {  	_ =	task.clear_ibuf [dreg:s6], $0x2FFFF;
	_ =	strace $0x9FFFFFFF  }
0xc3: {  	(tm) =	ssettm $0x7FFFFFFF  }
tec
execute0_lowered:
.L_overlay_start_1:
0x0: {  	(tag) =	ssettag $0x1  }
0x1: {  	s0 =	rddreg [dreg:$0x0];
	s12 =	stileid.u32  }
0x2: {  	s1 =	srdreg.scid;
	s2 =	rddreg [dreg:$0x1]  }
0x3: {  	s3 =	rddreg [dreg:$0x2];
	s1 =	sand.u32 $0x1, s1;
	s5 =	smul.u32 $0x2800, s12  }
0x4: {  	s4 =	sshll.u32 s12, $0x1;
	s18 =	sshll.u32 s12, $0x6;
	s12 =	smul.u32 $0xA000, s12  }
0x5: {  	s20 =	sadd.s32 $0xD040, s0;
	s6 =	sor.u32 s1, s4;
	s7 =	smul.u32 $0x5000, s1  }
0x6: {  	s4 =	simm.s32 $0x0;
	s1 =	ssub.s32 $0x2, s1;
	s10 =	smul.u32 $0x500, s6  }
0x7: {  	[smem:$0x7FF] =	sst s4;
	s8 =	sshrl.u32 s5, $0x3;
	s17 =	sshrl.u32 s1, $0x1  }
0x8: {  	s13 =	sadd.s32 s5, s2;
	s21 =	sshrl.u32 s12, $0x2;
	s5 =	sadd.s32 s5, s3  }
0x9: {  	p0 =	seq.s32 s6, $0x1F;
	s6 =	simm.s32 $0x5000;
	_ =	strace $0x80000050  }
0xa: {  	s9 =	sadd.s32 s8, s0;
	s11 =	sadd.s32 s7, s0;
	[dreg:$0x6] =	wrdreg s20  }
0xb: {  	s1 =	ssub.s32 s1, s17;
	s7 =	sor.u32 $0x1C04, s18;
	[dreg:$0x4] =	wrdreg s10  }
0xc: {  	s10 =	sadd.s32 s10, s0;
	s15 =	sadd.s32 $0x16E00, s9;
	s0 =	sadd.s32 $0xCF00, s0  }
0xd: {  	s22 =	sadd.s32 $0x1BE00, s11;
	s11 =	sadd.s32 s21, s3;
	s12 =	smax.u32 s1, $0x1  }
0xe: {  	s1 =	simm.s32 $0x4;
	s9 =	simm.s32 $0x7000;
	s19 =	sadd.s32 $0x3400, s10  }
0xf: {  	[dreg:$0x7] =	wrdreg s0;
	s23 =	sadd.s32 $0x280, s11;
	s24 =	sadd.s32 $0x500, s11  }
0x10: {  	s25 =	sadd.s32 $0x780, s11;
	s26 =	sadd.s32 $0xA00, s11;
	s17 =	sadd.s32 $0xC80, s11  }
0x11: {  	s18 =	sadd.s32 $0xF00, s11;
	s20 =	sadd.s32 $0x1400, s11;
	s21 =	sadd.s32 $0x1680, s11  }
0x12: {  	s22 =	sadd.s32 s8, s22;
	s28 =	sadd.s32 $0x1E00, s11;
	[dreg:$0x5] =	wrdreg s19  }
0x13: {  	s29 =	sadd.s32 $0x2080, s11;
	s30 =	sadd.s32 $0x2300, s11;
	[dreg:$0x8] =	wrdreg s23  }
.Ltmp0:
0x14: {  	s31 =	sadd.s32 $0x2580, s11;
	[dreg:$0x9] =	wrdreg s24;
	(pc) =	sbr.rel .LBB2_1-.Ltmp0, $4  }
0x15: {  	s0 =	simm.s32 $0x9000;
	s8 =	simm.s32 $0x1;
	[dreg:$0xa] =	wrdreg s25  }
0x16: {  	s10 =	simm.s32 $0x2800;
	[dreg:$0xb] =	wrdreg s26;
	s19 =	sadd.s32 $0x1180, s11  }
0x17: {  	s23 =	sadd.s32 $0x1900, s11;
	s24 =	sshrl.u32 s13, $0x3;
	s25 =	sshrl.u32 s5, $0x3  }
0x18: {  	v0 =	vimm.f32 $0.0e+00;
	s26 =	sadd.s32 $0x1B80, s11;
	s5 =	simm.s32 $0x200;
	s13 =	simm.s32 $0x2  }
.LBB2_3:
0x19: {  	s14 =	rddreg [dreg:$0x7]  }
0x1a: {  	[tilespmem:s4], [sflag:$0x4] =	stream.linear.gather [hbm4b:s14+s4], $0xA00, $0x38;
	[tilespmem:$0xE280] =	vst v63  }
0x1b: {  	s14 =	simm.s32 $0x4  }
0x1c: {  	_ =	swait.ge [sflag:s14], $0xA00  }
0x1d: {  	s16 =	smov.u32 s15;
	[sflag:s14] =	ssyncset.done $0x0;
	s15 =	rddreg [dreg:$0x6]  }
0x1e: {  	[sflag:s14] =	ssyncadd.s32 $0xFFFFF600;
	s15 =	sadd.s32 $0x9B00, s15  }
0x1f: {  	[tilespmem:s10], [sflag:$0x4] =	stream.linear.gather [hbm4b:s15+s4], $0xA00, $0x38;
	[tilespmem:$0xE280] =	vst v63  }
0x20: {  	_ =	swait.ge [sflag:s14], $0xA00  }
0x21: {  	[sflag:s14] =	ssyncset.done $0x0  }
0x22: {  	[sflag:s14] =	ssyncadd.s32 $0xFFFFF600  }
0x23: {  	[bflag:$0x0] =	sbarrier.arrive $0xFFFF  }
0x24: {  	[tilespmem:s6], [sflag:$0x4] =	stream.indirect.gather [spmem:s2], $0x10, s4, s5, $0xb8;
	[tilespmem:$0xE280] =	vst v63  }
0x25: {  	_ =	swait.ge [sflag:s14], $0x2000  }
0x26: {  	[sflag:s14] =	ssyncset.done $0x0  }
0x27: {  	[sflag:s14] =	ssyncadd.s32 $0xFFFFE000  }
0x28: {  	[spmem:s3] =	stream.indirect.scatter.add.f32 [tilespmem:s6], [sflag:$0x4], $0x10, s10, s5, $0xb8;
	[tilespmem:$0xE280] =	vst v63  }
0x29: {  	_ =	swait.ge [sflag:s14], $0x2000  }
0x2a: {  	[sflag:s14] =	ssyncset.done $0x0  }
0x2b: {  	[sflag:s14] =	ssyncadd.s32 $0xFFFFE000  }
0x2c: {  	[tilespmem:s6], [sflag:$0x4] =	stream.indirect.gather [spmem:s2], $0x10, s5, s5, $0xb8;
	[tilespmem:$0xE280] =	vst v63  }
0x2d: {  	_ =	swait.ge [sflag:s14], $0x2000  }
0x2e: {  	[sflag:s14] =	ssyncset.done $0x0  }
0x2f: {  	s15 =	smov.u32 s16;
	s16 =	simm.s32 $0x2A00;
	[sflag:s14] =	ssyncadd.s32 $0xFFFFE000  }
0x30: {  	[spmem:s3] =	stream.indirect.scatter.add.f32 [tilespmem:s6], [sflag:$0x4], $0x10, s16, s5, $0xb8;
	[tilespmem:$0xE280] =	vst v63  }
0x31: {  	_ =	swait.ge [sflag:s14], $0x2000  }
0x32: {  	[sflag:s14] =	ssyncset.done $0x0  }
0x33: {  	s16 =	simm.s32 $0x400;
	[sflag:s14] =	ssyncadd.s32 $0xFFFFE000  }
0x34: {  	[tilespmem:s6], [sflag:$0x4] =	stream.indirect.gather [spmem:s2], $0x10, s16, s5, $0xb8;
	[tilespmem:$0xE280] =	vst v63  }
0x35: {  	_ =	swait.ge [sflag:s14], $0x2000  }
0x36: {  	[sflag:s14] =	ssyncset.done $0x0  }
0x37: {  	s16 =	simm.s32 $0x2C00;
	[sflag:s14] =	ssyncadd.s32 $0xFFFFE000  }
0x38: {  	[spmem:s3] =	stream.indirect.scatter.add.f32 [tilespmem:s6], [sflag:$0x4], $0x10, s16, s5, $0xb8;
	[tilespmem:$0xE280] =	vst v63  }
0x39: {  	_ =	swait.ge [sflag:s14], $0x2000  }
0x3a: {  	[sflag:s14] =	ssyncset.done $0x0  }
0x3b: {  	s16 =	simm.s32 $0x600;
	[sflag:s14] =	ssyncadd.s32 $0xFFFFE000  }
0x3c: {  	[tilespmem:s6], [sflag:$0x4] =	stream.indirect.gather [spmem:s2], $0x10, s16, s5, $0xb8;
	[tilespmem:$0xE280] =	vst v63  }
0x3d: {  	_ =	swait.ge [sflag:s14], $0x2000  }
0x3e: {  	[sflag:s14] =	ssyncset.done $0x0  }
0x3f: {  	s16 =	simm.s32 $0x2E00;
	[sflag:s14] =	ssyncadd.s32 $0xFFFFE000  }
0x40: {  	[spmem:s3] =	stream.indirect.scatter.add.f32 [tilespmem:s6], [sflag:$0x4], $0x10, s16, s5, $0xb8;
	[tilespmem:$0xE280] =	vst v63  }
0x41: {  	_ =	swait.ge [sflag:s14], $0x2000  }
0x42: {  	[sflag:s14] =	ssyncset.done $0x0  }
0x43: {  	s16 =	simm.s32 $0x800;
	[sflag:s14] =	ssyncadd.s32 $0xFFFFE000  }
0x44: {  	[tilespmem:s6], [sflag:$0x4] =	stream.indirect.gather [spmem:s2], $0x10, s16, s5, $0xb8;
	[tilespmem:$0xE280] =	vst v63  }
0x45: {  	_ =	swait.ge [sflag:s14], $0x2000  }
0x46: {  	[sflag:s14] =	ssyncset.done $0x0  }
0x47: {  	s16 =	simm.s32 $0x3000;
	[sflag:s14] =	ssyncadd.s32 $0xFFFFE000  }
0x48: {  	[spmem:s3] =	stream.indirect.scatter.add.f32 [tilespmem:s6], [sflag:$0x4], $0x10, s16, s5, $0xb8;
	[tilespmem:$0xE280] =	vst v63  }
.LBB2_4:
0x49: {  	_ =	swait.ge [sflag:s14], $0x2000  }
0x4a: {  	s12 =	sadd.s32 $0xFFFFFFFF, s12;
	[sflag:s14] =	ssyncset.done $0x0  }
0x4b: {  	p1 =	sne.s32 s12, $0x0;
	[sflag:s14] =	ssyncadd.s32 $0xFFFFE000  }
.Ltmp1:
0x4c: {  	[bflag:$0x0] =	sbarrier.arrive $0xFFFF;
	(pc) =	sbr.rel @!p1 .LBB2_5-.Ltmp1, $4  }
0x4d: {  	[hbm:s22], [sflag:s7] =	dma.local [spmem:s25], $0x500  }
0x4e: {  	_ =	swait.ge [sflag:s1], $0x500  }
0x4f: {  	[sflag:s1] =	ssyncset.done $0x0  }
0x50: {  	[sflag:s1] =	ssyncadd.s32 $0xFFFFFB00  }
.LBB2_1:
0x51: {  	[spmem:s24], [sflag:s7] =	dma.local [hbm:s15], $0x500  }
0x52: {  	_ =	swait.ge [sflag:s1], $0x500  }
0x53: {  	[sflag:s1] =	ssyncset.done $0x0  }
0x54: {  	[sflag:s1] =	ssyncadd.s32 $0xFFFFFB00  }
0x55: {  	[tilespmem:$0x9000] =	vst v0  }
0x56: {  	[tilespmem:$0x9010] =	vst v0  }
0x57: {  	[tilespmem:$0x9020] =	vst v0  }
0x58: {  	[tilespmem:$0x9030] =	vst v0  }
0x59: {  	[tilespmem:$0x9040] =	vst v0  }
0x5a: {  	[tilespmem:$0x9050] =	vst v0  }
0x5b: {  	[tilespmem:$0x9060] =	vst v0  }
0x5c: {  	[tilespmem:$0x9070] =	vst v0  }
0x5d: {  	[tilespmem:$0x9080] =	vst v0  }
0x5e: {  	[tilespmem:$0x9090] =	vst v0  }
0x5f: {  	[tilespmem:$0x90A0] =	vst v0  }
0x60: {  	[tilespmem:$0x90B0] =	vst v0  }
0x61: {  	[tilespmem:$0x90C0] =	vst v0  }
0x62: {  	[tilespmem:$0x90D0] =	vst v0  }
0x63: {  	[tilespmem:$0x90E0] =	vst v0  }
0x64: {  	[tilespmem:$0x90F0] =	vst v0  }
0x65: {  	[tilespmem:$0x9100] =	vst v0  }
0x66: {  	[tilespmem:$0x9110] =	vst v0  }
0x67: {  	[tilespmem:$0x9120] =	vst v0  }
0x68: {  	[tilespmem:$0x9130] =	vst v0  }
0x69: {  	[tilespmem:$0x9140] =	vst v0  }
0x6a: {  	[tilespmem:$0x9150] =	vst v0  }
0x6b: {  	[tilespmem:$0x9160] =	vst v0  }
0x6c: {  	[tilespmem:$0x9170] =	vst v0  }
0x6d: {  	[tilespmem:$0x9180] =	vst v0  }
0x6e: {  	[tilespmem:$0x9190] =	vst v0  }
0x6f: {  	[tilespmem:$0x91A0] =	vst v0  }
0x70: {  	[tilespmem:$0x91B0] =	vst v0  }
0x71: {  	[tilespmem:$0x91C0] =	vst v0  }
0x72: {  	[tilespmem:$0x91D0] =	vst v0  }
0x73: {  	[tilespmem:$0x91E0] =	vst v0  }
0x74: {  	[tilespmem:$0x91F0] =	vst v0  }
0x75: {  	[tilespmem:$0x9200] =	vst v0  }
0x76: {  	[tilespmem:$0x9210] =	vst v0  }
0x77: {  	[tilespmem:$0x9220] =	vst v0  }
0x78: {  	[tilespmem:$0x9230] =	vst v0  }
0x79: {  	[tilespmem:$0x9240] =	vst v0  }
0x7a: {  	[tilespmem:$0x9250] =	vst v0  }
0x7b: {  	[tilespmem:$0x9260] =	vst v0  }
0x7c: {  	[tilespmem:$0x9270] =	vst v0  }
0x7d: {  	[spmem:s11] =	stream.linear.scatter [tilespmem:s0], [sflag:$0x1], $0x280, $0x38;
	[tilespmem:$0xE280] =	vst v63  }
0x7e: {  	s14 =	rddreg [dreg:$0x8]  }
0x7f: {  	[spmem:s14] =	stream.linear.scatter [tilespmem:s0], [sflag:$0x1], $0x280, $0x38;
	[tilespmem:$0xE280] =	vst v63  }
0x80: {  	s16 =	rddreg [dreg:$0x9]  }
0x81: {  	[spmem:s16] =	stream.linear.scatter [tilespmem:s0], [sflag:$0x1], $0x280, $0x38;
	[tilespmem:$0xE280] =	vst v63  }
0x82: {  	s16 =	rddreg [dreg:$0xa]  }
0x83: {  	[spmem:s16] =	stream.linear.scatter [tilespmem:s0], [sflag:$0x1], $0x280, $0x38;
	[tilespmem:$0xE280] =	vst v63  }
0x84: {  	s16 =	rddreg [dreg:$0xb]  }
0x85: {  	[spmem:s16] =	stream.linear.scatter [tilespmem:s0], [sflag:$0x1], $0x280, $0x38;
	[tilespmem:$0xE280] =	vst v63  }
0x86: {  	_ = 	snop  }
0x87: {  	[spmem:s17] =	stream.linear.scatter [tilespmem:s0], [sflag:$0x1], $0x280, $0x38;
	[tilespmem:$0xE280] =	vst v63  }
0x88: {  	_ = 	snop  }
0x89: {  	[spmem:s18] =	stream.linear.scatter [tilespmem:s0], [sflag:$0x1], $0x280, $0x38;
	[tilespmem:$0xE280] =	vst v63  }
0x8a: {  	_ = 	snop  }
0x8b: {  	[spmem:s19] =	stream.linear.scatter [tilespmem:s0], [sflag:$0x1], $0x280, $0x38;
	[tilespmem:$0xE280] =	vst v63  }
0x8c: {  	_ = 	snop  }
0x8d: {  	[spmem:s20] =	stream.linear.scatter [tilespmem:s0], [sflag:$0x1], $0x280, $0x38;
	[tilespmem:$0xE280] =	vst v63  }
0x8e: {  	_ = 	snop  }
0x8f: {  	[spmem:s21] =	stream.linear.scatter [tilespmem:s0], [sflag:$0x1], $0x280, $0x38;
	[tilespmem:$0xE280] =	vst v63  }
0x90: {  	_ = 	snop  }
0x91: {  	[spmem:s23] =	stream.linear.scatter [tilespmem:s0], [sflag:$0x1], $0x280, $0x38;
	[tilespmem:$0xE280] =	vst v63  }
0x92: {  	_ = 	snop  }
0x93: {  	[spmem:s26] =	stream.linear.scatter [tilespmem:s0], [sflag:$0x1], $0x280, $0x38;
	[tilespmem:$0xE280] =	vst v63  }
0x94: {  	_ = 	snop  }
0x95: {  	[spmem:s28] =	stream.linear.scatter [tilespmem:s0], [sflag:$0x1], $0x280, $0x38;
	[tilespmem:$0xE280] =	vst v63  }
0x96: {  	_ = 	snop  }
0x97: {  	[spmem:s29] =	stream.linear.scatter [tilespmem:s0], [sflag:$0x1], $0x280, $0x38;
	[tilespmem:$0xE280] =	vst v63  }
0x98: {  	_ = 	snop  }
0x99: {  	[spmem:s30] =	stream.linear.scatter [tilespmem:s0], [sflag:$0x1], $0x280, $0x38;
	[tilespmem:$0xE280] =	vst v63  }
0x9a: {  	_ = 	snop  }
0x9b: {  	[spmem:s31] =	stream.linear.scatter [tilespmem:s0], [sflag:$0x1], $0x280, $0x38;
	[tilespmem:$0xE280] =	vst v63  }
0x9c: {  	_ =	swait.ge [sflag:s8], $0x280  }
0x9d: {  	[sflag:s8] =	ssyncset.done $0x0  }
0x9e: {  	[sflag:s8] =	ssyncadd.s32 $0xFFFFFD80  }
0x9f: {  	_ =	swait.ge [sflag:s8], $0x280  }
0xa0: {  	[sflag:s8] =	ssyncset.done $0x0  }
0xa1: {  	[sflag:s8] =	ssyncadd.s32 $0xFFFFFD80  }
0xa2: {  	_ =	swait.ge [sflag:s8], $0x280  }
0xa3: {  	[sflag:s8] =	ssyncset.done $0x0  }
0xa4: {  	[sflag:s8] =	ssyncadd.s32 $0xFFFFFD80  }
0xa5: {  	_ =	swait.ge [sflag:s8], $0x280  }
0xa6: {  	[sflag:s8] =	ssyncset.done $0x0  }
0xa7: {  	[sflag:s8] =	ssyncadd.s32 $0xFFFFFD80  }
0xa8: {  	_ =	swait.ge [sflag:s8], $0x280  }
0xa9: {  	[sflag:s8] =	ssyncset.done $0x0  }
0xaa: {  	[sflag:s8] =	ssyncadd.s32 $0xFFFFFD80  }
0xab: {  	_ =	swait.ge [sflag:s8], $0x280  }
0xac: {  	[sflag:s8] =	ssyncset.done $0x0  }
0xad: {  	[sflag:s8] =	ssyncadd.s32 $0xFFFFFD80  }
0xae: {  	_ =	swait.ge [sflag:s8], $0x280  }
0xaf: {  	[sflag:s8] =	ssyncset.done $0x0  }
0xb0: {  	[sflag:s8] =	ssyncadd.s32 $0xFFFFFD80  }
0xb1: {  	_ =	swait.ge [sflag:s8], $0x280  }
0xb2: {  	[sflag:s8] =	ssyncset.done $0x0  }
0xb3: {  	[sflag:s8] =	ssyncadd.s32 $0xFFFFFD80  }
0xb4: {  	_ =	swait.ge [sflag:s8], $0x280  }
0xb5: {  	[sflag:s8] =	ssyncset.done $0x0  }
0xb6: {  	[sflag:s8] =	ssyncadd.s32 $0xFFFFFD80  }
0xb7: {  	_ =	swait.ge [sflag:s8], $0x280  }
0xb8: {  	[sflag:s8] =	ssyncset.done $0x0  }
0xb9: {  	[sflag:s8] =	ssyncadd.s32 $0xFFFFFD80  }
0xba: {  	_ =	swait.ge [sflag:s8], $0x280  }
0xbb: {  	[sflag:s8] =	ssyncset.done $0x0  }
0xbc: {  	[sflag:s8] =	ssyncadd.s32 $0xFFFFFD80  }
0xbd: {  	_ =	swait.ge [sflag:s8], $0x280  }
0xbe: {  	[sflag:s8] =	ssyncset.done $0x0  }
0xbf: {  	[sflag:s8] =	ssyncadd.s32 $0xFFFFFD80  }
0xc0: {  	_ =	swait.ge [sflag:s8], $0x280  }
0xc1: {  	[sflag:s8] =	ssyncset.done $0x0  }
0xc2: {  	[sflag:s8] =	ssyncadd.s32 $0xFFFFFD80  }
0xc3: {  	_ =	swait.ge [sflag:s8], $0x280  }
0xc4: {  	[sflag:s8] =	ssyncset.done $0x0  }
0xc5: {  	[sflag:s8] =	ssyncadd.s32 $0xFFFFFD80  }
0xc6: {  	_ =	swait.ge [sflag:s8], $0x280  }
.Ltmp2:
0xc7: {  	[sflag:s8] =	ssyncset.done $0x0;
	(pc) =	sbr.rel @p0 .LBB2_3-.Ltmp2, $4  }
0xc8: {  	[sflag:s8] =	ssyncadd.s32 $0xFFFFFD80  }
0xc9: {  	_ =	swait.ge [sflag:s8], $0x280  }
0xca: {  	[sflag:s8] =	ssyncset.done $0x0  }
0xcb: {  	[sflag:s8] =	ssyncadd.s32 $0xFFFFFD80  }
0xcc: {  	s14 =	rddreg [dreg:$0x5]  }
0xcd: {  	[tilespmem:s4], [sflag:$0x4] =	stream.linear.gather [hbm4b:s14+s4], $0x2800, $0x38;
	[tilespmem:$0xE280] =	vst v63  }
0xce: {  	_ =	swait.ge [sflag:s1], $0x2800  }
0xcf: {  	s14 =	rddreg [dreg:$0x4]  }
0xd0: {  	[sflag:s1] =	ssyncset.done $0x0;
	s16 =	rddreg [dreg:$0x6]  }
0xd1: {  	[sflag:s1] =	ssyncadd.s32 $0xFFFFD800;
	s14 =	sadd.s32 s14, s16  }
0xd2: {  	[tilespmem:s10], [sflag:$0x4] =	stream.linear.gather [hbm4b:s14+s4], $0x2800, $0x38;
	[tilespmem:$0xE280] =	vst v63  }
0xd3: {  	_ =	swait.ge [sflag:s1], $0x2800  }
0xd4: {  	[sflag:s1] =	ssyncset.done $0x0  }
0xd5: {  	[sflag:s1] =	ssyncadd.s32 $0xFFFFD800  }
0xd6: {  	[bflag:$0x0] =	sbarrier.arrive $0xFFFF  }
0xd7: {  	[tilespmem:s6], [sflag:$0x1] =	stream.indirect.gather [spmem:s2], $0x10, s4, s5, $0xb8;
	[tilespmem:$0xE280] =	vst v63  }
0xd8: {  	_ = 	snop  }
0xd9: {  	[tilespmem:s9], [sflag:$0x2] =	stream.indirect.gather [spmem:s2], $0x10, s5, s5, $0xb8;
	[tilespmem:$0xE280] =	vst v63  }
0xda: {  	_ =	swait.ge [sflag:s8], $0x2000  }
0xdb: {  	[sflag:s8] =	ssyncset.done $0x0  }
0xdc: {  	s14 =	simm.s32 $0x3;
	[sflag:s8] =	ssyncadd.s32 $0xFFFFE000  }
0xdd: {  	[spmem:s3] =	stream.indirect.scatter.add.f32 [tilespmem:s6], [sflag:$0x3], $0x10, s10, s5, $0xb8;
	[tilespmem:$0xE280] =	vst v63  }
0xde: {  	_ =	swait.ge [sflag:s14], $0x2000  }
0xdf: {  	[sflag:s14] =	ssyncset.done $0x0  }
0xe0: {  	s16 =	simm.s32 $0x400;
	[sflag:s14] =	ssyncadd.s32 $0xFFFFE000  }
0xe1: {  	[tilespmem:s6], [sflag:$0x1] =	stream.indirect.gather [spmem:s2], $0x10, s16, s5, $0xb8;
	[tilespmem:$0xE280] =	vst v63  }
0xe2: {  	_ =	swait.ge [sflag:s13], $0x2000  }
0xe3: {  	[sflag:s13] =	ssyncset.done $0x0  }
0xe4: {  	s16 =	simm.s32 $0x2A00;
	[sflag:s13] =	ssyncadd.s32 $0xFFFFE000  }
0xe5: {  	[spmem:s3] =	stream.indirect.scatter.add.f32 [tilespmem:s9], [sflag:$0x3], $0x10, s16, s5, $0xb8;
	[tilespmem:$0xE280] =	vst v63  }
0xe6: {  	_ =	swait.ge [sflag:s14], $0x2000  }
0xe7: {  	[sflag:s14] =	ssyncset.done $0x0  }
0xe8: {  	s16 =	simm.s32 $0x600;
	[sflag:s14] =	ssyncadd.s32 $0xFFFFE000  }
0xe9: {  	[tilespmem:s9], [sflag:$0x2] =	stream.indirect.gather [spmem:s2], $0x10, s16, s5, $0xb8;
	[tilespmem:$0xE280] =	vst v63  }
0xea: {  	_ =	swait.ge [sflag:s8], $0x2000  }
0xeb: {  	[sflag:s8] =	ssyncset.done $0x0  }
0xec: {  	s16 =	simm.s32 $0x2C00;
	[sflag:s8] =	ssyncadd.s32 $0xFFFFE000  }
0xed: {  	[spmem:s3] =	stream.indirect.scatter.add.f32 [tilespmem:s6], [sflag:$0x3], $0x10, s16, s5, $0xb8;
	[tilespmem:$0xE280] =	vst v63  }
0xee: {  	_ =	swait.ge [sflag:s14], $0x2000  }
0xef: {  	[sflag:s14] =	ssyncset.done $0x0  }
0xf0: {  	s16 =	simm.s32 $0x800;
	[sflag:s14] =	ssyncadd.s32 $0xFFFFE000  }
0xf1: {  	[tilespmem:s6], [sflag:$0x1] =	stream.indirect.gather [spmem:s2], $0x10, s16, s5, $0xb8;
	[tilespmem:$0xE280] =	vst v63  }
0xf2: {  	_ =	swait.ge [sflag:s13], $0x2000  }
0xf3: {  	[sflag:s13] =	ssyncset.done $0x0  }
0xf4: {  	s16 =	simm.s32 $0x2E00;
	[sflag:s13] =	ssyncadd.s32 $0xFFFFE000  }
0xf5: {  	[spmem:s3] =	stream.indirect.scatter.add.f32 [tilespmem:s9], [sflag:$0x3], $0x10, s16, s5, $0xb8;
	[tilespmem:$0xE280] =	vst v63  }
0xf6: {  	_ =	swait.ge [sflag:s14], $0x2000  }
0xf7: {  	[sflag:s14] =	ssyncset.done $0x0  }
0xf8: {  	s16 =	simm.s32 $0xA00;
	[sflag:s14] =	ssyncadd.s32 $0xFFFFE000  }
0xf9: {  	[tilespmem:s9], [sflag:$0x2] =	stream.indirect.gather [spmem:s2], $0x10, s16, s5, $0xb8;
	[tilespmem:$0xE280] =	vst v63  }
0xfa: {  	_ =	swait.ge [sflag:s8], $0x2000  }
0xfb: {  	[sflag:s8] =	ssyncset.done $0x0  }
0xfc: {  	s16 =	simm.s32 $0x3000;
	[sflag:s8] =	ssyncadd.s32 $0xFFFFE000  }
0xfd: {  	[spmem:s3] =	stream.indirect.scatter.add.f32 [tilespmem:s6], [sflag:$0x3], $0x10, s16, s5, $0xb8;
	[tilespmem:$0xE280] =	vst v63  }
0xfe: {  	_ =	swait.ge [sflag:s14], $0x2000  }
0xff: {  	[sflag:s14] =	ssyncset.done $0x0  }
0x100: {  	s16 =	simm.s32 $0xC00;
	[sflag:s14] =	ssyncadd.s32 $0xFFFFE000  }
0x101: {  	[tilespmem:s6], [sflag:$0x1] =	stream.indirect.gather [spmem:s2], $0x10, s16, s5, $0xb8;
	[tilespmem:$0xE280] =	vst v63  }
0x102: {  	_ =	swait.ge [sflag:s13], $0x2000  }
0x103: {  	[sflag:s13] =	ssyncset.done $0x0  }
0x104: {  	s16 =	simm.s32 $0x3200;
	[sflag:s13] =	ssyncadd.s32 $0xFFFFE000  }
0x105: {  	[spmem:s3] =	stream.indirect.scatter.add.f32 [tilespmem:s9], [sflag:$0x3], $0x10, s16, s5, $0xb8;
	[tilespmem:$0xE280] =	vst v63  }
0x106: {  	_ =	swait.ge [sflag:s14], $0x2000  }
0x107: {  	[sflag:s14] =	ssyncset.done $0x0  }
0x108: {  	s16 =	simm.s32 $0xE00;
	[sflag:s14] =	ssyncadd.s32 $0xFFFFE000  }
0x109: {  	[tilespmem:s9], [sflag:$0x2] =	stream.indirect.gather [spmem:s2], $0x10, s16, s5, $0xb8;
	[tilespmem:$0xE280] =	vst v63  }
0x10a: {  	_ =	swait.ge [sflag:s8], $0x2000  }
0x10b: {  	[sflag:s8] =	ssyncset.done $0x0  }
0x10c: {  	s16 =	simm.s32 $0x3400;
	[sflag:s8] =	ssyncadd.s32 $0xFFFFE000  }
0x10d: {  	[spmem:s3] =	stream.indirect.scatter.add.f32 [tilespmem:s6], [sflag:$0x3], $0x10, s16, s5, $0xb8;
	[tilespmem:$0xE280] =	vst v63  }
0x10e: {  	_ =	swait.ge [sflag:s14], $0x2000  }
0x10f: {  	[sflag:s14] =	ssyncset.done $0x0  }
0x110: {  	s16 =	simm.s32 $0x1000;
	[sflag:s14] =	ssyncadd.s32 $0xFFFFE000  }
0x111: {  	[tilespmem:s6], [sflag:$0x1] =	stream.indirect.gather [spmem:s2], $0x10, s16, s5, $0xb8;
	[tilespmem:$0xE280] =	vst v63  }
0x112: {  	_ =	swait.ge [sflag:s13], $0x2000  }
0x113: {  	[sflag:s13] =	ssyncset.done $0x0  }
0x114: {  	s16 =	simm.s32 $0x3600;
	[sflag:s13] =	ssyncadd.s32 $0xFFFFE000  }
0x115: {  	[spmem:s3] =	stream.indirect.scatter.add.f32 [tilespmem:s9], [sflag:$0x3], $0x10, s16, s5, $0xb8;
	[tilespmem:$0xE280] =	vst v63  }
0x116: {  	_ =	swait.ge [sflag:s14], $0x2000  }
0x117: {  	[sflag:s14] =	ssyncset.done $0x0  }
0x118: {  	s16 =	simm.s32 $0x1200;
	[sflag:s14] =	ssyncadd.s32 $0xFFFFE000  }
0x119: {  	[tilespmem:s9], [sflag:$0x2] =	stream.indirect.gather [spmem:s2], $0x10, s16, s5, $0xb8;
	[tilespmem:$0xE280] =	vst v63  }
0x11a: {  	_ =	swait.ge [sflag:s8], $0x2000  }
0x11b: {  	[sflag:s8] =	ssyncset.done $0x0  }
0x11c: {  	s16 =	simm.s32 $0x3800;
	[sflag:s8] =	ssyncadd.s32 $0xFFFFE000  }
0x11d: {  	[spmem:s3] =	stream.indirect.scatter.add.f32 [tilespmem:s6], [sflag:$0x3], $0x10, s16, s5, $0xb8;
	[tilespmem:$0xE280] =	vst v63  }
0x11e: {  	_ =	swait.ge [sflag:s14], $0x2000  }
0x11f: {  	[sflag:s14] =	ssyncset.done $0x0  }
0x120: {  	s16 =	simm.s32 $0x1400;
	[sflag:s14] =	ssyncadd.s32 $0xFFFFE000  }
0x121: {  	[tilespmem:s6], [sflag:$0x1] =	stream.indirect.gather [spmem:s2], $0x10, s16, s5, $0xb8;
	[tilespmem:$0xE280] =	vst v63  }
0x122: {  	_ =	swait.ge [sflag:s13], $0x2000  }
0x123: {  	[sflag:s13] =	ssyncset.done $0x0  }
0x124: {  	s16 =	simm.s32 $0x3A00;
	[sflag:s13] =	ssyncadd.s32 $0xFFFFE000  }
0x125: {  	[spmem:s3] =	stream.indirect.scatter.add.f32 [tilespmem:s9], [sflag:$0x3], $0x10, s16, s5, $0xb8;
	[tilespmem:$0xE280] =	vst v63  }
0x126: {  	_ =	swait.ge [sflag:s14], $0x2000  }
0x127: {  	[sflag:s14] =	ssyncset.done $0x0  }
0x128: {  	s16 =	simm.s32 $0x1600;
	[sflag:s14] =	ssyncadd.s32 $0xFFFFE000  }
0x129: {  	[tilespmem:s9], [sflag:$0x2] =	stream.indirect.gather [spmem:s2], $0x10, s16, s5, $0xb8;
	[tilespmem:$0xE280] =	vst v63  }
0x12a: {  	_ =	swait.ge [sflag:s8], $0x2000  }
0x12b: {  	[sflag:s8] =	ssyncset.done $0x0  }
0x12c: {  	s16 =	simm.s32 $0x3C00;
	[sflag:s8] =	ssyncadd.s32 $0xFFFFE000  }
0x12d: {  	[spmem:s3] =	stream.indirect.scatter.add.f32 [tilespmem:s6], [sflag:$0x3], $0x10, s16, s5, $0xb8;
	[tilespmem:$0xE280] =	vst v63  }
0x12e: {  	_ =	swait.ge [sflag:s14], $0x2000  }
0x12f: {  	[sflag:s14] =	ssyncset.done $0x0  }
0x130: {  	s16 =	simm.s32 $0x1800;
	[sflag:s14] =	ssyncadd.s32 $0xFFFFE000  }
0x131: {  	[tilespmem:s6], [sflag:$0x1] =	stream.indirect.gather [spmem:s2], $0x10, s16, s5, $0xb8;
	[tilespmem:$0xE280] =	vst v63  }
0x132: {  	_ =	swait.ge [sflag:s13], $0x2000  }
0x133: {  	[sflag:s13] =	ssyncset.done $0x0  }
0x134: {  	s16 =	simm.s32 $0x3E00;
	[sflag:s13] =	ssyncadd.s32 $0xFFFFE000  }
0x135: {  	[spmem:s3] =	stream.indirect.scatter.add.f32 [tilespmem:s9], [sflag:$0x3], $0x10, s16, s5, $0xb8;
	[tilespmem:$0xE280] =	vst v63  }
0x136: {  	_ =	swait.ge [sflag:s14], $0x2000  }
0x137: {  	[sflag:s14] =	ssyncset.done $0x0  }
0x138: {  	s16 =	simm.s32 $0x1A00;
	[sflag:s14] =	ssyncadd.s32 $0xFFFFE000  }
0x139: {  	[tilespmem:s9], [sflag:$0x2] =	stream.indirect.gather [spmem:s2], $0x10, s16, s5, $0xb8;
	[tilespmem:$0xE280] =	vst v63  }
0x13a: {  	_ =	swait.ge [sflag:s8], $0x2000  }
0x13b: {  	[sflag:s8] =	ssyncset.done $0x0  }
0x13c: {  	s16 =	simm.s32 $0x4000;
	[sflag:s8] =	ssyncadd.s32 $0xFFFFE000  }
0x13d: {  	[spmem:s3] =	stream.indirect.scatter.add.f32 [tilespmem:s6], [sflag:$0x3], $0x10, s16, s5, $0xb8;
	[tilespmem:$0xE280] =	vst v63  }
0x13e: {  	_ =	swait.ge [sflag:s14], $0x2000  }
0x13f: {  	[sflag:s14] =	ssyncset.done $0x0  }
0x140: {  	s16 =	simm.s32 $0x1C00;
	[sflag:s14] =	ssyncadd.s32 $0xFFFFE000  }
0x141: {  	[tilespmem:s6], [sflag:$0x1] =	stream.indirect.gather [spmem:s2], $0x10, s16, s5, $0xb8;
	[tilespmem:$0xE280] =	vst v63  }
0x142: {  	_ =	swait.ge [sflag:s13], $0x2000  }
0x143: {  	[sflag:s13] =	ssyncset.done $0x0  }
0x144: {  	s16 =	simm.s32 $0x4200;
	[sflag:s13] =	ssyncadd.s32 $0xFFFFE000  }
0x145: {  	[spmem:s3] =	stream.indirect.scatter.add.f32 [tilespmem:s9], [sflag:$0x3], $0x10, s16, s5, $0xb8;
	[tilespmem:$0xE280] =	vst v63  }
0x146: {  	_ =	swait.ge [sflag:s14], $0x2000  }
0x147: {  	[sflag:s14] =	ssyncset.done $0x0  }
0x148: {  	s16 =	simm.s32 $0x1E00;
	[sflag:s14] =	ssyncadd.s32 $0xFFFFE000  }
0x149: {  	[tilespmem:s9], [sflag:$0x2] =	stream.indirect.gather [spmem:s2], $0x10, s16, s5, $0xb8;
	[tilespmem:$0xE280] =	vst v63  }
0x14a: {  	_ =	swait.ge [sflag:s8], $0x2000  }
0x14b: {  	[sflag:s8] =	ssyncset.done $0x0  }
0x14c: {  	s16 =	simm.s32 $0x4400;
	[sflag:s8] =	ssyncadd.s32 $0xFFFFE000  }
0x14d: {  	[spmem:s3] =	stream.indirect.scatter.add.f32 [tilespmem:s6], [sflag:$0x3], $0x10, s16, s5, $0xb8;
	[tilespmem:$0xE280] =	vst v63  }
0x14e: {  	_ =	swait.ge [sflag:s14], $0x2000  }
0x14f: {  	[sflag:s14] =	ssyncset.done $0x0  }
0x150: {  	s16 =	simm.s32 $0x2000;
	[sflag:s14] =	ssyncadd.s32 $0xFFFFE000  }
0x151: {  	[tilespmem:s6], [sflag:$0x1] =	stream.indirect.gather [spmem:s2], $0x10, s16, s5, $0xb8;
	[tilespmem:$0xE280] =	vst v63  }
0x152: {  	_ =	swait.ge [sflag:s13], $0x2000  }
0x153: {  	[sflag:s13] =	ssyncset.done $0x0  }
0x154: {  	s16 =	simm.s32 $0x4600;
	[sflag:s13] =	ssyncadd.s32 $0xFFFFE000  }
0x155: {  	[spmem:s3] =	stream.indirect.scatter.add.f32 [tilespmem:s9], [sflag:$0x3], $0x10, s16, s5, $0xb8;
	[tilespmem:$0xE280] =	vst v63  }
0x156: {  	_ =	swait.ge [sflag:s14], $0x2000  }
0x157: {  	[sflag:s14] =	ssyncset.done $0x0  }
0x158: {  	s16 =	simm.s32 $0x2200;
	[sflag:s14] =	ssyncadd.s32 $0xFFFFE000  }
0x159: {  	[tilespmem:s9], [sflag:$0x2] =	stream.indirect.gather [spmem:s2], $0x10, s16, s5, $0xb8;
	[tilespmem:$0xE280] =	vst v63  }
0x15a: {  	_ =	swait.ge [sflag:s8], $0x2000  }
0x15b: {  	[sflag:s8] =	ssyncset.done $0x0  }
0x15c: {  	s16 =	simm.s32 $0x4800;
	[sflag:s8] =	ssyncadd.s32 $0xFFFFE000  }
0x15d: {  	[spmem:s3] =	stream.indirect.scatter.add.f32 [tilespmem:s6], [sflag:$0x3], $0x10, s16, s5, $0xb8;
	[tilespmem:$0xE280] =	vst v63  }
0x15e: {  	_ =	swait.ge [sflag:s14], $0x2000  }
0x15f: {  	[sflag:s14] =	ssyncset.done $0x0  }
0x160: {  	s16 =	simm.s32 $0x2400;
	[sflag:s14] =	ssyncadd.s32 $0xFFFFE000  }
0x161: {  	[tilespmem:s6], [sflag:$0x1] =	stream.indirect.gather [spmem:s2], $0x10, s16, s5, $0xb8;
	[tilespmem:$0xE280] =	vst v63  }
0x162: {  	_ =	swait.ge [sflag:s13], $0x2000  }
0x163: {  	[sflag:s13] =	ssyncset.done $0x0  }
0x164: {  	s16 =	simm.s32 $0x4A00;
	[sflag:s13] =	ssyncadd.s32 $0xFFFFE000  }
0x165: {  	[spmem:s3] =	stream.indirect.scatter.add.f32 [tilespmem:s9], [sflag:$0x3], $0x10, s16, s5, $0xb8;
	[tilespmem:$0xE280] =	vst v63  }
0x166: {  	_ =	swait.ge [sflag:s14], $0x2000  }
0x167: {  	[sflag:s14] =	ssyncset.done $0x0  }
0x168: {  	s16 =	simm.s32 $0x2600;
	[sflag:s14] =	ssyncadd.s32 $0xFFFFE000  }
0x169: {  	[tilespmem:s9], [sflag:$0x2] =	stream.indirect.gather [spmem:s2], $0x10, s16, s5, $0xb8;
	[tilespmem:$0xE280] =	vst v63  }
0x16a: {  	_ =	swait.ge [sflag:s8], $0x2000  }
0x16b: {  	[sflag:s8] =	ssyncset.done $0x0  }
0x16c: {  	s16 =	simm.s32 $0x4C00;
	[sflag:s8] =	ssyncadd.s32 $0xFFFFE000  }
0x16d: {  	[spmem:s3] =	stream.indirect.scatter.add.f32 [tilespmem:s6], [sflag:$0x3], $0x10, s16, s5, $0xb8;
	[tilespmem:$0xE280] =	vst v63  }
0x16e: {  	_ =	swait.ge [sflag:s14], $0x2000  }
0x16f: {  	[sflag:s14] =	ssyncset.done $0x0  }
.Ltmp3:
0x170: {  	[sflag:s14] =	ssyncadd.s32 $0xFFFFE000;
	(pc) =	sbr.rel .LBB2_4-.Ltmp3, $4  }
0x171: {  	_ =	swait.ge [sflag:s13], $0x2000  }
0x172: {  	[sflag:s13] =	ssyncset.done $0x0  }
0x173: {  	s16 =	simm.s32 $0x4E00;
	[sflag:s13] =	ssyncadd.s32 $0xFFFFE000  }
0x174: {  	[spmem:s3] =	stream.indirect.scatter.add.f32 [tilespmem:s9], [sflag:$0x3], $0x10, s16, s5, $0xb8;
	[tilespmem:$0xE280] =	vst v63  }
.LBB2_5:
0x175: {  	_ =	sfence.sel $0x180000  }
0x176: {  	[bflag:$0x0] =	sbarrier.arrive $0xFFFF  }
0x177: {  	_ =	strace $0x90000050  }
0x178: {  	s0 =	stileid.u32;
	[bflag:$0x2] =	sbarrier.arrive $0xFFFF  }
0x179: {  	p0 =	sne.s32 s0, $0x0;
	s0 =	rddreg [dreg:$0x3]  }
0x17a: {  	s0 =	sadd.s32 @!p0 $0x100000, s0  }
0x17b: {  	[sflag:s0] =	ssyncadd.tile.s32 @!p0 $0x1;
	_ =	shalt  }
.Lfunc_end2:
_tile_overlayer_lowered:
.L_overlay_start_2:
0x17c: {  	(tag) =	ssettag $0x2  }
0x17d: {  	s0 =	rddreg [dreg:$0x0];
	s2 =	stileid.u32  }
0x17e: {  	s1 =	rddreg [dreg:$0x1];
	p0 =	sne.s32 s2, $0x0  }
0x17f: {  	s3 =	rddreg [dreg:$0x2];
	[bflag:$0x3] =	sbarrier.arrive $0xFFFF;
	s2 =	simm.s32 @!p0 $0x1C04  }
0x180: {  	[timem:s3], [sflag:s2] =	dma.local @!p0 [hbm:s0], s1  }
0x181: {  	s0 =	simm.s32 @!p0 $0x4  }
0x182: {  	_ =	swait.ge @!p0 [sflag:s0], s1  }
0x183: {  	s1 =	ssub.s32 @!p0 $0x0, s1;
	[sflag:s0] =	ssyncset.done @!p0 $0x0  }
0x184: {  	[sflag:s0] =	ssyncadd.s32 @!p0 s1  }
0x185: {  	[bflag:$0x3] =	sbarrier.arrive $0xFFFF  }
0x186: {  	_ =	shalt  }

</sc_bundles>
